<compile_context>
chip_gen: v7x
topology: tpu7x:2x2x1
jax: 0.10.2.dev20260603
libtpu: 0.0.44.dev20260713+nightly
codegen_flags: <defaults>
</compile_context>

<pallas_src>
import functools

import jax
import jax.numpy as jnp
from jax import lax
from jax.experimental import pallas as pl
from jax.experimental.pallas import tpu as pltpu
from jax.experimental.pallas import tpu_sc as plsc

VOCAB = 1000000
EMB = 32
BATCH = 4096
SEQ = 200

_NC, _NS = 2, 16
_NW = _NC * _NS
_BW = BATCH // _NW
_NSUPER = VOCAB * EMB // 128

_TCOLS = 768
_NFULL = VOCAB // _TCOLS
_TAIL = VOCAB - _NFULL * _TCOLS
_KMAX = -(-_NFULL // _NW)


def _tr_body(tt_hbm, tail_hbm, scr_hbm, src0, src1, dstv0, dstv1, tailsrc,
             rsem0, rsem1, wsem0, wsem1):
    wid = lax.axis_index("s") * _NC + lax.axis_index("c")
    src = (src0, src1)
    dstv = (dstv0, dstv1)
    rsem = (rsem0, rsem1)
    wsem = (wsem0, wsem1)
    iota16 = lax.broadcasted_iota(jnp.int32, (16,), 0)

    def read_blk(bid, b):
        return pltpu.make_async_copy(
            tt_hbm.at[:, pl.ds(bid * _TCOLS, _TCOLS)], src[b], rsem[b])

    def write_blk(bid, b):
        return pltpu.make_async_copy(
            dstv[b], scr_hbm.at[pl.ds(bid * (_TCOLS // 4), _TCOLS // 4)],
            wsem[b])

    read_blk(wid, 0).start()

    def transpose_block(sbuf, dbuf, ncols):
        @plsc.parallel_loop(0, ncols, unroll=8)
        def _tr(v):
            vq = v >> 2
            cb = (v & 3) << 5
            vcol = jnp.zeros((16,), jnp.int32) + v
            for eh in range(2):
                vals = plsc.load_gather(sbuf, [iota16 + 16 * eh, vcol])
                dbuf[vq, pl.ds(cb + 16 * eh, 16)] = vals

    def step(k, carry):
        bid = wid + k * _NW

        @pl.when(bid < _NFULL)
        def _():
            b = lax.rem(k, 2)

            @pl.when(b == 0)
            def _():
                _step_buf(k, bid, 0)

            @pl.when(b == 1)
            def _():
                _step_buf(k, bid, 1)

        return carry

    def _step_buf(k, bid, b):
        read_blk(bid, b).wait()
        bid_next = bid + _NW

        @pl.when(bid_next < _NFULL)
        def _():
            read_blk(bid_next, 1 - b).start()

        @pl.when(k >= 2)
        def _():
            write_blk(bid, b).wait()

        transpose_block(src[b], dstv[b], _TCOLS)
        write_blk(bid, b).start()

    lax.fori_loop(0, _KMAX, step, 0)

    write_blk(wid, 0).wait()
    write_blk(wid, 1).wait()

    @pl.when(wid == _NW - 1)
    def _():
        pltpu.sync_copy(tail_hbm, tailsrc)
        pltpu.sync_copy(
            tailsrc, scr_hbm.at[pl.ds(_NFULL * (_TCOLS // 4), _TAIL // 4)])


def _emb_body(xt_hbm, tw_hbm, out_hbm, xblk, sup, grows0, grows1, grows2,
              outb0, outb1, outb2, gsem0, gsem1, gsem2, osem0, osem1, osem2):
    wid = lax.axis_index("s") * _NC + lax.axis_index("c")
    b0 = wid * _BW
    grows = (grows0, grows1, grows2)
    outb = (outb0, outb1, outb2)
    gsem = (gsem0, gsem1, gsem2)
    osem = (osem0, osem1, osem2)

    pltpu.sync_copy(xt_hbm.at[:, pl.ds(b0, _BW)], xblk)

    @plsc.parallel_loop(0, SEQ)
    def _sup_body(s):
        for c in range(_BW // 16):
            xv = xblk[s, pl.ds(16 * c, 16)]
            sup[s, pl.ds(16 * c, 16)] = xv >> 2
            xblk[s, pl.ds(16 * c, 16)] = (xv & 3) << 5

    def gather_s(s, buf):
        return pltpu.make_async_copy(
            tw_hbm.at[sup.at[s]], grows[buf], gsem[buf])

    def store_s(s, buf):
        return pltpu.make_async_copy(
            outb[buf], out_hbm.at[s, :, pl.ds(b0, _BW)], osem[buf])

    gather_s(0, 0).start()
    gather_s(1, 1).start()
    iota16 = lax.broadcasted_iota(jnp.int32, (16,), 0)

    def _step_buf(s, b):
        gather_s(s, b).wait()

        @pl.when(s + 2 < SEQ)
        def _():
            gather_s(s + 2, (b + 2) % 3).start()

        @pl.when(s >= 3)
        def _():
            store_s(s, b).wait()

        for c in range(_BW // 16):
            jv = iota16 + (16 * c)
            cb = xblk[s, pl.ds(16 * c, 16)]

            @plsc.parallel_loop(0, EMB, unroll=8)
            def _ext(e):
                vals = plsc.load_gather(grows[b], [jv, cb + e])
                outb[b][e, pl.ds(16 * c, 16)] = vals

        store_s(s, b).start()

    def step(s, carry):
        @pl.when(lax.rem(s, 3) == 0)
        def _():
            _step_buf(s, 0)

        @pl.when(lax.rem(s, 3) == 1)
        def _():
            _step_buf(s, 1)

        @pl.when(lax.rem(s, 3) == 2)
        def _():
            _step_buf(s, 2)

        return carry

    lax.fori_loop(0, SEQ, step, 0)

    store_s(SEQ - 3, (SEQ - 3) % 3).wait()
    store_s(SEQ - 2, (SEQ - 2) % 3).wait()
    store_s(SEQ - 1, (SEQ - 1) % 3).wait()


@functools.cache
def _build_tr():
    return pl.kernel(
        _tr_body,
        mesh=plsc.VectorSubcoreMesh(core_axis_name="c", subcore_axis_name="s"),
        out_type=jax.ShapeDtypeStruct((_NSUPER, 128), jnp.float32),
        scratch_types=[
            pltpu.VMEM((EMB, _TCOLS), jnp.float32),
            pltpu.VMEM((EMB, _TCOLS), jnp.float32),
            pltpu.VMEM((_TCOLS // 4, 128), jnp.float32),
            pltpu.VMEM((_TCOLS // 4, 128), jnp.float32),
            pltpu.VMEM((_TAIL // 4, 128), jnp.float32),
            pltpu.SemaphoreType.DMA,
            pltpu.SemaphoreType.DMA,
            pltpu.SemaphoreType.DMA,
            pltpu.SemaphoreType.DMA,
        ],
        compiler_params=pltpu.CompilerParams(
            use_tc_tiling_on_sc=True, needs_layout_passes=False),
    )


@functools.cache
def _build_emb():
    return pl.kernel(
        _emb_body,
        mesh=plsc.VectorSubcoreMesh(core_axis_name="c", subcore_axis_name="s"),
        out_type=jax.ShapeDtypeStruct((SEQ, EMB, BATCH), jnp.float32),
        scratch_types=[
            pltpu.VMEM((SEQ, _BW), jnp.int32),
            pltpu.VMEM((SEQ, _BW), jnp.int32),
            pltpu.VMEM((_BW, 128), jnp.float32),
            pltpu.VMEM((_BW, 128), jnp.float32),
            pltpu.VMEM((_BW, 128), jnp.float32),
            pltpu.VMEM((EMB, _BW), jnp.float32),
            pltpu.VMEM((EMB, _BW), jnp.float32),
            pltpu.VMEM((EMB, _BW), jnp.float32),
            pltpu.SemaphoreType.DMA,
            pltpu.SemaphoreType.DMA,
            pltpu.SemaphoreType.DMA,
            pltpu.SemaphoreType.DMA,
            pltpu.SemaphoreType.DMA,
            pltpu.SemaphoreType.DMA,
        ],
        compiler_params=pltpu.CompilerParams(
            use_tc_tiling_on_sc=True, needs_layout_passes=False),
    )


def kernel(x, table):
    xt = jnp.transpose(x)
    tt = jnp.transpose(table)
    tail = table[_NFULL * _TCOLS:].reshape(_TAIL // 4, 128)
    tw = _build_tr()(tt, tail)
    o = _build_emb()(xt, tw)
    return jnp.transpose(o, (2, 0, 1))

# --- scband reference (transcript-rebuilt; emitter-appended) ---
"""Pipeline reference for scband-input-embeddings-65283502899480 (READ-ONLY COPY).

The authoritative reference and input builder live on the scoring server;
editing this copy changes nothing except your own understanding.
"""

import jax, jax.numpy as jnp
import numpy as np

VOCAB = 1000000
EMB = 32
BATCH = 4096
SEQ = 200
PAD_IDX = 0

def setup_inputs(seed: int = 0) -> dict:
    key = jax.random.key(seed)
    k1, k2 = jax.random.split(key)
    x = jax.random.randint(k1, (BATCH, SEQ), 0, VOCAB, dtype=jnp.int32)
    table = jax.random.normal(k2, (VOCAB, EMB), dtype=jnp.float32)
    # torch.nn.Embedding initializes the padding_idx row to zeros
    table = table.at[PAD_IDX].set(jnp.zeros((EMB,), dtype=jnp.float32))
    return {"x": x, "table": table}

def reference(x, table):
    # InputEmbeddings.forward: plain embedding lookup (max_norm=None, so no renorm)
    # (batch, seq_len) int -> (batch, seq_len, embedding_dim)
    return jnp.take(table, x, axis=0)

if __name__ == "__main__":
    import jax
    _d = setup_inputs()
    print(jax.jit(kernel)(*tuple(_d.values())))

</pallas_src>

<mosaic_0001>
#map = affine_map<(d0, d1) -> (0, 0)>
module attributes {stable_mosaic.version = 14 : i64} {
  func.func @_tr_body(%arg0: i32, %arg1: i32, %arg2: memref<32x1000000xf32, #tpu.memory_space<hbm>>, %arg3: memref<16x128xf32, #tpu.memory_space<hbm>>, %arg4: memref<250000x128xf32, #tpu.memory_space<hbm>>, %arg5: memref<32x768xf32, #tpu.memory_space<vmem>>, %arg6: memref<32x768xf32, #tpu.memory_space<vmem>>, %arg7: memref<192x128xf32, #tpu.memory_space<vmem>>, %arg8: memref<192x128xf32, #tpu.memory_space<vmem>>, %arg9: memref<16x128xf32, #tpu.memory_space<vmem>>, %arg10: memref<!tpu.dma_semaphore, #tpu.memory_space<semaphore_mem>>, %arg11: memref<!tpu.dma_semaphore, #tpu.memory_space<semaphore_mem>>, %arg12: memref<!tpu.dma_semaphore, #tpu.memory_space<semaphore_mem>>, %arg13: memref<!tpu.dma_semaphore, #tpu.memory_space<semaphore_mem>>) attributes {dimension_semantics = [#tpu.dimension_semantics<core_parallel>, #tpu.dimension_semantics<subcore_parallel>], iteration_bounds = array<i64: 2, 16>, scalar_prefetch = 0 : i64, scratch_operands = 9 : i64, tpu.core_type = #tpu.core_type<sc_vector_subcore>, window_params = [{transform_indices = #map}, {transform_indices = #map}, {transform_indices = #map}]} {
    %mul3A = arith.constant 2 : i32
    %mul3A_0 = arith.muli %arg1, %mul3A : i32
    %add3A = arith.addi %mul3A_0, %arg0 : i32
    %iota3A = tpu.iota {dimensions = array<i32: 0>} : vector<16xi32>
    %mul3A_1 = arith.constant 768 : i32
    %mul3A_2 = arith.muli %add3A, %mul3A_1 : i32
    %dma_start3A = arith.constant 0 : i32
    %dma_start3A_3 = tpu.memref_slice %arg2[%dma_start3A, %mul3A_2] : memref<32x1000000xf32, #tpu.memory_space<hbm>> -> memref<32x768xf32, #tpu.memory_space<hbm>>
    %dma_start3A_4 = arith.constant 0 : i32
    %dma_start3A_5 = tpu.memref_slice %arg2[%dma_start3A_4, %mul3A_2] : memref<32x1000000xf32, #tpu.memory_space<hbm>> -> memref<32x768xf32, #tpu.memory_space<hbm>>
    tpu.enqueue_dma source(%dma_start3A_5 : memref<32x768xf32, #tpu.memory_space<hbm>>) target(%arg5 : memref<32x768xf32, #tpu.memory_space<vmem>>) target_semaphore(%arg10 : memref<!tpu.dma_semaphore, #tpu.memory_space<semaphore_mem>>)
    %scan3A = arith.constant 0 : i32
    %scan3A_6 = arith.constant 0 : i32
    %scan3A_7 = arith.constant 41 : i32
    %scan3A_8 = arith.addi %scan3A_6, %scan3A_7 : i32
    %scan3A_9 = arith.constant 1 : i32
    scf.for %scan3A_24 = %scan3A_6 to %scan3A_8 step %scan3A_9  : i32 {
      %mul3A_25 = arith.constant 32 : i32
      %mul3A_26 = arith.muli %scan3A_24, %mul3A_25 : i32
      %add3A_27 = arith.addi %add3A, %mul3A_26 : i32
      %lt3A = arith.constant 1302 : i32
      %lt3A_28 = arith.cmpi slt, %add3A_27, %lt3A : i32
      %convert_element_type3A_29 = arith.extui %lt3A_28 : i1 to i32
      %cond3A_30 = arith.constant 0 : i32
      %cond3A_31 = arith.cmpi ne, %convert_element_type3A_29, %cond3A_30 : i32
      scf.if %cond3A_31 {
        %rem3A = arith.constant 2 : i32
        %rem3A_32 = arith.remsi %scan3A_24, %rem3A : i32
        %eq3A_33 = arith.constant 0 : i32
        %eq3A_34 = arith.cmpi eq, %rem3A_32, %eq3A_33 : i32
        %convert_element_type3A_35 = arith.extui %eq3A_34 : i1 to i32
        %cond3A_36 = arith.constant 0 : i32
        %cond3A_37 = arith.cmpi ne, %convert_element_type3A_35, %cond3A_36 : i32
        scf.if %cond3A_37 {
          %mul3A_43 = arith.constant 768 : i32
          %mul3A_44 = arith.muli %add3A_27, %mul3A_43 : i32
          %dma_wait3A_45 = arith.constant 0 : i32
          %dma_wait3A_46 = tpu.memref_slice %arg2[%dma_wait3A_45, %mul3A_44] : memref<32x1000000xf32, #tpu.memory_space<hbm>> -> memref<32x768xf32, #tpu.memory_space<hbm>>
          %dma_wait3A_47 = arith.constant 0 : i32
          %dma_wait3A_48 = tpu.memref_slice %arg2[%dma_wait3A_47, %mul3A_44] : memref<32x1000000xf32, #tpu.memory_space<hbm>> -> memref<32x768xf32, #tpu.memory_space<hbm>>
          tpu.wait_dma2 semaphore(%arg10 : memref<!tpu.dma_semaphore, #tpu.memory_space<semaphore_mem>>) src(%dma_wait3A_48 : memref<32x768xf32, #tpu.memory_space<hbm>>) dst(%arg5 : memref<32x768xf32, #tpu.memory_space<vmem>>)
          %add3A_49 = arith.constant 32 : i32
          %add3A_50 = arith.addi %add3A_27, %add3A_49 : i32
          %lt3A_51 = arith.constant 1302 : i32
          %lt3A_52 = arith.cmpi slt, %add3A_50, %lt3A_51 : i32
          %convert_element_type3A_53 = arith.extui %lt3A_52 : i1 to i32
          %cond3A_54 = arith.constant 0 : i32
          %cond3A_55 = arith.cmpi ne, %convert_element_type3A_53, %cond3A_54 : i32
          scf.if %cond3A_55 {
            %mul3A_68 = arith.constant 768 : i32
            %mul3A_69 = arith.muli %add3A_50, %mul3A_68 : i32
            %dma_start3A_70 = arith.constant 0 : i32
            %dma_start3A_71 = tpu.memref_slice %arg2[%dma_start3A_70, %mul3A_69] : memref<32x1000000xf32, #tpu.memory_space<hbm>> -> memref<32x768xf32, #tpu.memory_space<hbm>>
            %dma_start3A_72 = arith.constant 0 : i32
            %dma_start3A_73 = tpu.memref_slice %arg2[%dma_start3A_72, %mul3A_69] : memref<32x1000000xf32, #tpu.memory_space<hbm>> -> memref<32x768xf32, #tpu.memory_space<hbm>>
            tpu.enqueue_dma source(%dma_start3A_73 : memref<32x768xf32, #tpu.memory_space<hbm>>) target(%arg6 : memref<32x768xf32, #tpu.memory_space<vmem>>) target_semaphore(%arg11 : memref<!tpu.dma_semaphore, #tpu.memory_space<semaphore_mem>>)
          } else {
          }
          %ge3A = arith.constant 2 : i32
          %ge3A_56 = arith.cmpi sge, %scan3A_24, %ge3A : i32
          %convert_element_type3A_57 = arith.extui %ge3A_56 : i1 to i32
          %cond3A_58 = arith.constant 0 : i32
          %cond3A_59 = arith.cmpi ne, %convert_element_type3A_57, %cond3A_58 : i32
          scf.if %cond3A_59 {
            %mul3A_68 = arith.constant 192 : i32
            %mul3A_69 = arith.muli %add3A_27, %mul3A_68 : i32
            %dma_wait3A_70 = arith.constant 0 : i32
            %dma_wait3A_71 = tpu.memref_slice %arg4[%mul3A_69, %dma_wait3A_70] : memref<250000x128xf32, #tpu.memory_space<hbm>> -> memref<192x128xf32, #tpu.memory_space<hbm>>
            %dma_wait3A_72 = arith.constant 0 : i32
            %dma_wait3A_73 = tpu.memref_slice %arg4[%mul3A_69, %dma_wait3A_72] : memref<250000x128xf32, #tpu.memory_space<hbm>> -> memref<192x128xf32, #tpu.memory_space<hbm>>
            tpu.wait_dma2 semaphore(%arg12 : memref<!tpu.dma_semaphore, #tpu.memory_space<semaphore_mem>>) src(%arg7 : memref<192x128xf32, #tpu.memory_space<vmem>>) dst(%dma_wait3A_73 : memref<192x128xf32, #tpu.memory_space<hbm>>)
          } else {
          }
          %parallel_loop3A = arith.constant 0 : i32
          %parallel_loop3A_60 = arith.constant 768 : i32
          %parallel_loop3A_61 = arith.constant 1 : i32
          scf.for %parallel_loop3A_68 = %parallel_loop3A to %parallel_loop3A_60 step %parallel_loop3A_61  : i32 {
            %parallel_loop3A_69 = arith.constant 2 : i32
            %parallel_loop3A_70 = arith.shrsi %parallel_loop3A_68, %parallel_loop3A_69 : i32
            %parallel_loop3A_71 = arith.constant 3 : i32
            %parallel_loop3A_72 = arith.andi %parallel_loop3A_68, %parallel_loop3A_71 : i32
            %parallel_loop3A_73 = arith.constant 5 : i32
            %parallel_loop3A_74 = arith.shli %parallel_loop3A_72, %parallel_loop3A_73 : i32
            %parallel_loop3A_75 = arith.constant 0 : i32
            %parallel_loop3A_76 = vector.broadcast %parallel_loop3A_75 : i32 to vector<16xi32>
            %parallel_loop3A_77 = vector.broadcast %parallel_loop3A_68 : i32 to vector<16xi32>
            %parallel_loop3A_78 = arith.addi %parallel_loop3A_76, %parallel_loop3A_77 : vector<16xi32>
            %parallel_loop3A_79 = arith.constant 0 : i32
            %parallel_loop3A_80 = vector.broadcast %parallel_loop3A_79 : i32 to vector<16xi32>
            %parallel_loop3A_81 = arith.addi %iota3A, %parallel_loop3A_80 : vector<16xi32>
            %parallel_loop3A_82 = tpu.vector_load_idx %arg5[%parallel_loop3A_81, %parallel_loop3A_78] : memref<32x768xf32, #tpu.memory_space<vmem>>[vector<16xi32>, vector<16xi32>], vector<16xf32>,
            %parallel_loop3A_83 = arith.constant 0 : i32
            %parallel_loop3A_84 = arith.addi %parallel_loop3A_74, %parallel_loop3A_83 : i32
            %parallel_loop3A_85 = arith.index_cast %parallel_loop3A_70 : i32 to index
            %parallel_loop3A_86 = arith.index_cast %parallel_loop3A_84 : i32 to index
            %parallel_loop3A_87 = tpu.vector_load %arg7[%parallel_loop3A_85, %parallel_loop3A_86] {strides = array<i32>} : memref<192x128xf32, #tpu.memory_space<vmem>>, vector<16xf32>,
            tpu.vector_store %arg7[%parallel_loop3A_85, %parallel_loop3A_86], %parallel_loop3A_82 {strides = array<i32>} : memref<192x128xf32, #tpu.memory_space<vmem>>, vector<16xf32>,
            %parallel_loop3A_88 = arith.constant 16 : i32
            %parallel_loop3A_89 = vector.broadcast %parallel_loop3A_88 : i32 to vector<16xi32>
            %parallel_loop3A_90 = arith.addi %iota3A, %parallel_loop3A_89 : vector<16xi32>
            %parallel_loop3A_91 = tpu.vector_load_idx %arg5[%parallel_loop3A_90, %parallel_loop3A_78] : memref<32x768xf32, #tpu.memory_space<vmem>>[vector<16xi32>, vector<16xi32>], vector<16xf32>,
            %parallel_loop3A_92 = arith.constant 16 : i32
            %parallel_loop3A_93 = arith.addi %parallel_loop3A_74, %parallel_loop3A_92 : i32
            %parallel_loop3A_94 = arith.index_cast %parallel_loop3A_70 : i32 to index
            %parallel_loop3A_95 = arith.index_cast %parallel_loop3A_93 : i32 to index
            %parallel_loop3A_96 = tpu.vector_load %arg7[%parallel_loop3A_94, %parallel_loop3A_95] {strides = array<i32>} : memref<192x128xf32, #tpu.memory_space<vmem>>, vector<16xf32>,
            tpu.vector_store %arg7[%parallel_loop3A_94, %parallel_loop3A_95], %parallel_loop3A_91 {strides = array<i32>} : memref<192x128xf32, #tpu.memory_space<vmem>>, vector<16xf32>,
          } {sc.loop_unroll_factor = 8 : i64, sc.parallel_access}
          %mul3A_62 = arith.constant 192 : i32
          %mul3A_63 = arith.muli %add3A_27, %mul3A_62 : i32
          %dma_start3A_64 = arith.constant 0 : i32
          %dma_start3A_65 = tpu.memref_slice %arg4[%mul3A_63, %dma_start3A_64] : memref<250000x128xf32, #tpu.memory_space<hbm>> -> memref<192x128xf32, #tpu.memory_space<hbm>>
          %dma_start3A_66 = arith.constant 0 : i32
          %dma_start3A_67 = tpu.memref_slice %arg4[%mul3A_63, %dma_start3A_66] : memref<250000x128xf32, #tpu.memory_space<hbm>> -> memref<192x128xf32, #tpu.memory_space<hbm>>
          tpu.enqueue_dma source(%arg7 : memref<192x128xf32, #tpu.memory_space<vmem>>) target(%dma_start3A_67 : memref<192x128xf32, #tpu.memory_space<hbm>>) target_semaphore(%arg12 : memref<!tpu.dma_semaphore, #tpu.memory_space<semaphore_mem>>)
        } else {
        }
        %eq3A_38 = arith.constant 1 : i32
        %eq3A_39 = arith.cmpi eq, %rem3A_32, %eq3A_38 : i32
        %convert_element_type3A_40 = arith.extui %eq3A_39 : i1 to i32
        %cond3A_41 = arith.constant 0 : i32
        %cond3A_42 = arith.cmpi ne, %convert_element_type3A_40, %cond3A_41 : i32
        scf.if %cond3A_42 {
          %mul3A_43 = arith.constant 768 : i32
          %mul3A_44 = arith.muli %add3A_27, %mul3A_43 : i32
          %dma_wait3A_45 = arith.constant 0 : i32
          %dma_wait3A_46 = tpu.memref_slice %arg2[%dma_wait3A_45, %mul3A_44] : memref<32x1000000xf32, #tpu.memory_space<hbm>> -> memref<32x768xf32, #tpu.memory_space<hbm>>
          %dma_wait3A_47 = arith.constant 0 : i32
          %dma_wait3A_48 = tpu.memref_slice %arg2[%dma_wait3A_47, %mul3A_44] : memref<32x1000000xf32, #tpu.memory_space<hbm>> -> memref<32x768xf32, #tpu.memory_space<hbm>>
          tpu.wait_dma2 semaphore(%arg11 : memref<!tpu.dma_semaphore, #tpu.memory_space<semaphore_mem>>) src(%dma_wait3A_48 : memref<32x768xf32, #tpu.memory_space<hbm>>) dst(%arg6 : memref<32x768xf32, #tpu.memory_space<vmem>>)
          %add3A_49 = arith.constant 32 : i32
          %add3A_50 = arith.addi %add3A_27, %add3A_49 : i32
          %lt3A_51 = arith.constant 1302 : i32
          %lt3A_52 = arith.cmpi slt, %add3A_50, %lt3A_51 : i32
          %convert_element_type3A_53 = arith.extui %lt3A_52 : i1 to i32
          %cond3A_54 = arith.constant 0 : i32
          %cond3A_55 = arith.cmpi ne, %convert_element_type3A_53, %cond3A_54 : i32
          scf.if %cond3A_55 {
            %mul3A_68 = arith.constant 768 : i32
            %mul3A_69 = arith.muli %add3A_50, %mul3A_68 : i32
            %dma_start3A_70 = arith.constant 0 : i32
            %dma_start3A_71 = tpu.memref_slice %arg2[%dma_start3A_70, %mul3A_69] : memref<32x1000000xf32, #tpu.memory_space<hbm>> -> memref<32x768xf32, #tpu.memory_space<hbm>>
            %dma_start3A_72 = arith.constant 0 : i32
            %dma_start3A_73 = tpu.memref_slice %arg2[%dma_start3A_72, %mul3A_69] : memref<32x1000000xf32, #tpu.memory_space<hbm>> -> memref<32x768xf32, #tpu.memory_space<hbm>>
            tpu.enqueue_dma source(%dma_start3A_73 : memref<32x768xf32, #tpu.memory_space<hbm>>) target(%arg5 : memref<32x768xf32, #tpu.memory_space<vmem>>) target_semaphore(%arg10 : memref<!tpu.dma_semaphore, #tpu.memory_space<semaphore_mem>>)
          } else {
          }
          %ge3A = arith.constant 2 : i32
          %ge3A_56 = arith.cmpi sge, %scan3A_24, %ge3A : i32
          %convert_element_type3A_57 = arith.extui %ge3A_56 : i1 to i32
          %cond3A_58 = arith.constant 0 : i32
          %cond3A_59 = arith.cmpi ne, %convert_element_type3A_57, %cond3A_58 : i32
          scf.if %cond3A_59 {
            %mul3A_68 = arith.constant 192 : i32
            %mul3A_69 = arith.muli %add3A_27, %mul3A_68 : i32
            %dma_wait3A_70 = arith.constant 0 : i32
            %dma_wait3A_71 = tpu.memref_slice %arg4[%mul3A_69, %dma_wait3A_70] : memref<250000x128xf32, #tpu.memory_space<hbm>> -> memref<192x128xf32, #tpu.memory_space<hbm>>
            %dma_wait3A_72 = arith.constant 0 : i32
            %dma_wait3A_73 = tpu.memref_slice %arg4[%mul3A_69, %dma_wait3A_72] : memref<250000x128xf32, #tpu.memory_space<hbm>> -> memref<192x128xf32, #tpu.memory_space<hbm>>
            tpu.wait_dma2 semaphore(%arg13 : memref<!tpu.dma_semaphore, #tpu.memory_space<semaphore_mem>>) src(%arg8 : memref<192x128xf32, #tpu.memory_space<vmem>>) dst(%dma_wait3A_73 : memref<192x128xf32, #tpu.memory_space<hbm>>)
          } else {
          }
          %parallel_loop3A = arith.constant 0 : i32
          %parallel_loop3A_60 = arith.constant 768 : i32
          %parallel_loop3A_61 = arith.constant 1 : i32
          scf.for %parallel_loop3A_68 = %parallel_loop3A to %parallel_loop3A_60 step %parallel_loop3A_61  : i32 {
            %parallel_loop3A_69 = arith.constant 2 : i32
            %parallel_loop3A_70 = arith.shrsi %parallel_loop3A_68, %parallel_loop3A_69 : i32
            %parallel_loop3A_71 = arith.constant 3 : i32
            %parallel_loop3A_72 = arith.andi %parallel_loop3A_68, %parallel_loop3A_71 : i32
            %parallel_loop3A_73 = arith.constant 5 : i32
            %parallel_loop3A_74 = arith.shli %parallel_loop3A_72, %parallel_loop3A_73 : i32
            %parallel_loop3A_75 = arith.constant 0 : i32
            %parallel_loop3A_76 = vector.broadcast %parallel_loop3A_75 : i32 to vector<16xi32>
            %parallel_loop3A_77 = vector.broadcast %parallel_loop3A_68 : i32 to vector<16xi32>
            %parallel_loop3A_78 = arith.addi %parallel_loop3A_76, %parallel_loop3A_77 : vector<16xi32>
            %parallel_loop3A_79 = arith.constant 0 : i32
            %parallel_loop3A_80 = vector.broadcast %parallel_loop3A_79 : i32 to vector<16xi32>
            %parallel_loop3A_81 = arith.addi %iota3A, %parallel_loop3A_80 : vector<16xi32>
            %parallel_loop3A_82 = tpu.vector_load_idx %arg6[%parallel_loop3A_81, %parallel_loop3A_78] : memref<32x768xf32, #tpu.memory_space<vmem>>[vector<16xi32>, vector<16xi32>], vector<16xf32>,
            %parallel_loop3A_83 = arith.constant 0 : i32
            %parallel_loop3A_84 = arith.addi %parallel_loop3A_74, %parallel_loop3A_83 : i32
            %parallel_loop3A_85 = arith.index_cast %parallel_loop3A_70 : i32 to index
            %parallel_loop3A_86 = arith.index_cast %parallel_loop3A_84 : i32 to index
            %parallel_loop3A_87 = tpu.vector_load %arg8[%parallel_loop3A_85, %parallel_loop3A_86] {strides = array<i32>} : memref<192x128xf32, #tpu.memory_space<vmem>>, vector<16xf32>,
            tpu.vector_store %arg8[%parallel_loop3A_85, %parallel_loop3A_86], %parallel_loop3A_82 {strides = array<i32>} : memref<192x128xf32, #tpu.memory_space<vmem>>, vector<16xf32>,
            %parallel_loop3A_88 = arith.constant 16 : i32
            %parallel_loop3A_89 = vector.broadcast %parallel_loop3A_88 : i32 to vector<16xi32>
            %parallel_loop3A_90 = arith.addi %iota3A, %parallel_loop3A_89 : vector<16xi32>
            %parallel_loop3A_91 = tpu.vector_load_idx %arg6[%parallel_loop3A_90, %parallel_loop3A_78] : memref<32x768xf32, #tpu.memory_space<vmem>>[vector<16xi32>, vector<16xi32>], vector<16xf32>,
            %parallel_loop3A_92 = arith.constant 16 : i32
            %parallel_loop3A_93 = arith.addi %parallel_loop3A_74, %parallel_loop3A_92 : i32
            %parallel_loop3A_94 = arith.index_cast %parallel_loop3A_70 : i32 to index
            %parallel_loop3A_95 = arith.index_cast %parallel_loop3A_93 : i32 to index
            %parallel_loop3A_96 = tpu.vector_load %arg8[%parallel_loop3A_94, %parallel_loop3A_95] {strides = array<i32>} : memref<192x128xf32, #tpu.memory_space<vmem>>, vector<16xf32>,
            tpu.vector_store %arg8[%parallel_loop3A_94, %parallel_loop3A_95], %parallel_loop3A_91 {strides = array<i32>} : memref<192x128xf32, #tpu.memory_space<vmem>>, vector<16xf32>,
          } {sc.loop_unroll_factor = 8 : i64, sc.parallel_access}
          %mul3A_62 = arith.constant 192 : i32
          %mul3A_63 = arith.muli %add3A_27, %mul3A_62 : i32
          %dma_start3A_64 = arith.constant 0 : i32
          %dma_start3A_65 = tpu.memref_slice %arg4[%mul3A_63, %dma_start3A_64] : memref<250000x128xf32, #tpu.memory_space<hbm>> -> memref<192x128xf32, #tpu.memory_space<hbm>>
          %dma_start3A_66 = arith.constant 0 : i32
          %dma_start3A_67 = tpu.memref_slice %arg4[%mul3A_63, %dma_start3A_66] : memref<250000x128xf32, #tpu.memory_space<hbm>> -> memref<192x128xf32, #tpu.memory_space<hbm>>
          tpu.enqueue_dma source(%arg8 : memref<192x128xf32, #tpu.memory_space<vmem>>) target(%dma_start3A_67 : memref<192x128xf32, #tpu.memory_space<hbm>>) target_semaphore(%arg13 : memref<!tpu.dma_semaphore, #tpu.memory_space<semaphore_mem>>)
        } else {
        }
      } else {
      }
    }
    %scan3A_10 = arith.constant 41 : i32
    %mul3A_11 = arith.constant 192 : i32
    %mul3A_12 = arith.muli %add3A, %mul3A_11 : i32
    %dma_wait3A = arith.constant 0 : i32
    %dma_wait3A_13 = tpu.memref_slice %arg4[%mul3A_12, %dma_wait3A] : memref<250000x128xf32, #tpu.memory_space<hbm>> -> memref<192x128xf32, #tpu.memory_space<hbm>>
    %dma_wait3A_14 = arith.constant 0 : i32
    %dma_wait3A_15 = tpu.memref_slice %arg4[%mul3A_12, %dma_wait3A_14] : memref<250000x128xf32, #tpu.memory_space<hbm>> -> memref<192x128xf32, #tpu.memory_space<hbm>>
    tpu.wait_dma2 semaphore(%arg12 : memref<!tpu.dma_semaphore, #tpu.memory_space<semaphore_mem>>) src(%arg7 : memref<192x128xf32, #tpu.memory_space<vmem>>) dst(%dma_wait3A_15 : memref<192x128xf32, #tpu.memory_space<hbm>>)
    %mul3A_16 = arith.constant 192 : i32
    %mul3A_17 = arith.muli %add3A, %mul3A_16 : i32
    %dma_wait3A_18 = arith.constant 0 : i32
    %dma_wait3A_19 = tpu.memref_slice %arg4[%mul3A_17, %dma_wait3A_18] : memref<250000x128xf32, #tpu.memory_space<hbm>> -> memref<192x128xf32, #tpu.memory_space<hbm>>
    %dma_wait3A_20 = arith.constant 0 : i32
    %dma_wait3A_21 = tpu.memref_slice %arg4[%mul3A_17, %dma_wait3A_20] : memref<250000x128xf32, #tpu.memory_space<hbm>> -> memref<192x128xf32, #tpu.memory_space<hbm>>
    tpu.wait_dma2 semaphore(%arg13 : memref<!tpu.dma_semaphore, #tpu.memory_space<semaphore_mem>>) src(%arg8 : memref<192x128xf32, #tpu.memory_space<vmem>>) dst(%dma_wait3A_21 : memref<192x128xf32, #tpu.memory_space<hbm>>)
    %eq3A = arith.constant 31 : i32
    %eq3A_22 = arith.cmpi eq, %add3A, %eq3A : i32
    %convert_element_type3A = arith.extui %eq3A_22 : i1 to i32
    %cond3A = arith.constant 0 : i32
    %cond3A_23 = arith.cmpi ne, %convert_element_type3A, %cond3A : i32
    scf.if %cond3A_23 {
      "tpu.region"() ({
        %run_scoped3A = tpu.sem_alloc : memref<!tpu.dma_semaphore, #tpu.memory_space<semaphore_mem>>
        tpu.enqueue_dma source(%arg3 : memref<16x128xf32, #tpu.memory_space<hbm>>) target(%arg9 : memref<16x128xf32, #tpu.memory_space<vmem>>) target_semaphore(%run_scoped3A : memref<!tpu.dma_semaphore, #tpu.memory_space<semaphore_mem>>)
        tpu.wait_dma2 semaphore(%run_scoped3A : memref<!tpu.dma_semaphore, #tpu.memory_space<semaphore_mem>>) src(%arg3 : memref<16x128xf32, #tpu.memory_space<hbm>>) dst(%arg9 : memref<16x128xf32, #tpu.memory_space<vmem>>)
        tpu.yield
      }) : () -> ()
      "tpu.region"() ({
        %run_scoped3A = tpu.sem_alloc : memref<!tpu.dma_semaphore, #tpu.memory_space<semaphore_mem>>
        %dma_start3A_24 = arith.constant 249984 : i32
        %dma_start3A_25 = arith.constant 0 : i32
        %dma_start3A_26 = tpu.memref_slice %arg4[%dma_start3A_24, %dma_start3A_25] : memref<250000x128xf32, #tpu.memory_space<hbm>> -> memref<16x128xf32, #tpu.memory_space<hbm>>
        %dma_start3A_27 = arith.constant 249984 : i32
        %dma_start3A_28 = arith.constant 0 : i32
        %dma_start3A_29 = tpu.memref_slice %arg4[%dma_start3A_27, %dma_start3A_28] : memref<250000x128xf32, #tpu.memory_space<hbm>> -> memref<16x128xf32, #tpu.memory_space<hbm>>
        tpu.enqueue_dma source(%arg9 : memref<16x128xf32, #tpu.memory_space<vmem>>) target(%dma_start3A_29 : memref<16x128xf32, #tpu.memory_space<hbm>>) target_semaphore(%run_scoped3A : memref<!tpu.dma_semaphore, #tpu.memory_space<semaphore_mem>>)
        %dma_wait3A_30 = arith.constant 249984 : i32
        %dma_wait3A_31 = arith.constant 0 : i32
        %dma_wait3A_32 = tpu.memref_slice %arg4[%dma_wait3A_30, %dma_wait3A_31] : memref<250000x128xf32, #tpu.memory_space<hbm>> -> memref<16x128xf32, #tpu.memory_space<hbm>>
        %dma_wait3A_33 = arith.constant 249984 : i32
        %dma_wait3A_34 = arith.constant 0 : i32
        %dma_wait3A_35 = tpu.memref_slice %arg4[%dma_wait3A_33, %dma_wait3A_34] : memref<250000x128xf32, #tpu.memory_space<hbm>> -> memref<16x128xf32, #tpu.memory_space<hbm>>
        tpu.wait_dma2 semaphore(%run_scoped3A : memref<!tpu.dma_semaphore, #tpu.memory_space<semaphore_mem>>) src(%arg9 : memref<16x128xf32, #tpu.memory_space<vmem>>) dst(%dma_wait3A_35 : memref<16x128xf32, #tpu.memory_space<hbm>>)
        tpu.yield
      }) : () -> ()
    } else {
    }
    return
  }
}

#map = affine_map<(d0, d1) -> (0, 0)>
#map1 = affine_map<(d0, d1) -> (0, 0, 0)>
module attributes {stable_mosaic.version = 14 : i64} {
  func.func @_emb_body(%arg0: i32, %arg1: i32, %arg2: memref<200x4096xi32, #tpu.memory_space<hbm>>, %arg3: memref<250000x128xf32, #tpu.memory_space<hbm>>, %arg4: memref<200x32x4096xf32, #tpu.memory_space<hbm>>, %arg5: memref<200x128xi32, #tpu.memory_space<vmem>>, %arg6: memref<200x128xi32, #tpu.memory_space<vmem>>, %arg7: memref<128x128xf32, #tpu.memory_space<vmem>>, %arg8: memref<128x128xf32, #tpu.memory_space<vmem>>, %arg9: memref<128x128xf32, #tpu.memory_space<vmem>>, %arg10: memref<32x128xf32, #tpu.memory_space<vmem>>, %arg11: memref<32x128xf32, #tpu.memory_space<vmem>>, %arg12: memref<32x128xf32, #tpu.memory_space<vmem>>, %arg13: memref<!tpu.dma_semaphore, #tpu.memory_space<semaphore_mem>>, %arg14: memref<!tpu.dma_semaphore, #tpu.memory_space<semaphore_mem>>, %arg15: memref<!tpu.dma_semaphore, #tpu.memory_space<semaphore_mem>>, %arg16: memref<!tpu.dma_semaphore, #tpu.memory_space<semaphore_mem>>, %arg17: memref<!tpu.dma_semaphore, #tpu.memory_space<semaphore_mem>>, %arg18: memref<!tpu.dma_semaphore, #tpu.memory_space<semaphore_mem>>) attributes {dimension_semantics = [#tpu.dimension_semantics<core_parallel>, #tpu.dimension_semantics<subcore_parallel>], iteration_bounds = array<i64: 2, 16>, scalar_prefetch = 0 : i64, scratch_operands = 14 : i64, tpu.core_type = #tpu.core_type<sc_vector_subcore>, window_params = [{transform_indices = #map}, {transform_indices = #map}, {transform_indices = #map1}]} {
    %mul3A = arith.constant 2 : i32
    %mul3A_0 = arith.muli %arg1, %mul3A : i32
    %add3A = arith.addi %mul3A_0, %arg0 : i32
    %mul3A_1 = arith.constant 128 : i32
    %mul3A_2 = arith.muli %add3A, %mul3A_1 : i32
    "tpu.region"() ({
      %run_scoped3A = tpu.sem_alloc : memref<!tpu.dma_semaphore, #tpu.memory_space<semaphore_mem>>
      %dma_start3A_43 = arith.constant 0 : i32
      %dma_start3A_44 = tpu.memref_slice %arg2[%dma_start3A_43, %mul3A_2] : memref<200x4096xi32, #tpu.memory_space<hbm>> -> memref<200x128xi32, #tpu.memory_space<hbm>>
      %dma_start3A_45 = arith.constant 0 : i32
      %dma_start3A_46 = tpu.memref_slice %arg2[%dma_start3A_45, %mul3A_2] : memref<200x4096xi32, #tpu.memory_space<hbm>> -> memref<200x128xi32, #tpu.memory_space<hbm>>
      tpu.enqueue_dma source(%dma_start3A_46 : memref<200x128xi32, #tpu.memory_space<hbm>>) target(%arg5 : memref<200x128xi32, #tpu.memory_space<vmem>>) target_semaphore(%run_scoped3A : memref<!tpu.dma_semaphore, #tpu.memory_space<semaphore_mem>>)
      %dma_wait3A_47 = arith.constant 0 : i32
      %dma_wait3A_48 = tpu.memref_slice %arg2[%dma_wait3A_47, %mul3A_2] : memref<200x4096xi32, #tpu.memory_space<hbm>> -> memref<200x128xi32, #tpu.memory_space<hbm>>
      %dma_wait3A_49 = arith.constant 0 : i32
      %dma_wait3A_50 = tpu.memref_slice %arg2[%dma_wait3A_49, %mul3A_2] : memref<200x4096xi32, #tpu.memory_space<hbm>> -> memref<200x128xi32, #tpu.memory_space<hbm>>
      tpu.wait_dma2 semaphore(%run_scoped3A : memref<!tpu.dma_semaphore, #tpu.memory_space<semaphore_mem>>) src(%dma_wait3A_50 : memref<200x128xi32, #tpu.memory_space<hbm>>) dst(%arg5 : memref<200x128xi32, #tpu.memory_space<vmem>>)
      tpu.yield
    }) : () -> ()
    %parallel_loop3A = arith.constant 0 : i32
    %parallel_loop3A_3 = arith.constant 200 : i32
    %parallel_loop3A_4 = arith.constant 1 : i32
    scf.for %parallel_loop3A_43 = %parallel_loop3A to %parallel_loop3A_3 step %parallel_loop3A_4  : i32 {
      %parallel_loop3A_44 = arith.index_cast %parallel_loop3A_43 : i32 to index
      %parallel_loop3A_45 = arith.constant 0 : index
      %parallel_loop3A_46 = tpu.vector_load %arg5[%parallel_loop3A_44, %parallel_loop3A_45] {strides = array<i32>} : memref<200x128xi32, #tpu.memory_space<vmem>>, vector<16xi32>,
      %parallel_loop3A_47 = arith.constant 2 : i32
      %parallel_loop3A_48 = vector.broadcast %parallel_loop3A_47 : i32 to vector<16xi32>
      %parallel_loop3A_49 = arith.shrsi %parallel_loop3A_46, %parallel_loop3A_48 : vector<16xi32>
      %parallel_loop3A_50 = arith.index_cast %parallel_loop3A_43 : i32 to index
      %parallel_loop3A_51 = arith.constant 0 : index
      %parallel_loop3A_52 = tpu.vector_load %arg6[%parallel_loop3A_50, %parallel_loop3A_51] {strides = array<i32>} : memref<200x128xi32, #tpu.memory_space<vmem>>, vector<16xi32>,
      tpu.vector_store %arg6[%parallel_loop3A_50, %parallel_loop3A_51], %parallel_loop3A_49 {strides = array<i32>} : memref<200x128xi32, #tpu.memory_space<vmem>>, vector<16xi32>,
      %parallel_loop3A_53 = arith.constant 3 : i32
      %parallel_loop3A_54 = vector.broadcast %parallel_loop3A_53 : i32 to vector<16xi32>
      %parallel_loop3A_55 = arith.andi %parallel_loop3A_46, %parallel_loop3A_54 : vector<16xi32>
      %parallel_loop3A_56 = arith.constant 5 : i32
      %parallel_loop3A_57 = vector.broadcast %parallel_loop3A_56 : i32 to vector<16xi32>
      %parallel_loop3A_58 = arith.shli %parallel_loop3A_55, %parallel_loop3A_57 : vector<16xi32>
      %parallel_loop3A_59 = arith.index_cast %parallel_loop3A_43 : i32 to index
      %parallel_loop3A_60 = arith.constant 0 : index
      %parallel_loop3A_61 = tpu.vector_load %arg5[%parallel_loop3A_59, %parallel_loop3A_60] {strides = array<i32>} : memref<200x128xi32, #tpu.memory_space<vmem>>, vector<16xi32>,
      tpu.vector_store %arg5[%parallel_loop3A_59, %parallel_loop3A_60], %parallel_loop3A_58 {strides = array<i32>} : memref<200x128xi32, #tpu.memory_space<vmem>>, vector<16xi32>,
      %parallel_loop3A_62 = arith.index_cast %parallel_loop3A_43 : i32 to index
      %parallel_loop3A_63 = arith.constant 16 : index
      %parallel_loop3A_64 = tpu.vector_load %arg5[%parallel_loop3A_62, %parallel_loop3A_63] {strides = array<i32>} : memref<200x128xi32, #tpu.memory_space<vmem>>, vector<16xi32>,
      %parallel_loop3A_65 = arith.constant 2 : i32
      %parallel_loop3A_66 = vector.broadcast %parallel_loop3A_65 : i32 to vector<16xi32>
      %parallel_loop3A_67 = arith.shrsi %parallel_loop3A_64, %parallel_loop3A_66 : vector<16xi32>
      %parallel_loop3A_68 = arith.index_cast %parallel_loop3A_43 : i32 to index
      %parallel_loop3A_69 = arith.constant 16 : index
      %parallel_loop3A_70 = tpu.vector_load %arg6[%parallel_loop3A_68, %parallel_loop3A_69] {strides = array<i32>} : memref<200x128xi32, #tpu.memory_space<vmem>>, vector<16xi32>,
      tpu.vector_store %arg6[%parallel_loop3A_68, %parallel_loop3A_69], %parallel_loop3A_67 {strides = array<i32>} : memref<200x128xi32, #tpu.memory_space<vmem>>, vector<16xi32>,
      %parallel_loop3A_71 = arith.constant 3 : i32
      %parallel_loop3A_72 = vector.broadcast %parallel_loop3A_71 : i32 to vector<16xi32>
      %parallel_loop3A_73 = arith.andi %parallel_loop3A_64, %parallel_loop3A_72 : vector<16xi32>
      %parallel_loop3A_74 = arith.constant 5 : i32
      %parallel_loop3A_75 = vector.broadcast %parallel_loop3A_74 : i32 to vector<16xi32>
      %parallel_loop3A_76 = arith.shli %parallel_loop3A_73, %parallel_loop3A_75 : vector<16xi32>
      %parallel_loop3A_77 = arith.index_cast %parallel_loop3A_43 : i32 to index
      %parallel_loop3A_78 = arith.constant 16 : index
      %parallel_loop3A_79 = tpu.vector_load %arg5[%parallel_loop3A_77, %parallel_loop3A_78] {strides = array<i32>} : memref<200x128xi32, #tpu.memory_space<vmem>>, vector<16xi32>,
      tpu.vector_store %arg5[%parallel_loop3A_77, %parallel_loop3A_78], %parallel_loop3A_76 {strides = array<i32>} : memref<200x128xi32, #tpu.memory_space<vmem>>, vector<16xi32>,
      %parallel_loop3A_80 = arith.index_cast %parallel_loop3A_43 : i32 to index
      %parallel_loop3A_81 = arith.constant 32 : index
      %parallel_loop3A_82 = tpu.vector_load %arg5[%parallel_loop3A_80, %parallel_loop3A_81] {strides = array<i32>} : memref<200x128xi32, #tpu.memory_space<vmem>>, vector<16xi32>,
      %parallel_loop3A_83 = arith.constant 2 : i32
      %parallel_loop3A_84 = vector.broadcast %parallel_loop3A_83 : i32 to vector<16xi32>
      %parallel_loop3A_85 = arith.shrsi %parallel_loop3A_82, %parallel_loop3A_84 : vector<16xi32>
      %parallel_loop3A_86 = arith.index_cast %parallel_loop3A_43 : i32 to index
      %parallel_loop3A_87 = arith.constant 32 : index
      %parallel_loop3A_88 = tpu.vector_load %arg6[%parallel_loop3A_86, %parallel_loop3A_87] {strides = array<i32>} : memref<200x128xi32, #tpu.memory_space<vmem>>, vector<16xi32>,
      tpu.vector_store %arg6[%parallel_loop3A_86, %parallel_loop3A_87], %parallel_loop3A_85 {strides = array<i32>} : memref<200x128xi32, #tpu.memory_space<vmem>>, vector<16xi32>,
      %parallel_loop3A_89 = arith.constant 3 : i32
      %parallel_loop3A_90 = vector.broadcast %parallel_loop3A_89 : i32 to vector<16xi32>
      %parallel_loop3A_91 = arith.andi %parallel_loop3A_82, %parallel_loop3A_90 : vector<16xi32>
      %parallel_loop3A_92 = arith.constant 5 : i32
      %parallel_loop3A_93 = vector.broadcast %parallel_loop3A_92 : i32 to vector<16xi32>
      %parallel_loop3A_94 = arith.shli %parallel_loop3A_91, %parallel_loop3A_93 : vector<16xi32>
      %parallel_loop3A_95 = arith.index_cast %parallel_loop3A_43 : i32 to index
      %parallel_loop3A_96 = arith.constant 32 : index
      %parallel_loop3A_97 = tpu.vector_load %arg5[%parallel_loop3A_95, %parallel_loop3A_96] {strides = array<i32>} : memref<200x128xi32, #tpu.memory_space<vmem>>, vector<16xi32>,
      tpu.vector_store %arg5[%parallel_loop3A_95, %parallel_loop3A_96], %parallel_loop3A_94 {strides = array<i32>} : memref<200x128xi32, #tpu.memory_space<vmem>>, vector<16xi32>,
      %parallel_loop3A_98 = arith.index_cast %parallel_loop3A_43 : i32 to index
      %parallel_loop3A_99 = arith.constant 48 : index
      %parallel_loop3A_100 = tpu.vector_load %arg5[%parallel_loop3A_98, %parallel_loop3A_99] {strides = array<i32>} : memref<200x128xi32, #tpu.memory_space<vmem>>, vector<16xi32>,
      %parallel_loop3A_101 = arith.constant 2 : i32
      %parallel_loop3A_102 = vector.broadcast %parallel_loop3A_101 : i32 to vector<16xi32>
      %parallel_loop3A_103 = arith.shrsi %parallel_loop3A_100, %parallel_loop3A_102 : vector<16xi32>
      %parallel_loop3A_104 = arith.index_cast %parallel_loop3A_43 : i32 to index
      %parallel_loop3A_105 = arith.constant 48 : index
      %parallel_loop3A_106 = tpu.vector_load %arg6[%parallel_loop3A_104, %parallel_loop3A_105] {strides = array<i32>} : memref<200x128xi32, #tpu.memory_space<vmem>>, vector<16xi32>,
      tpu.vector_store %arg6[%parallel_loop3A_104, %parallel_loop3A_105], %parallel_loop3A_103 {strides = array<i32>} : memref<200x128xi32, #tpu.memory_space<vmem>>, vector<16xi32>,
      %parallel_loop3A_107 = arith.constant 3 : i32
      %parallel_loop3A_108 = vector.broadcast %parallel_loop3A_107 : i32 to vector<16xi32>
      %parallel_loop3A_109 = arith.andi %parallel_loop3A_100, %parallel_loop3A_108 : vector<16xi32>
      %parallel_loop3A_110 = arith.constant 5 : i32
      %parallel_loop3A_111 = vector.broadcast %parallel_loop3A_110 : i32 to vector<16xi32>
      %parallel_loop3A_112 = arith.shli %parallel_loop3A_109, %parallel_loop3A_111 : vector<16xi32>
      %parallel_loop3A_113 = arith.index_cast %parallel_loop3A_43 : i32 to index
      %parallel_loop3A_114 = arith.constant 48 : index
      %parallel_loop3A_115 = tpu.vector_load %arg5[%parallel_loop3A_113, %parallel_loop3A_114] {strides = array<i32>} : memref<200x128xi32, #tpu.memory_space<vmem>>, vector<16xi32>,
      tpu.vector_store %arg5[%parallel_loop3A_113, %parallel_loop3A_114], %parallel_loop3A_112 {strides = array<i32>} : memref<200x128xi32, #tpu.memory_space<vmem>>, vector<16xi32>,
      %parallel_loop3A_116 = arith.index_cast %parallel_loop3A_43 : i32 to index
      %parallel_loop3A_117 = arith.constant 64 : index
      %parallel_loop3A_118 = tpu.vector_load %arg5[%parallel_loop3A_116, %parallel_loop3A_117] {strides = array<i32>} : memref<200x128xi32, #tpu.memory_space<vmem>>, vector<16xi32>,
      %parallel_loop3A_119 = arith.constant 2 : i32
      %parallel_loop3A_120 = vector.broadcast %parallel_loop3A_119 : i32 to vector<16xi32>
      %parallel_loop3A_121 = arith.shrsi %parallel_loop3A_118, %parallel_loop3A_120 : vector<16xi32>
      %parallel_loop3A_122 = arith.index_cast %parallel_loop3A_43 : i32 to index
      %parallel_loop3A_123 = arith.constant 64 : index
      %parallel_loop3A_124 = tpu.vector_load %arg6[%parallel_loop3A_122, %parallel_loop3A_123] {strides = array<i32>} : memref<200x128xi32, #tpu.memory_space<vmem>>, vector<16xi32>,
      tpu.vector_store %arg6[%parallel_loop3A_122, %parallel_loop3A_123], %parallel_loop3A_121 {strides = array<i32>} : memref<200x128xi32, #tpu.memory_space<vmem>>, vector<16xi32>,
      %parallel_loop3A_125 = arith.constant 3 : i32
      %parallel_loop3A_126 = vector.broadcast %parallel_loop3A_125 : i32 to vector<16xi32>
      %parallel_loop3A_127 = arith.andi %parallel_loop3A_118, %parallel_loop3A_126 : vector<16xi32>
      %parallel_loop3A_128 = arith.constant 5 : i32
      %parallel_loop3A_129 = vector.broadcast %parallel_loop3A_128 : i32 to vector<16xi32>
      %parallel_loop3A_130 = arith.shli %parallel_loop3A_127, %parallel_loop3A_129 : vector<16xi32>
      %parallel_loop3A_131 = arith.index_cast %parallel_loop3A_43 : i32 to index
      %parallel_loop3A_132 = arith.constant 64 : index
      %parallel_loop3A_133 = tpu.vector_load %arg5[%parallel_loop3A_131, %parallel_loop3A_132] {strides = array<i32>} : memref<200x128xi32, #tpu.memory_space<vmem>>, vector<16xi32>,
      tpu.vector_store %arg5[%parallel_loop3A_131, %parallel_loop3A_132], %parallel_loop3A_130 {strides = array<i32>} : memref<200x128xi32, #tpu.memory_space<vmem>>, vector<16xi32>,
      %parallel_loop3A_134 = arith.index_cast %parallel_loop3A_43 : i32 to index
      %parallel_loop3A_135 = arith.constant 80 : index
      %parallel_loop3A_136 = tpu.vector_load %arg5[%parallel_loop3A_134, %parallel_loop3A_135] {strides = array<i32>} : memref<200x128xi32, #tpu.memory_space<vmem>>, vector<16xi32>,
      %parallel_loop3A_137 = arith.constant 2 : i32
      %parallel_loop3A_138 = vector.broadcast %parallel_loop3A_137 : i32 to vector<16xi32>
      %parallel_loop3A_139 = arith.shrsi %parallel_loop3A_136, %parallel_loop3A_138 : vector<16xi32>
      %parallel_loop3A_140 = arith.index_cast %parallel_loop3A_43 : i32 to index
      %parallel_loop3A_141 = arith.constant 80 : index
      %parallel_loop3A_142 = tpu.vector_load %arg6[%parallel_loop3A_140, %parallel_loop3A_141] {strides = array<i32>} : memref<200x128xi32, #tpu.memory_space<vmem>>, vector<16xi32>,
      tpu.vector_store %arg6[%parallel_loop3A_140, %parallel_loop3A_141], %parallel_loop3A_139 {strides = array<i32>} : memref<200x128xi32, #tpu.memory_space<vmem>>, vector<16xi32>,
      %parallel_loop3A_143 = arith.constant 3 : i32
      %parallel_loop3A_144 = vector.broadcast %parallel_loop3A_143 : i32 to vector<16xi32>
      %parallel_loop3A_145 = arith.andi %parallel_loop3A_136, %parallel_loop3A_144 : vector<16xi32>
      %parallel_loop3A_146 = arith.constant 5 : i32
      %parallel_loop3A_147 = vector.broadcast %parallel_loop3A_146 : i32 to vector<16xi32>
      %parallel_loop3A_148 = arith.shli %parallel_loop3A_145, %parallel_loop3A_147 : vector<16xi32>
      %parallel_loop3A_149 = arith.index_cast %parallel_loop3A_43 : i32 to index
      %parallel_loop3A_150 = arith.constant 80 : index
      %parallel_loop3A_151 = tpu.vector_load %arg5[%parallel_loop3A_149, %parallel_loop3A_150] {strides = array<i32>} : memref<200x128xi32, #tpu.memory_space<vmem>>, vector<16xi32>,
      tpu.vector_store %arg5[%parallel_loop3A_149, %parallel_loop3A_150], %parallel_loop3A_148 {strides = array<i32>} : memref<200x128xi32, #tpu.memory_space<vmem>>, vector<16xi32>,
      %parallel_loop3A_152 = arith.index_cast %parallel_loop3A_43 : i32 to index
      %parallel_loop3A_153 = arith.constant 96 : index
      %parallel_loop3A_154 = tpu.vector_load %arg5[%parallel_loop3A_152, %parallel_loop3A_153] {strides = array<i32>} : memref<200x128xi32, #tpu.memory_space<vmem>>, vector<16xi32>,
      %parallel_loop3A_155 = arith.constant 2 : i32
      %parallel_loop3A_156 = vector.broadcast %parallel_loop3A_155 : i32 to vector<16xi32>
      %parallel_loop3A_157 = arith.shrsi %parallel_loop3A_154, %parallel_loop3A_156 : vector<16xi32>
      %parallel_loop3A_158 = arith.index_cast %parallel_loop3A_43 : i32 to index
      %parallel_loop3A_159 = arith.constant 96 : index
      %parallel_loop3A_160 = tpu.vector_load %arg6[%parallel_loop3A_158, %parallel_loop3A_159] {strides = array<i32>} : memref<200x128xi32, #tpu.memory_space<vmem>>, vector<16xi32>,
      tpu.vector_store %arg6[%parallel_loop3A_158, %parallel_loop3A_159], %parallel_loop3A_157 {strides = array<i32>} : memref<200x128xi32, #tpu.memory_space<vmem>>, vector<16xi32>,
      %parallel_loop3A_161 = arith.constant 3 : i32
      %parallel_loop3A_162 = vector.broadcast %parallel_loop3A_161 : i32 to vector<16xi32>
      %parallel_loop3A_163 = arith.andi %parallel_loop3A_154, %parallel_loop3A_162 : vector<16xi32>
      %parallel_loop3A_164 = arith.constant 5 : i32
      %parallel_loop3A_165 = vector.broadcast %parallel_loop3A_164 : i32 to vector<16xi32>
      %parallel_loop3A_166 = arith.shli %parallel_loop3A_163, %parallel_loop3A_165 : vector<16xi32>
      %parallel_loop3A_167 = arith.index_cast %parallel_loop3A_43 : i32 to index
      %parallel_loop3A_168 = arith.constant 96 : index
      %parallel_loop3A_169 = tpu.vector_load %arg5[%parallel_loop3A_167, %parallel_loop3A_168] {strides = array<i32>} : memref<200x128xi32, #tpu.memory_space<vmem>>, vector<16xi32>,
      tpu.vector_store %arg5[%parallel_loop3A_167, %parallel_loop3A_168], %parallel_loop3A_166 {strides = array<i32>} : memref<200x128xi32, #tpu.memory_space<vmem>>, vector<16xi32>,
      %parallel_loop3A_170 = arith.index_cast %parallel_loop3A_43 : i32 to index
      %parallel_loop3A_171 = arith.constant 112 : index
      %parallel_loop3A_172 = tpu.vector_load %arg5[%parallel_loop3A_170, %parallel_loop3A_171] {strides = array<i32>} : memref<200x128xi32, #tpu.memory_space<vmem>>, vector<16xi32>,
      %parallel_loop3A_173 = arith.constant 2 : i32
      %parallel_loop3A_174 = vector.broadcast %parallel_loop3A_173 : i32 to vector<16xi32>
      %parallel_loop3A_175 = arith.shrsi %parallel_loop3A_172, %parallel_loop3A_174 : vector<16xi32>
      %parallel_loop3A_176 = arith.index_cast %parallel_loop3A_43 : i32 to index
      %parallel_loop3A_177 = arith.constant 112 : index
      %parallel_loop3A_178 = tpu.vector_load %arg6[%parallel_loop3A_176, %parallel_loop3A_177] {strides = array<i32>} : memref<200x128xi32, #tpu.memory_space<vmem>>, vector<16xi32>,
      tpu.vector_store %arg6[%parallel_loop3A_176, %parallel_loop3A_177], %parallel_loop3A_175 {strides = array<i32>} : memref<200x128xi32, #tpu.memory_space<vmem>>, vector<16xi32>,
      %parallel_loop3A_179 = arith.constant 3 : i32
      %parallel_loop3A_180 = vector.broadcast %parallel_loop3A_179 : i32 to vector<16xi32>
      %parallel_loop3A_181 = arith.andi %parallel_loop3A_172, %parallel_loop3A_180 : vector<16xi32>
      %parallel_loop3A_182 = arith.constant 5 : i32
      %parallel_loop3A_183 = vector.broadcast %parallel_loop3A_182 : i32 to vector<16xi32>
      %parallel_loop3A_184 = arith.shli %parallel_loop3A_181, %parallel_loop3A_183 : vector<16xi32>
      %parallel_loop3A_185 = arith.index_cast %parallel_loop3A_43 : i32 to index
      %parallel_loop3A_186 = arith.constant 112 : index
      %parallel_loop3A_187 = tpu.vector_load %arg5[%parallel_loop3A_185, %parallel_loop3A_186] {strides = array<i32>} : memref<200x128xi32, #tpu.memory_space<vmem>>, vector<16xi32>,
      tpu.vector_store %arg5[%parallel_loop3A_185, %parallel_loop3A_186], %parallel_loop3A_184 {strides = array<i32>} : memref<200x128xi32, #tpu.memory_space<vmem>>, vector<16xi32>,
    } {sc.loop_unroll_factor = 1 : i64, sc.parallel_access}
    %dma_start3A = arith.constant 0 : i32
    %dma_start3A_5 = arith.constant 0 : i32
    %dma_start3A_6 = tpu.memref_slice %arg6[%dma_start3A, %dma_start3A_5] : memref<200x128xi32, #tpu.memory_space<vmem>> -> memref<1x128xi32, #tpu.memory_space<vmem>>
    %dma_start3A_7 = tpu.memref_squeeze %dma_start3A_6 : memref<1x128xi32, #tpu.memory_space<vmem>> -> memref<128xi32, #tpu.memory_space<vmem>>
    %dma_start3A_8 = arith.constant 0 : i32
    %dma_start3A_9 = arith.constant 0 : i32
    %dma_start3A_10 = tpu.memref_slice %arg3[%dma_start3A_8, %dma_start3A_9] : memref<250000x128xf32, #tpu.memory_space<hbm>> -> memref<250000x128xf32, #tpu.memory_space<hbm>>
    tpu.enqueue_indirect_dma source(%dma_start3A_10 : memref<250000x128xf32, #tpu.memory_space<hbm>>) target(%arg7 : memref<128x128xf32, #tpu.memory_space<vmem>>) offsets(%dma_start3A_7 : memref<128xi32, #tpu.memory_space<vmem>>) semaphore(%arg13 : memref<!tpu.dma_semaphore, #tpu.memory_space<semaphore_mem>>)
    %dma_start3A_11 = arith.constant 1 : i32
    %dma_start3A_12 = arith.constant 0 : i32
    %dma_start3A_13 = tpu.memref_slice %arg6[%dma_start3A_11, %dma_start3A_12] : memref<200x128xi32, #tpu.memory_space<vmem>> -> memref<1x128xi32, #tpu.memory_space<vmem>>
    %dma_start3A_14 = tpu.memref_squeeze %dma_start3A_13 : memref<1x128xi32, #tpu.memory_space<vmem>> -> memref<128xi32, #tpu.memory_space<vmem>>
    %dma_start3A_15 = arith.constant 0 : i32
    %dma_start3A_16 = arith.constant 0 : i32
    %dma_start3A_17 = tpu.memref_slice %arg3[%dma_start3A_15, %dma_start3A_16] : memref<250000x128xf32, #tpu.memory_space<hbm>> -> memref<250000x128xf32, #tpu.memory_space<hbm>>
    tpu.enqueue_indirect_dma source(%dma_start3A_17 : memref<250000x128xf32, #tpu.memory_space<hbm>>) target(%arg8 : memref<128x128xf32, #tpu.memory_space<vmem>>) offsets(%dma_start3A_14 : memref<128xi32, #tpu.memory_space<vmem>>) semaphore(%arg14 : memref<!tpu.dma_semaphore, #tpu.memory_space<semaphore_mem>>)
    %iota3A = tpu.iota {dimensions = array<i32: 0>} : vector<16xi32>
    %scan3A = arith.constant 0 : i32
    %scan3A_18 = arith.constant 0 : i32
    %scan3A_19 = arith.constant 200 : i32
    %scan3A_20 = arith.addi %scan3A_18, %scan3A_19 : i32
    %scan3A_21 = arith.constant 1 : i32
    scf.for %scan3A_43 = %scan3A_18 to %scan3A_20 step %scan3A_21  : i32 {
      %rem3A = arith.constant 3 : i32
      %rem3A_44 = arith.remsi %scan3A_43, %rem3A : i32
      %eq3A = arith.constant 0 : i32
      %eq3A_45 = arith.cmpi eq, %rem3A_44, %eq3A : i32
      %convert_element_type3A = arith.extui %eq3A_45 : i1 to i32
      %cond3A = arith.constant 0 : i32
      %cond3A_46 = arith.cmpi ne, %convert_element_type3A, %cond3A : i32
      scf.if %cond3A_46 {
        %dma_wait3A_61 = arith.constant 0 : i32
        %dma_wait3A_62 = tpu.memref_slice %arg6[%scan3A_43, %dma_wait3A_61] : memref<200x128xi32, #tpu.memory_space<vmem>> -> memref<1x128xi32, #tpu.memory_space<vmem>>
        %dma_wait3A_63 = tpu.memref_squeeze %dma_wait3A_62 : memref<1x128xi32, #tpu.memory_space<vmem>> -> memref<128xi32, #tpu.memory_space<vmem>>
        %dma_wait3A_64 = arith.constant 0 : i32
        %dma_wait3A_65 = arith.constant 0 : i32
        %dma_wait3A_66 = tpu.memref_slice %arg3[%dma_wait3A_64, %dma_wait3A_65] : memref<250000x128xf32, #tpu.memory_space<hbm>> -> memref<250000x128xf32, #tpu.memory_space<hbm>>
        tpu.wait_indirect_dma semaphore(%arg13 : memref<!tpu.dma_semaphore, #tpu.memory_space<semaphore_mem>>) src(%dma_wait3A_66 : memref<250000x128xf32, #tpu.memory_space<hbm>>) dst(%arg7 : memref<128x128xf32, #tpu.memory_space<vmem>>)
        %add3A_67 = arith.constant 2 : i32
        %add3A_68 = arith.addi %scan3A_43, %add3A_67 : i32
        %lt3A = arith.constant 200 : i32
        %lt3A_69 = arith.cmpi slt, %add3A_68, %lt3A : i32
        %convert_element_type3A_70 = arith.extui %lt3A_69 : i1 to i32
        %cond3A_71 = arith.constant 0 : i32
        %cond3A_72 = arith.cmpi ne, %convert_element_type3A_70, %cond3A_71 : i32
        scf.if %cond3A_72 {
          %add3A_154 = arith.constant 2 : i32
          %add3A_155 = arith.addi %scan3A_43, %add3A_154 : i32
          %dma_start3A_156 = arith.constant 0 : i32
          %dma_start3A_157 = tpu.memref_slice %arg6[%add3A_155, %dma_start3A_156] : memref<200x128xi32, #tpu.memory_space<vmem>> -> memref<1x128xi32, #tpu.memory_space<vmem>>
          %dma_start3A_158 = tpu.memref_squeeze %dma_start3A_157 : memref<1x128xi32, #tpu.memory_space<vmem>> -> memref<128xi32, #tpu.memory_space<vmem>>
          %dma_start3A_159 = arith.constant 0 : i32
          %dma_start3A_160 = arith.constant 0 : i32
          %dma_start3A_161 = tpu.memref_slice %arg3[%dma_start3A_159, %dma_start3A_160] : memref<250000x128xf32, #tpu.memory_space<hbm>> -> memref<250000x128xf32, #tpu.memory_space<hbm>>
          tpu.enqueue_indirect_dma source(%dma_start3A_161 : memref<250000x128xf32, #tpu.memory_space<hbm>>) target(%arg9 : memref<128x128xf32, #tpu.memory_space<vmem>>) offsets(%dma_start3A_158 : memref<128xi32, #tpu.memory_space<vmem>>) semaphore(%arg15 : memref<!tpu.dma_semaphore, #tpu.memory_space<semaphore_mem>>)
        } else {
        }
        %ge3A = arith.constant 3 : i32
        %ge3A_73 = arith.cmpi sge, %scan3A_43, %ge3A : i32
        %convert_element_type3A_74 = arith.extui %ge3A_73 : i1 to i32
        %cond3A_75 = arith.constant 0 : i32
        %cond3A_76 = arith.cmpi ne, %convert_element_type3A_74, %cond3A_75 : i32
        scf.if %cond3A_76 {
          %dma_wait3A_154 = arith.constant 0 : i32
          %dma_wait3A_155 = tpu.memref_slice %arg4[%scan3A_43, %dma_wait3A_154, %mul3A_2] : memref<200x32x4096xf32, #tpu.memory_space<hbm>> -> memref<1x32x128xf32, #tpu.memory_space<hbm>>
          %dma_wait3A_156 = tpu.memref_squeeze %dma_wait3A_155 : memref<1x32x128xf32, #tpu.memory_space<hbm>> -> memref<32x128xf32, #tpu.memory_space<hbm>>
          %dma_wait3A_157 = arith.constant 0 : i32
          %dma_wait3A_158 = tpu.memref_slice %arg4[%scan3A_43, %dma_wait3A_157, %mul3A_2] : memref<200x32x4096xf32, #tpu.memory_space<hbm>> -> memref<1x32x128xf32, #tpu.memory_space<hbm>>
          %dma_wait3A_159 = tpu.memref_squeeze %dma_wait3A_158 : memref<1x32x128xf32, #tpu.memory_space<hbm>> -> memref<32x128xf32, #tpu.memory_space<hbm>>
          tpu.wait_dma2 semaphore(%arg16 : memref<!tpu.dma_semaphore, #tpu.memory_space<semaphore_mem>>) src(%arg10 : memref<32x128xf32, #tpu.memory_space<vmem>>) dst(%dma_wait3A_159 : memref<32x128xf32, #tpu.memory_space<hbm>>)
        } else {
        }
        %add3A_77 = arith.constant 0 : i32
        %add3A_78 = vector.broadcast %add3A_77 : i32 to vector<16xi32>
        %add3A_79 = arith.addi %iota3A, %add3A_78 : vector<16xi32>
        %get3A = arith.index_cast %scan3A_43 : i32 to index
        %get3A_80 = arith.constant 0 : index
        %get3A_81 = tpu.vector_load %arg5[%get3A, %get3A_80] {strides = array<i32>} : memref<200x128xi32, #tpu.memory_space<vmem>>, vector<16xi32>,
        %parallel_loop3A_82 = arith.constant 0 : i32
        %parallel_loop3A_83 = arith.constant 32 : i32
        %parallel_loop3A_84 = arith.constant 1 : i32
        scf.for %parallel_loop3A_154 = %parallel_loop3A_82 to %parallel_loop3A_83 step %parallel_loop3A_84  : i32 {
          %parallel_loop3A_155 = vector.broadcast %parallel_loop3A_154 : i32 to vector<16xi32>
          %parallel_loop3A_156 = arith.addi %get3A_81, %parallel_loop3A_155 : vector<16xi32>
          %parallel_loop3A_157 = tpu.vector_load_idx %arg7[%add3A_79, %parallel_loop3A_156] : memref<128x128xf32, #tpu.memory_space<vmem>>[vector<16xi32>, vector<16xi32>], vector<16xf32>,
          %parallel_loop3A_158 = arith.index_cast %parallel_loop3A_154 : i32 to index
          %parallel_loop3A_159 = arith.constant 0 : index
          %parallel_loop3A_160 = tpu.vector_load %arg10[%parallel_loop3A_158, %parallel_loop3A_159] {strides = array<i32>} : memref<32x128xf32, #tpu.memory_space<vmem>>, vector<16xf32>,
          tpu.vector_store %arg10[%parallel_loop3A_158, %parallel_loop3A_159], %parallel_loop3A_157 {strides = array<i32>} : memref<32x128xf32, #tpu.memory_space<vmem>>, vector<16xf32>,
        } {sc.loop_unroll_factor = 8 : i64, sc.parallel_access}
        %add3A_85 = arith.constant 16 : i32
        %add3A_86 = vector.broadcast %add3A_85 : i32 to vector<16xi32>
        %add3A_87 = arith.addi %iota3A, %add3A_86 : vector<16xi32>
        %get3A_88 = arith.index_cast %scan3A_43 : i32 to index
        %get3A_89 = arith.constant 16 : index
        %get3A_90 = tpu.vector_load %arg5[%get3A_88, %get3A_89] {strides = array<i32>} : memref<200x128xi32, #tpu.memory_space<vmem>>, vector<16xi32>,
        %parallel_loop3A_91 = arith.constant 0 : i32
        %parallel_loop3A_92 = arith.constant 32 : i32
        %parallel_loop3A_93 = arith.constant 1 : i32
        scf.for %parallel_loop3A_154 = %parallel_loop3A_91 to %parallel_loop3A_92 step %parallel_loop3A_93  : i32 {
          %parallel_loop3A_155 = vector.broadcast %parallel_loop3A_154 : i32 to vector<16xi32>
          %parallel_loop3A_156 = arith.addi %get3A_90, %parallel_loop3A_155 : vector<16xi32>
          %parallel_loop3A_157 = tpu.vector_load_idx %arg7[%add3A_87, %parallel_loop3A_156] : memref<128x128xf32, #tpu.memory_space<vmem>>[vector<16xi32>, vector<16xi32>], vector<16xf32>,
          %parallel_loop3A_158 = arith.index_cast %parallel_loop3A_154 : i32 to index
          %parallel_loop3A_159 = arith.constant 16 : index
          %parallel_loop3A_160 = tpu.vector_load %arg10[%parallel_loop3A_158, %parallel_loop3A_159] {strides = array<i32>} : memref<32x128xf32, #tpu.memory_space<vmem>>, vector<16xf32>,
          tpu.vector_store %arg10[%parallel_loop3A_158, %parallel_loop3A_159], %parallel_loop3A_157 {strides = array<i32>} : memref<32x128xf32, #tpu.memory_space<vmem>>, vector<16xf32>,
        } {sc.loop_unroll_factor = 8 : i64, sc.parallel_access}
        %add3A_94 = arith.constant 32 : i32
        %add3A_95 = vector.broadcast %add3A_94 : i32 to vector<16xi32>
        %add3A_96 = arith.addi %iota3A, %add3A_95 : vector<16xi32>
        %get3A_97 = arith.index_cast %scan3A_43 : i32 to index
        %get3A_98 = arith.constant 32 : index
        %get3A_99 = tpu.vector_load %arg5[%get3A_97, %get3A_98] {strides = array<i32>} : memref<200x128xi32, #tpu.memory_space<vmem>>, vector<16xi32>,
        %parallel_loop3A_100 = arith.constant 0 : i32
        %parallel_loop3A_101 = arith.constant 32 : i32
        %parallel_loop3A_102 = arith.constant 1 : i32
        scf.for %parallel_loop3A_154 = %parallel_loop3A_100 to %parallel_loop3A_101 step %parallel_loop3A_102  : i32 {
          %parallel_loop3A_155 = vector.broadcast %parallel_loop3A_154 : i32 to vector<16xi32>
          %parallel_loop3A_156 = arith.addi %get3A_99, %parallel_loop3A_155 : vector<16xi32>
          %parallel_loop3A_157 = tpu.vector_load_idx %arg7[%add3A_96, %parallel_loop3A_156] : memref<128x128xf32, #tpu.memory_space<vmem>>[vector<16xi32>, vector<16xi32>], vector<16xf32>,
          %parallel_loop3A_158 = arith.index_cast %parallel_loop3A_154 : i32 to index
          %parallel_loop3A_159 = arith.constant 32 : index
          %parallel_loop3A_160 = tpu.vector_load %arg10[%parallel_loop3A_158, %parallel_loop3A_159] {strides = array<i32>} : memref<32x128xf32, #tpu.memory_space<vmem>>, vector<16xf32>,
          tpu.vector_store %arg10[%parallel_loop3A_158, %parallel_loop3A_159], %parallel_loop3A_157 {strides = array<i32>} : memref<32x128xf32, #tpu.memory_space<vmem>>, vector<16xf32>,
        } {sc.loop_unroll_factor = 8 : i64, sc.parallel_access}
        %add3A_103 = arith.constant 48 : i32
        %add3A_104 = vector.broadcast %add3A_103 : i32 to vector<16xi32>
        %add3A_105 = arith.addi %iota3A, %add3A_104 : vector<16xi32>
        %get3A_106 = arith.index_cast %scan3A_43 : i32 to index
        %get3A_107 = arith.constant 48 : index
        %get3A_108 = tpu.vector_load %arg5[%get3A_106, %get3A_107] {strides = array<i32>} : memref<200x128xi32, #tpu.memory_space<vmem>>, vector<16xi32>,
        %parallel_loop3A_109 = arith.constant 0 : i32
        %parallel_loop3A_110 = arith.constant 32 : i32
        %parallel_loop3A_111 = arith.constant 1 : i32
        scf.for %parallel_loop3A_154 = %parallel_loop3A_109 to %parallel_loop3A_110 step %parallel_loop3A_111  : i32 {
          %parallel_loop3A_155 = vector.broadcast %parallel_loop3A_154 : i32 to vector<16xi32>
          %parallel_loop3A_156 = arith.addi %get3A_108, %parallel_loop3A_155 : vector<16xi32>
          %parallel_loop3A_157 = tpu.vector_load_idx %arg7[%add3A_105, %parallel_loop3A_156] : memref<128x128xf32, #tpu.memory_space<vmem>>[vector<16xi32>, vector<16xi32>], vector<16xf32>,
          %parallel_loop3A_158 = arith.index_cast %parallel_loop3A_154 : i32 to index
          %parallel_loop3A_159 = arith.constant 48 : index
          %parallel_loop3A_160 = tpu.vector_load %arg10[%parallel_loop3A_158, %parallel_loop3A_159] {strides = array<i32>} : memref<32x128xf32, #tpu.memory_space<vmem>>, vector<16xf32>,
          tpu.vector_store %arg10[%parallel_loop3A_158, %parallel_loop3A_159], %parallel_loop3A_157 {strides = array<i32>} : memref<32x128xf32, #tpu.memory_space<vmem>>, vector<16xf32>,
        } {sc.loop_unroll_factor = 8 : i64, sc.parallel_access}
        %add3A_112 = arith.constant 64 : i32
        %add3A_113 = vector.broadcast %add3A_112 : i32 to vector<16xi32>
        %add3A_114 = arith.addi %iota3A, %add3A_113 : vector<16xi32>
        %get3A_115 = arith.index_cast %scan3A_43 : i32 to index
        %get3A_116 = arith.constant 64 : index
        %get3A_117 = tpu.vector_load %arg5[%get3A_115, %get3A_116] {strides = array<i32>} : memref<200x128xi32, #tpu.memory_space<vmem>>, vector<16xi32>,
        %parallel_loop3A_118 = arith.constant 0 : i32
        %parallel_loop3A_119 = arith.constant 32 : i32
        %parallel_loop3A_120 = arith.constant 1 : i32
        scf.for %parallel_loop3A_154 = %parallel_loop3A_118 to %parallel_loop3A_119 step %parallel_loop3A_120  : i32 {
          %parallel_loop3A_155 = vector.broadcast %parallel_loop3A_154 : i32 to vector<16xi32>
          %parallel_loop3A_156 = arith.addi %get3A_117, %parallel_loop3A_155 : vector<16xi32>
          %parallel_loop3A_157 = tpu.vector_load_idx %arg7[%add3A_114, %parallel_loop3A_156] : memref<128x128xf32, #tpu.memory_space<vmem>>[vector<16xi32>, vector<16xi32>], vector<16xf32>,
          %parallel_loop3A_158 = arith.index_cast %parallel_loop3A_154 : i32 to index
          %parallel_loop3A_159 = arith.constant 64 : index
          %parallel_loop3A_160 = tpu.vector_load %arg10[%parallel_loop3A_158, %parallel_loop3A_159] {strides = array<i32>} : memref<32x128xf32, #tpu.memory_space<vmem>>, vector<16xf32>,
          tpu.vector_store %arg10[%parallel_loop3A_158, %parallel_loop3A_159], %parallel_loop3A_157 {strides = array<i32>} : memref<32x128xf32, #tpu.memory_space<vmem>>, vector<16xf32>,
        } {sc.loop_unroll_factor = 8 : i64, sc.parallel_access}
        %add3A_121 = arith.constant 80 : i32
        %add3A_122 = vector.broadcast %add3A_121 : i32 to vector<16xi32>
        %add3A_123 = arith.addi %iota3A, %add3A_122 : vector<16xi32>
        %get3A_124 = arith.index_cast %scan3A_43 : i32 to index
        %get3A_125 = arith.constant 80 : index
        %get3A_126 = tpu.vector_load %arg5[%get3A_124, %get3A_125] {strides = array<i32>} : memref<200x128xi32, #tpu.memory_space<vmem>>, vector<16xi32>,
        %parallel_loop3A_127 = arith.constant 0 : i32
        %parallel_loop3A_128 = arith.constant 32 : i32
        %parallel_loop3A_129 = arith.constant 1 : i32
        scf.for %parallel_loop3A_154 = %parallel_loop3A_127 to %parallel_loop3A_128 step %parallel_loop3A_129  : i32 {
          %parallel_loop3A_155 = vector.broadcast %parallel_loop3A_154 : i32 to vector<16xi32>
          %parallel_loop3A_156 = arith.addi %get3A_126, %parallel_loop3A_155 : vector<16xi32>
          %parallel_loop3A_157 = tpu.vector_load_idx %arg7[%add3A_123, %parallel_loop3A_156] : memref<128x128xf32, #tpu.memory_space<vmem>>[vector<16xi32>, vector<16xi32>], vector<16xf32>,
          %parallel_loop3A_158 = arith.index_cast %parallel_loop3A_154 : i32 to index
          %parallel_loop3A_159 = arith.constant 80 : index
          %parallel_loop3A_160 = tpu.vector_load %arg10[%parallel_loop3A_158, %parallel_loop3A_159] {strides = array<i32>} : memref<32x128xf32, #tpu.memory_space<vmem>>, vector<16xf32>,
          tpu.vector_store %arg10[%parallel_loop3A_158, %parallel_loop3A_159], %parallel_loop3A_157 {strides = array<i32>} : memref<32x128xf32, #tpu.memory_space<vmem>>, vector<16xf32>,
        } {sc.loop_unroll_factor = 8 : i64, sc.parallel_access}
        %add3A_130 = arith.constant 96 : i32
        %add3A_131 = vector.broadcast %add3A_130 : i32 to vector<16xi32>
        %add3A_132 = arith.addi %iota3A, %add3A_131 : vector<16xi32>
        %get3A_133 = arith.index_cast %scan3A_43 : i32 to index
        %get3A_134 = arith.constant 96 : index
        %get3A_135 = tpu.vector_load %arg5[%get3A_133, %get3A_134] {strides = array<i32>} : memref<200x128xi32, #tpu.memory_space<vmem>>, vector<16xi32>,
        %parallel_loop3A_136 = arith.constant 0 : i32
        %parallel_loop3A_137 = arith.constant 32 : i32
        %parallel_loop3A_138 = arith.constant 1 : i32
        scf.for %parallel_loop3A_154 = %parallel_loop3A_136 to %parallel_loop3A_137 step %parallel_loop3A_138  : i32 {
          %parallel_loop3A_155 = vector.broadcast %parallel_loop3A_154 : i32 to vector<16xi32>
          %parallel_loop3A_156 = arith.addi %get3A_135, %parallel_loop3A_155 : vector<16xi32>
          %parallel_loop3A_157 = tpu.vector_load_idx %arg7[%add3A_132, %parallel_loop3A_156] : memref<128x128xf32, #tpu.memory_space<vmem>>[vector<16xi32>, vector<16xi32>], vector<16xf32>,
          %parallel_loop3A_158 = arith.index_cast %parallel_loop3A_154 : i32 to index
          %parallel_loop3A_159 = arith.constant 96 : index
          %parallel_loop3A_160 = tpu.vector_load %arg10[%parallel_loop3A_158, %parallel_loop3A_159] {strides = array<i32>} : memref<32x128xf32, #tpu.memory_space<vmem>>, vector<16xf32>,
          tpu.vector_store %arg10[%parallel_loop3A_158, %parallel_loop3A_159], %parallel_loop3A_157 {strides = array<i32>} : memref<32x128xf32, #tpu.memory_space<vmem>>, vector<16xf32>,
        } {sc.loop_unroll_factor = 8 : i64, sc.parallel_access}
        %add3A_139 = arith.constant 112 : i32
        %add3A_140 = vector.broadcast %add3A_139 : i32 to vector<16xi32>
        %add3A_141 = arith.addi %iota3A, %add3A_140 : vector<16xi32>
        %get3A_142 = arith.index_cast %scan3A_43 : i32 to index
        %get3A_143 = arith.constant 112 : index
        %get3A_144 = tpu.vector_load %arg5[%get3A_142, %get3A_143] {strides = array<i32>} : memref<200x128xi32, #tpu.memory_space<vmem>>, vector<16xi32>,
        %parallel_loop3A_145 = arith.constant 0 : i32
        %parallel_loop3A_146 = arith.constant 32 : i32
        %parallel_loop3A_147 = arith.constant 1 : i32
        scf.for %parallel_loop3A_154 = %parallel_loop3A_145 to %parallel_loop3A_146 step %parallel_loop3A_147  : i32 {
          %parallel_loop3A_155 = vector.broadcast %parallel_loop3A_154 : i32 to vector<16xi32>
          %parallel_loop3A_156 = arith.addi %get3A_144, %parallel_loop3A_155 : vector<16xi32>
          %parallel_loop3A_157 = tpu.vector_load_idx %arg7[%add3A_141, %parallel_loop3A_156] : memref<128x128xf32, #tpu.memory_space<vmem>>[vector<16xi32>, vector<16xi32>], vector<16xf32>,
          %parallel_loop3A_158 = arith.index_cast %parallel_loop3A_154 : i32 to index
          %parallel_loop3A_159 = arith.constant 112 : index
          %parallel_loop3A_160 = tpu.vector_load %arg10[%parallel_loop3A_158, %parallel_loop3A_159] {strides = array<i32>} : memref<32x128xf32, #tpu.memory_space<vmem>>, vector<16xf32>,
          tpu.vector_store %arg10[%parallel_loop3A_158, %parallel_loop3A_159], %parallel_loop3A_157 {strides = array<i32>} : memref<32x128xf32, #tpu.memory_space<vmem>>, vector<16xf32>,
        } {sc.loop_unroll_factor = 8 : i64, sc.parallel_access}
        %dma_start3A_148 = arith.constant 0 : i32
        %dma_start3A_149 = tpu.memref_slice %arg4[%scan3A_43, %dma_start3A_148, %mul3A_2] : memref<200x32x4096xf32, #tpu.memory_space<hbm>> -> memref<1x32x128xf32, #tpu.memory_space<hbm>>
        %dma_start3A_150 = tpu.memref_squeeze %dma_start3A_149 : memref<1x32x128xf32, #tpu.memory_space<hbm>> -> memref<32x128xf32, #tpu.memory_space<hbm>>
        %dma_start3A_151 = arith.constant 0 : i32
        %dma_start3A_152 = tpu.memref_slice %arg4[%scan3A_43, %dma_start3A_151, %mul3A_2] : memref<200x32x4096xf32, #tpu.memory_space<hbm>> -> memref<1x32x128xf32, #tpu.memory_space<hbm>>
        %dma_start3A_153 = tpu.memref_squeeze %dma_start3A_152 : memref<1x32x128xf32, #tpu.memory_space<hbm>> -> memref<32x128xf32, #tpu.memory_space<hbm>>
        tpu.enqueue_dma source(%arg10 : memref<32x128xf32, #tpu.memory_space<vmem>>) target(%dma_start3A_153 : memref<32x128xf32, #tpu.memory_space<hbm>>) target_semaphore(%arg16 : memref<!tpu.dma_semaphore, #tpu.memory_space<semaphore_mem>>)
      } else {
      }
      %rem3A_47 = arith.constant 3 : i32
      %rem3A_48 = arith.remsi %scan3A_43, %rem3A_47 : i32
      %eq3A_49 = arith.constant 1 : i32
      %eq3A_50 = arith.cmpi eq, %rem3A_48, %eq3A_49 : i32
      %convert_element_type3A_51 = arith.extui %eq3A_50 : i1 to i32
      %cond3A_52 = arith.constant 0 : i32
      %cond3A_53 = arith.cmpi ne, %convert_element_type3A_51, %cond3A_52 : i32
      scf.if %cond3A_53 {
        %dma_wait3A_61 = arith.constant 0 : i32
        %dma_wait3A_62 = tpu.memref_slice %arg6[%scan3A_43, %dma_wait3A_61] : memref<200x128xi32, #tpu.memory_space<vmem>> -> memref<1x128xi32, #tpu.memory_space<vmem>>
        %dma_wait3A_63 = tpu.memref_squeeze %dma_wait3A_62 : memref<1x128xi32, #tpu.memory_space<vmem>> -> memref<128xi32, #tpu.memory_space<vmem>>
        %dma_wait3A_64 = arith.constant 0 : i32
        %dma_wait3A_65 = arith.constant 0 : i32
        %dma_wait3A_66 = tpu.memref_slice %arg3[%dma_wait3A_64, %dma_wait3A_65] : memref<250000x128xf32, #tpu.memory_space<hbm>> -> memref<250000x128xf32, #tpu.memory_space<hbm>>
        tpu.wait_indirect_dma semaphore(%arg14 : memref<!tpu.dma_semaphore, #tpu.memory_space<semaphore_mem>>) src(%dma_wait3A_66 : memref<250000x128xf32, #tpu.memory_space<hbm>>) dst(%arg8 : memref<128x128xf32, #tpu.memory_space<vmem>>)
        %add3A_67 = arith.constant 2 : i32
        %add3A_68 = arith.addi %scan3A_43, %add3A_67 : i32
        %lt3A = arith.constant 200 : i32
        %lt3A_69 = arith.cmpi slt, %add3A_68, %lt3A : i32
        %convert_element_type3A_70 = arith.extui %lt3A_69 : i1 to i32
        %cond3A_71 = arith.constant 0 : i32
        %cond3A_72 = arith.cmpi ne, %convert_element_type3A_70, %cond3A_71 : i32
        scf.if %cond3A_72 {
          %add3A_154 = arith.constant 2 : i32
          %add3A_155 = arith.addi %scan3A_43, %add3A_154 : i32
          %dma_start3A_156 = arith.constant 0 : i32
          %dma_start3A_157 = tpu.memref_slice %arg6[%add3A_155, %dma_start3A_156] : memref<200x128xi32, #tpu.memory_space<vmem>> -> memref<1x128xi32, #tpu.memory_space<vmem>>
          %dma_start3A_158 = tpu.memref_squeeze %dma_start3A_157 : memref<1x128xi32, #tpu.memory_space<vmem>> -> memref<128xi32, #tpu.memory_space<vmem>>
          %dma_start3A_159 = arith.constant 0 : i32
          %dma_start3A_160 = arith.constant 0 : i32
          %dma_start3A_161 = tpu.memref_slice %arg3[%dma_start3A_159, %dma_start3A_160] : memref<250000x128xf32, #tpu.memory_space<hbm>> -> memref<250000x128xf32, #tpu.memory_space<hbm>>
          tpu.enqueue_indirect_dma source(%dma_start3A_161 : memref<250000x128xf32, #tpu.memory_space<hbm>>) target(%arg7 : memref<128x128xf32, #tpu.memory_space<vmem>>) offsets(%dma_start3A_158 : memref<128xi32, #tpu.memory_space<vmem>>) semaphore(%arg13 : memref<!tpu.dma_semaphore, #tpu.memory_space<semaphore_mem>>)
        } else {
        }
        %ge3A = arith.constant 3 : i32
        %ge3A_73 = arith.cmpi sge, %scan3A_43, %ge3A : i32
        %convert_element_type3A_74 = arith.extui %ge3A_73 : i1 to i32
        %cond3A_75 = arith.constant 0 : i32
        %cond3A_76 = arith.cmpi ne, %convert_element_type3A_74, %cond3A_75 : i32
        scf.if %cond3A_76 {
          %dma_wait3A_154 = arith.constant 0 : i32
          %dma_wait3A_155 = tpu.memref_slice %arg4[%scan3A_43, %dma_wait3A_154, %mul3A_2] : memref<200x32x4096xf32, #tpu.memory_space<hbm>> -> memref<1x32x128xf32, #tpu.memory_space<hbm>>
          %dma_wait3A_156 = tpu.memref_squeeze %dma_wait3A_155 : memref<1x32x128xf32, #tpu.memory_space<hbm>> -> memref<32x128xf32, #tpu.memory_space<hbm>>
          %dma_wait3A_157 = arith.constant 0 : i32
          %dma_wait3A_158 = tpu.memref_slice %arg4[%scan3A_43, %dma_wait3A_157, %mul3A_2] : memref<200x32x4096xf32, #tpu.memory_space<hbm>> -> memref<1x32x128xf32, #tpu.memory_space<hbm>>
          %dma_wait3A_159 = tpu.memref_squeeze %dma_wait3A_158 : memref<1x32x128xf32, #tpu.memory_space<hbm>> -> memref<32x128xf32, #tpu.memory_space<hbm>>
          tpu.wait_dma2 semaphore(%arg17 : memref<!tpu.dma_semaphore, #tpu.memory_space<semaphore_mem>>) src(%arg11 : memref<32x128xf32, #tpu.memory_space<vmem>>) dst(%dma_wait3A_159 : memref<32x128xf32, #tpu.memory_space<hbm>>)
        } else {
        }
        %add3A_77 = arith.constant 0 : i32
        %add3A_78 = vector.broadcast %add3A_77 : i32 to vector<16xi32>
        %add3A_79 = arith.addi %iota3A, %add3A_78 : vector<16xi32>
        %get3A = arith.index_cast %scan3A_43 : i32 to index
        %get3A_80 = arith.constant 0 : index
        %get3A_81 = tpu.vector_load %arg5[%get3A, %get3A_80] {strides = array<i32>} : memref<200x128xi32, #tpu.memory_space<vmem>>, vector<16xi32>,
        %parallel_loop3A_82 = arith.constant 0 : i32
        %parallel_loop3A_83 = arith.constant 32 : i32
        %parallel_loop3A_84 = arith.constant 1 : i32
        scf.for %parallel_loop3A_154 = %parallel_loop3A_82 to %parallel_loop3A_83 step %parallel_loop3A_84  : i32 {
          %parallel_loop3A_155 = vector.broadcast %parallel_loop3A_154 : i32 to vector<16xi32>
          %parallel_loop3A_156 = arith.addi %get3A_81, %parallel_loop3A_155 : vector<16xi32>
          %parallel_loop3A_157 = tpu.vector_load_idx %arg8[%add3A_79, %parallel_loop3A_156] : memref<128x128xf32, #tpu.memory_space<vmem>>[vector<16xi32>, vector<16xi32>], vector<16xf32>,
          %parallel_loop3A_158 = arith.index_cast %parallel_loop3A_154 : i32 to index
          %parallel_loop3A_159 = arith.constant 0 : index
          %parallel_loop3A_160 = tpu.vector_load %arg11[%parallel_loop3A_158, %parallel_loop3A_159] {strides = array<i32>} : memref<32x128xf32, #tpu.memory_space<vmem>>, vector<16xf32>,
          tpu.vector_store %arg11[%parallel_loop3A_158, %parallel_loop3A_159], %parallel_loop3A_157 {strides = array<i32>} : memref<32x128xf32, #tpu.memory_space<vmem>>, vector<16xf32>,
        } {sc.loop_unroll_factor = 8 : i64, sc.parallel_access}
        %add3A_85 = arith.constant 16 : i32
        %add3A_86 = vector.broadcast %add3A_85 : i32 to vector<16xi32>
        %add3A_87 = arith.addi %iota3A, %add3A_86 : vector<16xi32>
        %get3A_88 = arith.index_cast %scan3A_43 : i32 to index
        %get3A_89 = arith.constant 16 : index
        %get3A_90 = tpu.vector_load %arg5[%get3A_88, %get3A_89] {strides = array<i32>} : memref<200x128xi32, #tpu.memory_space<vmem>>, vector<16xi32>,
        %parallel_loop3A_91 = arith.constant 0 : i32
        %parallel_loop3A_92 = arith.constant 32 : i32
        %parallel_loop3A_93 = arith.constant 1 : i32
        scf.for %parallel_loop3A_154 = %parallel_loop3A_91 to %parallel_loop3A_92 step %parallel_loop3A_93  : i32 {
          %parallel_loop3A_155 = vector.broadcast %parallel_loop3A_154 : i32 to vector<16xi32>
          %parallel_loop3A_156 = arith.addi %get3A_90, %parallel_loop3A_155 : vector<16xi32>
          %parallel_loop3A_157 = tpu.vector_load_idx %arg8[%add3A_87, %parallel_loop3A_156] : memref<128x128xf32, #tpu.memory_space<vmem>>[vector<16xi32>, vector<16xi32>], vector<16xf32>,
          %parallel_loop3A_158 = arith.index_cast %parallel_loop3A_154 : i32 to index
          %parallel_loop3A_159 = arith.constant 16 : index
          %parallel_loop3A_160 = tpu.vector_load %arg11[%parallel_loop3A_158, %parallel_loop3A_159] {strides = array<i32>} : memref<32x128xf32, #tpu.memory_space<vmem>>, vector<16xf32>,
          tpu.vector_store %arg11[%parallel_loop3A_158, %parallel_loop3A_159], %parallel_loop3A_157 {strides = array<i32>} : memref<32x128xf32, #tpu.memory_space<vmem>>, vector<16xf32>,
        } {sc.loop_unroll_factor = 8 : i64, sc.parallel_access}
        %add3A_94 = arith.constant 32 : i32
        %add3A_95 = vector.broadcast %add3A_94 : i32 to vector<16xi32>
        %add3A_96 = arith.addi %iota3A, %add3A_95 : vector<16xi32>
        %get3A_97 = arith.index_cast %scan3A_43 : i32 to index
        %get3A_98 = arith.constant 32 : index
        %get3A_99 = tpu.vector_load %arg5[%get3A_97, %get3A_98] {strides = array<i32>} : memref<200x128xi32, #tpu.memory_space<vmem>>, vector<16xi32>,
        %parallel_loop3A_100 = arith.constant 0 : i32
        %parallel_loop3A_101 = arith.constant 32 : i32
        %parallel_loop3A_102 = arith.constant 1 : i32
        scf.for %parallel_loop3A_154 = %parallel_loop3A_100 to %parallel_loop3A_101 step %parallel_loop3A_102  : i32 {
          %parallel_loop3A_155 = vector.broadcast %parallel_loop3A_154 : i32 to vector<16xi32>
          %parallel_loop3A_156 = arith.addi %get3A_99, %parallel_loop3A_155 : vector<16xi32>
          %parallel_loop3A_157 = tpu.vector_load_idx %arg8[%add3A_96, %parallel_loop3A_156] : memref<128x128xf32, #tpu.memory_space<vmem>>[vector<16xi32>, vector<16xi32>], vector<16xf32>,
          %parallel_loop3A_158 = arith.index_cast %parallel_loop3A_154 : i32 to index
          %parallel_loop3A_159 = arith.constant 32 : index
          %parallel_loop3A_160 = tpu.vector_load %arg11[%parallel_loop3A_158, %parallel_loop3A_159] {strides = array<i32>} : memref<32x128xf32, #tpu.memory_space<vmem>>, vector<16xf32>,
          tpu.vector_store %arg11[%parallel_loop3A_158, %parallel_loop3A_159], %parallel_loop3A_157 {strides = array<i32>} : memref<32x128xf32, #tpu.memory_space<vmem>>, vector<16xf32>,
        } {sc.loop_unroll_factor = 8 : i64, sc.parallel_access}
        %add3A_103 = arith.constant 48 : i32
        %add3A_104 = vector.broadcast %add3A_103 : i32 to vector<16xi32>
        %add3A_105 = arith.addi %iota3A, %add3A_104 : vector<16xi32>
        %get3A_106 = arith.index_cast %scan3A_43 : i32 to index
        %get3A_107 = arith.constant 48 : index
        %get3A_108 = tpu.vector_load %arg5[%get3A_106, %get3A_107] {strides = array<i32>} : memref<200x128xi32, #tpu.memory_space<vmem>>, vector<16xi32>,
        %parallel_loop3A_109 = arith.constant 0 : i32
        %parallel_loop3A_110 = arith.constant 32 : i32
        %parallel_loop3A_111 = arith.constant 1 : i32
        scf.for %parallel_loop3A_154 = %parallel_loop3A_109 to %parallel_loop3A_110 step %parallel_loop3A_111  : i32 {
          %parallel_loop3A_155 = vector.broadcast %parallel_loop3A_154 : i32 to vector<16xi32>
          %parallel_loop3A_156 = arith.addi %get3A_108, %parallel_loop3A_155 : vector<16xi32>
          %parallel_loop3A_157 = tpu.vector_load_idx %arg8[%add3A_105, %parallel_loop3A_156] : memref<128x128xf32, #tpu.memory_space<vmem>>[vector<16xi32>, vector<16xi32>], vector<16xf32>,
          %parallel_loop3A_158 = arith.index_cast %parallel_loop3A_154 : i32 to index
          %parallel_loop3A_159 = arith.constant 48 : index
          %parallel_loop3A_160 = tpu.vector_load %arg11[%parallel_loop3A_158, %parallel_loop3A_159] {strides = array<i32>} : memref<32x128xf32, #tpu.memory_space<vmem>>, vector<16xf32>,
          tpu.vector_store %arg11[%parallel_loop3A_158, %parallel_loop3A_159], %parallel_loop3A_157 {strides = array<i32>} : memref<32x128xf32, #tpu.memory_space<vmem>>, vector<16xf32>,
        } {sc.loop_unroll_factor = 8 : i64, sc.parallel_access}
        %add3A_112 = arith.constant 64 : i32
        %add3A_113 = vector.broadcast %add3A_112 : i32 to vector<16xi32>
        %add3A_114 = arith.addi %iota3A, %add3A_113 : vector<16xi32>
        %get3A_115 = arith.index_cast %scan3A_43 : i32 to index
        %get3A_116 = arith.constant 64 : index
        %get3A_117 = tpu.vector_load %arg5[%get3A_115, %get3A_116] {strides = array<i32>} : memref<200x128xi32, #tpu.memory_space<vmem>>, vector<16xi32>,
        %parallel_loop3A_118 = arith.constant 0 : i32
        %parallel_loop3A_119 = arith.constant 32 : i32
        %parallel_loop3A_120 = arith.constant 1 : i32
        scf.for %parallel_loop3A_154 = %parallel_loop3A_118 to %parallel_loop3A_119 step %parallel_loop3A_120  : i32 {
          %parallel_loop3A_155 = vector.broadcast %parallel_loop3A_154 : i32 to vector<16xi32>
          %parallel_loop3A_156 = arith.addi %get3A_117, %parallel_loop3A_155 : vector<16xi32>
          %parallel_loop3A_157 = tpu.vector_load_idx %arg8[%add3A_114, %parallel_loop3A_156] : memref<128x128xf32, #tpu.memory_space<vmem>>[vector<16xi32>, vector<16xi32>], vector<16xf32>,
          %parallel_loop3A_158 = arith.index_cast %parallel_loop3A_154 : i32 to index
          %parallel_loop3A_159 = arith.constant 64 : index
          %parallel_loop3A_160 = tpu.vector_load %arg11[%parallel_loop3A_158, %parallel_loop3A_159] {strides = array<i32>} : memref<32x128xf32, #tpu.memory_space<vmem>>, vector<16xf32>,
          tpu.vector_store %arg11[%parallel_loop3A_158, %parallel_loop3A_159], %parallel_loop3A_157 {strides = array<i32>} : memref<32x128xf32, #tpu.memory_space<vmem>>, vector<16xf32>,
        } {sc.loop_unroll_factor = 8 : i64, sc.parallel_access}
        %add3A_121 = arith.constant 80 : i32
        %add3A_122 = vector.broadcast %add3A_121 : i32 to vector<16xi32>
        %add3A_123 = arith.addi %iota3A, %add3A_122 : vector<16xi32>
        %get3A_124 = arith.index_cast %scan3A_43 : i32 to index
        %get3A_125 = arith.constant 80 : index
        %get3A_126 = tpu.vector_load %arg5[%get3A_124, %get3A_125] {strides = array<i32>} : memref<200x128xi32, #tpu.memory_space<vmem>>, vector<16xi32>,
        %parallel_loop3A_127 = arith.constant 0 : i32
        %parallel_loop3A_128 = arith.constant 32 : i32
        %parallel_loop3A_129 = arith.constant 1 : i32
        scf.for %parallel_loop3A_154 = %parallel_loop3A_127 to %parallel_loop3A_128 step %parallel_loop3A_129  : i32 {
          %parallel_loop3A_155 = vector.broadcast %parallel_loop3A_154 : i32 to vector<16xi32>
          %parallel_loop3A_156 = arith.addi %get3A_126, %parallel_loop3A_155 : vector<16xi32>
          %parallel_loop3A_157 = tpu.vector_load_idx %arg8[%add3A_123, %parallel_loop3A_156] : memref<128x128xf32, #tpu.memory_space<vmem>>[vector<16xi32>, vector<16xi32>], vector<16xf32>,
          %parallel_loop3A_158 = arith.index_cast %parallel_loop3A_154 : i32 to index
          %parallel_loop3A_159 = arith.constant 80 : index
          %parallel_loop3A_160 = tpu.vector_load %arg11[%parallel_loop3A_158, %parallel_loop3A_159] {strides = array<i32>} : memref<32x128xf32, #tpu.memory_space<vmem>>, vector<16xf32>,
          tpu.vector_store %arg11[%parallel_loop3A_158, %parallel_loop3A_159], %parallel_loop3A_157 {strides = array<i32>} : memref<32x128xf32, #tpu.memory_space<vmem>>, vector<16xf32>,
        } {sc.loop_unroll_factor = 8 : i64, sc.parallel_access}
        %add3A_130 = arith.constant 96 : i32
        %add3A_131 = vector.broadcast %add3A_130 : i32 to vector<16xi32>
        %add3A_132 = arith.addi %iota3A, %add3A_131 : vector<16xi32>
        %get3A_133 = arith.index_cast %scan3A_43 : i32 to index
        %get3A_134 = arith.constant 96 : index
        %get3A_135 = tpu.vector_load %arg5[%get3A_133, %get3A_134] {strides = array<i32>} : memref<200x128xi32, #tpu.memory_space<vmem>>, vector<16xi32>,
        %parallel_loop3A_136 = arith.constant 0 : i32
        %parallel_loop3A_137 = arith.constant 32 : i32
        %parallel_loop3A_138 = arith.constant 1 : i32
        scf.for %parallel_loop3A_154 = %parallel_loop3A_136 to %parallel_loop3A_137 step %parallel_loop3A_138  : i32 {
          %parallel_loop3A_155 = vector.broadcast %parallel_loop3A_154 : i32 to vector<16xi32>
          %parallel_loop3A_156 = arith.addi %get3A_135, %parallel_loop3A_155 : vector<16xi32>
          %parallel_loop3A_157 = tpu.vector_load_idx %arg8[%add3A_132, %parallel_loop3A_156] : memref<128x128xf32, #tpu.memory_space<vmem>>[vector<16xi32>, vector<16xi32>], vector<16xf32>,
          %parallel_loop3A_158 = arith.index_cast %parallel_loop3A_154 : i32 to index
          %parallel_loop3A_159 = arith.constant 96 : index
          %parallel_loop3A_160 = tpu.vector_load %arg11[%parallel_loop3A_158, %parallel_loop3A_159] {strides = array<i32>} : memref<32x128xf32, #tpu.memory_space<vmem>>, vector<16xf32>,
          tpu.vector_store %arg11[%parallel_loop3A_158, %parallel_loop3A_159], %parallel_loop3A_157 {strides = array<i32>} : memref<32x128xf32, #tpu.memory_space<vmem>>, vector<16xf32>,
        } {sc.loop_unroll_factor = 8 : i64, sc.parallel_access}
        %add3A_139 = arith.constant 112 : i32
        %add3A_140 = vector.broadcast %add3A_139 : i32 to vector<16xi32>
        %add3A_141 = arith.addi %iota3A, %add3A_140 : vector<16xi32>
        %get3A_142 = arith.index_cast %scan3A_43 : i32 to index
        %get3A_143 = arith.constant 112 : index
        %get3A_144 = tpu.vector_load %arg5[%get3A_142, %get3A_143] {strides = array<i32>} : memref<200x128xi32, #tpu.memory_space<vmem>>, vector<16xi32>,
        %parallel_loop3A_145 = arith.constant 0 : i32
        %parallel_loop3A_146 = arith.constant 32 : i32
        %parallel_loop3A_147 = arith.constant 1 : i32
        scf.for %parallel_loop3A_154 = %parallel_loop3A_145 to %parallel_loop3A_146 step %parallel_loop3A_147  : i32 {
          %parallel_loop3A_155 = vector.broadcast %parallel_loop3A_154 : i32 to vector<16xi32>
          %parallel_loop3A_156 = arith.addi %get3A_144, %parallel_loop3A_155 : vector<16xi32>
          %parallel_loop3A_157 = tpu.vector_load_idx %arg8[%add3A_141, %parallel_loop3A_156] : memref<128x128xf32, #tpu.memory_space<vmem>>[vector<16xi32>, vector<16xi32>], vector<16xf32>,
          %parallel_loop3A_158 = arith.index_cast %parallel_loop3A_154 : i32 to index
          %parallel_loop3A_159 = arith.constant 112 : index
          %parallel_loop3A_160 = tpu.vector_load %arg11[%parallel_loop3A_158, %parallel_loop3A_159] {strides = array<i32>} : memref<32x128xf32, #tpu.memory_space<vmem>>, vector<16xf32>,
          tpu.vector_store %arg11[%parallel_loop3A_158, %parallel_loop3A_159], %parallel_loop3A_157 {strides = array<i32>} : memref<32x128xf32, #tpu.memory_space<vmem>>, vector<16xf32>,
        } {sc.loop_unroll_factor = 8 : i64, sc.parallel_access}
        %dma_start3A_148 = arith.constant 0 : i32
        %dma_start3A_149 = tpu.memref_slice %arg4[%scan3A_43, %dma_start3A_148, %mul3A_2] : memref<200x32x4096xf32, #tpu.memory_space<hbm>> -> memref<1x32x128xf32, #tpu.memory_space<hbm>>
        %dma_start3A_150 = tpu.memref_squeeze %dma_start3A_149 : memref<1x32x128xf32, #tpu.memory_space<hbm>> -> memref<32x128xf32, #tpu.memory_space<hbm>>
        %dma_start3A_151 = arith.constant 0 : i32
        %dma_start3A_152 = tpu.memref_slice %arg4[%scan3A_43, %dma_start3A_151, %mul3A_2] : memref<200x32x4096xf32, #tpu.memory_space<hbm>> -> memref<1x32x128xf32, #tpu.memory_space<hbm>>
        %dma_start3A_153 = tpu.memref_squeeze %dma_start3A_152 : memref<1x32x128xf32, #tpu.memory_space<hbm>> -> memref<32x128xf32, #tpu.memory_space<hbm>>
        tpu.enqueue_dma source(%arg11 : memref<32x128xf32, #tpu.memory_space<vmem>>) target(%dma_start3A_153 : memref<32x128xf32, #tpu.memory_space<hbm>>) target_semaphore(%arg17 : memref<!tpu.dma_semaphore, #tpu.memory_space<semaphore_mem>>)
      } else {
      }
      %rem3A_54 = arith.constant 3 : i32
      %rem3A_55 = arith.remsi %scan3A_43, %rem3A_54 : i32
      %eq3A_56 = arith.constant 2 : i32
      %eq3A_57 = arith.cmpi eq, %rem3A_55, %eq3A_56 : i32
      %convert_element_type3A_58 = arith.extui %eq3A_57 : i1 to i32
      %cond3A_59 = arith.constant 0 : i32
      %cond3A_60 = arith.cmpi ne, %convert_element_type3A_58, %cond3A_59 : i32
      scf.if %cond3A_60 {
        %dma_wait3A_61 = arith.constant 0 : i32
        %dma_wait3A_62 = tpu.memref_slice %arg6[%scan3A_43, %dma_wait3A_61] : memref<200x128xi32, #tpu.memory_space<vmem>> -> memref<1x128xi32, #tpu.memory_space<vmem>>
        %dma_wait3A_63 = tpu.memref_squeeze %dma_wait3A_62 : memref<1x128xi32, #tpu.memory_space<vmem>> -> memref<128xi32, #tpu.memory_space<vmem>>
        %dma_wait3A_64 = arith.constant 0 : i32
        %dma_wait3A_65 = arith.constant 0 : i32
        %dma_wait3A_66 = tpu.memref_slice %arg3[%dma_wait3A_64, %dma_wait3A_65] : memref<250000x128xf32, #tpu.memory_space<hbm>> -> memref<250000x128xf32, #tpu.memory_space<hbm>>
        tpu.wait_indirect_dma semaphore(%arg15 : memref<!tpu.dma_semaphore, #tpu.memory_space<semaphore_mem>>) src(%dma_wait3A_66 : memref<250000x128xf32, #tpu.memory_space<hbm>>) dst(%arg9 : memref<128x128xf32, #tpu.memory_space<vmem>>)
        %add3A_67 = arith.constant 2 : i32
        %add3A_68 = arith.addi %scan3A_43, %add3A_67 : i32
        %lt3A = arith.constant 200 : i32
        %lt3A_69 = arith.cmpi slt, %add3A_68, %lt3A : i32
        %convert_element_type3A_70 = arith.extui %lt3A_69 : i1 to i32
        %cond3A_71 = arith.constant 0 : i32
        %cond3A_72 = arith.cmpi ne, %convert_element_type3A_70, %cond3A_71 : i32
        scf.if %cond3A_72 {
          %add3A_154 = arith.constant 2 : i32
          %add3A_155 = arith.addi %scan3A_43, %add3A_154 : i32
          %dma_start3A_156 = arith.constant 0 : i32
          %dma_start3A_157 = tpu.memref_slice %arg6[%add3A_155, %dma_start3A_156] : memref<200x128xi32, #tpu.memory_space<vmem>> -> memref<1x128xi32, #tpu.memory_space<vmem>>
          %dma_start3A_158 = tpu.memref_squeeze %dma_start3A_157 : memref<1x128xi32, #tpu.memory_space<vmem>> -> memref<128xi32, #tpu.memory_space<vmem>>
          %dma_start3A_159 = arith.constant 0 : i32
          %dma_start3A_160 = arith.constant 0 : i32
          %dma_start3A_161 = tpu.memref_slice %arg3[%dma_start3A_159, %dma_start3A_160] : memref<250000x128xf32, #tpu.memory_space<hbm>> -> memref<250000x128xf32, #tpu.memory_space<hbm>>
          tpu.enqueue_indirect_dma source(%dma_start3A_161 : memref<250000x128xf32, #tpu.memory_space<hbm>>) target(%arg8 : memref<128x128xf32, #tpu.memory_space<vmem>>) offsets(%dma_start3A_158 : memref<128xi32, #tpu.memory_space<vmem>>) semaphore(%arg14 : memref<!tpu.dma_semaphore, #tpu.memory_space<semaphore_mem>>)
        } else {
        }
        %ge3A = arith.constant 3 : i32
        %ge3A_73 = arith.cmpi sge, %scan3A_43, %ge3A : i32
        %convert_element_type3A_74 = arith.extui %ge3A_73 : i1 to i32
        %cond3A_75 = arith.constant 0 : i32
        %cond3A_76 = arith.cmpi ne, %convert_element_type3A_74, %cond3A_75 : i32
        scf.if %cond3A_76 {
          %dma_wait3A_154 = arith.constant 0 : i32
          %dma_wait3A_155 = tpu.memref_slice %arg4[%scan3A_43, %dma_wait3A_154, %mul3A_2] : memref<200x32x4096xf32, #tpu.memory_space<hbm>> -> memref<1x32x128xf32, #tpu.memory_space<hbm>>
          %dma_wait3A_156 = tpu.memref_squeeze %dma_wait3A_155 : memref<1x32x128xf32, #tpu.memory_space<hbm>> -> memref<32x128xf32, #tpu.memory_space<hbm>>
          %dma_wait3A_157 = arith.constant 0 : i32
          %dma_wait3A_158 = tpu.memref_slice %arg4[%scan3A_43, %dma_wait3A_157, %mul3A_2] : memref<200x32x4096xf32, #tpu.memory_space<hbm>> -> memref<1x32x128xf32, #tpu.memory_space<hbm>>
          %dma_wait3A_159 = tpu.memref_squeeze %dma_wait3A_158 : memref<1x32x128xf32, #tpu.memory_space<hbm>> -> memref<32x128xf32, #tpu.memory_space<hbm>>
          tpu.wait_dma2 semaphore(%arg18 : memref<!tpu.dma_semaphore, #tpu.memory_space<semaphore_mem>>) src(%arg12 : memref<32x128xf32, #tpu.memory_space<vmem>>) dst(%dma_wait3A_159 : memref<32x128xf32, #tpu.memory_space<hbm>>)
        } else {
        }
        %add3A_77 = arith.constant 0 : i32
        %add3A_78 = vector.broadcast %add3A_77 : i32 to vector<16xi32>
        %add3A_79 = arith.addi %iota3A, %add3A_78 : vector<16xi32>
        %get3A = arith.index_cast %scan3A_43 : i32 to index
        %get3A_80 = arith.constant 0 : index
        %get3A_81 = tpu.vector_load %arg5[%get3A, %get3A_80] {strides = array<i32>} : memref<200x128xi32, #tpu.memory_space<vmem>>, vector<16xi32>,
        %parallel_loop3A_82 = arith.constant 0 : i32
        %parallel_loop3A_83 = arith.constant 32 : i32
        %parallel_loop3A_84 = arith.constant 1 : i32
        scf.for %parallel_loop3A_154 = %parallel_loop3A_82 to %parallel_loop3A_83 step %parallel_loop3A_84  : i32 {
          %parallel_loop3A_155 = vector.broadcast %parallel_loop3A_154 : i32 to vector<16xi32>
          %parallel_loop3A_156 = arith.addi %get3A_81, %parallel_loop3A_155 : vector<16xi32>
          %parallel_loop3A_157 = tpu.vector_load_idx %arg9[%add3A_79, %parallel_loop3A_156] : memref<128x128xf32, #tpu.memory_space<vmem>>[vector<16xi32>, vector<16xi32>], vector<16xf32>,
          %parallel_loop3A_158 = arith.index_cast %parallel_loop3A_154 : i32 to index
          %parallel_loop3A_159 = arith.constant 0 : index
          %parallel_loop3A_160 = tpu.vector_load %arg12[%parallel_loop3A_158, %parallel_loop3A_159] {strides = array<i32>} : memref<32x128xf32, #tpu.memory_space<vmem>>, vector<16xf32>,
          tpu.vector_store %arg12[%parallel_loop3A_158, %parallel_loop3A_159], %parallel_loop3A_157 {strides = array<i32>} : memref<32x128xf32, #tpu.memory_space<vmem>>, vector<16xf32>,
        } {sc.loop_unroll_factor = 8 : i64, sc.parallel_access}
        %add3A_85 = arith.constant 16 : i32
        %add3A_86 = vector.broadcast %add3A_85 : i32 to vector<16xi32>
        %add3A_87 = arith.addi %iota3A, %add3A_86 : vector<16xi32>
        %get3A_88 = arith.index_cast %scan3A_43 : i32 to index
        %get3A_89 = arith.constant 16 : index
        %get3A_90 = tpu.vector_load %arg5[%get3A_88, %get3A_89] {strides = array<i32>} : memref<200x128xi32, #tpu.memory_space<vmem>>, vector<16xi32>,
        %parallel_loop3A_91 = arith.constant 0 : i32
        %parallel_loop3A_92 = arith.constant 32 : i32
        %parallel_loop3A_93 = arith.constant 1 : i32
        scf.for %parallel_loop3A_154 = %parallel_loop3A_91 to %parallel_loop3A_92 step %parallel_loop3A_93  : i32 {
          %parallel_loop3A_155 = vector.broadcast %parallel_loop3A_154 : i32 to vector<16xi32>
          %parallel_loop3A_156 = arith.addi %get3A_90, %parallel_loop3A_155 : vector<16xi32>
          %parallel_loop3A_157 = tpu.vector_load_idx %arg9[%add3A_87, %parallel_loop3A_156] : memref<128x128xf32, #tpu.memory_space<vmem>>[vector<16xi32>, vector<16xi32>], vector<16xf32>,
          %parallel_loop3A_158 = arith.index_cast %parallel_loop3A_154 : i32 to index
          %parallel_loop3A_159 = arith.constant 16 : index
          %parallel_loop3A_160 = tpu.vector_load %arg12[%parallel_loop3A_158, %parallel_loop3A_159] {strides = array<i32>} : memref<32x128xf32, #tpu.memory_space<vmem>>, vector<16xf32>,
          tpu.vector_store %arg12[%parallel_loop3A_158, %parallel_loop3A_159], %parallel_loop3A_157 {strides = array<i32>} : memref<32x128xf32, #tpu.memory_space<vmem>>, vector<16xf32>,
        } {sc.loop_unroll_factor = 8 : i64, sc.parallel_access}
        %add3A_94 = arith.constant 32 : i32
        %add3A_95 = vector.broadcast %add3A_94 : i32 to vector<16xi32>
        %add3A_96 = arith.addi %iota3A, %add3A_95 : vector<16xi32>
        %get3A_97 = arith.index_cast %scan3A_43 : i32 to index
        %get3A_98 = arith.constant 32 : index
        %get3A_99 = tpu.vector_load %arg5[%get3A_97, %get3A_98] {strides = array<i32>} : memref<200x128xi32, #tpu.memory_space<vmem>>, vector<16xi32>,
        %parallel_loop3A_100 = arith.constant 0 : i32
        %parallel_loop3A_101 = arith.constant 32 : i32
        %parallel_loop3A_102 = arith.constant 1 : i32
        scf.for %parallel_loop3A_154 = %parallel_loop3A_100 to %parallel_loop3A_101 step %parallel_loop3A_102  : i32 {
          %parallel_loop3A_155 = vector.broadcast %parallel_loop3A_154 : i32 to vector<16xi32>
          %parallel_loop3A_156 = arith.addi %get3A_99, %parallel_loop3A_155 : vector<16xi32>
          %parallel_loop3A_157 = tpu.vector_load_idx %arg9[%add3A_96, %parallel_loop3A_156] : memref<128x128xf32, #tpu.memory_space<vmem>>[vector<16xi32>, vector<16xi32>], vector<16xf32>,
          %parallel_loop3A_158 = arith.index_cast %parallel_loop3A_154 : i32 to index
          %parallel_loop3A_159 = arith.constant 32 : index
          %parallel_loop3A_160 = tpu.vector_load %arg12[%parallel_loop3A_158, %parallel_loop3A_159] {strides = array<i32>} : memref<32x128xf32, #tpu.memory_space<vmem>>, vector<16xf32>,
          tpu.vector_store %arg12[%parallel_loop3A_158, %parallel_loop3A_159], %parallel_loop3A_157 {strides = array<i32>} : memref<32x128xf32, #tpu.memory_space<vmem>>, vector<16xf32>,
        } {sc.loop_unroll_factor = 8 : i64, sc.parallel_access}
        %add3A_103 = arith.constant 48 : i32
        %add3A_104 = vector.broadcast %add3A_103 : i32 to vector<16xi32>
        %add3A_105 = arith.addi %iota3A, %add3A_104 : vector<16xi32>
        %get3A_106 = arith.index_cast %scan3A_43 : i32 to index
        %get3A_107 = arith.constant 48 : index
        %get3A_108 = tpu.vector_load %arg5[%get3A_106, %get3A_107] {strides = array<i32>} : memref<200x128xi32, #tpu.memory_space<vmem>>, vector<16xi32>,
        %parallel_loop3A_109 = arith.constant 0 : i32
        %parallel_loop3A_110 = arith.constant 32 : i32
        %parallel_loop3A_111 = arith.constant 1 : i32
        scf.for %parallel_loop3A_154 = %parallel_loop3A_109 to %parallel_loop3A_110 step %parallel_loop3A_111  : i32 {
          %parallel_loop3A_155 = vector.broadcast %parallel_loop3A_154 : i32 to vector<16xi32>
          %parallel_loop3A_156 = arith.addi %get3A_108, %parallel_loop3A_155 : vector<16xi32>
          %parallel_loop3A_157 = tpu.vector_load_idx %arg9[%add3A_105, %parallel_loop3A_156] : memref<128x128xf32, #tpu.memory_space<vmem>>[vector<16xi32>, vector<16xi32>], vector<16xf32>,
          %parallel_loop3A_158 = arith.index_cast %parallel_loop3A_154 : i32 to index
          %parallel_loop3A_159 = arith.constant 48 : index
          %parallel_loop3A_160 = tpu.vector_load %arg12[%parallel_loop3A_158, %parallel_loop3A_159] {strides = array<i32>} : memref<32x128xf32, #tpu.memory_space<vmem>>, vector<16xf32>,
          tpu.vector_store %arg12[%parallel_loop3A_158, %parallel_loop3A_159], %parallel_loop3A_157 {strides = array<i32>} : memref<32x128xf32, #tpu.memory_space<vmem>>, vector<16xf32>,
        } {sc.loop_unroll_factor = 8 : i64, sc.parallel_access}
        %add3A_112 = arith.constant 64 : i32
        %add3A_113 = vector.broadcast %add3A_112 : i32 to vector<16xi32>
        %add3A_114 = arith.addi %iota3A, %add3A_113 : vector<16xi32>
        %get3A_115 = arith.index_cast %scan3A_43 : i32 to index
        %get3A_116 = arith.constant 64 : index
        %get3A_117 = tpu.vector_load %arg5[%get3A_115, %get3A_116] {strides = array<i32>} : memref<200x128xi32, #tpu.memory_space<vmem>>, vector<16xi32>,
        %parallel_loop3A_118 = arith.constant 0 : i32
        %parallel_loop3A_119 = arith.constant 32 : i32
        %parallel_loop3A_120 = arith.constant 1 : i32
        scf.for %parallel_loop3A_154 = %parallel_loop3A_118 to %parallel_loop3A_119 step %parallel_loop3A_120  : i32 {
          %parallel_loop3A_155 = vector.broadcast %parallel_loop3A_154 : i32 to vector<16xi32>
          %parallel_loop3A_156 = arith.addi %get3A_117, %parallel_loop3A_155 : vector<16xi32>
          %parallel_loop3A_157 = tpu.vector_load_idx %arg9[%add3A_114, %parallel_loop3A_156] : memref<128x128xf32, #tpu.memory_space<vmem>>[vector<16xi32>, vector<16xi32>], vector<16xf32>,
          %parallel_loop3A_158 = arith.index_cast %parallel_loop3A_154 : i32 to index
          %parallel_loop3A_159 = arith.constant 64 : index
          %parallel_loop3A_160 = tpu.vector_load %arg12[%parallel_loop3A_158, %parallel_loop3A_159] {strides = array<i32>} : memref<32x128xf32, #tpu.memory_space<vmem>>, vector<16xf32>,
          tpu.vector_store %arg12[%parallel_loop3A_158, %parallel_loop3A_159], %parallel_loop3A_157 {strides = array<i32>} : memref<32x128xf32, #tpu.memory_space<vmem>>, vector<16xf32>,
        } {sc.loop_unroll_factor = 8 : i64, sc.parallel_access}
        %add3A_121 = arith.constant 80 : i32
        %add3A_122 = vector.broadcast %add3A_121 : i32 to vector<16xi32>
        %add3A_123 = arith.addi %iota3A, %add3A_122 : vector<16xi32>
        %get3A_124 = arith.index_cast %scan3A_43 : i32 to index
        %get3A_125 = arith.constant 80 : index
        %get3A_126 = tpu.vector_load %arg5[%get3A_124, %get3A_125] {strides = array<i32>} : memref<200x128xi32, #tpu.memory_space<vmem>>, vector<16xi32>,
        %parallel_loop3A_127 = arith.constant 0 : i32
        %parallel_loop3A_128 = arith.constant 32 : i32
        %parallel_loop3A_129 = arith.constant 1 : i32
        scf.for %parallel_loop3A_154 = %parallel_loop3A_127 to %parallel_loop3A_128 step %parallel_loop3A_129  : i32 {
          %parallel_loop3A_155 = vector.broadcast %parallel_loop3A_154 : i32 to vector<16xi32>
          %parallel_loop3A_156 = arith.addi %get3A_126, %parallel_loop3A_155 : vector<16xi32>
          %parallel_loop3A_157 = tpu.vector_load_idx %arg9[%add3A_123, %parallel_loop3A_156] : memref<128x128xf32, #tpu.memory_space<vmem>>[vector<16xi32>, vector<16xi32>], vector<16xf32>,
          %parallel_loop3A_158 = arith.index_cast %parallel_loop3A_154 : i32 to index
          %parallel_loop3A_159 = arith.constant 80 : index
          %parallel_loop3A_160 = tpu.vector_load %arg12[%parallel_loop3A_158, %parallel_loop3A_159] {strides = array<i32>} : memref<32x128xf32, #tpu.memory_space<vmem>>, vector<16xf32>,
          tpu.vector_store %arg12[%parallel_loop3A_158, %parallel_loop3A_159], %parallel_loop3A_157 {strides = array<i32>} : memref<32x128xf32, #tpu.memory_space<vmem>>, vector<16xf32>,
        } {sc.loop_unroll_factor = 8 : i64, sc.parallel_access}
        %add3A_130 = arith.constant 96 : i32
        %add3A_131 = vector.broadcast %add3A_130 : i32 to vector<16xi32>
        %add3A_132 = arith.addi %iota3A, %add3A_131 : vector<16xi32>
        %get3A_133 = arith.index_cast %scan3A_43 : i32 to index
        %get3A_134 = arith.constant 96 : index
        %get3A_135 = tpu.vector_load %arg5[%get3A_133, %get3A_134] {strides = array<i32>} : memref<200x128xi32, #tpu.memory_space<vmem>>, vector<16xi32>,
        %parallel_loop3A_136 = arith.constant 0 : i32
        %parallel_loop3A_137 = arith.constant 32 : i32
        %parallel_loop3A_138 = arith.constant 1 : i32
        scf.for %parallel_loop3A_154 = %parallel_loop3A_136 to %parallel_loop3A_137 step %parallel_loop3A_138  : i32 {
          %parallel_loop3A_155 = vector.broadcast %parallel_loop3A_154 : i32 to vector<16xi32>
          %parallel_loop3A_156 = arith.addi %get3A_135, %parallel_loop3A_155 : vector<16xi32>
          %parallel_loop3A_157 = tpu.vector_load_idx %arg9[%add3A_132, %parallel_loop3A_156] : memref<128x128xf32, #tpu.memory_space<vmem>>[vector<16xi32>, vector<16xi32>], vector<16xf32>,
          %parallel_loop3A_158 = arith.index_cast %parallel_loop3A_154 : i32 to index
          %parallel_loop3A_159 = arith.constant 96 : index
          %parallel_loop3A_160 = tpu.vector_load %arg12[%parallel_loop3A_158, %parallel_loop3A_159] {strides = array<i32>} : memref<32x128xf32, #tpu.memory_space<vmem>>, vector<16xf32>,
          tpu.vector_store %arg12[%parallel_loop3A_158, %parallel_loop3A_159], %parallel_loop3A_157 {strides = array<i32>} : memref<32x128xf32, #tpu.memory_space<vmem>>, vector<16xf32>,
        } {sc.loop_unroll_factor = 8 : i64, sc.parallel_access}
        %add3A_139 = arith.constant 112 : i32
        %add3A_140 = vector.broadcast %add3A_139 : i32 to vector<16xi32>
        %add3A_141 = arith.addi %iota3A, %add3A_140 : vector<16xi32>
        %get3A_142 = arith.index_cast %scan3A_43 : i32 to index
        %get3A_143 = arith.constant 112 : index
        %get3A_144 = tpu.vector_load %arg5[%get3A_142, %get3A_143] {strides = array<i32>} : memref<200x128xi32, #tpu.memory_space<vmem>>, vector<16xi32>,
        %parallel_loop3A_145 = arith.constant 0 : i32
        %parallel_loop3A_146 = arith.constant 32 : i32
        %parallel_loop3A_147 = arith.constant 1 : i32
        scf.for %parallel_loop3A_154 = %parallel_loop3A_145 to %parallel_loop3A_146 step %parallel_loop3A_147  : i32 {
          %parallel_loop3A_155 = vector.broadcast %parallel_loop3A_154 : i32 to vector<16xi32>
          %parallel_loop3A_156 = arith.addi %get3A_144, %parallel_loop3A_155 : vector<16xi32>
          %parallel_loop3A_157 = tpu.vector_load_idx %arg9[%add3A_141, %parallel_loop3A_156] : memref<128x128xf32, #tpu.memory_space<vmem>>[vector<16xi32>, vector<16xi32>], vector<16xf32>,
          %parallel_loop3A_158 = arith.index_cast %parallel_loop3A_154 : i32 to index
          %parallel_loop3A_159 = arith.constant 112 : index
          %parallel_loop3A_160 = tpu.vector_load %arg12[%parallel_loop3A_158, %parallel_loop3A_159] {strides = array<i32>} : memref<32x128xf32, #tpu.memory_space<vmem>>, vector<16xf32>,
          tpu.vector_store %arg12[%parallel_loop3A_158, %parallel_loop3A_159], %parallel_loop3A_157 {strides = array<i32>} : memref<32x128xf32, #tpu.memory_space<vmem>>, vector<16xf32>,
        } {sc.loop_unroll_factor = 8 : i64, sc.parallel_access}
        %dma_start3A_148 = arith.constant 0 : i32
        %dma_start3A_149 = tpu.memref_slice %arg4[%scan3A_43, %dma_start3A_148, %mul3A_2] : memref<200x32x4096xf32, #tpu.memory_space<hbm>> -> memref<1x32x128xf32, #tpu.memory_space<hbm>>
        %dma_start3A_150 = tpu.memref_squeeze %dma_start3A_149 : memref<1x32x128xf32, #tpu.memory_space<hbm>> -> memref<32x128xf32, #tpu.memory_space<hbm>>
        %dma_start3A_151 = arith.constant 0 : i32
        %dma_start3A_152 = tpu.memref_slice %arg4[%scan3A_43, %dma_start3A_151, %mul3A_2] : memref<200x32x4096xf32, #tpu.memory_space<hbm>> -> memref<1x32x128xf32, #tpu.memory_space<hbm>>
        %dma_start3A_153 = tpu.memref_squeeze %dma_start3A_152 : memref<1x32x128xf32, #tpu.memory_space<hbm>> -> memref<32x128xf32, #tpu.memory_space<hbm>>
        tpu.enqueue_dma source(%arg12 : memref<32x128xf32, #tpu.memory_space<vmem>>) target(%dma_start3A_153 : memref<32x128xf32, #tpu.memory_space<hbm>>) target_semaphore(%arg18 : memref<!tpu.dma_semaphore, #tpu.memory_space<semaphore_mem>>)
      } else {
      }
    }
    %scan3A_22 = arith.constant 200 : i32
    %dma_wait3A = arith.constant 197 : i32
    %dma_wait3A_23 = arith.constant 0 : i32
    %dma_wait3A_24 = tpu.memref_slice %arg4[%dma_wait3A, %dma_wait3A_23, %mul3A_2] : memref<200x32x4096xf32, #tpu.memory_space<hbm>> -> memref<1x32x128xf32, #tpu.memory_space<hbm>>
    %dma_wait3A_25 = tpu.memref_squeeze %dma_wait3A_24 : memref<1x32x128xf32, #tpu.memory_space<hbm>> -> memref<32x128xf32, #tpu.memory_space<hbm>>
    %dma_wait3A_26 = arith.constant 0 : i32
    %dma_wait3A_27 = tpu.memref_slice %arg4[%dma_wait3A, %dma_wait3A_26, %mul3A_2] : memref<200x32x4096xf32, #tpu.memory_space<hbm>> -> memref<1x32x128xf32, #tpu.memory_space<hbm>>
    %dma_wait3A_28 = tpu.memref_squeeze %dma_wait3A_27 : memref<1x32x128xf32, #tpu.memory_space<hbm>> -> memref<32x128xf32, #tpu.memory_space<hbm>>
    tpu.wait_dma2 semaphore(%arg18 : memref<!tpu.dma_semaphore, #tpu.memory_space<semaphore_mem>>) src(%arg12 : memref<32x128xf32, #tpu.memory_space<vmem>>) dst(%dma_wait3A_28 : memref<32x128xf32, #tpu.memory_space<hbm>>)
    %dma_wait3A_29 = arith.constant 198 : i32
    %dma_wait3A_30 = arith.constant 0 : i32
    %dma_wait3A_31 = tpu.memref_slice %arg4[%dma_wait3A_29, %dma_wait3A_30, %mul3A_2] : memref<200x32x4096xf32, #tpu.memory_space<hbm>> -> memref<1x32x128xf32, #tpu.memory_space<hbm>>
    %dma_wait3A_32 = tpu.memref_squeeze %dma_wait3A_31 : memref<1x32x128xf32, #tpu.memory_space<hbm>> -> memref<32x128xf32, #tpu.memory_space<hbm>>
    %dma_wait3A_33 = arith.constant 0 : i32
    %dma_wait3A_34 = tpu.memref_slice %arg4[%dma_wait3A_29, %dma_wait3A_33, %mul3A_2] : memref<200x32x4096xf32, #tpu.memory_space<hbm>> -> memref<1x32x128xf32, #tpu.memory_space<hbm>>
    %dma_wait3A_35 = tpu.memref_squeeze %dma_wait3A_34 : memref<1x32x128xf32, #tpu.memory_space<hbm>> -> memref<32x128xf32, #tpu.memory_space<hbm>>
    tpu.wait_dma2 semaphore(%arg16 : memref<!tpu.dma_semaphore, #tpu.memory_space<semaphore_mem>>) src(%arg10 : memref<32x128xf32, #tpu.memory_space<vmem>>) dst(%dma_wait3A_35 : memref<32x128xf32, #tpu.memory_space<hbm>>)
    %dma_wait3A_36 = arith.constant 199 : i32
    %dma_wait3A_37 = arith.constant 0 : i32
    %dma_wait3A_38 = tpu.memref_slice %arg4[%dma_wait3A_36, %dma_wait3A_37, %mul3A_2] : memref<200x32x4096xf32, #tpu.memory_space<hbm>> -> memref<1x32x128xf32, #tpu.memory_space<hbm>>
    %dma_wait3A_39 = tpu.memref_squeeze %dma_wait3A_38 : memref<1x32x128xf32, #tpu.memory_space<hbm>> -> memref<32x128xf32, #tpu.memory_space<hbm>>
    %dma_wait3A_40 = arith.constant 0 : i32
    %dma_wait3A_41 = tpu.memref_slice %arg4[%dma_wait3A_36, %dma_wait3A_40, %mul3A_2] : memref<200x32x4096xf32, #tpu.memory_space<hbm>> -> memref<1x32x128xf32, #tpu.memory_space<hbm>>
    %dma_wait3A_42 = tpu.memref_squeeze %dma_wait3A_41 : memref<1x32x128xf32, #tpu.memory_space<hbm>> -> memref<32x128xf32, #tpu.memory_space<hbm>>
    tpu.wait_dma2 semaphore(%arg17 : memref<!tpu.dma_semaphore, #tpu.memory_space<semaphore_mem>>) src(%arg11 : memref<32x128xf32, #tpu.memory_space<vmem>>) dst(%dma_wait3A_42 : memref<32x128xf32, #tpu.memory_space<hbm>>)
    return
  }
}

</mosaic_0001>

<sc_bundles>
// kernel: kernel.4.cloned.1.call-start
scs
__scs_entry_jumppad:
0x0: {  	(pc) =	sbr.rel $0x88, $3  }
0x1: {  	(tag) =	ssettag $0x0;
	lr =	simm.s32 $0x1  }
0x2: {  	[smem:$0x3F9F] =	sst lr;
	_ =	strace $0xD0000000  }
0x3: {  	_ = 	snop  }
0x4: {  	_ = 	snop  }
0x5: {  	_ = 	snop  }
0x6: {  	_ = 	snop  }
0x7: {  	_ = 	snop  }
__scs_overlays_trampoline_lowered:
0x8: {  	[smem:$0x3FAE] =	sst s0  }
0x9: {  	[smem:$0x3FAF] =	sst s1  }
0xa: {  	[smem:$0x3FB0] =	sst s2  }
0xb: {  	[smem:$0x3FB1] =	sst s3  }
0xc: {  	[smem:$0x3FB2] =	sst s4  }
0xd: {  	[smem:$0x3FB3] =	sst s5  }
0xe: {  	[smem:$0x3FB4] =	sst s6  }
0xf: {  	[smem:$0x3FB5] =	sst s7  }
0x10: {  	[smem:$0x3FB6] =	sst s8  }
0x11: {  	[smem:$0x3FB7] =	sst s9;
	s0 =	simm.s32 @!p0 $0x0  }
0x12: {  	s1 =	sld [smem:$0x3F9D];
	s0 =	simm.s32 @p0 $0x1  }
0x13: {  	[smem:$0x3FB8] =	sst s0;
	s0 =	simm.s32 @!p1 $0x0  }
0x14: {  	s2 =	sld [smem:$0x3F9C];
	s0 =	simm.s32 @p1 $0x1  }
0x15: {  	[smem:$0x3FB9] =	sst s0;
	s0 =	simm.s32 @!p2 $0x0  }
0x16: {  	s3 =	sld [smem:$0x3FDB];
	s0 =	simm.s32 @p2 $0x1  }
0x17: {  	s4 =	simm.s32 $0x1BF5;
	[smem:$0x3FBB] =	sst s0  }
0x18: {  	s0 =	sld [smem:$0x3F9E];
	_ =	swait.ge [sflag:s4], $0x0  }
0x19: {  	s7 =	sld [smem:$0x3F9F]  }
0x1a: {  	s8 =	sadd.s32 $0xFFFFE003, lr  }
0x1b: {  	s9 =	sadd.s32 $0xFFFFFEF7, lr;
	s5 =	simm.s32 $0xFFFFFFFF;
	p2 =	slt.u32 s8, $0xFFFFF086  }
0x1c: {  	p1 =	slt.u32 s9, $0xF7A;
	s5 =	simm.s32 @!p2 $0x0  }
0x1d: {  	s5 =	simm.s32 @p1 $0x1;
	p0 =	seq.s32 s7, s2  }
0x1e: {  	s7 =	smul.u32 @!p0 $0xF7A, s2;
	p2 =	seq.s32 @!p0 s5, $0x0  }
0x1f: {  	s9 =	smul.u32 $0xF7A, s1;
	s8 =	simm.s32 @!p0 $0x1BF5;
	p2 =	por !p2, p0  }
0x20: {  	[sflag:s8] =	ssyncset.s32 @!p0 $0xFFFFF086;
	s6 =	sadd.s32 @!p0 s3, s7;
	s7 =	simm.s32 @!p0 $0x108  }
0x21: {  	s3 =	sadd.s32 s3, s9;
	s6 =	sadd.s32 @!p0 $0x88, s6;
	s7 =	simm.s32 @p2 $0x1082  }
0x22: {  	[simem:s7], [sflag:s8] =	dma.local @!p0 [hbm:s6], $0xF7A  }
0x23: {  	s9 =	sor.u32 $0xD0000000, s2;
	s6 =	simm.s32 $0x108;
	_ =	swait.ge @!p0 [sflag:s8], $0x0  }
0x24: {  	s3 =	sadd.s32 $0x88, s3;
	s6 =	simm.s32 @!p1 $0x1082;
	[sflag:s4] =	ssyncset.s32 $0xFFFFF086  }
0x25: {  	[simem:s6], [sflag:s4] =	dma.local [hbm:s3], $0xF7A  }
0x26: {  	[smem:$0x3F9F] =	sst s1;
	(tag) =	ssettag s2;
	_ =	strace s9  }
0x27: {  	s1 =	sld [smem:$0x3FAF]  }
0x28: {  	s2 =	sld [smem:$0x3FB0]  }
0x29: {  	s4 =	sld [smem:$0x3FB2]  }
0x2a: {  	p0 =	seq.s32 s5, $0x0;
	s5 =	sld [smem:$0x3FB3]  }
0x2b: {  	s6 =	sld [smem:$0x3FB4]  }
0x2c: {  	s7 =	sld [smem:$0x3FB5]  }
0x2d: {  	s3 =	simm.s32 $0x108;
	s8 =	sld [smem:$0x3FB6]  }
0x2e: {  	s3 =	simm.s32 @!p0 $0x1082;
	s9 =	sld [smem:$0x3FB7]  }
0x2f: {  	lr =	sadd.s32 s0, s3;
	s0 =	sld [smem:$0x3FAE]  }
0x30: {  	s3 =	sld [smem:$0x3FB1]  }
0x31: {  	[smem:$0x3FBA] =	sst s10  }
0x32: {  	s10 =	sld [smem:$0x3FB8];
	_ =	sdelay $0x3  }
0x33: {  	p0 =	seq.s32 s10, $0x1;
	s10 =	sld [smem:$0x3FBA];
	_ =	sdelay $0x3  }
0x34: {  	[smem:$0x3FBA] =	sst s10  }
0x35: {  	s10 =	sld [smem:$0x3FB9];
	_ =	sdelay $0x3  }
0x36: {  	p1 =	seq.s32 s10, $0x1;
	s10 =	sld [smem:$0x3FBA];
	_ =	sdelay $0x3  }
0x37: {  	[smem:$0x3FBA] =	sst s10  }
0x38: {  	s10 =	sld [smem:$0x3FBB]  }
0x39: {  	_ = 	snop;
	(pc) =	sbr.ind lr, $3  }
0x3a: {  	_ = 	snop  }
0x3b: {  	_ = 	snop  }
0x3c: {  	p2 =	seq.s32 s10, $0x1;
	s10 =	sld [smem:$0x3FBA]  }
0x3d: {  	_ =	shalt  }
0x3e: {  	_ =	shalt  }
0x3f: {  	_ =	shalt  }
0x40: {  	_ =	shalt  }
0x41: {  	_ =	shalt  }
0x42: {  	_ =	shalt  }
0x43: {  	_ =	shalt  }
0x44: {  	_ =	shalt  }
0x45: {  	_ =	shalt  }
0x46: {  	_ =	shalt  }
0x47: {  	_ =	shalt  }
0x48: {  	_ =	shalt  }
0x49: {  	_ =	shalt  }
0x4a: {  	_ =	shalt  }
0x4b: {  	_ =	shalt  }
0x4c: {  	_ =	shalt  }
0x4d: {  	_ =	shalt  }
0x4e: {  	_ =	shalt  }
0x4f: {  	_ =	shalt  }
0x50: {  	_ =	shalt  }
0x51: {  	_ =	shalt  }
0x52: {  	_ =	shalt  }
0x53: {  	_ =	shalt  }
0x54: {  	_ =	shalt  }
0x55: {  	_ =	shalt  }
0x56: {  	_ =	shalt  }
0x57: {  	_ =	shalt  }
0x58: {  	_ =	shalt  }
0x59: {  	_ =	shalt  }
0x5a: {  	_ =	shalt  }
0x5b: {  	_ =	shalt  }
0x5c: {  	_ =	shalt  }
0x5d: {  	_ =	shalt  }
0x5e: {  	_ =	shalt  }
0x5f: {  	_ =	shalt  }
0x60: {  	_ =	shalt  }
0x61: {  	_ =	shalt  }
0x62: {  	_ =	shalt  }
0x63: {  	_ =	shalt  }
0x64: {  	_ =	shalt  }
0x65: {  	_ =	shalt  }
0x66: {  	_ =	shalt  }
0x67: {  	_ =	shalt  }
0x68: {  	_ =	shalt  }
0x69: {  	_ =	shalt  }
0x6a: {  	_ =	shalt  }
0x6b: {  	_ =	shalt  }
0x6c: {  	_ =	shalt  }
0x6d: {  	_ =	shalt  }
0x6e: {  	_ =	shalt  }
0x6f: {  	_ =	shalt  }
0x70: {  	_ =	shalt  }
0x71: {  	_ =	shalt  }
0x72: {  	_ =	shalt  }
0x73: {  	_ =	shalt  }
0x74: {  	_ =	shalt  }
0x75: {  	_ =	shalt  }
0x76: {  	_ =	shalt  }
0x77: {  	_ =	shalt  }
0x78: {  	_ =	shalt  }
0x79: {  	_ =	shalt  }
0x7a: {  	_ =	shalt  }
0x7b: {  	_ =	shalt  }
0x7c: {  	_ =	shalt  }
0x7d: {  	_ =	shalt  }
0x7e: {  	_ =	shalt  }
0x7f: {  	_ =	shalt  }
0x80: {  	_ =	shalt  }
0x81: {  	_ =	shalt  }
0x82: {  	_ =	shalt  }
0x83: {  	_ =	shalt  }
0x84: {  	_ =	shalt  }
0x85: {  	_ =	shalt  }
0x86: {  	_ =	shalt  }
0x87: {  	_ =	shalt  }
.Lfunc_end0:
.L_simem_size_0:
called_computation_lowered:
.L_overlay_start_0:
0x88: {  	s2 =	sld [smem:$0x3FD9]  }
0x89: {  	s3 =	sld [smem:$0x3FFE];
	_ =	sdelay $0x1  }
0x8a: {  	s1 =	srdreg.scid  }
0x8b: {  	s0 =	sand.u32 $0x1, s1  }
0x8c: {  	s17 =	sshll.u32 s0, $0xA;
	s2 =	sadd.s32 s3, s2  }
0x8d: {  	s2 =	sadd.s32 s2, s17  }
0x8e: {  	[smem:$0x3FC6] =	sst s2  }
0x8f: {  	_ = 	snop  }
0x90: {  	s2 =	sld [smem:$0x3FC8]  }
0x91: {  	s18 =	sld [smem:$0x3FD0];
	(tm) =	ssettm $0x1  }
0x92: {  	s4 =	sld [smem:$0x3FFB];
	_ =	sdelay $0x3  }
0x93: {  	_ =	strace s4  }
0x94: {  	s4 =	sld [smem:$0x3FFC];
	_ =	sdelay $0x3  }
0x95: {  	_ =	strace s4  }
0x96: {  	s4 =	sld [smem:$0x3FFD];
	_ =	sdelay $0x3  }
0x97: {  	_ =	strace s4  }
0x98: {  	_ =	strace $0x8FFFFFFF  }
0x99: {  	s19 =	sld [smem:$0x3FDB];
	_ =	sdelay $0x1  }
0x9a: {  	s5 =	simm.s32 $_scs_section_size  }
0x9b: {  	s6 =	simm.s32 $_size__tile_overlayer_lowered;
	s7 =	simm.s32 $_tile_overlayer_lowered  }
0x9c: {  	s22 =	simm.s32 $0x1BFF;
	s21 =	sshll.u32 s7, $0x1;
	s4 =	sadd.s32 s5, s19  }
0x9d: {  	s8 =	simm.s32 $0x0;
	s20 =	sshll.u32 s6, $0x1;
	s6 =	sadd.s32 s21, s4  }
0x9e: {  	[timem:s8], [sflag:s22] =	dma.local [hbm:s6], s20  }
0x9f: {  	_ =	swait.ge [sflag:s22], s20  }
0xa0: {  	s5 =	ssub.s32 $0x0, s20;
	[sflag:s22] =	ssyncset.done $0x0  }
0xa1: {  	[sflag:s22] =	ssyncadd.s32 s5;
	_ =	sdelay $0x1  }
0xa2: {  	s23 =	simm.s32 $0x1B8B  }
0xa3: {  	_ =	swait.ge [sflag:s23], $0x1  }
0xa4: {  	[sflag:s23] =	ssyncset.done $0x0  }
0xa5: {  	s25 =	simm.s32 $0x1B8E;
	s24 =	sld [smem:$0x3FFE];
	[sflag:s23] =	ssyncadd.s32 $0xFFFFFFFF  }
0xa6: {  	s26 =	simm.s32 $execute0_lowered;
	[smem:$0x3FD2] =	sst s25  }
0xa7: {  	s6 =	sshll.u32 s26, $0x1;
	_ =	strace $0x80000046;
	[dreg:$0x1] =	wrdreg $0xFFFFFFFF  }
0xa8: {  	s28 =	simm.s32 $_size_execute0_lowered;
	s4 =	sadd.s32 s4, s6;
	[dreg:$0x0] =	wrdreg $0x0  }
0xa9: {  	s6 =	sshll.u32 s28, $0x1;
	[dreg:$0x2] =	wrdreg s4  }
0xaa: {  	[dreg:$0x3] =	wrdreg s6  }
0xab: {  	[dreg:$0x4] =	wrdreg $0xC0  }
0xac: {  	_ =	task [dreg:s8], $0x5FFFF  }
0xad: {  	[dreg:$0x1] =	wrdreg $0xFFFFFFFF  }
0xae: {  	[dreg:$0x0] =	wrdreg $0x60  }
0xaf: {  	[dreg:$0x2] =	wrdreg s2  }
0xb0: {  	[dreg:$0x3] =	wrdreg s18  }
0xb1: {  	[dreg:$0x4] =	wrdreg s24  }
0xb2: {  	[dreg:$0x5] =	wrdreg $0x9  }
0xb3: {  	_ =	task.clear_ibuf [dreg:s8], $0x6FFFF;
	_ =	strace $0x90000046  }
0xb4: {  	s29 =	simm.s32 $0x9;
	_ =	strace $0x80000048  }
0xb5: {  	_ =	swait.ge [sflag:s29], $0x1  }
0xb6: {  	[sflag:s29] =	ssyncadd.s32 $0xFFFFFFFF  }
0xb7: {  	_ =	strace $0x90000048  }
0xb8: {  	_ =	sfence  }
0xb9: {  	s30 =	sld [smem:$0x0];
	_ =	sdelay $0x2  }
0xba: {  	s31 =	sshll.u32 s1, $0xD;
	s1 =	sshrl.u32 s1, $0x2  }
0xbb: {  	s3 =	sand.u32 $0x4000, s31;
	s1 =	sadd.s32 s1, s30  }
0xbc: {  	s0 =	sor.u32 s3, s0;
	s1 =	sshll.u32 s1, $0x11  }
0xbd: {  	s0 =	sor.u32 s1, s0  }
0xbe: {  	s0 =	sadd.s32 $0x8F2B, s0  }
0xbf: {  	[sflag:s0] =	ssyncadd.remote.s32 $0x1  }
0xc0: {  	_ =	sfence.sel $0xFFFF  }
0xc1: {  	[dreg:$0x0] =	wrdreg $0xFFFFFFFF;
	(pc) =	sbr.abs _section_cstart, $3  }
0xc2: {  	[dreg:$0x1] =	wrdreg $0xFFFFFFFF  }
0xc3: {  	_ =	task.clear_ibuf [dreg:s8], $0x2FFFF;
	_ =	strace $0x9FFFFFFF  }
0xc4: {  	(tm) =	ssettm $0x7FFFFFFF  }
0xc5: {  	_ =	shalt  }
tec
execute0_lowered:
.L_overlay_start_1:
0x0: {  	(tag) =	ssettag $0x1  }
0x1: {  	v0 =	vimm.s32 $0x1B80;
	vm0 =	vcmask $0x300;
	v1 =	vimm.s32 $0x4B80  }
0x2: {  	vm1 =	vcmask $0x704;
	v0 =	vsel vm0, $0x0, v0;
	v1 =	vsel vm0, $0x3000, v1  }
0x3: {  	vm15 =	vcmask $0xB08;
	v0 =	vsel vm1, $0x80, v0;
	v1 =	vsel vm1, $0x3080, v1  }
0x4: {  	vm4 =	vcmask $0xF0C;
	v0 =	vsel vm15, $0x100, v0;
	v1 =	vsel vm15, $0x3100, v1  }
0x5: {  	s0 =	rddreg [dreg:$0x0];
	vm5 =	vcmask $0x1310;
	v0 =	vsel vm4, $0x180, v0;
	v1 =	vsel vm4, $0x3180, v1  }
0x6: {  	s1 =	rddreg [dreg:$0x1];
	vm6 =	vcmask $0x1714;
	s3 =	srdreg.scid;
	v0 =	vsel vm5, $0x200, v0;
	v1 =	vsel vm5, $0x3200, v1  }
0x7: {  	s2 =	stileid.u32;
	vm7 =	vcmask $0x1B18;
	s8 =	rddreg [dreg:$0x2];
	v0 =	vsel vm6, $0x280, v0;
	v1 =	vsel vm6, $0x3280, v1  }
0x8: {  	vm8 =	vcmask $0x1F1C;
	s4 =	simm.s32 $0x0;
	s11 =	simm.s32 $0x7A1400;
	s12 =	simm.s32 $0x2;
	v0 =	vsel vm7, $0x300, v0;
	v1 =	vsel vm7, $0x3300, v1  }
0x9: {  	vm9 =	vcmask $0x2320;
	s13 =	simm.s32 $0x6000;
	s14 =	simm.s32 $0x12000;
	s15 =	simm.s32 $0x1;
	v0 =	vsel vm8, $0x380, v0;
	v1 =	vsel vm8, $0x3380, v1  }
0xa: {  	vm10 =	vcmask $0x2724;
	s16 =	simm.s32 $0xC000;
	s17 =	simm.s32 $0x3;
	s18 =	simm.s32 $0x4;
	v0 =	vsel vm9, $0x1800, v0;
	v1 =	vsel vm9, $0x4800, v1  }
0xb: {  	vm11 =	vcmask $0x2B28;
	s19 =	simm.s32 $0x0;
	s6 =	sand.u32 $0x1, s3;
	s3 =	rddreg [dreg:$0x3];
	v0 =	vsel vm10, $0x1880, v0;
	v1 =	vsel vm10, $0x4880, v1  }
.Ltmp0:
0xc: {  	vm12 =	vcmask $0x2F2C;
	s5 =	sshll.u32 s2, $0x1;
	[smem:$0x7FF] =	sst s4;
	v0 =	vsel vm11, $0x1900, v0;
	v1 =	vsel vm11, $0x4900, v1;
	(pc) =	sbr.rel .LBB2_1-.Ltmp0, $4  }
0xd: {  	vm13 =	vcmask $0x3330;
	s5 =	sor.u32 s6, s5;
	s7 =	ssub.s32 $0x2, s6;
	_ =	strace $0x80000047;
	v0 =	vsel vm12, $0x1980, v0;
	v1 =	vsel vm12, $0x4980, v1  }
0xe: {  	vm14 =	vcmask $0x3734;
	s6 =	sadd.s32 $0x800, s8;
	s9 =	smul.u32 $0x300, s5;
	s10 =	sshrl.u32 s7, $0x1;
	v0 =	vsel vm13, $0x1A00, v0;
	v1 =	vsel vm13, $0x4A00, v1  }
0xf: {  	s8 =	sadd.s32 $0x3D1000, s8;
	vm15 =	vcmask $0x3B38;
	p0 =	sne.s32 s5, $0x1F;
	s10 =	ssub.s32 s7, s10;
	v0 =	vsel vm14, $0x1A80, v0;
	v1 =	vsel vm14, $0x4A80, v1  }
0x10: {  	s7 =	sadd.s32 s0, s9;
	s9 =	smax.u32 s10, $0x1;
	s10 =	simm.s32 $0x1800;
	v0 =	vsel vm15, $0x1B00, v0;
	v1 =	vsel vm15, $0x4B00, v1  }
.LBB2_11:
0x11: {  	_ =	swait.ge [sflag:s17], $0x6000  }
0x12: {  	[sflag:s17] =	ssyncset.done $0x0  }
0x13: {  	[sflag:s17] =	ssyncadd.s32 $0xFFFFA000  }
0x14: {  	_ =	swait.ge [sflag:s18], $0x6000  }
0x15: {  	s20 =	simm.s32 @!p0 $0x0;
	[sflag:s18] =	ssyncset.done $0x0  }
0x16: {  	s21 =	simm.s32 @!p0 $0x18000;
	s22 =	simm.s32 @!p0 $0x5;
	[sflag:s18] =	ssyncadd.s32 $0xFFFFA000  }
0x17: {  	[tilespmem:s21], [sflag:$0x5] =	stream.linear.gather @!p0 [hbm4b:s1+s20], $0x800, $0x38;
	[tilespmem:$0x18800] =	vst v63  }
0x18: {  	s19 =	sadd.s32 $0x1, s19;
	_ =	swait.ge @!p0 [sflag:s22], $0x800  }
0x19: {  	p1 =	sne.s32 s19, s9;
	[sflag:s22] =	ssyncset.done @!p0 $0x0  }
.Ltmp1:
0x1a: {  	[sflag:s22] =	ssyncadd.s32 @!p0 $0xFFFFF800;
	(pc) =	sbr.rel @!p1 .LBB2_12-.Ltmp1, $4  }
0x1b: {  	[hbm4b:s8+s20] =	stream.linear.scatter @!p0 [tilespmem:s21], [sflag:$0x5], $0x800, $0x38;
	[tilespmem:$0x18800] =	vst v63  }
0x1c: {  	_ =	swait.ge @!p0 [sflag:s22], $0x800  }
0x1d: {  	[sflag:s22] =	ssyncset.done @!p0 $0x0  }
0x1e: {  	[sflag:s22] =	ssyncadd.s32 @!p0 $0xFFFFF800  }
.LBB2_1:
.Ltmp2:
0x1f: {  	(pc) =	sbr.rel .LBB2_2-.Ltmp2, $3  }
0x20: {  	_ =	sdelay $0x1  }
0x21: {  	[tilespmem:s4], [sflag:$0x1] =	stream.strided.gather [hbm4b:s7+s10], $0x6000, s11, s10, $0x38;
	[tilespmem:$0x18800] =	vst v63  }
0x22: {  	s20 =	simm.s32 $0x0  }
.LBB2_6:
0x23: {  	v28 =	vmov s25  }
0x24: {  	v18 =	vshll.u32 v18, $0x3;
	v2 =	vadd.s32 v1, v2;
	v14 =	vshll.u32 v14, $0x3  }
0x25: {  	[tilespmem:s23+$0x10] =	vst v24;
	v19 =	vshll.u32 v19, $0x3;
	v46 =	vand.u32 $0x1C00, v27;
	v47 =	vand.u32 $0x1C00, v26  }
0x26: {  	[tilespmem:s23+$0x30] =	vst v21;
	v50 =	vand.u32 $0x1C00, v25;
	v29 =	vshll.u32 v28, $0x3;
	v11 =	vor.u32 v11, v46  }
0x27: {  	v23 =	vld.idx.msk [tilespmem:v23+s4+$0x0], $0xffff;
	[tilespmem:s23+$0x50] =	vst v16;
	v44 =	vand.u32 $0x7F, v28;
	v10 =	vor.u32 v10, v47;
	v49 =	vadd.s32 v0, v11  }
0x28: {  	[tilespmem:s23+$0xFFFFFF90] =	vst v3;
	v20 =	vld.idx.msk [tilespmem:v20+s4+$0x0], $0xffff;
	v9 =	vor.u32 v9, v50;
	v51 =	vand.u32 $0x1C00, v18;
	v3 =	vadd.s32 v0, v10  }
0x29: {  	s22 =	sadd.s32 $0x100, s22;
	[tilespmem:s23+$0xFFFFFFC0] =	vst v12;
	v22 =	vld.idx.msk [tilespmem:v22+s4+$0x0], $0xffff;
	v14 =	vand.u32 $0x1C00, v14;
	v52 =	vadd.s32 v0, v9;
	v8 =	vor.u32 v8, v51  }
0x2a: {  	[tilespmem:s23+$0xFFFFFFE0] =	vst v13;
	s24 =	sor.u32 $0x70, s22;
	v17 =	vld.idx.msk [tilespmem:v17+s4+$0x0], $0xffff;
	v54 =	vand.u32 $0x1C00, v19;
	v7 =	vor.u32 v7, v14;
	v53 =	vadd.s32 v0, v8  }
0x2b: {  	v45 =	vand.u32 $0x1C00, v29;
	[tilespmem:s24+$0xC000] =	vst v15;
	v5 =	vor.u32 v5, v54;
	v55 =	vadd.s32 v0, v7;
	v2 =	vld.idx.msk [tilespmem:v2+s4+$0x0], $0xffff  }
0x2c: {  	s26 =	sadd.s32 $0xFFFFFFC0, s22;
	v24 =	vor.u32 v44, v45;
	v57 =	vadd.s32 v0, v5;
	[tilespmem:s23+$0x0] =	vst v23;
	v15 =	vld.idx.msk [tilespmem:v49+s4+$0x0], $0xffff  }
0x2d: {  	v4 =	vor.u32 v4, v6;
	s28 =	sadd.s32 $0xFFFFFFE0, s22;
	s24 =	sor.u32 $0x30, s26;
	v48 =	vadd.s32 v0, v24;
	[tilespmem:s23+$0x20] =	vst v20;
	v3 =	vld.idx.msk [tilespmem:v3+s4+$0x0], $0xffff  }
0x2e: {  	v59 =	vadd.s32 v0, v4;
	s25 =	sor.u32 $0x50, s28;
	[tilespmem:s24+$0xC000] =	vst v22;
	v12 =	vld.idx.msk [tilespmem:v52+s4+$0x0], $0xffff  }
0x2f: {  	v10 =	vadd.s32 v1, v10;
	[tilespmem:s25+$0xC000] =	vst v17;
	v60 =	vld.idx.msk [tilespmem:v53+s4+$0x0], $0xffff  }
0x30: {  	s29 =	sadd.s32 $0x100, s23;
	v9 =	vadd.s32 v1, v9;
	v61 =	vld.idx.msk [tilespmem:v55+s4+$0x0], $0xffff;
	[tilespmem:s23+$0xFFFFFFA0] =	vst v2  }
0x31: {  	v62 =	vld.idx.msk [tilespmem:v57+s4+$0x0], $0xffff;
	v2 =	vadd.s32 v1, v11;
	[tilespmem:s29+$0xFFFFFFB0] =	vst v15  }
0x32: {  	v8 =	vadd.s32 v1, v8;
	v56 =	vld.idx.msk [tilespmem:v48+s4+$0x0], $0xffff;
	[tilespmem:s29+$0xFFFFFFD0] =	vst v3  }
0x33: {  	v7 =	vadd.s32 v1, v7;
	v3 =	vld.idx.msk [tilespmem:v59+s4+$0x0], $0xffff;
	[tilespmem:s29+$0xFFFFFFF0] =	vst v12  }
0x34: {  	v58 =	vadd.s32 v1, v24;
	[tilespmem:s29+$0x10] =	vst v60;
	v10 =	vld.idx.msk [tilespmem:v10+s4+$0x0], $0xffff  }
0x35: {  	v5 =	vadd.s32 v1, v5;
	[tilespmem:s29+$0x30] =	vst v61;
	v9 =	vld.idx.msk [tilespmem:v9+s4+$0x0], $0xffff  }
0x36: {  	v4 =	vadd.s32 v1, v4;
	[tilespmem:s29+$0x50] =	vst v62;
	v2 =	vld.idx.msk [tilespmem:v2+s4+$0x0], $0xffff  }
0x37: {  	[tilespmem:s29+$0x70] =	vst v56;
	v8 =	vld.idx.msk [tilespmem:v8+s4+$0x0], $0xffff  }
0x38: {  	v63 =	vld.idx.msk [tilespmem:v7+s4+$0x0], $0xffff;
	[tilespmem:s29+$0xFFFFFF90] =	vst v3  }
0x39: {  	v6 =	vld.idx.msk [tilespmem:v58+s4+$0x0], $0xffff;
	[tilespmem:s29+$0xFFFFFFE0] =	vst v10  }
0x3a: {  	s22 =	sadd.s32 $0x100, s22;
	v3 =	vld.idx.msk [tilespmem:v5+s4+$0x0], $0xffff;
	[tilespmem:s29+$0x0] =	vst v9  }
0x3b: {  	s31 =	sadd.s32 $0xFFFFFFC0, s22;
	[tilespmem:s29+$0xFFFFFFC0] =	vst v2;
	v2 =	vld.idx.msk [tilespmem:v4+s4+$0x0], $0xffff  }
0x3c: {  	s24 =	sor.u32 $0x30, s31;
	[tilespmem:s29+$0x20] =	vst v8  }
0x3d: {  	s30 =	sor.u32 $0x70, s22;
	s22 =	sadd.s32 $0xFFFFFFE0, s22;
	[tilespmem:s24+$0xC000] =	vst v63  }
0x3e: {  	s21 =	smul.u32 $0xC00, s21;
	s22 =	sor.u32 $0x50, s22;
	[tilespmem:s30+$0xC000] =	vst v6  }
0x3f: {  	[tilespmem:s22+$0xC000] =	vst v3  }
0x40: {  	s21 =	sadd.s32 s6, s21;
	[tilespmem:s29+$0xFFFFFFA0] =	vst v2  }
0x41: {  	[hbm4b:s21+s4] =	stream.linear.scatter [tilespmem:s16], [sflag:$0x3], $0x6000, $0x38;
	[tilespmem:$0x18800] =	vst v63  }
.LBB2_10:
0x42: {  	s20 =	sadd.s32 $0x1, s20  }
0x43: {  	p1 =	sne.s32 s20, $0x29  }
.Ltmp3:
0x44: {  	_ = 	snop;
	(pc) =	sbr.rel @!p1 .LBB2_11-.Ltmp3, $1  }
0x45: {  	_ =	sdelay $0x3  }
.LBB2_2:
0x46: {  	s21 =	sshll.u32 s20, $0x5  }
0x47: {  	s21 =	sor.u32 s5, s21  }
0x48: {  	p1 =	sgt.u32 s21, $0x515  }
.Ltmp4:
0x49: {  	_ = 	snop;
	(pc) =	sbr.rel @p1 .LBB2_10-.Ltmp4, $1  }
0x4a: {  	_ =	sdelay $0x3  }
0x4b: {  	s22 =	sand.u32 $0x1, s20;
	s23 =	simm.s32 $0x0;
	s28 =	simm.s32 $0x1  }
0x4c: {  	s24 =	simm.s32 $0x2;
	s29 =	simm.s32 $0x3;
	s30 =	simm.s32 $0x4;
	v2 =	vmov s23;
	v4 =	vmov s28  }
0x4d: {  	s25 =	simm.s32 $0x5;
	s31 =	simm.s32 $0x6;
	p2 =	seq.s32 s22, $0x1;
	v5 =	vmov s24;
	v6 =	vmov s29;
	v7 =	vmov s30  }
.Ltmp5:
0x4e: {  	v8 =	vmov s25;
	v9 =	vmov s31;
	v3 =	vand.u32 $0x78, v2;
	(pc) =	sbr.rel @!p2 .LBB2_4-.Ltmp5, $4  }
0x4f: {  	v2 =	vshll.u32 v2, $0x3;
	v10 =	vand.u32 $0x79, v4;
	v11 =	vand.u32 $0x7A, v5  }
0x50: {  	v12 =	vand.u32 $0x7B, v6;
	v13 =	vand.u32 $0x7C, v7;
	v14 =	vand.u32 $0x7D, v8  }
0x51: {  	p1 =	sgt.u32 s21, $0x4F5;
	v15 =	vand.u32 $0x7E, v9;
	v4 =	vshll.u32 v4, $0x3;
	v5 =	vshll.u32 v5, $0x3  }
0x52: {  	s22 =	smul.u32 @!p1 $0x1800, s21;
	s23 =	simm.s32 $0x7;
	v6 =	vshll.u32 v6, $0x3;
	v7 =	vshll.u32 v7, $0x3;
	v2 =	vand.u32 $0x1C00, v2  }
0x53: {  	v16 =	vmov s23;
	v8 =	vshll.u32 v8, $0x3  }
0x54: {  	_ =	swait.ge [sflag:s12], $0x6000;
	v9 =	vshll.u32 v9, $0x3;
	v2 =	vor.u32 v3, v2;
	v4 =	vand.u32 $0x1C00, v4  }
0x55: {  	s23 =	simm.s32 @!p1 $0x1800;
	s24 =	simm.s32 @!p1 $0x7A1400;
	v5 =	vand.u32 $0x1C00, v5;
	v6 =	vand.u32 $0x1C00, v6;
	v7 =	vand.u32 $0x1C00, v7;
	s22 =	sshrl.u32 @!p1 s22, $0x3  }
0x56: {  	s25 =	simm.s32 @!p1 $0x0;
	[sflag:s12] =	ssyncset.done $0x0;
	v17 =	vshll.u32 v16, $0x3;
	v3 =	vand.u32 $0x7F, v16;
	v4 =	vor.u32 v10, v4;
	s22 =	sadd.s32 @!p1 s0, s22  }
0x57: {  	s26 =	simm.s32 $0x9;
	v5 =	vor.u32 v11, v5;
	v6 =	vor.u32 v12, v6;
	[sflag:s12] =	ssyncadd.s32 $0xFFFFA000;
	v16 =	vand.u32 $0x1C00, v17;
	s22 =	sadd.s32 @!p1 $0x6000, s22  }
0x58: {  	v7 =	vor.u32 v13, v7;
	v8 =	vand.u32 $0x1C00, v8;
	v3 =	vor.u32 v3, v16;
	[tilespmem:s25], [sflag:$0x1] =	stream.strided.gather @!p1 [hbm4b:s22+s23], $0x6000, s24, s23, $0x38;
	[tilespmem:$0x18800] =	vst v63  }
0x59: {  	s28 =	simm.s32 $0xA;
	s29 =	simm.s32 $0xB;
	v9 =	vand.u32 $0x1C00, v9;
	v20 =	vmov s26;
	v10 =	vadd.s32 v0, v3;
	p1 =	slt.u32 s20, $0x2  }
0x5a: {  	s30 =	simm.s32 $0xC;
	s31 =	simm.s32 $0xD;
	v21 =	vmov s28;
	v22 =	vmov s29;
	v16 =	vadd.s32 v0, v4;
	s22 =	simm.s32 @!p1 $0x4  }
0x5b: {  	v23 =	vmov s30;
	v24 =	vmov s31;
	v11 =	vadd.s32 v0, v5;
	_ =	swait.ge @!p1 [sflag:s22], $0x6000  }
0x5c: {  	v17 =	vadd.s32 v0, v2;
	v12 =	vadd.s32 v0, v6;
	v13 =	vadd.s32 v0, v7;
	[sflag:s22] =	ssyncset.done @!p1 $0x0  }
0x5d: {  	v8 =	vor.u32 v14, v8;
	v9 =	vor.u32 v15, v9;
	v5 =	vadd.s32 v1, v5;
	[sflag:s22] =	ssyncadd.s32 @!p1 $0xFFFFA000  }
0x5e: {  	v6 =	vadd.s32 v1, v6;
	v26 =	vand.u32 $0x79, v20;
	v15 =	vadd.s32 v0, v8;
	v10 =	vld.idx.msk [tilespmem:v10+s13+$0x0], $0xffff  }
0x5f: {  	v27 =	vand.u32 $0x7A, v21;
	v7 =	vadd.s32 v1, v7;
	v19 =	vadd.s32 v0, v9;
	v16 =	vld.idx.msk [tilespmem:v16+s13+$0x0], $0xffff  }
0x60: {  	v28 =	vand.u32 $0x7B, v22;
	v29 =	vand.u32 $0x7C, v23;
	v30 =	vand.u32 $0x7D, v24;
	v11 =	vld.idx.msk [tilespmem:v11+s13+$0x0], $0xffff  }
0x61: {  	v4 =	vadd.s32 v1, v4;
	v8 =	vadd.s32 v1, v8;
	s25 =	simm.s32 $0x8;
	v3 =	vadd.s32 v1, v3;
	s24 =	simm.s32 $0xE;
	v12 =	vld.idx.msk [tilespmem:v12+s13+$0x0], $0xffff  }
0x62: {  	v9 =	vadd.s32 v1, v9;
	s23 =	simm.s32 $0x12070;
	v14 =	vmov s25;
	v25 =	vmov s24;
	v13 =	vld.idx.msk [tilespmem:v13+s13+$0x0], $0xffff  }
0x63: {  	v18 =	vand.u32 $0x78, v14;
	v14 =	vshll.u32 v14, $0x3;
	v31 =	vand.u32 $0x7E, v25;
	v15 =	vld.idx.msk [tilespmem:v15+s13+$0x0], $0xffff;
	[tilespmem:s23+$0x70] =	vst v10  }
0x64: {  	s25 =	simm.s32 $0xF;
	v14 =	vand.u32 $0x1C00, v14;
	v10 =	vld.idx.msk [tilespmem:v19+s13+$0x0], $0xffff;
	v19 =	vshll.u32 v20, $0x3;
	v20 =	vshll.u32 v21, $0x3;
	[tilespmem:s23+$0xFFFFFFB0] =	vst v16  }
0x65: {  	v17 =	vld.idx.msk [tilespmem:v17+s13+$0x0], $0xffff;
	v21 =	vshll.u32 v22, $0x3;
	v16 =	vshll.u32 v23, $0x3;
	v22 =	vmov s25;
	[tilespmem:s23+$0xFFFFFFD0] =	vst v11  }
0x66: {  	v23 =	vadd.s32 v1, v2;
	v11 =	vshll.u32 v24, $0x3;
	v24 =	vshll.u32 v25, $0x3;
	[tilespmem:s23+$0xFFFFFFF0] =	vst v12;
	v3 =	vld.idx.msk [tilespmem:v3+s13+$0x0], $0xffff  }
0x67: {  	v2 =	vor.u32 v18, v14;
	[tilespmem:s23+$0x10] =	vst v13;
	v4 =	vld.idx.msk [tilespmem:v4+s13+$0x0], $0xffff;
	v25 =	vshll.u32 v22, $0x3;
	v12 =	vand.u32 $0x7F, v22  }
0x68: {  	[tilespmem:s23+$0x30] =	vst v15;
	v5 =	vld.idx.msk [tilespmem:v5+s13+$0x0], $0xffff;
	v13 =	vadd.s32 v0, v2;
	v18 =	vand.u32 $0x1C00, v19;
	v15 =	vand.u32 $0x1C00, v20  }
0x69: {  	v6 =	vld.idx.msk [tilespmem:v6+s13+$0x0], $0xffff;
	v19 =	vand.u32 $0x1C00, v21;
	v16 =	vand.u32 $0x1C00, v16;
	v15 =	vor.u32 v27, v15  }
0x6a: {  	[tilespmem:s23+$0xFFFFFF90] =	vst v17;
	v7 =	vld.idx.msk [tilespmem:v7+s13+$0x0], $0xffff;
	v14 =	vand.u32 $0x1C00, v25;
	v20 =	vor.u32 v28, v19;
	v17 =	vadd.s32 v0, v15  }
0x6b: {  	s22 =	simm.s32 $0xE0;
	v8 =	vld.idx.msk [tilespmem:v8+s13+$0x0], $0xffff;
	v16 =	vor.u32 v29, v16;
	v12 =	vor.u32 v12, v14;
	v21 =	vadd.s32 v0, v20  }
0x6c: {  	s26 =	sor.u32 $0x70, s22;
	v11 =	vand.u32 $0x1C00, v11;
	v14 =	vor.u32 v26, v18;
	v18 =	vadd.s32 v0, v12;
	[tilespmem:s23+$0x50] =	vst v10;
	v19 =	vld.idx.msk [tilespmem:v23+s13+$0x0], $0xffff  }
0x6d: {  	v22 =	vor.u32 v30, v11;
	v10 =	vadd.s32 v0, v14;
	v9 =	vld.idx.msk [tilespmem:v9+s13+$0x0], $0xffff;
	[tilespmem:s26+$0x12000] =	vst v3  }
0x6e: {  	v11 =	vadd.s32 v0, v22;
	v33 =	vadd.s32 v1, v15;
	[tilespmem:s23+$0xFFFFFFC0] =	vst v4;
	v3 =	vld.idx.msk [tilespmem:v13+s13+$0x0], $0xffff;
	v4 =	vand.u32 $0x1C00, v24  }
0x6f: {  	v13 =	vadd.s32 v0, v16;
	[tilespmem:s23+$0xFFFFFFE0] =	vst v5;
	v25 =	vor.u32 v31, v4;
	v17 =	vld.idx.msk [tilespmem:v17+s13+$0x0], $0xffff  }
0x70: {  	s29 =	simm.s32 $0xA0;
	s31 =	simm.s32 $0x12;
	v22 =	vadd.s32 v1, v22;
	[tilespmem:s23+$0x0] =	vst v6;
	v28 =	vadd.s32 v0, v25;
	v32 =	vld.idx.msk [tilespmem:v21+s13+$0x0], $0xffff  }
0x71: {  	s28 =	simm.s32 $0x10;
	s30 =	simm.s32 $0xC0;
	v62 =	vmov s31;
	s24 =	sor.u32 $0x30, s29;
	v23 =	vadd.s32 v1, v20;
	v20 =	vadd.s32 v1, v16;
	[tilespmem:s23+$0x20] =	vst v7;
	v26 =	vld.idx.msk [tilespmem:v18+s13+$0x0], $0xffff  }
0x72: {  	s25 =	sor.u32 $0x50, s30;
	s30 =	simm.s32 $0x15;
	v5 =	vmov s28;
	v7 =	vadd.s32 v1, v12;
	[tilespmem:s24+$0x12000] =	vst v8;
	v12 =	vadd.s32 v1, v14;
	v27 =	vld.idx.msk [tilespmem:v10+s13+$0x0], $0xffff  }
0x73: {  	s26 =	simm.s32 $0x11;
	s28 =	simm.s32 $0x13;
	v14 =	vmov s30;
	v4 =	vand.u32 $0x78, v5;
	v5 =	vshll.u32 v5, $0x3;
	v21 =	vld.idx.msk [tilespmem:v11+s13+$0x0], $0xffff;
	[tilespmem:s23+$0xFFFFFFA0] =	vst v19  }
0x74: {  	s31 =	simm.s32 $0x16;
	s29 =	simm.s32 $0x14;
	v29 =	vmov s26;
	v63 =	vmov s28;
	v6 =	vand.u32 $0x1C00, v5;
	s23 =	simm.s32 $0x12170;
	[tilespmem:s25+$0x12000] =	vst v9;
	v24 =	vld.idx.msk [tilespmem:v13+s13+$0x0], $0xffff  }
0x75: {  	v11 =	vand.u32 $0x79, v29;
	v18 =	vmov s29;
	v19 =	vmov s31;
	v16 =	vld.idx.msk [tilespmem:v28+s13+$0x0], $0xffff;
	[tilespmem:s23+$0xFFFFFFD0] =	vst v17  }
0x76: {  	v10 =	vand.u32 $0x7A, v62;
	v8 =	vand.u32 $0x7C, v18;
	v9 =	vand.u32 $0x7B, v63;
	[tilespmem:s23+$0x70] =	vst v26;
	v13 =	vld.idx.msk [tilespmem:v33+s13+$0x0], $0xffff  }
0x77: {  	v5 =	vand.u32 $0x7E, v19;
	v17 =	vadd.s32 v1, v25;
	v25 =	vshll.u32 v63, $0x3;
	[tilespmem:s23+$0xFFFFFFB0] =	vst v27;
	v15 =	vld.idx.msk [tilespmem:v7+s13+$0x0], $0xffff  }
0x78: {  	s24 =	simm.s32 $0x18;
	s25 =	simm.s32 $0x17;
	[tilespmem:s23+$0xFFFFFFF0] =	vst v32;
	v26 =	vshll.u32 v62, $0x3;
	v7 =	vand.u32 $0x7D, v14;
	v27 =	vshll.u32 v29, $0x3;
	v12 =	vld.idx.msk [tilespmem:v12+s13+$0x0], $0xffff  }
.LBB2_8:
0x79: {  	p1 =	slt.u32 s24, $0x2F8;
	v18 =	vshll.u32 v18, $0x3;
	v28 =	vmov s25;
	v29 =	vadd.s32 v1, v2;
	v23 =	vld.idx.msk [tilespmem:v23+s13+$0x0], $0xffff;
	[tilespmem:s23+$0x10] =	vst v24  }
0x7a: {  	v14 =	vshll.u32 v14, $0x3;
	v19 =	vshll.u32 v19, $0x3;
	s22 =	sadd.s32 $0x100, s22;
	v24 =	vshll.u32 v28, $0x3;
	v20 =	vld.idx.msk [tilespmem:v20+s13+$0x0], $0xffff;
	[tilespmem:s23+$0x30] =	vst v21  }
0x7b: {  	v2 =	vor.u32 v4, v6;
	v4 =	vand.u32 $0x7F, v28;
	s25 =	sadd.s32 $0xFFFFFFC0, s22;
	s26 =	sadd.s32 $0xFFFFFFE0, s22;
	s28 =	sor.u32 $0x70, s22;
	v6 =	vand.u32 $0x1C00, v24;
	v21 =	vld.idx.msk [tilespmem:v22+s13+$0x0], $0xffff;
	[tilespmem:s23+$0x50] =	vst v16  }
0x7c: {  	v16 =	vadd.s32 v0, v2;
	v22 =	vand.u32 $0x1C00, v27;
	s25 =	sor.u32 $0x30, s25;
	s26 =	sor.u32 $0x50, s26;
	v6 =	vor.u32 v4, v6;
	v17 =	vld.idx.msk [tilespmem:v17+s13+$0x0], $0xffff;
	[tilespmem:s28+$0x12000] =	vst v15  }
0x7d: {  	v11 =	vor.u32 v11, v22;
	v4 =	vand.u32 $0x1C00, v26;
	v15 =	vadd.s32 v0, v6;
	[tilespmem:s23+$0xFFFFFF90] =	vst v3  }
0x7e: {  	v22 =	vadd.s32 v0, v11;
	v10 =	vor.u32 v10, v4;
	v3 =	vand.u32 $0x1C00, v25;
	v24 =	vld.idx.msk [tilespmem:v29+s13+$0x0], $0xffff;
	[tilespmem:s23+$0xFFFFFFC0] =	vst v12  }
0x7f: {  	v12 =	vadd.s32 v0, v10;
	v9 =	vor.u32 v9, v3;
	v3 =	vand.u32 $0x1C00, v18;
	[tilespmem:s23+$0xFFFFFFE0] =	vst v13  }
0x80: {  	v4 =	vand.u32 $0x1C00, v14;
	v13 =	vadd.s32 v0, v9;
	v8 =	vor.u32 v8, v3;
	[tilespmem:s23+$0x0] =	vst v23  }
0x81: {  	v7 =	vor.u32 v7, v4;
	v4 =	vand.u32 $0x1C00, v19;
	v3 =	vld.idx.msk [tilespmem:v16+s13+$0x0], $0xffff;
	v16 =	vadd.s32 v0, v8;
	[tilespmem:s23+$0x20] =	vst v20  }
0x82: {  	v14 =	vmov s24;
	v25 =	vor.u32 v5, v4;
	v20 =	vadd.s32 v0, v7;
	v5 =	vld.idx.msk [tilespmem:v15+s13+$0x0], $0xffff;
	[tilespmem:s25+$0x12000] =	vst v21  }
0x83: {  	v4 =	vand.u32 $0x78, v14;
	s25 =	sadd.s32 $0x1, s24;
	v15 =	vld.idx.msk [tilespmem:v22+s13+$0x0], $0xffff;
	v22 =	vadd.s32 v0, v25;
	[tilespmem:s26+$0x12000] =	vst v17  }
0x84: {  	v17 =	vshll.u32 v14, $0x3;
	v26 =	vmov s25;
	s25 =	sadd.s32 $0x2, s24;
	s26 =	sadd.s32 $0x3, s24;
	v27 =	vld.idx.msk [tilespmem:v12+s13+$0x0], $0xffff;
	v12 =	vadd.s32 v1, v6;
	[tilespmem:s23+$0xFFFFFFA0] =	vst v24  }
0x85: {  	v30 =	vadd.s32 v1, v11;
	v28 =	vmov s25;
	v29 =	vmov s26;
	s25 =	sadd.s32 $0x4, s24;
	s26 =	sadd.s32 $0x5, s24;
	v31 =	vld.idx.msk [tilespmem:v13+s13+$0x0], $0xffff  }
0x86: {  	v18 =	vmov s25;
	v14 =	vmov s26;
	s25 =	sadd.s32 $0x6, s24;
	v13 =	vadd.s32 v1, v10;
	v24 =	vld.idx.msk [tilespmem:v16+s13+$0x0], $0xffff  }
.Ltmp6:
0x87: {  	v23 =	vadd.s32 v1, v9;
	v6 =	vand.u32 $0x1C00, v17;
	s23 =	sadd.s32 $0x100, s23;
	v19 =	vmov s25;
	v21 =	vld.idx.msk [tilespmem:v20+s13+$0x0], $0xffff;
	(pc) =	sbr.rel @p1 .LBB2_8-.Ltmp6, $4  }
0x88: {  	v11 =	vand.u32 $0x79, v26;
	v10 =	vand.u32 $0x7A, v28;
	v20 =	vadd.s32 v1, v8;
	v16 =	vld.idx.msk [tilespmem:v22+s13+$0x0], $0xffff;
	[tilespmem:s23+$0x70] =	vst v5  }
0x89: {  	v9 =	vand.u32 $0x7B, v29;
	v8 =	vand.u32 $0x7C, v18;
	v22 =	vadd.s32 v1, v7;
	[tilespmem:s23+$0xFFFFFFB0] =	vst v15;
	v15 =	vld.idx.msk [tilespmem:v12+s13+$0x0], $0xffff  }
0x8a: {  	v17 =	vadd.s32 v1, v25;
	v7 =	vand.u32 $0x7D, v14;
	v5 =	vand.u32 $0x7E, v19;
	v12 =	vld.idx.msk [tilespmem:v30+s13+$0x0], $0xffff;
	[tilespmem:s23+$0xFFFFFFD0] =	vst v27  }
0x8b: {  	v25 =	vshll.u32 v29, $0x3;
	s25 =	sadd.s32 $0x7, s24;
	s24 =	sadd.s32 $0x8, s24;
	v27 =	vshll.u32 v26, $0x3;
	v26 =	vshll.u32 v28, $0x3;
	v13 =	vld.idx.msk [tilespmem:v13+s13+$0x0], $0xffff;
	[tilespmem:s23+$0xFFFFFFF0] =	vst v31  }
0x8c: {  	v28 =	vmov s25  }
0x8d: {  	v18 =	vshll.u32 v18, $0x3;
	v2 =	vadd.s32 v1, v2;
	v14 =	vshll.u32 v14, $0x3  }
0x8e: {  	[tilespmem:s23+$0x10] =	vst v24;
	v19 =	vshll.u32 v19, $0x3;
	v46 =	vand.u32 $0x1C00, v27;
	v47 =	vand.u32 $0x1C00, v26  }
0x8f: {  	[tilespmem:s23+$0x30] =	vst v21;
	v50 =	vand.u32 $0x1C00, v25;
	v29 =	vshll.u32 v28, $0x3;
	v11 =	vor.u32 v11, v46  }
0x90: {  	s22 =	sadd.s32 $0x100, s22;
	v23 =	vld.idx.msk [tilespmem:v23+s13+$0x0], $0xffff;
	[tilespmem:s23+$0xFFFFFF90] =	vst v3;
	v44 =	vand.u32 $0x7F, v28;
	v10 =	vor.u32 v10, v47;
	v49 =	vadd.s32 v0, v11  }
0x91: {  	[tilespmem:s23+$0x50] =	vst v16;
	s24 =	sor.u32 $0x70, s22;
	v20 =	vld.idx.msk [tilespmem:v20+s13+$0x0], $0xffff;
	v9 =	vor.u32 v9, v50;
	v51 =	vand.u32 $0x1C00, v18;
	v3 =	vadd.s32 v0, v10  }
0x92: {  	v22 =	vld.idx.msk [tilespmem:v22+s13+$0x0], $0xffff;
	v14 =	vand.u32 $0x1C00, v14;
	[tilespmem:s24+$0x12000] =	vst v15;
	v52 =	vadd.s32 v0, v9;
	v8 =	vor.u32 v8, v51  }
0x93: {  	v54 =	vand.u32 $0x1C00, v19;
	v17 =	vld.idx.msk [tilespmem:v17+s13+$0x0], $0xffff;
	v7 =	vor.u32 v7, v14;
	[tilespmem:s23+$0xFFFFFFC0] =	vst v12;
	v53 =	vadd.s32 v0, v8  }
0x94: {  	v45 =	vand.u32 $0x1C00, v29;
	v5 =	vor.u32 v5, v54;
	v55 =	vadd.s32 v0, v7;
	[tilespmem:s23+$0xFFFFFFE0] =	vst v13;
	v2 =	vld.idx.msk [tilespmem:v2+s13+$0x0], $0xffff  }
0x95: {  	s26 =	sadd.s32 $0xFFFFFFC0, s22;
	v24 =	vor.u32 v44, v45;
	v57 =	vadd.s32 v0, v5;
	[tilespmem:s23+$0x0] =	vst v23;
	v15 =	vld.idx.msk [tilespmem:v49+s13+$0x0], $0xffff  }
0x96: {  	v4 =	vor.u32 v4, v6;
	s28 =	sadd.s32 $0xFFFFFFE0, s22;
	s24 =	sor.u32 $0x30, s26;
	v48 =	vadd.s32 v0, v24;
	[tilespmem:s23+$0x20] =	vst v20;
	v3 =	vld.idx.msk [tilespmem:v3+s13+$0x0], $0xffff  }
0x97: {  	v59 =	vadd.s32 v0, v4;
	s25 =	sor.u32 $0x50, s28;
	[tilespmem:s24+$0x12000] =	vst v22;
	v12 =	vld.idx.msk [tilespmem:v52+s13+$0x0], $0xffff  }
0x98: {  	v10 =	vadd.s32 v1, v10;
	[tilespmem:s25+$0x12000] =	vst v17;
	v60 =	vld.idx.msk [tilespmem:v53+s13+$0x0], $0xffff  }
0x99: {  	s29 =	sadd.s32 $0x100, s23;
	v9 =	vadd.s32 v1, v9;
	v61 =	vld.idx.msk [tilespmem:v55+s13+$0x0], $0xffff;
	[tilespmem:s23+$0xFFFFFFA0] =	vst v2  }
0x9a: {  	v62 =	vld.idx.msk [tilespmem:v57+s13+$0x0], $0xffff;
	v2 =	vadd.s32 v1, v11;
	[tilespmem:s29+$0xFFFFFFB0] =	vst v15  }
0x9b: {  	v8 =	vadd.s32 v1, v8;
	v56 =	vld.idx.msk [tilespmem:v48+s13+$0x0], $0xffff;
	[tilespmem:s29+$0xFFFFFFD0] =	vst v3  }
0x9c: {  	v7 =	vadd.s32 v1, v7;
	v3 =	vld.idx.msk [tilespmem:v59+s13+$0x0], $0xffff;
	[tilespmem:s29+$0xFFFFFFF0] =	vst v12  }
0x9d: {  	v58 =	vadd.s32 v1, v24;
	[tilespmem:s29+$0x10] =	vst v60;
	v10 =	vld.idx.msk [tilespmem:v10+s13+$0x0], $0xffff  }
0x9e: {  	v5 =	vadd.s32 v1, v5;
	[tilespmem:s29+$0x30] =	vst v61;
	v9 =	vld.idx.msk [tilespmem:v9+s13+$0x0], $0xffff  }
0x9f: {  	v4 =	vadd.s32 v1, v4;
	[tilespmem:s29+$0x50] =	vst v62;
	v2 =	vld.idx.msk [tilespmem:v2+s13+$0x0], $0xffff  }
0xa0: {  	[tilespmem:s29+$0x70] =	vst v56;
	v8 =	vld.idx.msk [tilespmem:v8+s13+$0x0], $0xffff  }
0xa1: {  	v63 =	vld.idx.msk [tilespmem:v7+s13+$0x0], $0xffff;
	[tilespmem:s29+$0xFFFFFF90] =	vst v3  }
0xa2: {  	v6 =	vld.idx.msk [tilespmem:v58+s13+$0x0], $0xffff;
	[tilespmem:s29+$0xFFFFFFE0] =	vst v10  }
0xa3: {  	s22 =	sadd.s32 $0x100, s22;
	v3 =	vld.idx.msk [tilespmem:v5+s13+$0x0], $0xffff;
	[tilespmem:s29+$0x0] =	vst v9  }
0xa4: {  	s31 =	sadd.s32 $0xFFFFFFC0, s22;
	[tilespmem:s29+$0xFFFFFFC0] =	vst v2;
	v2 =	vld.idx.msk [tilespmem:v4+s13+$0x0], $0xffff  }
0xa5: {  	s24 =	sor.u32 $0x30, s31;
	[tilespmem:s29+$0x20] =	vst v8  }
.Ltmp7:
0xa6: {  	s30 =	sor.u32 $0x70, s22;
	s22 =	sadd.s32 $0xFFFFFFE0, s22;
	[tilespmem:s24+$0x12000] =	vst v63;
	(pc) =	sbr.rel .LBB2_10-.Ltmp7, $4  }
0xa7: {  	s21 =	smul.u32 $0xC00, s21;
	s22 =	sor.u32 $0x50, s22;
	[tilespmem:s30+$0x12000] =	vst v6  }
0xa8: {  	[tilespmem:s22+$0x12000] =	vst v3  }
0xa9: {  	s21 =	sadd.s32 s6, s21;
	[tilespmem:s29+$0xFFFFFFA0] =	vst v2  }
0xaa: {  	[hbm4b:s21+s4] =	stream.linear.scatter [tilespmem:s14], [sflag:$0x4], $0x6000, $0x38;
	[tilespmem:$0x18800] =	vst v63  }
.LBB2_4:
0xab: {  	v16 =	vmov s23;
	v8 =	vshll.u32 v8, $0x3  }
0xac: {  	_ =	swait.ge [sflag:s15], $0x6000;
	v9 =	vshll.u32 v9, $0x3;
	v2 =	vor.u32 v3, v2;
	v4 =	vand.u32 $0x1C00, v4  }
0xad: {  	s23 =	simm.s32 @!p1 $0x1800;
	s24 =	simm.s32 @!p1 $0x7A1400;
	v5 =	vand.u32 $0x1C00, v5;
	v6 =	vand.u32 $0x1C00, v6;
	v7 =	vand.u32 $0x1C00, v7;
	s22 =	sshrl.u32 @!p1 s22, $0x3  }
0xae: {  	s25 =	simm.s32 @!p1 $0x6000;
	[sflag:s15] =	ssyncset.done $0x0;
	v17 =	vshll.u32 v16, $0x3;
	v3 =	vand.u32 $0x7F, v16;
	v4 =	vor.u32 v10, v4;
	s22 =	sadd.s32 @!p1 s0, s22  }
0xaf: {  	s26 =	simm.s32 $0x9;
	v5 =	vor.u32 v11, v5;
	v6 =	vor.u32 v12, v6;
	[sflag:s15] =	ssyncadd.s32 $0xFFFFA000;
	v16 =	vand.u32 $0x1C00, v17;
	s22 =	sadd.s32 @!p1 $0x6000, s22  }
0xb0: {  	v7 =	vor.u32 v13, v7;
	v8 =	vand.u32 $0x1C00, v8;
	v3 =	vor.u32 v3, v16;
	[tilespmem:s25], [sflag:$0x2] =	stream.strided.gather @!p1 [hbm4b:s22+s23], $0x6000, s24, s23, $0x38;
	[tilespmem:$0x18800] =	vst v63  }
0xb1: {  	s28 =	simm.s32 $0xA;
	s29 =	simm.s32 $0xB;
	v9 =	vand.u32 $0x1C00, v9;
	v20 =	vmov s26;
	v10 =	vadd.s32 v0, v3;
	p1 =	slt.u32 s20, $0x2  }
0xb2: {  	s30 =	simm.s32 $0xC;
	s31 =	simm.s32 $0xD;
	v21 =	vmov s28;
	v22 =	vmov s29;
	v16 =	vadd.s32 v0, v4;
	s22 =	simm.s32 @!p1 $0x3  }
0xb3: {  	v23 =	vmov s30;
	v24 =	vmov s31;
	v11 =	vadd.s32 v0, v5;
	_ =	swait.ge @!p1 [sflag:s22], $0x6000  }
0xb4: {  	v17 =	vadd.s32 v0, v2;
	v12 =	vadd.s32 v0, v6;
	v13 =	vadd.s32 v0, v7;
	[sflag:s22] =	ssyncset.done @!p1 $0x0  }
0xb5: {  	v8 =	vor.u32 v14, v8;
	v9 =	vor.u32 v15, v9;
	v5 =	vadd.s32 v1, v5;
	[sflag:s22] =	ssyncadd.s32 @!p1 $0xFFFFA000  }
0xb6: {  	v6 =	vadd.s32 v1, v6;
	v26 =	vand.u32 $0x79, v20;
	v15 =	vadd.s32 v0, v8;
	v10 =	vld.idx.msk [tilespmem:v10+s4+$0x0], $0xffff  }
0xb7: {  	v27 =	vand.u32 $0x7A, v21;
	v7 =	vadd.s32 v1, v7;
	v19 =	vadd.s32 v0, v9;
	v16 =	vld.idx.msk [tilespmem:v16+s4+$0x0], $0xffff  }
0xb8: {  	v28 =	vand.u32 $0x7B, v22;
	v29 =	vand.u32 $0x7C, v23;
	v30 =	vand.u32 $0x7D, v24;
	v11 =	vld.idx.msk [tilespmem:v11+s4+$0x0], $0xffff  }
0xb9: {  	v4 =	vadd.s32 v1, v4;
	v8 =	vadd.s32 v1, v8;
	s25 =	simm.s32 $0x8;
	v3 =	vadd.s32 v1, v3;
	s24 =	simm.s32 $0xE;
	v12 =	vld.idx.msk [tilespmem:v12+s4+$0x0], $0xffff  }
0xba: {  	v9 =	vadd.s32 v1, v9;
	s23 =	simm.s32 $0xC070;
	v14 =	vmov s25;
	v25 =	vmov s24;
	v13 =	vld.idx.msk [tilespmem:v13+s4+$0x0], $0xffff  }
0xbb: {  	v18 =	vand.u32 $0x78, v14;
	v14 =	vshll.u32 v14, $0x3;
	v31 =	vand.u32 $0x7E, v25;
	v15 =	vld.idx.msk [tilespmem:v15+s4+$0x0], $0xffff;
	[tilespmem:s23+$0x70] =	vst v10  }
0xbc: {  	s25 =	simm.s32 $0xF;
	v14 =	vand.u32 $0x1C00, v14;
	v10 =	vld.idx.msk [tilespmem:v19+s4+$0x0], $0xffff;
	v19 =	vshll.u32 v20, $0x3;
	v20 =	vshll.u32 v21, $0x3;
	[tilespmem:s23+$0xFFFFFFB0] =	vst v16  }
0xbd: {  	v17 =	vld.idx.msk [tilespmem:v17+s4+$0x0], $0xffff;
	v21 =	vshll.u32 v22, $0x3;
	v16 =	vshll.u32 v23, $0x3;
	v22 =	vmov s25;
	[tilespmem:s23+$0xFFFFFFD0] =	vst v11  }
0xbe: {  	v23 =	vadd.s32 v1, v2;
	v11 =	vshll.u32 v24, $0x3;
	v24 =	vshll.u32 v25, $0x3;
	[tilespmem:s23+$0xFFFFFFF0] =	vst v12;
	v3 =	vld.idx.msk [tilespmem:v3+s4+$0x0], $0xffff  }
0xbf: {  	v2 =	vor.u32 v18, v14;
	[tilespmem:s23+$0x10] =	vst v13;
	v4 =	vld.idx.msk [tilespmem:v4+s4+$0x0], $0xffff;
	v25 =	vshll.u32 v22, $0x3;
	v12 =	vand.u32 $0x7F, v22  }
0xc0: {  	[tilespmem:s23+$0x30] =	vst v15;
	v5 =	vld.idx.msk [tilespmem:v5+s4+$0x0], $0xffff;
	v13 =	vadd.s32 v0, v2;
	v18 =	vand.u32 $0x1C00, v19;
	v15 =	vand.u32 $0x1C00, v20  }
0xc1: {  	v6 =	vld.idx.msk [tilespmem:v6+s4+$0x0], $0xffff;
	v19 =	vand.u32 $0x1C00, v21;
	v16 =	vand.u32 $0x1C00, v16;
	v15 =	vor.u32 v27, v15  }
0xc2: {  	[tilespmem:s23+$0xFFFFFF90] =	vst v17;
	v7 =	vld.idx.msk [tilespmem:v7+s4+$0x0], $0xffff;
	v14 =	vand.u32 $0x1C00, v25;
	v20 =	vor.u32 v28, v19;
	v17 =	vadd.s32 v0, v15  }
0xc3: {  	s22 =	simm.s32 $0xE0;
	v8 =	vld.idx.msk [tilespmem:v8+s4+$0x0], $0xffff;
	v16 =	vor.u32 v29, v16;
	v12 =	vor.u32 v12, v14;
	v21 =	vadd.s32 v0, v20  }
0xc4: {  	s26 =	sor.u32 $0x70, s22;
	v11 =	vand.u32 $0x1C00, v11;
	v14 =	vor.u32 v26, v18;
	v18 =	vadd.s32 v0, v12;
	[tilespmem:s23+$0x50] =	vst v10;
	v19 =	vld.idx.msk [tilespmem:v23+s4+$0x0], $0xffff  }
0xc5: {  	v22 =	vor.u32 v30, v11;
	v10 =	vadd.s32 v0, v14;
	v9 =	vld.idx.msk [tilespmem:v9+s4+$0x0], $0xffff;
	[tilespmem:s26+$0xC000] =	vst v3  }
0xc6: {  	v11 =	vadd.s32 v0, v22;
	v33 =	vadd.s32 v1, v15;
	[tilespmem:s23+$0xFFFFFFC0] =	vst v4;
	v3 =	vld.idx.msk [tilespmem:v13+s4+$0x0], $0xffff;
	v4 =	vand.u32 $0x1C00, v24  }
0xc7: {  	v13 =	vadd.s32 v0, v16;
	[tilespmem:s23+$0xFFFFFFE0] =	vst v5;
	v25 =	vor.u32 v31, v4;
	v17 =	vld.idx.msk [tilespmem:v17+s4+$0x0], $0xffff  }
0xc8: {  	s29 =	simm.s32 $0xA0;
	s31 =	simm.s32 $0x12;
	v22 =	vadd.s32 v1, v22;
	[tilespmem:s23+$0x0] =	vst v6;
	v28 =	vadd.s32 v0, v25;
	v32 =	vld.idx.msk [tilespmem:v21+s4+$0x0], $0xffff  }
0xc9: {  	s28 =	simm.s32 $0x10;
	s30 =	simm.s32 $0xC0;
	v62 =	vmov s31;
	s24 =	sor.u32 $0x30, s29;
	v23 =	vadd.s32 v1, v20;
	v20 =	vadd.s32 v1, v16;
	[tilespmem:s23+$0x20] =	vst v7;
	v26 =	vld.idx.msk [tilespmem:v18+s4+$0x0], $0xffff  }
0xca: {  	s25 =	sor.u32 $0x50, s30;
	s30 =	simm.s32 $0x15;
	v5 =	vmov s28;
	v7 =	vadd.s32 v1, v12;
	[tilespmem:s24+$0xC000] =	vst v8;
	v12 =	vadd.s32 v1, v14;
	v27 =	vld.idx.msk [tilespmem:v10+s4+$0x0], $0xffff  }
0xcb: {  	s26 =	simm.s32 $0x11;
	s28 =	simm.s32 $0x13;
	v14 =	vmov s30;
	v4 =	vand.u32 $0x78, v5;
	v5 =	vshll.u32 v5, $0x3;
	v21 =	vld.idx.msk [tilespmem:v11+s4+$0x0], $0xffff;
	[tilespmem:s23+$0xFFFFFFA0] =	vst v19  }
0xcc: {  	s31 =	simm.s32 $0x16;
	s29 =	simm.s32 $0x14;
	v29 =	vmov s26;
	v63 =	vmov s28;
	v6 =	vand.u32 $0x1C00, v5;
	s23 =	simm.s32 $0xC170;
	[tilespmem:s25+$0xC000] =	vst v9;
	v24 =	vld.idx.msk [tilespmem:v13+s4+$0x0], $0xffff  }
0xcd: {  	v11 =	vand.u32 $0x79, v29;
	v18 =	vmov s29;
	v19 =	vmov s31;
	v16 =	vld.idx.msk [tilespmem:v28+s4+$0x0], $0xffff;
	[tilespmem:s23+$0xFFFFFFD0] =	vst v17  }
0xce: {  	v10 =	vand.u32 $0x7A, v62;
	v8 =	vand.u32 $0x7C, v18;
	v9 =	vand.u32 $0x7B, v63;
	[tilespmem:s23+$0x70] =	vst v26;
	v13 =	vld.idx.msk [tilespmem:v33+s4+$0x0], $0xffff  }
0xcf: {  	v5 =	vand.u32 $0x7E, v19;
	v17 =	vadd.s32 v1, v25;
	v25 =	vshll.u32 v63, $0x3;
	[tilespmem:s23+$0xFFFFFFB0] =	vst v27;
	v15 =	vld.idx.msk [tilespmem:v7+s4+$0x0], $0xffff  }
0xd0: {  	s24 =	simm.s32 $0x18;
	s25 =	simm.s32 $0x17;
	[tilespmem:s23+$0xFFFFFFF0] =	vst v32;
	v26 =	vshll.u32 v62, $0x3;
	v7 =	vand.u32 $0x7D, v14;
	v27 =	vshll.u32 v29, $0x3;
	v12 =	vld.idx.msk [tilespmem:v12+s4+$0x0], $0xffff  }
.LBB2_5:
0xd1: {  	p1 =	slt.u32 s24, $0x2F8;
	v18 =	vshll.u32 v18, $0x3;
	v28 =	vmov s25;
	v29 =	vadd.s32 v1, v2;
	v23 =	vld.idx.msk [tilespmem:v23+s4+$0x0], $0xffff;
	[tilespmem:s23+$0x10] =	vst v24  }
0xd2: {  	v14 =	vshll.u32 v14, $0x3;
	v19 =	vshll.u32 v19, $0x3;
	s22 =	sadd.s32 $0x100, s22;
	v24 =	vshll.u32 v28, $0x3;
	v20 =	vld.idx.msk [tilespmem:v20+s4+$0x0], $0xffff;
	[tilespmem:s23+$0x30] =	vst v21  }
0xd3: {  	v2 =	vor.u32 v4, v6;
	v4 =	vand.u32 $0x7F, v28;
	s25 =	sadd.s32 $0xFFFFFFC0, s22;
	s26 =	sadd.s32 $0xFFFFFFE0, s22;
	s28 =	sor.u32 $0x70, s22;
	v6 =	vand.u32 $0x1C00, v24;
	v21 =	vld.idx.msk [tilespmem:v22+s4+$0x0], $0xffff;
	[tilespmem:s23+$0x50] =	vst v16  }
0xd4: {  	v16 =	vadd.s32 v0, v2;
	v22 =	vand.u32 $0x1C00, v27;
	s25 =	sor.u32 $0x30, s25;
	s26 =	sor.u32 $0x50, s26;
	v6 =	vor.u32 v4, v6;
	v17 =	vld.idx.msk [tilespmem:v17+s4+$0x0], $0xffff;
	[tilespmem:s28+$0xC000] =	vst v15  }
0xd5: {  	v11 =	vor.u32 v11, v22;
	v4 =	vand.u32 $0x1C00, v26;
	v15 =	vadd.s32 v0, v6;
	[tilespmem:s23+$0xFFFFFF90] =	vst v3  }
0xd6: {  	v22 =	vadd.s32 v0, v11;
	v10 =	vor.u32 v10, v4;
	v3 =	vand.u32 $0x1C00, v25;
	v24 =	vld.idx.msk [tilespmem:v29+s4+$0x0], $0xffff;
	[tilespmem:s23+$0xFFFFFFC0] =	vst v12  }
0xd7: {  	v12 =	vadd.s32 v0, v10;
	v9 =	vor.u32 v9, v3;
	v3 =	vand.u32 $0x1C00, v18;
	[tilespmem:s23+$0xFFFFFFE0] =	vst v13  }
0xd8: {  	v4 =	vand.u32 $0x1C00, v14;
	v13 =	vadd.s32 v0, v9;
	v8 =	vor.u32 v8, v3;
	[tilespmem:s23+$0x0] =	vst v23  }
0xd9: {  	v7 =	vor.u32 v7, v4;
	v4 =	vand.u32 $0x1C00, v19;
	v3 =	vld.idx.msk [tilespmem:v16+s4+$0x0], $0xffff;
	v16 =	vadd.s32 v0, v8;
	[tilespmem:s23+$0x20] =	vst v20  }
0xda: {  	v14 =	vmov s24;
	v25 =	vor.u32 v5, v4;
	v20 =	vadd.s32 v0, v7;
	v5 =	vld.idx.msk [tilespmem:v15+s4+$0x0], $0xffff;
	[tilespmem:s25+$0xC000] =	vst v21  }
0xdb: {  	v4 =	vand.u32 $0x78, v14;
	s25 =	sadd.s32 $0x1, s24;
	v15 =	vld.idx.msk [tilespmem:v22+s4+$0x0], $0xffff;
	v22 =	vadd.s32 v0, v25;
	[tilespmem:s26+$0xC000] =	vst v17  }
0xdc: {  	v17 =	vshll.u32 v14, $0x3;
	v26 =	vmov s25;
	s25 =	sadd.s32 $0x2, s24;
	s26 =	sadd.s32 $0x3, s24;
	v27 =	vld.idx.msk [tilespmem:v12+s4+$0x0], $0xffff;
	v12 =	vadd.s32 v1, v6;
	[tilespmem:s23+$0xFFFFFFA0] =	vst v24  }
0xdd: {  	v30 =	vadd.s32 v1, v11;
	v28 =	vmov s25;
	v29 =	vmov s26;
	s25 =	sadd.s32 $0x4, s24;
	s26 =	sadd.s32 $0x5, s24;
	v31 =	vld.idx.msk [tilespmem:v13+s4+$0x0], $0xffff  }
0xde: {  	v18 =	vmov s25;
	v14 =	vmov s26;
	s25 =	sadd.s32 $0x6, s24;
	v13 =	vadd.s32 v1, v10;
	v24 =	vld.idx.msk [tilespmem:v16+s4+$0x0], $0xffff  }
.Ltmp8:
0xdf: {  	v23 =	vadd.s32 v1, v9;
	v6 =	vand.u32 $0x1C00, v17;
	s23 =	sadd.s32 $0x100, s23;
	v19 =	vmov s25;
	v21 =	vld.idx.msk [tilespmem:v20+s4+$0x0], $0xffff;
	(pc) =	sbr.rel @p1 .LBB2_5-.Ltmp8, $4  }
0xe0: {  	v11 =	vand.u32 $0x79, v26;
	v10 =	vand.u32 $0x7A, v28;
	v20 =	vadd.s32 v1, v8;
	v16 =	vld.idx.msk [tilespmem:v22+s4+$0x0], $0xffff;
	[tilespmem:s23+$0x70] =	vst v5  }
0xe1: {  	v9 =	vand.u32 $0x7B, v29;
	v8 =	vand.u32 $0x7C, v18;
	v22 =	vadd.s32 v1, v7;
	[tilespmem:s23+$0xFFFFFFB0] =	vst v15;
	v15 =	vld.idx.msk [tilespmem:v12+s4+$0x0], $0xffff  }
0xe2: {  	v17 =	vadd.s32 v1, v25;
	v7 =	vand.u32 $0x7D, v14;
	v5 =	vand.u32 $0x7E, v19;
	v12 =	vld.idx.msk [tilespmem:v30+s4+$0x0], $0xffff;
	[tilespmem:s23+$0xFFFFFFD0] =	vst v27  }
0xe3: {  	v25 =	vshll.u32 v29, $0x3;
	s25 =	sadd.s32 $0x7, s24;
	s24 =	sadd.s32 $0x8, s24;
	v27 =	vshll.u32 v26, $0x3;
	v26 =	vshll.u32 v28, $0x3;
	v13 =	vld.idx.msk [tilespmem:v13+s4+$0x0], $0xffff;
	[tilespmem:s23+$0xFFFFFFF0] =	vst v31  }
.Ltmp9:
0xe4: {  	_ = 	snop;
	(pc) =	sbr.rel .LBB2_6-.Ltmp9, $1  }
0xe5: {  	_ =	sdelay $0x3  }
.LBB2_12:
0xe6: {  	_ =	sfence.sel $0x180000  }
0xe7: {  	[bflag:$0x0] =	sbarrier.arrive $0xFFFF  }
0xe8: {  	p0 =	sne.s32 s2, $0x0;
	_ =	strace $0x90000047  }
0xe9: {  	s0 =	sadd.s32 @!p0 $0x100000, s3;
	[bflag:$0x2] =	sbarrier.arrive $0xFFFF  }
0xea: {  	[sflag:s0] =	ssyncadd.tile.s32 @!p0 $0x1;
	_ =	shalt  }
.Lfunc_end2:
_tile_overlayer_lowered:
.L_overlay_start_2:
0xeb: {  	(tag) =	ssettag $0x2  }
0xec: {  	s0 =	rddreg [dreg:$0x0];
	s2 =	stileid.u32  }
0xed: {  	s1 =	rddreg [dreg:$0x1];
	p0 =	sne.s32 s2, $0x0  }
0xee: {  	s3 =	rddreg [dreg:$0x2];
	[bflag:$0x3] =	sbarrier.arrive $0xFFFF;
	s2 =	simm.s32 @!p0 $0x1C05  }
0xef: {  	[timem:s3], [sflag:s2] =	dma.local @!p0 [hbm:s0], s1  }
0xf0: {  	s0 =	simm.s32 @!p0 $0x5  }
0xf1: {  	_ =	swait.ge @!p0 [sflag:s0], s1  }
0xf2: {  	s1 =	ssub.s32 @!p0 $0x0, s1;
	[sflag:s0] =	ssyncset.done @!p0 $0x0  }
0xf3: {  	[sflag:s0] =	ssyncadd.s32 @!p0 s1  }
0xf4: {  	[bflag:$0x3] =	sbarrier.arrive $0xFFFF  }
0xf5: {  	_ =	shalt  }

// kernel: kernel.7.cloned.1.call-start
scs
__scs_entry_jumppad:
0x0: {  	(pc) =	sbr.rel $0x88, $3  }
0x1: {  	(tag) =	ssettag $0x0;
	lr =	simm.s32 $0x1  }
0x2: {  	[smem:$0x3F9F] =	sst lr;
	_ =	strace $0xD0000000  }
0x3: {  	_ = 	snop  }
0x4: {  	_ = 	snop  }
0x5: {  	_ = 	snop  }
0x6: {  	_ = 	snop  }
0x7: {  	_ = 	snop  }
__scs_overlays_trampoline_lowered:
0x8: {  	[smem:$0x3FAE] =	sst s0  }
0x9: {  	[smem:$0x3FAF] =	sst s1  }
0xa: {  	[smem:$0x3FB0] =	sst s2  }
0xb: {  	[smem:$0x3FB1] =	sst s3  }
0xc: {  	[smem:$0x3FB2] =	sst s4  }
0xd: {  	[smem:$0x3FB3] =	sst s5  }
0xe: {  	[smem:$0x3FB4] =	sst s6  }
0xf: {  	[smem:$0x3FB5] =	sst s7  }
0x10: {  	[smem:$0x3FB6] =	sst s8  }
0x11: {  	[smem:$0x3FB7] =	sst s9;
	s0 =	simm.s32 @!p0 $0x0  }
0x12: {  	s1 =	sld [smem:$0x3F9D];
	s0 =	simm.s32 @p0 $0x1  }
0x13: {  	[smem:$0x3FB8] =	sst s0;
	s0 =	simm.s32 @!p1 $0x0  }
0x14: {  	s2 =	sld [smem:$0x3F9C];
	s0 =	simm.s32 @p1 $0x1  }
0x15: {  	[smem:$0x3FB9] =	sst s0;
	s0 =	simm.s32 @!p2 $0x0  }
0x16: {  	s3 =	sld [smem:$0x3FDB];
	s0 =	simm.s32 @p2 $0x1  }
0x17: {  	s4 =	simm.s32 $0x1BF5;
	[smem:$0x3FBB] =	sst s0  }
0x18: {  	s0 =	sld [smem:$0x3F9E];
	_ =	swait.ge [sflag:s4], $0x0  }
0x19: {  	s7 =	sld [smem:$0x3F9F]  }
0x1a: {  	s8 =	sadd.s32 $0xFFFFE003, lr  }
0x1b: {  	s9 =	sadd.s32 $0xFFFFFEF7, lr;
	s5 =	simm.s32 $0xFFFFFFFF;
	p2 =	slt.u32 s8, $0xFFFFF086  }
0x1c: {  	p1 =	slt.u32 s9, $0xF7A;
	s5 =	simm.s32 @!p2 $0x0  }
0x1d: {  	s5 =	simm.s32 @p1 $0x1;
	p0 =	seq.s32 s7, s2  }
0x1e: {  	s7 =	smul.u32 @!p0 $0xF7A, s2;
	p2 =	seq.s32 @!p0 s5, $0x0  }
0x1f: {  	s9 =	smul.u32 $0xF7A, s1;
	s8 =	simm.s32 @!p0 $0x1BF5;
	p2 =	por !p2, p0  }
0x20: {  	[sflag:s8] =	ssyncset.s32 @!p0 $0xFFFFF086;
	s6 =	sadd.s32 @!p0 s3, s7;
	s7 =	simm.s32 @!p0 $0x108  }
0x21: {  	s3 =	sadd.s32 s3, s9;
	s6 =	sadd.s32 @!p0 $0x88, s6;
	s7 =	simm.s32 @p2 $0x1082  }
0x22: {  	[simem:s7], [sflag:s8] =	dma.local @!p0 [hbm:s6], $0xF7A  }
0x23: {  	s9 =	sor.u32 $0xD0000000, s2;
	s6 =	simm.s32 $0x108;
	_ =	swait.ge @!p0 [sflag:s8], $0x0  }
0x24: {  	s3 =	sadd.s32 $0x88, s3;
	s6 =	simm.s32 @!p1 $0x1082;
	[sflag:s4] =	ssyncset.s32 $0xFFFFF086  }
0x25: {  	[simem:s6], [sflag:s4] =	dma.local [hbm:s3], $0xF7A  }
0x26: {  	[smem:$0x3F9F] =	sst s1;
	(tag) =	ssettag s2;
	_ =	strace s9  }
0x27: {  	s1 =	sld [smem:$0x3FAF]  }
0x28: {  	s2 =	sld [smem:$0x3FB0]  }
0x29: {  	s4 =	sld [smem:$0x3FB2]  }
0x2a: {  	p0 =	seq.s32 s5, $0x0;
	s5 =	sld [smem:$0x3FB3]  }
0x2b: {  	s6 =	sld [smem:$0x3FB4]  }
0x2c: {  	s7 =	sld [smem:$0x3FB5]  }
0x2d: {  	s3 =	simm.s32 $0x108;
	s8 =	sld [smem:$0x3FB6]  }
0x2e: {  	s3 =	simm.s32 @!p0 $0x1082;
	s9 =	sld [smem:$0x3FB7]  }
0x2f: {  	lr =	sadd.s32 s0, s3;
	s0 =	sld [smem:$0x3FAE]  }
0x30: {  	s3 =	sld [smem:$0x3FB1]  }
0x31: {  	[smem:$0x3FBA] =	sst s10  }
0x32: {  	s10 =	sld [smem:$0x3FB8];
	_ =	sdelay $0x3  }
0x33: {  	p0 =	seq.s32 s10, $0x1;
	s10 =	sld [smem:$0x3FBA];
	_ =	sdelay $0x3  }
0x34: {  	[smem:$0x3FBA] =	sst s10  }
0x35: {  	s10 =	sld [smem:$0x3FB9];
	_ =	sdelay $0x3  }
0x36: {  	p1 =	seq.s32 s10, $0x1;
	s10 =	sld [smem:$0x3FBA];
	_ =	sdelay $0x3  }
0x37: {  	[smem:$0x3FBA] =	sst s10  }
0x38: {  	s10 =	sld [smem:$0x3FBB]  }
0x39: {  	_ = 	snop;
	(pc) =	sbr.ind lr, $3  }
0x3a: {  	_ = 	snop  }
0x3b: {  	_ = 	snop  }
0x3c: {  	p2 =	seq.s32 s10, $0x1;
	s10 =	sld [smem:$0x3FBA]  }
0x3d: {  	_ =	shalt  }
0x3e: {  	_ =	shalt  }
0x3f: {  	_ =	shalt  }
0x40: {  	_ =	shalt  }
0x41: {  	_ =	shalt  }
0x42: {  	_ =	shalt  }
0x43: {  	_ =	shalt  }
0x44: {  	_ =	shalt  }
0x45: {  	_ =	shalt  }
0x46: {  	_ =	shalt  }
0x47: {  	_ =	shalt  }
0x48: {  	_ =	shalt  }
0x49: {  	_ =	shalt  }
0x4a: {  	_ =	shalt  }
0x4b: {  	_ =	shalt  }
0x4c: {  	_ =	shalt  }
0x4d: {  	_ =	shalt  }
0x4e: {  	_ =	shalt  }
0x4f: {  	_ =	shalt  }
0x50: {  	_ =	shalt  }
0x51: {  	_ =	shalt  }
0x52: {  	_ =	shalt  }
0x53: {  	_ =	shalt  }
0x54: {  	_ =	shalt  }
0x55: {  	_ =	shalt  }
0x56: {  	_ =	shalt  }
0x57: {  	_ =	shalt  }
0x58: {  	_ =	shalt  }
0x59: {  	_ =	shalt  }
0x5a: {  	_ =	shalt  }
0x5b: {  	_ =	shalt  }
0x5c: {  	_ =	shalt  }
0x5d: {  	_ =	shalt  }
0x5e: {  	_ =	shalt  }
0x5f: {  	_ =	shalt  }
0x60: {  	_ =	shalt  }
0x61: {  	_ =	shalt  }
0x62: {  	_ =	shalt  }
0x63: {  	_ =	shalt  }
0x64: {  	_ =	shalt  }
0x65: {  	_ =	shalt  }
0x66: {  	_ =	shalt  }
0x67: {  	_ =	shalt  }
0x68: {  	_ =	shalt  }
0x69: {  	_ =	shalt  }
0x6a: {  	_ =	shalt  }
0x6b: {  	_ =	shalt  }
0x6c: {  	_ =	shalt  }
0x6d: {  	_ =	shalt  }
0x6e: {  	_ =	shalt  }
0x6f: {  	_ =	shalt  }
0x70: {  	_ =	shalt  }
0x71: {  	_ =	shalt  }
0x72: {  	_ =	shalt  }
0x73: {  	_ =	shalt  }
0x74: {  	_ =	shalt  }
0x75: {  	_ =	shalt  }
0x76: {  	_ =	shalt  }
0x77: {  	_ =	shalt  }
0x78: {  	_ =	shalt  }
0x79: {  	_ =	shalt  }
0x7a: {  	_ =	shalt  }
0x7b: {  	_ =	shalt  }
0x7c: {  	_ =	shalt  }
0x7d: {  	_ =	shalt  }
0x7e: {  	_ =	shalt  }
0x7f: {  	_ =	shalt  }
0x80: {  	_ =	shalt  }
0x81: {  	_ =	shalt  }
0x82: {  	_ =	shalt  }
0x83: {  	_ =	shalt  }
0x84: {  	_ =	shalt  }
0x85: {  	_ =	shalt  }
0x86: {  	_ =	shalt  }
0x87: {  	_ =	shalt  }
.Lfunc_end0:
.L_simem_size_0:
called_computation.1_lowered:
.L_overlay_start_0:
0x88: {  	s2 =	sld [smem:$0x3FD9]  }
0x89: {  	s3 =	sld [smem:$0x3FFE];
	_ =	sdelay $0x1  }
0x8a: {  	s1 =	srdreg.scid  }
0x8b: {  	s0 =	sand.u32 $0x1, s1  }
0x8c: {  	s17 =	sshll.u32 s0, $0xA;
	s2 =	sadd.s32 s3, s2  }
0x8d: {  	s2 =	sadd.s32 s2, s17  }
0x8e: {  	[smem:$0x3FC6] =	sst s2  }
0x8f: {  	_ = 	snop  }
0x90: {  	s2 =	sld [smem:$0x3FC9]  }
0x91: {  	s18 =	sld [smem:$0x3FD0];
	(tm) =	ssettm $0x1  }
0x92: {  	s4 =	sld [smem:$0x3FFB];
	_ =	sdelay $0x3  }
0x93: {  	_ =	strace s4  }
0x94: {  	s4 =	sld [smem:$0x3FFC];
	_ =	sdelay $0x3  }
0x95: {  	_ =	strace s4  }
0x96: {  	s4 =	sld [smem:$0x3FFD];
	_ =	sdelay $0x3  }
0x97: {  	_ =	strace s4  }
0x98: {  	_ =	strace $0x8FFFFFFF  }
0x99: {  	s19 =	sld [smem:$0x3FDB];
	_ =	sdelay $0x1  }
0x9a: {  	s5 =	simm.s32 $_scs_section_size  }
0x9b: {  	s6 =	simm.s32 $_size__tile_overlayer_lowered;
	s7 =	simm.s32 $_tile_overlayer_lowered  }
0x9c: {  	s22 =	simm.s32 $0x1BFF;
	s21 =	sshll.u32 s7, $0x1;
	s4 =	sadd.s32 s5, s19  }
0x9d: {  	s8 =	simm.s32 $0x0;
	s20 =	sshll.u32 s6, $0x1;
	s6 =	sadd.s32 s21, s4  }
0x9e: {  	[timem:s8], [sflag:s22] =	dma.local [hbm:s6], s20  }
0x9f: {  	_ =	swait.ge [sflag:s22], s20  }
0xa0: {  	s5 =	ssub.s32 $0x0, s20;
	[sflag:s22] =	ssyncset.done $0x0  }
0xa1: {  	[sflag:s22] =	ssyncadd.s32 s5;
	_ =	sdelay $0x1  }
0xa2: {  	s23 =	simm.s32 $0x1B8B  }
0xa3: {  	_ =	swait.ge [sflag:s23], $0x1  }
0xa4: {  	[sflag:s23] =	ssyncset.done $0x0  }
0xa5: {  	s25 =	simm.s32 $0x1B8E;
	s24 =	sld [smem:$0x3FFE];
	[sflag:s23] =	ssyncadd.s32 $0xFFFFFFFF  }
0xa6: {  	s26 =	simm.s32 $execute0_lowered;
	[smem:$0x3FD2] =	sst s25  }
0xa7: {  	s6 =	sshll.u32 s26, $0x1;
	_ =	strace $0x80000049;
	[dreg:$0x1] =	wrdreg $0xFFFFFFFF  }
0xa8: {  	s28 =	simm.s32 $_size_execute0_lowered;
	s4 =	sadd.s32 s4, s6;
	[dreg:$0x0] =	wrdreg $0x0  }
0xa9: {  	s6 =	sshll.u32 s28, $0x1;
	[dreg:$0x2] =	wrdreg s4  }
0xaa: {  	[dreg:$0x3] =	wrdreg s6  }
0xab: {  	[dreg:$0x4] =	wrdreg $0xC0  }
0xac: {  	_ =	task [dreg:s8], $0x5FFFF  }
0xad: {  	[dreg:$0x1] =	wrdreg $0xFFFFFFFF  }
0xae: {  	[dreg:$0x0] =	wrdreg $0x60  }
0xaf: {  	[dreg:$0x2] =	wrdreg s2  }
0xb0: {  	[dreg:$0x3] =	wrdreg s24  }
0xb1: {  	[dreg:$0x4] =	wrdreg s18  }
0xb2: {  	[dreg:$0x5] =	wrdreg $0x9  }
0xb3: {  	_ =	task.clear_ibuf [dreg:s8], $0x6FFFF;
	_ =	strace $0x90000049  }
0xb4: {  	s29 =	simm.s32 $0x9;
	_ =	strace $0x8000004B  }
0xb5: {  	_ =	swait.ge [sflag:s29], $0x1  }
0xb6: {  	[sflag:s29] =	ssyncadd.s32 $0xFFFFFFFF  }
0xb7: {  	_ =	strace $0x9000004B  }
0xb8: {  	_ =	sfence  }
0xb9: {  	s30 =	sld [smem:$0x0];
	_ =	sdelay $0x2  }
0xba: {  	s31 =	sshll.u32 s1, $0xD;
	s1 =	sshrl.u32 s1, $0x2  }
0xbb: {  	s3 =	sand.u32 $0x4000, s31;
	s1 =	sadd.s32 s1, s30  }
0xbc: {  	s0 =	sor.u32 s3, s0;
	s1 =	sshll.u32 s1, $0x11  }
0xbd: {  	s0 =	sor.u32 s1, s0  }
0xbe: {  	s0 =	sadd.s32 $0x8F2B, s0  }
0xbf: {  	[sflag:s0] =	ssyncadd.remote.s32 $0x1  }
0xc0: {  	_ =	sfence.sel $0xFFFF  }
0xc1: {  	[dreg:$0x0] =	wrdreg $0xFFFFFFFF;
	(pc) =	sbr.abs _section_cstart, $3  }
0xc2: {  	[dreg:$0x1] =	wrdreg $0xFFFFFFFF  }
0xc3: {  	_ =	task.clear_ibuf [dreg:s8], $0x2FFFF;
	_ =	strace $0x9FFFFFFF  }
0xc4: {  	(tm) =	ssettm $0x7FFFFFFF  }
0xc5: {  	_ =	shalt  }
tec
execute0_lowered:
.L_overlay_start_1:
0x0: {  	(tag) =	ssettag $0x1  }
0x1: {  	s0 =	rddreg [dreg:$0x0]  }
0x2: {  	s5 =	rddreg [dreg:$0x1]  }
0x3: {  	s1 =	rddreg [dreg:$0x2]  }
0x4: {  	s2 =	simm.s32 $0x0;
	s4 =	srdreg.scid;
	s29 =	stileid.u32  }
0x5: {  	s9 =	simm.s32 $0x8000;
	s10 =	simm.s32 $0x7;
	s13 =	simm.s32 $0xC800  }
0x6: {  	s15 =	simm.s32 $0x10800;
	s16 =	simm.s32 $0x3;
	s17 =	simm.s32 $0x6  }
0x7: {  	s18 =	simm.s32 $0x14800;
	s19 =	simm.s32 $0x1A800;
	s20 =	simm.s32 $0x4  }
0x8: {  	s21 =	simm.s32 $0x5;
	s22 =	simm.s32 $0x2;
	s23 =	simm.s32 $0x19800  }
0x9: {  	v0 =	vlaneseq.u32;
	s24 =	simm.s32 $0x1;
	s25 =	simm.s32 $0x18800;
	s26 =	simm.s32 $0x0  }
.Ltmp0:
0xa: {  	[smem:$0x7FF] =	sst s2;
	s4 =	sand.u32 $0x1, s4;
	v0 =	vmul.u32 $0x80, v0;
	(pc) =	sbr.rel .LBB2_1-.Ltmp0, $4  }
0xb: {  	s7 =	sshll.u32 s29, $0xB;
	s6 =	ssub.s32 $0x2, s4;
	s4 =	sshll.u32 s4, $0xA  }
0xc: {  	s5 =	sadd.s32 $0x800, s5;
	s8 =	sshrl.u32 s6, $0x1;
	s4 =	sor.u32 s4, s7;
	v1 =	vor.u32 $0x800, v0  }
0xd: {  	_ =	strace $0x8000004A;
	v2 =	vor.u32 $0x1000, v0;
	v3 =	vor.u32 $0x1800, v0;
	v4 =	vor.u32 $0x2000, v0;
	s30 =	ssub.s32 s6, s8;
	s31 =	sshrl.u32 s4, $0x3  }
0xe: {  	v5 =	vor.u32 $0x2800, v0;
	v6 =	vor.u32 $0x3000, v0;
	v7 =	vor.u32 $0x3800, v0;
	s8 =	simm.s32 $0x400;
	s6 =	sadd.s32 s0, s31;
	s7 =	smax.u32 s30, $0x1  }
.LBB2_58:
0xf: {  	_ =	swait.ge [sflag:s17], $0x1000  }
0x10: {  	[sflag:s17] =	ssyncset.done $0x0  }
0x11: {  	s26 =	sadd.s32 $0x1, s26;
	[sflag:s17] =	ssyncadd.s32 $0xFFFFF000  }
0x12: {  	p0 =	sne.s32 s26, s7;
	_ =	swait.ge [sflag:s20], $0x1000  }
.Ltmp1:
0x13: {  	[sflag:s20] =	ssyncset.done $0x0;
	(pc) =	sbr.rel @!p0 .LBB2_59-.Ltmp1, $4  }
0x14: {  	[sflag:s20] =	ssyncadd.s32 $0xFFFFF000  }
0x15: {  	_ =	swait.ge [sflag:s21], $0x1000  }
0x16: {  	[sflag:s21] =	ssyncset.done $0x0  }
0x17: {  	[sflag:s21] =	ssyncadd.s32 $0xFFFFF000  }
.LBB2_1:
0x18: {  	s0 =	simm.s32 $0x0  }
0x19: {  	[tilespmem:s0], [sflag:$0x7] =	stream.strided.gather [hbm4b:s6+s8], $0x6400, s9, s8, $0x38;
	[tilespmem:$0x1B800] =	vst v63  }
0x1a: {  	_ =	swait.ge [sflag:s10], $0x6400  }
0x1b: {  	[sflag:s10] =	ssyncset.done $0x0  }
0x1c: {  	s28 =	simm.s32 $0x0;
	[sflag:s10] =	ssyncadd.s32 $0xFFFF9C00  }
0x1d: {  	v8 =	vld [tilespmem:s28+$0x70]  }
0x1e: {  	v9 =	vld [tilespmem:s28+$0x0];
	_ =	sdelay $0x1  }
0x1f: {  	v10 =	vld [tilespmem:s28+$0x10]  }
0x20: {  	v11 =	vld [tilespmem:s28+$0x20]  }
0x21: {  	v12 =	vld [tilespmem:s28+$0x30];
	v14 =	vshra.s32 v8, $0x2  }
0x22: {  	v13 =	vld [tilespmem:s28+$0x40];
	v8 =	vshll.u32 v8, $0x5;
	v63 =	vshra.s32 v9, $0x2;
	[tilespmem:s28+$0x6470] =	vst v14  }
0x23: {  	v15 =	vld [tilespmem:s28+$0x50];
	v14 =	vshll.u32 v9, $0x5;
	v8 =	vand.u32 $0x60, v8;
	[tilespmem:s28+$0x6400] =	vst v63  }
0x24: {  	v16 =	vld [tilespmem:s28+$0x60];
	v17 =	vshll.u32 v10, $0x5;
	v14 =	vand.u32 $0x60, v14;
	[tilespmem:s28+$0x70] =	vst v8  }
0x25: {  	v8 =	vand.u32 $0x60, v17;
	[tilespmem:s28+$0x0] =	vst v14;
	v14 =	vshll.u32 v11, $0x5  }
0x26: {  	[tilespmem:s28+$0x10] =	vst v8;
	v8 =	vand.u32 $0x60, v14;
	v14 =	vshll.u32 v12, $0x5  }
0x27: {  	[tilespmem:s28+$0x20] =	vst v8;
	v8 =	vand.u32 $0x60, v14;
	v14 =	vshll.u32 v13, $0x5  }
0x28: {  	[tilespmem:s28+$0x30] =	vst v8;
	v8 =	vand.u32 $0x60, v14;
	v14 =	vshll.u32 v15, $0x5  }
0x29: {  	v9 =	vshra.s32 v11, $0x2;
	[tilespmem:s28+$0x40] =	vst v8;
	v8 =	vand.u32 $0x60, v14;
	v14 =	vshll.u32 v16, $0x5  }
0x2a: {  	v11 =	vshra.s32 v12, $0x2;
	v12 =	vshra.s32 v13, $0x2;
	[tilespmem:s28+$0x50] =	vst v8;
	v14 =	vand.u32 $0x60, v14  }
0x2b: {  	s29 =	simm.s32 $0x80;
	s30 =	simm.s32 $0x400;
	v13 =	vshra.s32 v15, $0x2;
	v8 =	vshra.s32 v10, $0x2;
	v10 =	vshra.s32 v16, $0x2;
	[tilespmem:s28+$0x60] =	vst v14  }
.LBB2_2:
0x2c: {  	p0 =	sne.s32 s30, $0x18E00;
	v14 =	vld [tilespmem:s29+$0x70];
	[tilespmem:s28+$0x6410] =	vst v8  }
0x2d: {  	v8 =	vld [tilespmem:s29+$0x0];
	[tilespmem:s28+$0x6420] =	vst v9  }
0x2e: {  	v9 =	vld [tilespmem:s29+$0x10];
	[tilespmem:s28+$0x6430] =	vst v11  }
0x2f: {  	v11 =	vld [tilespmem:s29+$0x20];
	[tilespmem:s28+$0x6440] =	vst v12  }
0x30: {  	v12 =	vld [tilespmem:s29+$0x30];
	[tilespmem:s28+$0x6450] =	vst v13  }
0x31: {  	v13 =	vld [tilespmem:s29+$0x40];
	v15 =	vshra.s32 v14, $0x2;
	v14 =	vshll.u32 v14, $0x5;
	[tilespmem:s28+$0x6460] =	vst v10;
	s28 =	smov.u32 s29  }
0x32: {  	v16 =	vshra.s32 v8, $0x2;
	v8 =	vshll.u32 v8, $0x5;
	v10 =	vld [tilespmem:s28+$0x50];
	[tilespmem:s28+$0x6470] =	vst v15;
	v14 =	vand.u32 $0x60, v14  }
0x33: {  	v15 =	vand.u32 $0x60, v8;
	v8 =	vshra.s32 v9, $0x2;
	v9 =	vshll.u32 v9, $0x5;
	v17 =	vld [tilespmem:s28+$0x60];
	[tilespmem:s28+$0x70] =	vst v14  }
0x34: {  	[tilespmem:s28+$0x0] =	vst v15;
	v14 =	vand.u32 $0x60, v9;
	v9 =	vshra.s32 v11, $0x2;
	v11 =	vshll.u32 v11, $0x5  }
0x35: {  	[tilespmem:s28+$0x10] =	vst v14;
	v14 =	vand.u32 $0x60, v11;
	v11 =	vshra.s32 v12, $0x2;
	v12 =	vshll.u32 v12, $0x5  }
0x36: {  	[tilespmem:s28+$0x20] =	vst v14;
	v14 =	vand.u32 $0x60, v12;
	v12 =	vshra.s32 v13, $0x2;
	v13 =	vshll.u32 v13, $0x5  }
.Ltmp2:
0x37: {  	[tilespmem:s28+$0x30] =	vst v14;
	v14 =	vand.u32 $0x60, v13;
	v13 =	vshra.s32 v10, $0x2;
	v10 =	vshll.u32 v10, $0x5;
	(pc) =	sbr.rel @p0 .LBB2_2-.Ltmp2, $4  }
0x38: {  	[tilespmem:s28+$0x40] =	vst v14;
	v14 =	vand.u32 $0x60, v10;
	v10 =	vshra.s32 v17, $0x2;
	v15 =	vshll.u32 v17, $0x5  }
0x39: {  	[tilespmem:s28+$0x50] =	vst v14;
	v14 =	vand.u32 $0x60, v15  }
0x3a: {  	[tilespmem:s28+$0x60] =	vst v14  }
0x3b: {  	s29 =	sshra.s32 s30, $0x2;
	s30 =	sadd.s32 $0x200, s30;
	[tilespmem:s28+$0x6400] =	vst v16  }
0x3c: {  	v14 =	vld [tilespmem:s29+$0x70];
	[tilespmem:s28+$0x6410] =	vst v8  }
0x3d: {  	v15 =	vld [tilespmem:s29+$0x0];
	[tilespmem:s28+$0x6420] =	vst v9  }
0x3e: {  	v8 =	vld [tilespmem:s29+$0x10];
	[tilespmem:s28+$0x6430] =	vst v11  }
0x3f: {  	v43 =	vld [tilespmem:s29+$0x20];
	[tilespmem:s28+$0x6440] =	vst v12  }
0x40: {  	v45 =	vld [tilespmem:s29+$0x40];
	[tilespmem:s28+$0x6450] =	vst v13  }
0x41: {  	[tilespmem:s28+$0x6460] =	vst v10;
	v49 =	vld [tilespmem:s29+$0x60];
	v46 =	vshra.s32 v14, $0x2  }
0x42: {  	v61 =	vshra.s32 v15, $0x2;
	[tilespmem:s29+$0x6470] =	vst v46  }
0x43: {  	v17 =	vshll.u32 v8, $0x5;
	v8 =	vshra.s32 v8, $0x2;
	[tilespmem:s29+$0x6400] =	vst v61  }
0x44: {  	v9 =	vshra.s32 v43, $0x2;
	[tilespmem:s29+$0x6410] =	vst v8  }
0x45: {  	v44 =	vld [tilespmem:s29+$0x30];
	v62 =	vshra.s32 v45, $0x2;
	[tilespmem:s29+$0x6420] =	vst v9  }
0x46: {  	v14 =	vshll.u32 v14, $0x5;
	v63 =	vshra.s32 v49, $0x2;
	[tilespmem:s29+$0x6440] =	vst v62  }
0x47: {  	v16 =	vld [tilespmem:s29+$0x50];
	v47 =	vshll.u32 v15, $0x5;
	v48 =	vand.u32 $0x60, v14;
	[tilespmem:s29+$0x6460] =	vst v63  }
0x48: {  	v10 =	vand.u32 $0x60, v47;
	[tilespmem:s29+$0x70] =	vst v48  }
0x49: {  	v51 =	vshll.u32 v43, $0x5;
	v50 =	vand.u32 $0x60, v17;
	[tilespmem:s29+$0x0] =	vst v10  }
0x4a: {  	v53 =	vshll.u32 v44, $0x5;
	v52 =	vand.u32 $0x60, v51;
	[tilespmem:s29+$0x10] =	vst v50  }
0x4b: {  	v55 =	vshll.u32 v45, $0x5;
	v54 =	vand.u32 $0x60, v53;
	[tilespmem:s29+$0x20] =	vst v52  }
0x4c: {  	v57 =	vshll.u32 v16, $0x5;
	v56 =	vand.u32 $0x60, v55;
	[tilespmem:s29+$0x30] =	vst v54  }
0x4d: {  	v59 =	vshll.u32 v49, $0x5;
	v58 =	vand.u32 $0x60, v57;
	[tilespmem:s29+$0x40] =	vst v56  }
0x4e: {  	v60 =	vand.u32 $0x60, v59;
	[tilespmem:s29+$0x50] =	vst v58  }
0x4f: {  	v8 =	vshra.s32 v44, $0x2;
	[tilespmem:s29+$0x60] =	vst v60  }
.Ltmp3:
0x50: {  	[tilespmem:s29+$0x6430] =	vst v8;
	v8 =	vshra.s32 v16, $0x2;
	(pc) =	sbr.rel .LBB2_4-.Ltmp3, $4  }
0x51: {  	s0 =	simm.s32 $0x80;
	s2 =	simm.s32 $0x6400;
	[tilespmem:s29+$0x6450] =	vst v8  }
0x52: {  	[tilespmem:s13], [sflag:$0x1] =	stream.indirect.gather [hbm4b:s5+s0], $0x80, s2, s0, $0xb8;
	[tilespmem:$0x1B800] =	vst v63  }
0x53: {  	s31 =	simm.s32 $0x6480;
	s28 =	simm.s32 $0x0  }
0x54: {  	[tilespmem:s15], [sflag:$0x2] =	stream.indirect.gather [hbm4b:s5+s0], $0x80, s31, s0, $0xb8;
	[tilespmem:$0x1B800] =	vst v63  }
.LBB2_57:
0x55: {  	s28 =	sadd.s32 $0x1, s28  }
0x56: {  	p0 =	sne.s32 s28, $0xC8  }
.Ltmp4:
0x57: {  	_ = 	snop;
	(pc) =	sbr.rel @!p0 .LBB2_58-.Ltmp4, $1  }
0x58: {  	_ =	sdelay $0x3  }
.LBB2_4:
0x59: {  	s0 =	smul.u32 $0xAB, s28;
	_ =	sdelay $0x1  }
0x5a: {  	s0 =	sshrl.u32 s0, $0x9  }
0x5b: {  	s0 =	sand.u32 $0x7F, s0  }
0x5c: {  	s0 =	smul.u32 $0x3, s0;
	_ =	sdelay $0x1  }
0x5d: {  	s0 =	ssub.s32 s28, s0  }
0x5e: {  	s29 =	sand.u32 $0xFF, s0  }
0x5f: {  	p1 =	seq.s32 s29, $0x2  }
.Ltmp5:
0x60: {  	_ = 	snop;
	(pc) =	sbr.rel @p1 .LBB2_40-.Ltmp5, $2  }
0x61: {  	_ =	sdelay $0x2  }
0x62: {  	p0 =	sgt.u32 s28, $0xC5;
	s0 =	sshll.u32 s28, $0x9  }
0x63: {  	p2 =	seq.s32 s29, $0x1  }
.Ltmp6:
0x64: {  	_ = 	snop;
	(pc) =	sbr.rel @!p2 .LBB2_6-.Ltmp6, $2  }
0x65: {  	_ =	sdelay $0x2  }
0x66: {  	s29 =	sshrl.u32 @!p0 s0, $0x2;
	p1 =	slt.u32 @!p0 s28, $0x3  }
0x67: {  	_ =	swait.ge [sflag:s22], $0x4000  }
0x68: {  	s2 =	sadd.s32 @!p0 $0x6500, s29;
	[sflag:s22] =	ssyncset.done $0x0  }
0x69: {  	s3 =	simm.s32 @!p0 $0x80;
	s11 =	simm.s32 @!p0 $0xC800;
	[sflag:s22] =	ssyncadd.s32 $0xFFFFC000  }
0x6a: {  	[tilespmem:s11], [sflag:$0x1] =	stream.indirect.gather @!p0 [hbm4b:s5+s3], $0x80, s2, s3, $0xb8;
	[tilespmem:$0x1B800] =	vst v63  }
0x6b: {  	p0 =	por p0, !p1  }
0x6c: {  	_ =	swait.ge @p0 [sflag:s21], $0x1000  }
0x6d: {  	[sflag:s21] =	ssyncset.done @p0 $0x0  }
0x6e: {  	s29 =	sshrl.u32 s0, $0x2;
	[sflag:s21] =	ssyncadd.s32 @p0 $0xFFFFF000  }
0x6f: {  	v8 =	vld [tilespmem:s29+$0x0];
	_ =	sdelay $0x3  }
0x70: {  	s2 =	simm.s32 $0x0  }
0x71: {  	s3 =	simm.s32 $0x6;
	v9 =	vadd.s32 s2, v8  }
0x72: {  	s11 =	simm.s32 $0x7;
	v10 =	vadd.s32 s3, v8;
	v9 =	vadd.s32 v0, v9  }
0x73: {  	s14 =	simm.s32 $0x5;
	v11 =	vadd.s32 s11, v8;
	v10 =	vadd.s32 v0, v10  }
0x74: {  	s12 =	simm.s32 $0x4;
	v13 =	vadd.s32 s14, v8;
	v11 =	vadd.s32 v0, v11  }
0x75: {  	v12 =	vadd.s32 s12, v8;
	s11 =	simm.s32 $0x3;
	v13 =	vadd.s32 v0, v13  }
0x76: {  	s3 =	simm.s32 $0x1;
	v12 =	vadd.s32 v0, v12;
	v15 =	vadd.s32 s11, v8  }
0x77: {  	s12 =	simm.s32 $0x2;
	v14 =	vadd.s32 s3, v8;
	v15 =	vadd.s32 v0, v15;
	v16 =	vld.idx.msk [tilespmem:v9+s15+$0x0], $0xffff  }
0x78: {  	s11 =	simm.s32 $0xF;
	v14 =	vadd.s32 v0, v14;
	v9 =	vadd.s32 s12, v8;
	v19 =	vld.idx.msk [tilespmem:v10+s15+$0x0], $0xffff  }
0x79: {  	s14 =	simm.s32 $0x8;
	v18 =	vadd.s32 s11, v8;
	v23 =	vld.idx.msk [tilespmem:v11+s15+$0x0], $0xffff;
	v22 =	vadd.s32 v0, v9  }
0x7a: {  	s3 =	simm.s32 $0xE;
	v20 =	vadd.s32 v0, v18;
	v10 =	vadd.s32 s14, v8;
	s12 =	simm.s32 $0xC;
	v11 =	vld.idx.msk [tilespmem:v13+s15+$0x0], $0xffff  }
0x7b: {  	s30 =	simm.s32 $0x19A00;
	s11 =	simm.s32 $0x9;
	s14 =	simm.s32 $0xD;
	v9 =	vld.idx.msk [tilespmem:v12+s15+$0x0], $0xffff;
	v10 =	vadd.s32 v0, v10;
	v12 =	vadd.s32 s3, v8;
	v13 =	vadd.s32 s12, v8  }
0x7c: {  	s12 =	simm.s32 $0xB;
	v18 =	vld.idx.msk [tilespmem:v15+s15+$0x0], $0xffff;
	v15 =	vadd.s32 s11, v8;
	v17 =	vadd.s32 v0, v12;
	v12 =	vadd.s32 s14, v8;
	[tilespmem:s30+$0xFFFFFE00] =	vst v16  }
0x7d: {  	v14 =	vld.idx.msk [tilespmem:v14+s15+$0x0], $0xffff;
	v13 =	vadd.s32 v0, v13;
	s14 =	simm.s32 $0xA;
	v24 =	vadd.s32 s12, v8;
	v15 =	vadd.s32 v0, v15;
	[tilespmem:s30+$0x100] =	vst v19  }
0x7e: {  	s0 =	simm.s32 $0x10;
	s31 =	simm.s32 $0x19A00;
	v21 =	vadd.s32 s14, v8;
	v16 =	vadd.s32 v0, v12;
	v12 =	vadd.s32 v0, v24;
	[tilespmem:s30+$0x180] =	vst v23;
	v19 =	vld.idx.msk [tilespmem:v22+s15+$0x0], $0xffff  }
.LBB2_24:
0x7f: {  	p0 =	slt.u32 s0, $0x18  }
0x80: {  	v22 =	vld.idx.msk [tilespmem:v10+s15+$0x0], $0xffff;
	[tilespmem:s30+$0x0] =	vst v9;
	s31 =	sadd.s32 $0x400, s31;
	s2 =	smov.u32 s0;
	s0 =	sadd.s32 $0x8, s0  }
0x81: {  	v23 =	vadd.s32 v0, v21;
	v24 =	vld.idx.msk [tilespmem:v17+s15+$0x0], $0xffff;
	[tilespmem:s30+$0x80] =	vst v11  }
0x82: {  	v25 =	vld.idx.msk [tilespmem:v20+s15+$0x0], $0xffff;
	[tilespmem:s30+$0xFFFFFE80] =	vst v14  }
0x83: {  	v10 =	vadd.s32 s2, v8;
	s3 =	sadd.s32 $0x6, s2;
	s11 =	sadd.s32 $0x7, s2;
	v9 =	vld.idx.msk [tilespmem:v13+s15+$0x0], $0xffff;
	[tilespmem:s30+$0xFFFFFF80] =	vst v18  }
.Ltmp7:
0x84: {  	s12 =	sadd.s32 $0x4, s2;
	s14 =	sadd.s32 $0x5, s2;
	v10 =	vadd.s32 v0, v10;
	v13 =	vadd.s32 s3, v8;
	v18 =	vadd.s32 s11, v8;
	v11 =	vld.idx.msk [tilespmem:v16+s15+$0x0], $0xffff;
	[tilespmem:s30+$0xFFFFFF00] =	vst v19;
	(pc) =	sbr.rel @p0 .LBB2_24-.Ltmp7, $4  }
0x85: {  	s3 =	sadd.s32 $0x1, s2;
	s11 =	sadd.s32 $0x2, s2;
	s2 =	sadd.s32 $0x3, s2;
	v16 =	vadd.s32 s12, v8;
	v19 =	vadd.s32 s14, v8;
	v17 =	vadd.s32 v0, v13;
	v14 =	vld.idx.msk [tilespmem:v15+s15+$0x0], $0xffff  }
0x86: {  	v21 =	vadd.s32 s11, v8;
	v20 =	vadd.s32 v0, v18;
	s30 =	smov.u32 s31;
	v13 =	vadd.s32 v0, v16;
	[tilespmem:s31+$0xFFFFFE00] =	vst v22;
	v18 =	vld.idx.msk [tilespmem:v12+s15+$0x0], $0xffff  }
0x87: {  	v16 =	vadd.s32 v0, v19;
	v12 =	vadd.s32 s3, v8;
	v22 =	vadd.s32 s2, v8;
	v19 =	vld.idx.msk [tilespmem:v23+s15+$0x0], $0xffff;
	[tilespmem:s31+$0x100] =	vst v24  }
0x88: {  	v15 =	vadd.s32 v0, v12;
	v12 =	vadd.s32 v0, v22;
	[tilespmem:s31+$0x180] =	vst v25  }
0x89: {  	_ =	sdelay $0x3  }
0x8a: {  	v8 =	vld.idx.msk [tilespmem:v10+s15+$0x0], $0xffff;
	[tilespmem:s30+$0x0] =	vst v9  }
0x8b: {  	v9 =	vld.idx.msk [tilespmem:v17+s15+$0x0], $0xffff;
	[tilespmem:s30+$0x80] =	vst v11  }
0x8c: {  	v10 =	vadd.s32 v0, v21;
	v11 =	vld.idx.msk [tilespmem:v20+s15+$0x0], $0xffff;
	[tilespmem:s30+$0xFFFFFE80] =	vst v14  }
0x8d: {  	v13 =	vld.idx.msk [tilespmem:v13+s15+$0x0], $0xffff;
	[tilespmem:s30+$0xFFFFFF80] =	vst v18  }
0x8e: {  	s0 =	sadd.s32 $0x400, s31;
	v15 =	vld.idx.msk [tilespmem:v15+s15+$0x0], $0xffff;
	[tilespmem:s30+$0xFFFFFF00] =	vst v19  }
0x8f: {  	v14 =	vld.idx.msk [tilespmem:v16+s15+$0x0], $0xffff;
	[tilespmem:s0+$0xFFFFFE00] =	vst v8  }
0x90: {  	v8 =	vld.idx.msk [tilespmem:v12+s15+$0x0], $0xffff;
	[tilespmem:s0+$0x100] =	vst v9  }
0x91: {  	v9 =	vld.idx.msk [tilespmem:v10+s15+$0x0], $0xffff;
	[tilespmem:s0+$0x180] =	vst v11  }
0x92: {  	[tilespmem:s0+$0x0] =	vst v13  }
0x93: {  	[tilespmem:s0+$0xFFFFFE80] =	vst v15  }
0x94: {  	[tilespmem:s0+$0x80] =	vst v14  }
0x95: {  	[tilespmem:s0+$0xFFFFFF80] =	vst v8  }
0x96: {  	[tilespmem:s0+$0xFFFFFF00] =	vst v9  }
0x97: {  	v8 =	vld [tilespmem:s29+$0x10];
	_ =	sdelay $0x3  }
0x98: {  	s12 =	simm.s32 $0x0  }
0x99: {  	s14 =	simm.s32 $0x6;
	v9 =	vadd.s32 s12, v8  }
0x9a: {  	s2 =	simm.s32 $0x7;
	v10 =	vadd.s32 s14, v8;
	v9 =	vadd.s32 v1, v9  }
0x9b: {  	s11 =	simm.s32 $0x5;
	v11 =	vadd.s32 s2, v8;
	v10 =	vadd.s32 v1, v10  }
0x9c: {  	s3 =	simm.s32 $0x4;
	v13 =	vadd.s32 s11, v8;
	v11 =	vadd.s32 v1, v11  }
0x9d: {  	v12 =	vadd.s32 s3, v8;
	s14 =	simm.s32 $0x3;
	v13 =	vadd.s32 v1, v13  }
0x9e: {  	s12 =	simm.s32 $0x1;
	v12 =	vadd.s32 v1, v12;
	v15 =	vadd.s32 s14, v8  }
0x9f: {  	s3 =	simm.s32 $0x2;
	v14 =	vadd.s32 s12, v8;
	v15 =	vadd.s32 v1, v15;
	v16 =	vld.idx.msk [tilespmem:v9+s15+$0x0], $0xffff  }
0xa0: {  	s14 =	simm.s32 $0xF;
	v14 =	vadd.s32 v1, v14;
	v9 =	vadd.s32 s3, v8;
	v19 =	vld.idx.msk [tilespmem:v10+s15+$0x0], $0xffff  }
0xa1: {  	s11 =	simm.s32 $0x8;
	v18 =	vadd.s32 s14, v8;
	v23 =	vld.idx.msk [tilespmem:v11+s15+$0x0], $0xffff;
	v22 =	vadd.s32 v1, v9  }
0xa2: {  	s12 =	simm.s32 $0xE;
	s14 =	simm.s32 $0xB;
	v20 =	vadd.s32 v1, v18;
	v10 =	vadd.s32 s11, v8;
	v11 =	vld.idx.msk [tilespmem:v13+s15+$0x0], $0xffff  }
0xa3: {  	s30 =	simm.s32 $0x19A10;
	v24 =	vadd.s32 s14, v8;
	s3 =	simm.s32 $0xC;
	v9 =	vld.idx.msk [tilespmem:v12+s15+$0x0], $0xffff;
	v10 =	vadd.s32 v1, v10;
	v12 =	vadd.s32 s12, v8;
	s12 =	simm.s32 $0x9  }
0xa4: {  	s11 =	simm.s32 $0xD;
	v13 =	vadd.s32 s3, v8;
	v18 =	vld.idx.msk [tilespmem:v15+s15+$0x0], $0xffff;
	v17 =	vadd.s32 v1, v12;
	v15 =	vadd.s32 s12, v8;
	[tilespmem:s30+$0xFFFFFE00] =	vst v16  }
0xa5: {  	v14 =	vld.idx.msk [tilespmem:v14+s15+$0x0], $0xffff;
	v12 =	vadd.s32 s11, v8;
	v13 =	vadd.s32 v1, v13;
	s11 =	simm.s32 $0xA;
	v15 =	vadd.s32 v1, v15;
	[tilespmem:s30+$0x100] =	vst v19  }
0xa6: {  	s31 =	simm.s32 $0x19A10;
	s0 =	simm.s32 $0x10;
	v21 =	vadd.s32 s11, v8;
	v16 =	vadd.s32 v1, v12;
	v12 =	vadd.s32 v1, v24;
	[tilespmem:s30+$0x180] =	vst v23;
	v19 =	vld.idx.msk [tilespmem:v22+s15+$0x0], $0xffff  }
.LBB2_26:
0xa7: {  	p0 =	slt.u32 s0, $0x18  }
0xa8: {  	v22 =	vld.idx.msk [tilespmem:v10+s15+$0x0], $0xffff;
	[tilespmem:s30+$0x0] =	vst v9;
	s31 =	sadd.s32 $0x400, s31;
	s2 =	smov.u32 s0;
	s0 =	sadd.s32 $0x8, s0  }
0xa9: {  	v23 =	vadd.s32 v1, v21;
	v24 =	vld.idx.msk [tilespmem:v17+s15+$0x0], $0xffff;
	[tilespmem:s30+$0x80] =	vst v11  }
0xaa: {  	v25 =	vld.idx.msk [tilespmem:v20+s15+$0x0], $0xffff;
	[tilespmem:s30+$0xFFFFFE80] =	vst v14  }
0xab: {  	v10 =	vadd.s32 s2, v8;
	s3 =	sadd.s32 $0x6, s2;
	s11 =	sadd.s32 $0x7, s2;
	v9 =	vld.idx.msk [tilespmem:v13+s15+$0x0], $0xffff;
	[tilespmem:s30+$0xFFFFFF80] =	vst v18  }
.Ltmp8:
0xac: {  	s12 =	sadd.s32 $0x4, s2;
	s14 =	sadd.s32 $0x5, s2;
	v10 =	vadd.s32 v1, v10;
	v13 =	vadd.s32 s3, v8;
	v18 =	vadd.s32 s11, v8;
	v11 =	vld.idx.msk [tilespmem:v16+s15+$0x0], $0xffff;
	[tilespmem:s30+$0xFFFFFF00] =	vst v19;
	(pc) =	sbr.rel @p0 .LBB2_26-.Ltmp8, $4  }
0xad: {  	s3 =	sadd.s32 $0x1, s2;
	s11 =	sadd.s32 $0x2, s2;
	s2 =	sadd.s32 $0x3, s2;
	v16 =	vadd.s32 s12, v8;
	v19 =	vadd.s32 s14, v8;
	v17 =	vadd.s32 v1, v13;
	v14 =	vld.idx.msk [tilespmem:v15+s15+$0x0], $0xffff  }
0xae: {  	v21 =	vadd.s32 s11, v8;
	v20 =	vadd.s32 v1, v18;
	s30 =	smov.u32 s31;
	v13 =	vadd.s32 v1, v16;
	[tilespmem:s31+$0xFFFFFE00] =	vst v22;
	v18 =	vld.idx.msk [tilespmem:v12+s15+$0x0], $0xffff  }
0xaf: {  	v16 =	vadd.s32 v1, v19;
	v12 =	vadd.s32 s3, v8;
	v22 =	vadd.s32 s2, v8;
	v19 =	vld.idx.msk [tilespmem:v23+s15+$0x0], $0xffff;
	[tilespmem:s31+$0x100] =	vst v24  }
0xb0: {  	v15 =	vadd.s32 v1, v12;
	v12 =	vadd.s32 v1, v22;
	[tilespmem:s31+$0x180] =	vst v25  }
0xb1: {  	_ =	sdelay $0x3  }
0xb2: {  	v8 =	vld.idx.msk [tilespmem:v10+s15+$0x0], $0xffff;
	[tilespmem:s30+$0x0] =	vst v9  }
0xb3: {  	v9 =	vld.idx.msk [tilespmem:v17+s15+$0x0], $0xffff;
	[tilespmem:s30+$0x80] =	vst v11  }
0xb4: {  	v10 =	vadd.s32 v1, v21;
	v11 =	vld.idx.msk [tilespmem:v20+s15+$0x0], $0xffff;
	[tilespmem:s30+$0xFFFFFE80] =	vst v14  }
0xb5: {  	v13 =	vld.idx.msk [tilespmem:v13+s15+$0x0], $0xffff;
	[tilespmem:s30+$0xFFFFFF80] =	vst v18  }
0xb6: {  	s0 =	sadd.s32 $0x400, s31;
	v15 =	vld.idx.msk [tilespmem:v15+s15+$0x0], $0xffff;
	[tilespmem:s30+$0xFFFFFF00] =	vst v19  }
0xb7: {  	v14 =	vld.idx.msk [tilespmem:v16+s15+$0x0], $0xffff;
	[tilespmem:s0+$0xFFFFFE00] =	vst v8  }
0xb8: {  	v8 =	vld.idx.msk [tilespmem:v12+s15+$0x0], $0xffff;
	[tilespmem:s0+$0x100] =	vst v9  }
0xb9: {  	v9 =	vld.idx.msk [tilespmem:v10+s15+$0x0], $0xffff;
	[tilespmem:s0+$0x180] =	vst v11  }
0xba: {  	[tilespmem:s0+$0x0] =	vst v13  }
0xbb: {  	[tilespmem:s0+$0xFFFFFE80] =	vst v15  }
0xbc: {  	[tilespmem:s0+$0x80] =	vst v14  }
0xbd: {  	[tilespmem:s0+$0xFFFFFF80] =	vst v8  }
0xbe: {  	[tilespmem:s0+$0xFFFFFF00] =	vst v9  }
0xbf: {  	v8 =	vld [tilespmem:s29+$0x20];
	_ =	sdelay $0x3  }
0xc0: {  	s12 =	simm.s32 $0x0  }
0xc1: {  	s14 =	simm.s32 $0x6;
	v9 =	vadd.s32 s12, v8  }
0xc2: {  	s2 =	simm.s32 $0x7;
	v10 =	vadd.s32 s14, v8;
	v9 =	vadd.s32 v2, v9  }
0xc3: {  	s11 =	simm.s32 $0x5;
	v11 =	vadd.s32 s2, v8;
	v10 =	vadd.s32 v2, v10  }
0xc4: {  	s3 =	simm.s32 $0x4;
	v13 =	vadd.s32 s11, v8;
	v11 =	vadd.s32 v2, v11  }
0xc5: {  	v12 =	vadd.s32 s3, v8;
	s14 =	simm.s32 $0x3;
	v13 =	vadd.s32 v2, v13  }
0xc6: {  	s12 =	simm.s32 $0x1;
	v12 =	vadd.s32 v2, v12;
	v15 =	vadd.s32 s14, v8  }
0xc7: {  	s3 =	simm.s32 $0x2;
	v14 =	vadd.s32 s12, v8;
	v15 =	vadd.s32 v2, v15;
	v16 =	vld.idx.msk [tilespmem:v9+s15+$0x0], $0xffff  }
0xc8: {  	s14 =	simm.s32 $0xF;
	v14 =	vadd.s32 v2, v14;
	v9 =	vadd.s32 s3, v8;
	v19 =	vld.idx.msk [tilespmem:v10+s15+$0x0], $0xffff  }
0xc9: {  	s11 =	simm.s32 $0x8;
	v18 =	vadd.s32 s14, v8;
	v23 =	vld.idx.msk [tilespmem:v11+s15+$0x0], $0xffff;
	v22 =	vadd.s32 v2, v9  }
0xca: {  	s12 =	simm.s32 $0xE;
	s14 =	simm.s32 $0xB;
	v20 =	vadd.s32 v2, v18;
	v10 =	vadd.s32 s11, v8;
	v11 =	vld.idx.msk [tilespmem:v13+s15+$0x0], $0xffff  }
0xcb: {  	s30 =	simm.s32 $0x19A20;
	v24 =	vadd.s32 s14, v8;
	s3 =	simm.s32 $0xC;
	v9 =	vld.idx.msk [tilespmem:v12+s15+$0x0], $0xffff;
	v10 =	vadd.s32 v2, v10;
	v12 =	vadd.s32 s12, v8;
	s12 =	simm.s32 $0x9  }
0xcc: {  	s11 =	simm.s32 $0xD;
	v13 =	vadd.s32 s3, v8;
	v18 =	vld.idx.msk [tilespmem:v15+s15+$0x0], $0xffff;
	v17 =	vadd.s32 v2, v12;
	v15 =	vadd.s32 s12, v8;
	[tilespmem:s30+$0xFFFFFE00] =	vst v16  }
0xcd: {  	v14 =	vld.idx.msk [tilespmem:v14+s15+$0x0], $0xffff;
	v12 =	vadd.s32 s11, v8;
	v13 =	vadd.s32 v2, v13;
	s11 =	simm.s32 $0xA;
	v15 =	vadd.s32 v2, v15;
	[tilespmem:s30+$0x100] =	vst v19  }
0xce: {  	s31 =	simm.s32 $0x19A20;
	s0 =	simm.s32 $0x10;
	v21 =	vadd.s32 s11, v8;
	v16 =	vadd.s32 v2, v12;
	v12 =	vadd.s32 v2, v24;
	[tilespmem:s30+$0x180] =	vst v23;
	v19 =	vld.idx.msk [tilespmem:v22+s15+$0x0], $0xffff  }
.LBB2_28:
0xcf: {  	p0 =	slt.u32 s0, $0x18  }
0xd0: {  	v22 =	vld.idx.msk [tilespmem:v10+s15+$0x0], $0xffff;
	[tilespmem:s30+$0x0] =	vst v9;
	s31 =	sadd.s32 $0x400, s31;
	s2 =	smov.u32 s0;
	s0 =	sadd.s32 $0x8, s0  }
0xd1: {  	v23 =	vadd.s32 v2, v21;
	v24 =	vld.idx.msk [tilespmem:v17+s15+$0x0], $0xffff;
	[tilespmem:s30+$0x80] =	vst v11  }
0xd2: {  	v25 =	vld.idx.msk [tilespmem:v20+s15+$0x0], $0xffff;
	[tilespmem:s30+$0xFFFFFE80] =	vst v14  }
0xd3: {  	v10 =	vadd.s32 s2, v8;
	s3 =	sadd.s32 $0x6, s2;
	s11 =	sadd.s32 $0x7, s2;
	v9 =	vld.idx.msk [tilespmem:v13+s15+$0x0], $0xffff;
	[tilespmem:s30+$0xFFFFFF80] =	vst v18  }
.Ltmp9:
0xd4: {  	s12 =	sadd.s32 $0x4, s2;
	s14 =	sadd.s32 $0x5, s2;
	v10 =	vadd.s32 v2, v10;
	v13 =	vadd.s32 s3, v8;
	v18 =	vadd.s32 s11, v8;
	v11 =	vld.idx.msk [tilespmem:v16+s15+$0x0], $0xffff;
	[tilespmem:s30+$0xFFFFFF00] =	vst v19;
	(pc) =	sbr.rel @p0 .LBB2_28-.Ltmp9, $4  }
0xd5: {  	s3 =	sadd.s32 $0x1, s2;
	s11 =	sadd.s32 $0x2, s2;
	s2 =	sadd.s32 $0x3, s2;
	v16 =	vadd.s32 s12, v8;
	v19 =	vadd.s32 s14, v8;
	v17 =	vadd.s32 v2, v13;
	v14 =	vld.idx.msk [tilespmem:v15+s15+$0x0], $0xffff  }
0xd6: {  	v21 =	vadd.s32 s11, v8;
	v20 =	vadd.s32 v2, v18;
	s30 =	smov.u32 s31;
	v13 =	vadd.s32 v2, v16;
	[tilespmem:s31+$0xFFFFFE00] =	vst v22;
	v18 =	vld.idx.msk [tilespmem:v12+s15+$0x0], $0xffff  }
0xd7: {  	v16 =	vadd.s32 v2, v19;
	v12 =	vadd.s32 s3, v8;
	v22 =	vadd.s32 s2, v8;
	v19 =	vld.idx.msk [tilespmem:v23+s15+$0x0], $0xffff;
	[tilespmem:s31+$0x100] =	vst v24  }
0xd8: {  	v15 =	vadd.s32 v2, v12;
	v12 =	vadd.s32 v2, v22;
	[tilespmem:s31+$0x180] =	vst v25  }
0xd9: {  	_ =	sdelay $0x3  }
0xda: {  	v8 =	vld.idx.msk [tilespmem:v10+s15+$0x0], $0xffff;
	[tilespmem:s30+$0x0] =	vst v9  }
0xdb: {  	v9 =	vld.idx.msk [tilespmem:v17+s15+$0x0], $0xffff;
	[tilespmem:s30+$0x80] =	vst v11  }
0xdc: {  	v10 =	vadd.s32 v2, v21;
	v11 =	vld.idx.msk [tilespmem:v20+s15+$0x0], $0xffff;
	[tilespmem:s30+$0xFFFFFE80] =	vst v14  }
0xdd: {  	v13 =	vld.idx.msk [tilespmem:v13+s15+$0x0], $0xffff;
	[tilespmem:s30+$0xFFFFFF80] =	vst v18  }
0xde: {  	s0 =	sadd.s32 $0x400, s31;
	v15 =	vld.idx.msk [tilespmem:v15+s15+$0x0], $0xffff;
	[tilespmem:s30+$0xFFFFFF00] =	vst v19  }
0xdf: {  	v14 =	vld.idx.msk [tilespmem:v16+s15+$0x0], $0xffff;
	[tilespmem:s0+$0xFFFFFE00] =	vst v8  }
0xe0: {  	v8 =	vld.idx.msk [tilespmem:v12+s15+$0x0], $0xffff;
	[tilespmem:s0+$0x100] =	vst v9  }
0xe1: {  	v9 =	vld.idx.msk [tilespmem:v10+s15+$0x0], $0xffff;
	[tilespmem:s0+$0x180] =	vst v11  }
0xe2: {  	[tilespmem:s0+$0x0] =	vst v13  }
0xe3: {  	[tilespmem:s0+$0xFFFFFE80] =	vst v15  }
0xe4: {  	[tilespmem:s0+$0x80] =	vst v14  }
0xe5: {  	[tilespmem:s0+$0xFFFFFF80] =	vst v8  }
0xe6: {  	[tilespmem:s0+$0xFFFFFF00] =	vst v9  }
0xe7: {  	v8 =	vld [tilespmem:s29+$0x30];
	_ =	sdelay $0x3  }
0xe8: {  	s12 =	simm.s32 $0x0  }
0xe9: {  	s14 =	simm.s32 $0x6;
	v9 =	vadd.s32 s12, v8  }
0xea: {  	s2 =	simm.s32 $0x7;
	v10 =	vadd.s32 s14, v8;
	v9 =	vadd.s32 v3, v9  }
0xeb: {  	s11 =	simm.s32 $0x5;
	v11 =	vadd.s32 s2, v8;
	v10 =	vadd.s32 v3, v10  }
0xec: {  	s3 =	simm.s32 $0x4;
	v13 =	vadd.s32 s11, v8;
	v11 =	vadd.s32 v3, v11  }
0xed: {  	v12 =	vadd.s32 s3, v8;
	s14 =	simm.s32 $0x3;
	v13 =	vadd.s32 v3, v13  }
0xee: {  	s12 =	simm.s32 $0x1;
	v12 =	vadd.s32 v3, v12;
	v15 =	vadd.s32 s14, v8  }
0xef: {  	s3 =	simm.s32 $0x2;
	v14 =	vadd.s32 s12, v8;
	v15 =	vadd.s32 v3, v15;
	v16 =	vld.idx.msk [tilespmem:v9+s15+$0x0], $0xffff  }
0xf0: {  	s14 =	simm.s32 $0xF;
	v14 =	vadd.s32 v3, v14;
	v9 =	vadd.s32 s3, v8;
	v19 =	vld.idx.msk [tilespmem:v10+s15+$0x0], $0xffff  }
0xf1: {  	s11 =	simm.s32 $0x8;
	v18 =	vadd.s32 s14, v8;
	v23 =	vld.idx.msk [tilespmem:v11+s15+$0x0], $0xffff;
	v22 =	vadd.s32 v3, v9  }
0xf2: {  	s12 =	simm.s32 $0xE;
	s14 =	simm.s32 $0xB;
	v20 =	vadd.s32 v3, v18;
	v10 =	vadd.s32 s11, v8;
	v11 =	vld.idx.msk [tilespmem:v13+s15+$0x0], $0xffff  }
0xf3: {  	s30 =	simm.s32 $0x19A30;
	v24 =	vadd.s32 s14, v8;
	s3 =	simm.s32 $0xC;
	v9 =	vld.idx.msk [tilespmem:v12+s15+$0x0], $0xffff;
	v10 =	vadd.s32 v3, v10;
	v12 =	vadd.s32 s12, v8;
	s12 =	simm.s32 $0x9  }
0xf4: {  	s11 =	simm.s32 $0xD;
	v13 =	vadd.s32 s3, v8;
	v18 =	vld.idx.msk [tilespmem:v15+s15+$0x0], $0xffff;
	v17 =	vadd.s32 v3, v12;
	v15 =	vadd.s32 s12, v8;
	[tilespmem:s30+$0xFFFFFE00] =	vst v16  }
0xf5: {  	v14 =	vld.idx.msk [tilespmem:v14+s15+$0x0], $0xffff;
	v12 =	vadd.s32 s11, v8;
	v13 =	vadd.s32 v3, v13;
	s11 =	simm.s32 $0xA;
	v15 =	vadd.s32 v3, v15;
	[tilespmem:s30+$0x100] =	vst v19  }
0xf6: {  	s31 =	simm.s32 $0x19A30;
	s0 =	simm.s32 $0x10;
	v21 =	vadd.s32 s11, v8;
	v16 =	vadd.s32 v3, v12;
	v12 =	vadd.s32 v3, v24;
	[tilespmem:s30+$0x180] =	vst v23;
	v19 =	vld.idx.msk [tilespmem:v22+s15+$0x0], $0xffff  }
.LBB2_30:
0xf7: {  	p0 =	slt.u32 s0, $0x18  }
0xf8: {  	v22 =	vld.idx.msk [tilespmem:v10+s15+$0x0], $0xffff;
	[tilespmem:s30+$0x0] =	vst v9;
	s31 =	sadd.s32 $0x400, s31;
	s2 =	smov.u32 s0;
	s0 =	sadd.s32 $0x8, s0  }
0xf9: {  	v23 =	vadd.s32 v3, v21;
	v24 =	vld.idx.msk [tilespmem:v17+s15+$0x0], $0xffff;
	[tilespmem:s30+$0x80] =	vst v11  }
0xfa: {  	v25 =	vld.idx.msk [tilespmem:v20+s15+$0x0], $0xffff;
	[tilespmem:s30+$0xFFFFFE80] =	vst v14  }
0xfb: {  	v10 =	vadd.s32 s2, v8;
	s3 =	sadd.s32 $0x6, s2;
	s11 =	sadd.s32 $0x7, s2;
	v9 =	vld.idx.msk [tilespmem:v13+s15+$0x0], $0xffff;
	[tilespmem:s30+$0xFFFFFF80] =	vst v18  }
.Ltmp10:
0xfc: {  	s12 =	sadd.s32 $0x4, s2;
	s14 =	sadd.s32 $0x5, s2;
	v10 =	vadd.s32 v3, v10;
	v13 =	vadd.s32 s3, v8;
	v18 =	vadd.s32 s11, v8;
	v11 =	vld.idx.msk [tilespmem:v16+s15+$0x0], $0xffff;
	[tilespmem:s30+$0xFFFFFF00] =	vst v19;
	(pc) =	sbr.rel @p0 .LBB2_30-.Ltmp10, $4  }
0xfd: {  	s3 =	sadd.s32 $0x1, s2;
	s11 =	sadd.s32 $0x2, s2;
	s2 =	sadd.s32 $0x3, s2;
	v16 =	vadd.s32 s12, v8;
	v19 =	vadd.s32 s14, v8;
	v17 =	vadd.s32 v3, v13;
	v14 =	vld.idx.msk [tilespmem:v15+s15+$0x0], $0xffff  }
0xfe: {  	v21 =	vadd.s32 s11, v8;
	v20 =	vadd.s32 v3, v18;
	s30 =	smov.u32 s31;
	v13 =	vadd.s32 v3, v16;
	[tilespmem:s31+$0xFFFFFE00] =	vst v22;
	v18 =	vld.idx.msk [tilespmem:v12+s15+$0x0], $0xffff  }
0xff: {  	v16 =	vadd.s32 v3, v19;
	v12 =	vadd.s32 s3, v8;
	v22 =	vadd.s32 s2, v8;
	v19 =	vld.idx.msk [tilespmem:v23+s15+$0x0], $0xffff;
	[tilespmem:s31+$0x100] =	vst v24  }
0x100: {  	v15 =	vadd.s32 v3, v12;
	v12 =	vadd.s32 v3, v22;
	[tilespmem:s31+$0x180] =	vst v25  }
0x101: {  	_ =	sdelay $0x3  }
0x102: {  	v8 =	vld.idx.msk [tilespmem:v10+s15+$0x0], $0xffff;
	[tilespmem:s30+$0x0] =	vst v9  }
0x103: {  	v9 =	vld.idx.msk [tilespmem:v17+s15+$0x0], $0xffff;
	[tilespmem:s30+$0x80] =	vst v11  }
0x104: {  	v10 =	vadd.s32 v3, v21;
	v11 =	vld.idx.msk [tilespmem:v20+s15+$0x0], $0xffff;
	[tilespmem:s30+$0xFFFFFE80] =	vst v14  }
0x105: {  	v13 =	vld.idx.msk [tilespmem:v13+s15+$0x0], $0xffff;
	[tilespmem:s30+$0xFFFFFF80] =	vst v18  }
0x106: {  	s0 =	sadd.s32 $0x400, s31;
	v15 =	vld.idx.msk [tilespmem:v15+s15+$0x0], $0xffff;
	[tilespmem:s30+$0xFFFFFF00] =	vst v19  }
0x107: {  	v14 =	vld.idx.msk [tilespmem:v16+s15+$0x0], $0xffff;
	[tilespmem:s0+$0xFFFFFE00] =	vst v8  }
0x108: {  	v8 =	vld.idx.msk [tilespmem:v12+s15+$0x0], $0xffff;
	[tilespmem:s0+$0x100] =	vst v9  }
0x109: {  	v9 =	vld.idx.msk [tilespmem:v10+s15+$0x0], $0xffff;
	[tilespmem:s0+$0x180] =	vst v11  }
0x10a: {  	[tilespmem:s0+$0x0] =	vst v13  }
0x10b: {  	[tilespmem:s0+$0xFFFFFE80] =	vst v15  }
0x10c: {  	[tilespmem:s0+$0x80] =	vst v14  }
0x10d: {  	[tilespmem:s0+$0xFFFFFF80] =	vst v8  }
0x10e: {  	[tilespmem:s0+$0xFFFFFF00] =	vst v9  }
0x10f: {  	v8 =	vld [tilespmem:s29+$0x40];
	_ =	sdelay $0x3  }
0x110: {  	s12 =	simm.s32 $0x0  }
0x111: {  	s14 =	simm.s32 $0x6;
	v9 =	vadd.s32 s12, v8  }
0x112: {  	s2 =	simm.s32 $0x7;
	v10 =	vadd.s32 s14, v8;
	v9 =	vadd.s32 v4, v9  }
0x113: {  	s11 =	simm.s32 $0x5;
	v11 =	vadd.s32 s2, v8;
	v10 =	vadd.s32 v4, v10  }
0x114: {  	s3 =	simm.s32 $0x4;
	v13 =	vadd.s32 s11, v8;
	v11 =	vadd.s32 v4, v11  }
0x115: {  	v12 =	vadd.s32 s3, v8;
	s14 =	simm.s32 $0x3;
	v13 =	vadd.s32 v4, v13  }
0x116: {  	s12 =	simm.s32 $0x1;
	v12 =	vadd.s32 v4, v12;
	v15 =	vadd.s32 s14, v8  }
0x117: {  	s3 =	simm.s32 $0x2;
	v14 =	vadd.s32 s12, v8;
	v15 =	vadd.s32 v4, v15;
	v16 =	vld.idx.msk [tilespmem:v9+s15+$0x0], $0xffff  }
0x118: {  	s14 =	simm.s32 $0xF;
	v14 =	vadd.s32 v4, v14;
	v9 =	vadd.s32 s3, v8;
	v19 =	vld.idx.msk [tilespmem:v10+s15+$0x0], $0xffff  }
0x119: {  	s11 =	simm.s32 $0x8;
	v18 =	vadd.s32 s14, v8;
	v23 =	vld.idx.msk [tilespmem:v11+s15+$0x0], $0xffff;
	v22 =	vadd.s32 v4, v9  }
0x11a: {  	s12 =	simm.s32 $0xE;
	s14 =	simm.s32 $0xB;
	v20 =	vadd.s32 v4, v18;
	v10 =	vadd.s32 s11, v8;
	v11 =	vld.idx.msk [tilespmem:v13+s15+$0x0], $0xffff  }
0x11b: {  	s30 =	simm.s32 $0x19A40;
	v24 =	vadd.s32 s14, v8;
	s3 =	simm.s32 $0xC;
	v9 =	vld.idx.msk [tilespmem:v12+s15+$0x0], $0xffff;
	v10 =	vadd.s32 v4, v10;
	v12 =	vadd.s32 s12, v8;
	s12 =	simm.s32 $0x9  }
0x11c: {  	s11 =	simm.s32 $0xD;
	v13 =	vadd.s32 s3, v8;
	v18 =	vld.idx.msk [tilespmem:v15+s15+$0x0], $0xffff;
	v17 =	vadd.s32 v4, v12;
	v15 =	vadd.s32 s12, v8;
	[tilespmem:s30+$0xFFFFFE00] =	vst v16  }
0x11d: {  	v14 =	vld.idx.msk [tilespmem:v14+s15+$0x0], $0xffff;
	v12 =	vadd.s32 s11, v8;
	v13 =	vadd.s32 v4, v13;
	s11 =	simm.s32 $0xA;
	v15 =	vadd.s32 v4, v15;
	[tilespmem:s30+$0x100] =	vst v19  }
0x11e: {  	s31 =	simm.s32 $0x19A40;
	s0 =	simm.s32 $0x10;
	v21 =	vadd.s32 s11, v8;
	v16 =	vadd.s32 v4, v12;
	v12 =	vadd.s32 v4, v24;
	[tilespmem:s30+$0x180] =	vst v23;
	v19 =	vld.idx.msk [tilespmem:v22+s15+$0x0], $0xffff  }
.LBB2_32:
0x11f: {  	p0 =	slt.u32 s0, $0x18  }
0x120: {  	v22 =	vld.idx.msk [tilespmem:v10+s15+$0x0], $0xffff;
	[tilespmem:s30+$0x0] =	vst v9;
	s31 =	sadd.s32 $0x400, s31;
	s2 =	smov.u32 s0;
	s0 =	sadd.s32 $0x8, s0  }
0x121: {  	v23 =	vadd.s32 v4, v21;
	v24 =	vld.idx.msk [tilespmem:v17+s15+$0x0], $0xffff;
	[tilespmem:s30+$0x80] =	vst v11  }
0x122: {  	v25 =	vld.idx.msk [tilespmem:v20+s15+$0x0], $0xffff;
	[tilespmem:s30+$0xFFFFFE80] =	vst v14  }
0x123: {  	v10 =	vadd.s32 s2, v8;
	s3 =	sadd.s32 $0x6, s2;
	s11 =	sadd.s32 $0x7, s2;
	v9 =	vld.idx.msk [tilespmem:v13+s15+$0x0], $0xffff;
	[tilespmem:s30+$0xFFFFFF80] =	vst v18  }
.Ltmp11:
0x124: {  	s12 =	sadd.s32 $0x4, s2;
	s14 =	sadd.s32 $0x5, s2;
	v10 =	vadd.s32 v4, v10;
	v13 =	vadd.s32 s3, v8;
	v18 =	vadd.s32 s11, v8;
	v11 =	vld.idx.msk [tilespmem:v16+s15+$0x0], $0xffff;
	[tilespmem:s30+$0xFFFFFF00] =	vst v19;
	(pc) =	sbr.rel @p0 .LBB2_32-.Ltmp11, $4  }
0x125: {  	s3 =	sadd.s32 $0x1, s2;
	s11 =	sadd.s32 $0x2, s2;
	s2 =	sadd.s32 $0x3, s2;
	v16 =	vadd.s32 s12, v8;
	v19 =	vadd.s32 s14, v8;
	v17 =	vadd.s32 v4, v13;
	v14 =	vld.idx.msk [tilespmem:v15+s15+$0x0], $0xffff  }
0x126: {  	v21 =	vadd.s32 s11, v8;
	v20 =	vadd.s32 v4, v18;
	s30 =	smov.u32 s31;
	v13 =	vadd.s32 v4, v16;
	[tilespmem:s31+$0xFFFFFE00] =	vst v22;
	v18 =	vld.idx.msk [tilespmem:v12+s15+$0x0], $0xffff  }
0x127: {  	v16 =	vadd.s32 v4, v19;
	v12 =	vadd.s32 s3, v8;
	v22 =	vadd.s32 s2, v8;
	v19 =	vld.idx.msk [tilespmem:v23+s15+$0x0], $0xffff;
	[tilespmem:s31+$0x100] =	vst v24  }
0x128: {  	v15 =	vadd.s32 v4, v12;
	v12 =	vadd.s32 v4, v22;
	[tilespmem:s31+$0x180] =	vst v25  }
0x129: {  	_ =	sdelay $0x3  }
0x12a: {  	v8 =	vld.idx.msk [tilespmem:v10+s15+$0x0], $0xffff;
	[tilespmem:s30+$0x0] =	vst v9  }
0x12b: {  	v9 =	vld.idx.msk [tilespmem:v17+s15+$0x0], $0xffff;
	[tilespmem:s30+$0x80] =	vst v11  }
0x12c: {  	v10 =	vadd.s32 v4, v21;
	v11 =	vld.idx.msk [tilespmem:v20+s15+$0x0], $0xffff;
	[tilespmem:s30+$0xFFFFFE80] =	vst v14  }
0x12d: {  	v13 =	vld.idx.msk [tilespmem:v13+s15+$0x0], $0xffff;
	[tilespmem:s30+$0xFFFFFF80] =	vst v18  }
0x12e: {  	s0 =	sadd.s32 $0x400, s31;
	v15 =	vld.idx.msk [tilespmem:v15+s15+$0x0], $0xffff;
	[tilespmem:s30+$0xFFFFFF00] =	vst v19  }
0x12f: {  	v14 =	vld.idx.msk [tilespmem:v16+s15+$0x0], $0xffff;
	[tilespmem:s0+$0xFFFFFE00] =	vst v8  }
0x130: {  	v8 =	vld.idx.msk [tilespmem:v12+s15+$0x0], $0xffff;
	[tilespmem:s0+$0x100] =	vst v9  }
0x131: {  	v9 =	vld.idx.msk [tilespmem:v10+s15+$0x0], $0xffff;
	[tilespmem:s0+$0x180] =	vst v11  }
0x132: {  	[tilespmem:s0+$0x0] =	vst v13  }
0x133: {  	[tilespmem:s0+$0xFFFFFE80] =	vst v15  }
0x134: {  	[tilespmem:s0+$0x80] =	vst v14  }
0x135: {  	[tilespmem:s0+$0xFFFFFF80] =	vst v8  }
0x136: {  	[tilespmem:s0+$0xFFFFFF00] =	vst v9  }
0x137: {  	v8 =	vld [tilespmem:s29+$0x50];
	_ =	sdelay $0x3  }
0x138: {  	s12 =	simm.s32 $0x0  }
0x139: {  	s14 =	simm.s32 $0x6;
	v9 =	vadd.s32 s12, v8  }
0x13a: {  	s2 =	simm.s32 $0x7;
	v10 =	vadd.s32 s14, v8;
	v9 =	vadd.s32 v5, v9  }
0x13b: {  	s11 =	simm.s32 $0x5;
	v11 =	vadd.s32 s2, v8;
	v10 =	vadd.s32 v5, v10  }
0x13c: {  	s3 =	simm.s32 $0x4;
	v13 =	vadd.s32 s11, v8;
	v11 =	vadd.s32 v5, v11  }
0x13d: {  	v12 =	vadd.s32 s3, v8;
	s14 =	simm.s32 $0x3;
	v13 =	vadd.s32 v5, v13  }
0x13e: {  	s12 =	simm.s32 $0x1;
	v12 =	vadd.s32 v5, v12;
	v15 =	vadd.s32 s14, v8  }
0x13f: {  	s3 =	simm.s32 $0x2;
	v14 =	vadd.s32 s12, v8;
	v15 =	vadd.s32 v5, v15;
	v16 =	vld.idx.msk [tilespmem:v9+s15+$0x0], $0xffff  }
0x140: {  	s14 =	simm.s32 $0xF;
	v14 =	vadd.s32 v5, v14;
	v9 =	vadd.s32 s3, v8;
	v19 =	vld.idx.msk [tilespmem:v10+s15+$0x0], $0xffff  }
0x141: {  	s11 =	simm.s32 $0x8;
	v18 =	vadd.s32 s14, v8;
	v23 =	vld.idx.msk [tilespmem:v11+s15+$0x0], $0xffff;
	v22 =	vadd.s32 v5, v9  }
0x142: {  	s12 =	simm.s32 $0xE;
	s14 =	simm.s32 $0xB;
	v20 =	vadd.s32 v5, v18;
	v10 =	vadd.s32 s11, v8;
	v11 =	vld.idx.msk [tilespmem:v13+s15+$0x0], $0xffff  }
0x143: {  	s30 =	simm.s32 $0x19A50;
	v24 =	vadd.s32 s14, v8;
	s3 =	simm.s32 $0xC;
	v9 =	vld.idx.msk [tilespmem:v12+s15+$0x0], $0xffff;
	v10 =	vadd.s32 v5, v10;
	v12 =	vadd.s32 s12, v8;
	s12 =	simm.s32 $0x9  }
0x144: {  	s11 =	simm.s32 $0xD;
	v13 =	vadd.s32 s3, v8;
	v18 =	vld.idx.msk [tilespmem:v15+s15+$0x0], $0xffff;
	v17 =	vadd.s32 v5, v12;
	v15 =	vadd.s32 s12, v8;
	[tilespmem:s30+$0xFFFFFE00] =	vst v16  }
0x145: {  	v14 =	vld.idx.msk [tilespmem:v14+s15+$0x0], $0xffff;
	v12 =	vadd.s32 s11, v8;
	v13 =	vadd.s32 v5, v13;
	s11 =	simm.s32 $0xA;
	v15 =	vadd.s32 v5, v15;
	[tilespmem:s30+$0x100] =	vst v19  }
0x146: {  	s31 =	simm.s32 $0x19A50;
	s0 =	simm.s32 $0x10;
	v21 =	vadd.s32 s11, v8;
	v16 =	vadd.s32 v5, v12;
	v12 =	vadd.s32 v5, v24;
	[tilespmem:s30+$0x180] =	vst v23;
	v19 =	vld.idx.msk [tilespmem:v22+s15+$0x0], $0xffff  }
.LBB2_34:
0x147: {  	p0 =	slt.u32 s0, $0x18  }
0x148: {  	v22 =	vld.idx.msk [tilespmem:v10+s15+$0x0], $0xffff;
	[tilespmem:s30+$0x0] =	vst v9;
	s31 =	sadd.s32 $0x400, s31;
	s2 =	smov.u32 s0;
	s0 =	sadd.s32 $0x8, s0  }
0x149: {  	v23 =	vadd.s32 v5, v21;
	v24 =	vld.idx.msk [tilespmem:v17+s15+$0x0], $0xffff;
	[tilespmem:s30+$0x80] =	vst v11  }
0x14a: {  	v25 =	vld.idx.msk [tilespmem:v20+s15+$0x0], $0xffff;
	[tilespmem:s30+$0xFFFFFE80] =	vst v14  }
0x14b: {  	v10 =	vadd.s32 s2, v8;
	s3 =	sadd.s32 $0x6, s2;
	s11 =	sadd.s32 $0x7, s2;
	v9 =	vld.idx.msk [tilespmem:v13+s15+$0x0], $0xffff;
	[tilespmem:s30+$0xFFFFFF80] =	vst v18  }
.Ltmp12:
0x14c: {  	s12 =	sadd.s32 $0x4, s2;
	s14 =	sadd.s32 $0x5, s2;
	v10 =	vadd.s32 v5, v10;
	v13 =	vadd.s32 s3, v8;
	v18 =	vadd.s32 s11, v8;
	v11 =	vld.idx.msk [tilespmem:v16+s15+$0x0], $0xffff;
	[tilespmem:s30+$0xFFFFFF00] =	vst v19;
	(pc) =	sbr.rel @p0 .LBB2_34-.Ltmp12, $4  }
0x14d: {  	s3 =	sadd.s32 $0x1, s2;
	s11 =	sadd.s32 $0x2, s2;
	s2 =	sadd.s32 $0x3, s2;
	v16 =	vadd.s32 s12, v8;
	v19 =	vadd.s32 s14, v8;
	v17 =	vadd.s32 v5, v13;
	v14 =	vld.idx.msk [tilespmem:v15+s15+$0x0], $0xffff  }
0x14e: {  	v21 =	vadd.s32 s11, v8;
	v20 =	vadd.s32 v5, v18;
	s30 =	smov.u32 s31;
	v13 =	vadd.s32 v5, v16;
	[tilespmem:s31+$0xFFFFFE00] =	vst v22;
	v18 =	vld.idx.msk [tilespmem:v12+s15+$0x0], $0xffff  }
0x14f: {  	v16 =	vadd.s32 v5, v19;
	v12 =	vadd.s32 s3, v8;
	v22 =	vadd.s32 s2, v8;
	v19 =	vld.idx.msk [tilespmem:v23+s15+$0x0], $0xffff;
	[tilespmem:s31+$0x100] =	vst v24  }
0x150: {  	v15 =	vadd.s32 v5, v12;
	v12 =	vadd.s32 v5, v22;
	[tilespmem:s31+$0x180] =	vst v25  }
0x151: {  	_ =	sdelay $0x3  }
0x152: {  	v8 =	vld.idx.msk [tilespmem:v10+s15+$0x0], $0xffff;
	[tilespmem:s30+$0x0] =	vst v9  }
0x153: {  	v9 =	vld.idx.msk [tilespmem:v17+s15+$0x0], $0xffff;
	[tilespmem:s30+$0x80] =	vst v11  }
0x154: {  	v10 =	vadd.s32 v5, v21;
	v11 =	vld.idx.msk [tilespmem:v20+s15+$0x0], $0xffff;
	[tilespmem:s30+$0xFFFFFE80] =	vst v14  }
0x155: {  	v13 =	vld.idx.msk [tilespmem:v13+s15+$0x0], $0xffff;
	[tilespmem:s30+$0xFFFFFF80] =	vst v18  }
0x156: {  	s0 =	sadd.s32 $0x400, s31;
	v15 =	vld.idx.msk [tilespmem:v15+s15+$0x0], $0xffff;
	[tilespmem:s30+$0xFFFFFF00] =	vst v19  }
0x157: {  	v14 =	vld.idx.msk [tilespmem:v16+s15+$0x0], $0xffff;
	[tilespmem:s0+$0xFFFFFE00] =	vst v8  }
0x158: {  	v8 =	vld.idx.msk [tilespmem:v12+s15+$0x0], $0xffff;
	[tilespmem:s0+$0x100] =	vst v9  }
0x159: {  	v9 =	vld.idx.msk [tilespmem:v10+s15+$0x0], $0xffff;
	[tilespmem:s0+$0x180] =	vst v11  }
0x15a: {  	[tilespmem:s0+$0x0] =	vst v13  }
0x15b: {  	[tilespmem:s0+$0xFFFFFE80] =	vst v15  }
0x15c: {  	[tilespmem:s0+$0x80] =	vst v14  }
0x15d: {  	[tilespmem:s0+$0xFFFFFF80] =	vst v8  }
0x15e: {  	[tilespmem:s0+$0xFFFFFF00] =	vst v9  }
0x15f: {  	v8 =	vld [tilespmem:s29+$0x60];
	_ =	sdelay $0x3  }
0x160: {  	s12 =	simm.s32 $0x0  }
0x161: {  	s14 =	simm.s32 $0x6;
	v9 =	vadd.s32 s12, v8  }
0x162: {  	s2 =	simm.s32 $0x7;
	v10 =	vadd.s32 s14, v8;
	v9 =	vadd.s32 v6, v9  }
0x163: {  	s11 =	simm.s32 $0x5;
	v11 =	vadd.s32 s2, v8;
	v10 =	vadd.s32 v6, v10  }
0x164: {  	s3 =	simm.s32 $0x4;
	v13 =	vadd.s32 s11, v8;
	v11 =	vadd.s32 v6, v11  }
0x165: {  	v12 =	vadd.s32 s3, v8;
	s14 =	simm.s32 $0x3;
	v13 =	vadd.s32 v6, v13  }
0x166: {  	s12 =	simm.s32 $0x1;
	v12 =	vadd.s32 v6, v12;
	v15 =	vadd.s32 s14, v8  }
0x167: {  	s3 =	simm.s32 $0x2;
	v14 =	vadd.s32 s12, v8;
	v15 =	vadd.s32 v6, v15;
	v16 =	vld.idx.msk [tilespmem:v9+s15+$0x0], $0xffff  }
0x168: {  	s14 =	simm.s32 $0xF;
	v14 =	vadd.s32 v6, v14;
	v9 =	vadd.s32 s3, v8;
	v19 =	vld.idx.msk [tilespmem:v10+s15+$0x0], $0xffff  }
0x169: {  	s11 =	simm.s32 $0x8;
	v18 =	vadd.s32 s14, v8;
	v23 =	vld.idx.msk [tilespmem:v11+s15+$0x0], $0xffff;
	v22 =	vadd.s32 v6, v9  }
0x16a: {  	s12 =	simm.s32 $0xE;
	s14 =	simm.s32 $0xB;
	v20 =	vadd.s32 v6, v18;
	v10 =	vadd.s32 s11, v8;
	v11 =	vld.idx.msk [tilespmem:v13+s15+$0x0], $0xffff  }
0x16b: {  	s30 =	simm.s32 $0x19A60;
	v24 =	vadd.s32 s14, v8;
	s3 =	simm.s32 $0xC;
	v9 =	vld.idx.msk [tilespmem:v12+s15+$0x0], $0xffff;
	v10 =	vadd.s32 v6, v10;
	v12 =	vadd.s32 s12, v8;
	s12 =	simm.s32 $0x9  }
0x16c: {  	s11 =	simm.s32 $0xD;
	v13 =	vadd.s32 s3, v8;
	v18 =	vld.idx.msk [tilespmem:v15+s15+$0x0], $0xffff;
	v17 =	vadd.s32 v6, v12;
	v15 =	vadd.s32 s12, v8;
	[tilespmem:s30+$0xFFFFFE00] =	vst v16  }
0x16d: {  	v14 =	vld.idx.msk [tilespmem:v14+s15+$0x0], $0xffff;
	v12 =	vadd.s32 s11, v8;
	v13 =	vadd.s32 v6, v13;
	s11 =	simm.s32 $0xA;
	v15 =	vadd.s32 v6, v15;
	[tilespmem:s30+$0x100] =	vst v19  }
0x16e: {  	s31 =	simm.s32 $0x19A60;
	s0 =	simm.s32 $0x10;
	v21 =	vadd.s32 s11, v8;
	v16 =	vadd.s32 v6, v12;
	v12 =	vadd.s32 v6, v24;
	[tilespmem:s30+$0x180] =	vst v23;
	v19 =	vld.idx.msk [tilespmem:v22+s15+$0x0], $0xffff  }
.LBB2_36:
0x16f: {  	p0 =	slt.u32 s0, $0x18  }
0x170: {  	v22 =	vld.idx.msk [tilespmem:v10+s15+$0x0], $0xffff;
	[tilespmem:s30+$0x0] =	vst v9;
	s31 =	sadd.s32 $0x400, s31;
	s2 =	smov.u32 s0;
	s0 =	sadd.s32 $0x8, s0  }
0x171: {  	v23 =	vadd.s32 v6, v21;
	v24 =	vld.idx.msk [tilespmem:v17+s15+$0x0], $0xffff;
	[tilespmem:s30+$0x80] =	vst v11  }
0x172: {  	v25 =	vld.idx.msk [tilespmem:v20+s15+$0x0], $0xffff;
	[tilespmem:s30+$0xFFFFFE80] =	vst v14  }
0x173: {  	v10 =	vadd.s32 s2, v8;
	s3 =	sadd.s32 $0x6, s2;
	s11 =	sadd.s32 $0x7, s2;
	v9 =	vld.idx.msk [tilespmem:v13+s15+$0x0], $0xffff;
	[tilespmem:s30+$0xFFFFFF80] =	vst v18  }
.Ltmp13:
0x174: {  	s12 =	sadd.s32 $0x4, s2;
	s14 =	sadd.s32 $0x5, s2;
	v10 =	vadd.s32 v6, v10;
	v13 =	vadd.s32 s3, v8;
	v18 =	vadd.s32 s11, v8;
	v11 =	vld.idx.msk [tilespmem:v16+s15+$0x0], $0xffff;
	[tilespmem:s30+$0xFFFFFF00] =	vst v19;
	(pc) =	sbr.rel @p0 .LBB2_36-.Ltmp13, $4  }
0x175: {  	s3 =	sadd.s32 $0x1, s2;
	s11 =	sadd.s32 $0x2, s2;
	s2 =	sadd.s32 $0x3, s2;
	v16 =	vadd.s32 s12, v8;
	v19 =	vadd.s32 s14, v8;
	v17 =	vadd.s32 v6, v13;
	v14 =	vld.idx.msk [tilespmem:v15+s15+$0x0], $0xffff  }
0x176: {  	v21 =	vadd.s32 s11, v8;
	v20 =	vadd.s32 v6, v18;
	s30 =	smov.u32 s31;
	v13 =	vadd.s32 v6, v16;
	[tilespmem:s31+$0xFFFFFE00] =	vst v22;
	v18 =	vld.idx.msk [tilespmem:v12+s15+$0x0], $0xffff  }
0x177: {  	v16 =	vadd.s32 v6, v19;
	v12 =	vadd.s32 s3, v8;
	v22 =	vadd.s32 s2, v8;
	v19 =	vld.idx.msk [tilespmem:v23+s15+$0x0], $0xffff;
	[tilespmem:s31+$0x100] =	vst v24  }
0x178: {  	v15 =	vadd.s32 v6, v12;
	v12 =	vadd.s32 v6, v22;
	[tilespmem:s31+$0x180] =	vst v25  }
0x179: {  	_ =	sdelay $0x3  }
0x17a: {  	v8 =	vld.idx.msk [tilespmem:v10+s15+$0x0], $0xffff;
	[tilespmem:s30+$0x0] =	vst v9  }
0x17b: {  	v9 =	vld.idx.msk [tilespmem:v17+s15+$0x0], $0xffff;
	[tilespmem:s30+$0x80] =	vst v11  }
0x17c: {  	v10 =	vadd.s32 v6, v21;
	v11 =	vld.idx.msk [tilespmem:v20+s15+$0x0], $0xffff;
	[tilespmem:s30+$0xFFFFFE80] =	vst v14  }
0x17d: {  	v13 =	vld.idx.msk [tilespmem:v13+s15+$0x0], $0xffff;
	[tilespmem:s30+$0xFFFFFF80] =	vst v18  }
0x17e: {  	s0 =	sadd.s32 $0x400, s31;
	v15 =	vld.idx.msk [tilespmem:v15+s15+$0x0], $0xffff;
	[tilespmem:s30+$0xFFFFFF00] =	vst v19  }
0x17f: {  	v14 =	vld.idx.msk [tilespmem:v16+s15+$0x0], $0xffff;
	[tilespmem:s0+$0xFFFFFE00] =	vst v8  }
0x180: {  	v8 =	vld.idx.msk [tilespmem:v12+s15+$0x0], $0xffff;
	[tilespmem:s0+$0x100] =	vst v9  }
0x181: {  	v9 =	vld.idx.msk [tilespmem:v10+s15+$0x0], $0xffff;
	[tilespmem:s0+$0x180] =	vst v11  }
0x182: {  	[tilespmem:s0+$0x0] =	vst v13  }
0x183: {  	[tilespmem:s0+$0xFFFFFE80] =	vst v15  }
0x184: {  	[tilespmem:s0+$0x80] =	vst v14  }
0x185: {  	[tilespmem:s0+$0xFFFFFF80] =	vst v8  }
0x186: {  	[tilespmem:s0+$0xFFFFFF00] =	vst v9  }
0x187: {  	v8 =	vld [tilespmem:s29+$0x70];
	_ =	sdelay $0x3  }
0x188: {  	s12 =	simm.s32 $0x0  }
0x189: {  	s14 =	simm.s32 $0x6;
	v9 =	vadd.s32 s12, v8  }
0x18a: {  	s2 =	simm.s32 $0x7;
	v10 =	vadd.s32 s14, v8;
	v9 =	vadd.s32 v7, v9  }
0x18b: {  	s3 =	simm.s32 $0x5;
	v11 =	vadd.s32 s2, v8;
	v10 =	vadd.s32 v7, v10  }
0x18c: {  	s31 =	simm.s32 $0x4;
	v13 =	vadd.s32 s3, v8;
	v11 =	vadd.s32 v7, v11  }
0x18d: {  	v12 =	vadd.s32 s31, v8;
	s12 =	simm.s32 $0x3;
	v13 =	vadd.s32 v7, v13  }
0x18e: {  	s11 =	simm.s32 $0x1;
	v12 =	vadd.s32 v7, v12;
	v15 =	vadd.s32 s12, v8  }
0x18f: {  	v14 =	vadd.s32 s11, v8;
	s14 =	simm.s32 $0x2;
	v15 =	vadd.s32 v7, v15;
	v16 =	vld.idx.msk [tilespmem:v9+s15+$0x0], $0xffff  }
0x190: {  	s11 =	simm.s32 $0xF;
	v14 =	vadd.s32 v7, v14;
	v9 =	vadd.s32 s14, v8;
	v19 =	vld.idx.msk [tilespmem:v10+s15+$0x0], $0xffff  }
0x191: {  	s31 =	simm.s32 $0x8;
	v18 =	vadd.s32 s11, v8;
	v23 =	vld.idx.msk [tilespmem:v11+s15+$0x0], $0xffff;
	v22 =	vadd.s32 v7, v9  }
0x192: {  	s2 =	simm.s32 $0xE;
	s3 =	simm.s32 $0xC;
	v20 =	vadd.s32 v7, v18;
	v10 =	vadd.s32 s31, v8;
	v11 =	vld.idx.msk [tilespmem:v13+s15+$0x0], $0xffff  }
0x193: {  	s29 =	simm.s32 $0x19A70;
	v13 =	vadd.s32 s3, v8;
	s14 =	simm.s32 $0x9;
	v9 =	vld.idx.msk [tilespmem:v12+s15+$0x0], $0xffff;
	v10 =	vadd.s32 v7, v10;
	v12 =	vadd.s32 s2, v8  }
0x194: {  	s12 =	simm.s32 $0xD;
	s31 =	simm.s32 $0xB;
	v13 =	vadd.s32 v7, v13;
	v18 =	vld.idx.msk [tilespmem:v15+s15+$0x0], $0xffff;
	v15 =	vadd.s32 s14, v8;
	v17 =	vadd.s32 v7, v12;
	[tilespmem:s29+$0xFFFFFE00] =	vst v16  }
0x195: {  	s11 =	simm.s32 $0xA;
	v14 =	vld.idx.msk [tilespmem:v14+s15+$0x0], $0xffff;
	v24 =	vadd.s32 s31, v8;
	v12 =	vadd.s32 s12, v8;
	v15 =	vadd.s32 v7, v15;
	[tilespmem:s29+$0x100] =	vst v19  }
0x196: {  	s30 =	simm.s32 $0x19A70;
	s0 =	simm.s32 $0x10;
	v21 =	vadd.s32 s11, v8;
	v16 =	vadd.s32 v7, v12;
	v12 =	vadd.s32 v7, v24;
	[tilespmem:s29+$0x180] =	vst v23;
	v19 =	vld.idx.msk [tilespmem:v22+s15+$0x0], $0xffff  }
.LBB2_38:
0x197: {  	p0 =	slt.u32 s0, $0x18  }
0x198: {  	v22 =	vld.idx.msk [tilespmem:v10+s15+$0x0], $0xffff;
	[tilespmem:s29+$0x0] =	vst v9;
	s30 =	sadd.s32 $0x400, s30;
	s2 =	smov.u32 s0;
	s0 =	sadd.s32 $0x8, s0  }
0x199: {  	v23 =	vadd.s32 v7, v21;
	v24 =	vld.idx.msk [tilespmem:v17+s15+$0x0], $0xffff;
	[tilespmem:s29+$0x80] =	vst v11  }
0x19a: {  	v25 =	vld.idx.msk [tilespmem:v20+s15+$0x0], $0xffff;
	[tilespmem:s29+$0xFFFFFE80] =	vst v14  }
0x19b: {  	v10 =	vadd.s32 s2, v8;
	s3 =	sadd.s32 $0x6, s2;
	s11 =	sadd.s32 $0x7, s2;
	v9 =	vld.idx.msk [tilespmem:v13+s15+$0x0], $0xffff;
	[tilespmem:s29+$0xFFFFFF80] =	vst v18  }
.Ltmp14:
0x19c: {  	s12 =	sadd.s32 $0x4, s2;
	s14 =	sadd.s32 $0x5, s2;
	v10 =	vadd.s32 v7, v10;
	v13 =	vadd.s32 s3, v8;
	v18 =	vadd.s32 s11, v8;
	v11 =	vld.idx.msk [tilespmem:v16+s15+$0x0], $0xffff;
	[tilespmem:s29+$0xFFFFFF00] =	vst v19;
	(pc) =	sbr.rel @p0 .LBB2_38-.Ltmp14, $4  }
0x19d: {  	s3 =	sadd.s32 $0x1, s2;
	s11 =	sadd.s32 $0x2, s2;
	s2 =	sadd.s32 $0x3, s2;
	v16 =	vadd.s32 s12, v8;
	v19 =	vadd.s32 s14, v8;
	v17 =	vadd.s32 v7, v13;
	v14 =	vld.idx.msk [tilespmem:v15+s15+$0x0], $0xffff  }
0x19e: {  	v21 =	vadd.s32 s11, v8;
	v20 =	vadd.s32 v7, v18;
	s29 =	smov.u32 s30;
	v13 =	vadd.s32 v7, v16;
	[tilespmem:s30+$0xFFFFFE00] =	vst v22;
	v18 =	vld.idx.msk [tilespmem:v12+s15+$0x0], $0xffff  }
0x19f: {  	v16 =	vadd.s32 v7, v19;
	v12 =	vadd.s32 s3, v8;
	v22 =	vadd.s32 s2, v8;
	v19 =	vld.idx.msk [tilespmem:v23+s15+$0x0], $0xffff;
	[tilespmem:s30+$0x100] =	vst v24  }
0x1a0: {  	v15 =	vadd.s32 v7, v12;
	v12 =	vadd.s32 v7, v22;
	[tilespmem:s30+$0x180] =	vst v25  }
0x1a1: {  	_ =	sdelay $0x3  }
0x1a2: {  	v8 =	vld.idx.msk [tilespmem:v10+s15+$0x0], $0xffff;
	[tilespmem:s29+$0x0] =	vst v9  }
0x1a3: {  	v59 =	vld.idx.msk [tilespmem:v17+s15+$0x0], $0xffff;
	[tilespmem:s29+$0x80] =	vst v11  }
0x1a4: {  	v60 =	vadd.s32 v7, v21;
	v61 =	vld.idx.msk [tilespmem:v20+s15+$0x0], $0xffff;
	[tilespmem:s29+$0xFFFFFE80] =	vst v14  }
0x1a5: {  	v13 =	vld.idx.msk [tilespmem:v13+s15+$0x0], $0xffff;
	[tilespmem:s29+$0xFFFFFF80] =	vst v18  }
0x1a6: {  	s0 =	sadd.s32 $0x400, s30;
	v62 =	vld.idx.msk [tilespmem:v16+s15+$0x0], $0xffff;
	[tilespmem:s29+$0xFFFFFF00] =	vst v19  }
0x1a7: {  	v15 =	vld.idx.msk [tilespmem:v15+s15+$0x0], $0xffff;
	[tilespmem:s0+$0xFFFFFE00] =	vst v8  }
0x1a8: {  	v8 =	vld.idx.msk [tilespmem:v12+s15+$0x0], $0xffff;
	[tilespmem:s0+$0x100] =	vst v59  }
0x1a9: {  	v63 =	vld.idx.msk [tilespmem:v60+s15+$0x0], $0xffff;
	[tilespmem:s0+$0x180] =	vst v61  }
0x1aa: {  	[tilespmem:s0+$0x0] =	vst v13  }
.Ltmp15:
0x1ab: {  	s2 =	sshll.u32 s28, $0x11;
	[tilespmem:s0+$0x80] =	vst v62;
	(pc) =	sbr.rel .LBB2_57-.Ltmp15, $4  }
0x1ac: {  	s2 =	sor.u32 s4, s2;
	[tilespmem:s0+$0xFFFFFE80] =	vst v15  }
0x1ad: {  	s2 =	sshrl.u32 s2, $0x3;
	[tilespmem:s0+$0xFFFFFF80] =	vst v8  }
0x1ae: {  	s31 =	sadd.s32 s1, s2;
	[tilespmem:s0+$0xFFFFFF00] =	vst v63  }
0x1af: {  	[hbm4b:s31+s8] =	stream.strided.scatter [tilespmem:s23], [sflag:$0x5], $0x1000, s9, s8, $0x38;
	[tilespmem:$0x1B800] =	vst v63  }
.LBB2_40:
0x1b0: {  	_ =	swait.ge [sflag:s16], $0x4000;
	s2 =	sshrl.u32 @!p0 s0, $0x2  }
0x1b1: {  	s3 =	simm.s32 @!p0 $0x80;
	s11 =	simm.s32 @!p0 $0x10800;
	[sflag:s16] =	ssyncset.done $0x0  }
0x1b2: {  	p1 =	slt.u32 @!p0 s28, $0x3;
	s2 =	sadd.s32 @!p0 $0x6500, s2;
	[sflag:s16] =	ssyncadd.s32 $0xFFFFC000  }
0x1b3: {  	[tilespmem:s11], [sflag:$0x2] =	stream.indirect.gather @!p0 [hbm4b:s5+s3], $0x80, s2, s3, $0xb8;
	[tilespmem:$0x1B800] =	vst v63  }
0x1b4: {  	p0 =	por p0, !p1  }
0x1b5: {  	_ =	swait.ge @p0 [sflag:s17], $0x1000  }
0x1b6: {  	[sflag:s17] =	ssyncset.done @p0 $0x0  }
0x1b7: {  	s29 =	sshrl.u32 s0, $0x2;
	[sflag:s17] =	ssyncadd.s32 @p0 $0xFFFFF000  }
0x1b8: {  	v8 =	vld [tilespmem:s29+$0x0];
	_ =	sdelay $0x3  }
0x1b9: {  	s2 =	simm.s32 $0x0  }
0x1ba: {  	s3 =	simm.s32 $0x6;
	v9 =	vadd.s32 s2, v8  }
0x1bb: {  	s11 =	simm.s32 $0x7;
	v10 =	vadd.s32 s3, v8;
	v9 =	vadd.s32 v0, v9  }
0x1bc: {  	s14 =	simm.s32 $0x5;
	v11 =	vadd.s32 s11, v8;
	v10 =	vadd.s32 v0, v10  }
0x1bd: {  	s12 =	simm.s32 $0x4;
	v13 =	vadd.s32 s14, v8;
	v11 =	vadd.s32 v0, v11  }
0x1be: {  	v12 =	vadd.s32 s12, v8;
	s11 =	simm.s32 $0x3;
	v13 =	vadd.s32 v0, v13  }
0x1bf: {  	s3 =	simm.s32 $0x1;
	v12 =	vadd.s32 v0, v12;
	v15 =	vadd.s32 s11, v8  }
0x1c0: {  	s12 =	simm.s32 $0x2;
	v14 =	vadd.s32 s3, v8;
	v15 =	vadd.s32 v0, v15;
	v16 =	vld.idx.msk [tilespmem:v9+s18+$0x0], $0xffff  }
0x1c1: {  	s11 =	simm.s32 $0xF;
	v14 =	vadd.s32 v0, v14;
	v9 =	vadd.s32 s12, v8;
	v19 =	vld.idx.msk [tilespmem:v10+s18+$0x0], $0xffff  }
0x1c2: {  	s14 =	simm.s32 $0x8;
	v18 =	vadd.s32 s11, v8;
	v23 =	vld.idx.msk [tilespmem:v11+s18+$0x0], $0xffff;
	v22 =	vadd.s32 v0, v9  }
0x1c3: {  	s3 =	simm.s32 $0xE;
	v20 =	vadd.s32 v0, v18;
	v10 =	vadd.s32 s14, v8;
	s12 =	simm.s32 $0xC;
	v11 =	vld.idx.msk [tilespmem:v13+s18+$0x0], $0xffff  }
0x1c4: {  	s30 =	simm.s32 $0x1AA00;
	s11 =	simm.s32 $0x9;
	s14 =	simm.s32 $0xD;
	v9 =	vld.idx.msk [tilespmem:v12+s18+$0x0], $0xffff;
	v10 =	vadd.s32 v0, v10;
	v12 =	vadd.s32 s3, v8;
	v13 =	vadd.s32 s12, v8  }
0x1c5: {  	s12 =	simm.s32 $0xB;
	v18 =	vld.idx.msk [tilespmem:v15+s18+$0x0], $0xffff;
	v15 =	vadd.s32 s11, v8;
	v17 =	vadd.s32 v0, v12;
	v12 =	vadd.s32 s14, v8;
	[tilespmem:s30+$0xFFFFFE00] =	vst v16  }
0x1c6: {  	v14 =	vld.idx.msk [tilespmem:v14+s18+$0x0], $0xffff;
	v13 =	vadd.s32 v0, v13;
	s14 =	simm.s32 $0xA;
	v24 =	vadd.s32 s12, v8;
	v15 =	vadd.s32 v0, v15;
	[tilespmem:s30+$0x100] =	vst v19  }
0x1c7: {  	s0 =	simm.s32 $0x10;
	s31 =	simm.s32 $0x1AA00;
	v21 =	vadd.s32 s14, v8;
	v16 =	vadd.s32 v0, v12;
	v12 =	vadd.s32 v0, v24;
	[tilespmem:s30+$0x180] =	vst v23;
	v19 =	vld.idx.msk [tilespmem:v22+s18+$0x0], $0xffff  }
.LBB2_41:
0x1c8: {  	p0 =	slt.u32 s0, $0x18  }
0x1c9: {  	v22 =	vld.idx.msk [tilespmem:v10+s18+$0x0], $0xffff;
	[tilespmem:s30+$0x0] =	vst v9;
	s31 =	sadd.s32 $0x400, s31;
	s2 =	smov.u32 s0;
	s0 =	sadd.s32 $0x8, s0  }
0x1ca: {  	v23 =	vadd.s32 v0, v21;
	v24 =	vld.idx.msk [tilespmem:v17+s18+$0x0], $0xffff;
	[tilespmem:s30+$0x80] =	vst v11  }
0x1cb: {  	v25 =	vld.idx.msk [tilespmem:v20+s18+$0x0], $0xffff;
	[tilespmem:s30+$0xFFFFFE80] =	vst v14  }
0x1cc: {  	v10 =	vadd.s32 s2, v8;
	s3 =	sadd.s32 $0x6, s2;
	s11 =	sadd.s32 $0x7, s2;
	v9 =	vld.idx.msk [tilespmem:v13+s18+$0x0], $0xffff;
	[tilespmem:s30+$0xFFFFFF80] =	vst v18  }
.Ltmp16:
0x1cd: {  	s12 =	sadd.s32 $0x4, s2;
	s14 =	sadd.s32 $0x5, s2;
	v10 =	vadd.s32 v0, v10;
	v13 =	vadd.s32 s3, v8;
	v18 =	vadd.s32 s11, v8;
	v11 =	vld.idx.msk [tilespmem:v16+s18+$0x0], $0xffff;
	[tilespmem:s30+$0xFFFFFF00] =	vst v19;
	(pc) =	sbr.rel @p0 .LBB2_41-.Ltmp16, $4  }
0x1ce: {  	s3 =	sadd.s32 $0x1, s2;
	s11 =	sadd.s32 $0x2, s2;
	s2 =	sadd.s32 $0x3, s2;
	v16 =	vadd.s32 s12, v8;
	v19 =	vadd.s32 s14, v8;
	v17 =	vadd.s32 v0, v13;
	v14 =	vld.idx.msk [tilespmem:v15+s18+$0x0], $0xffff  }
0x1cf: {  	v21 =	vadd.s32 s11, v8;
	v20 =	vadd.s32 v0, v18;
	s30 =	smov.u32 s31;
	v13 =	vadd.s32 v0, v16;
	[tilespmem:s31+$0xFFFFFE00] =	vst v22;
	v18 =	vld.idx.msk [tilespmem:v12+s18+$0x0], $0xffff  }
0x1d0: {  	v16 =	vadd.s32 v0, v19;
	v12 =	vadd.s32 s3, v8;
	v22 =	vadd.s32 s2, v8;
	v19 =	vld.idx.msk [tilespmem:v23+s18+$0x0], $0xffff;
	[tilespmem:s31+$0x100] =	vst v24  }
0x1d1: {  	v15 =	vadd.s32 v0, v12;
	v12 =	vadd.s32 v0, v22;
	[tilespmem:s31+$0x180] =	vst v25  }
0x1d2: {  	_ =	sdelay $0x3  }
0x1d3: {  	v8 =	vld.idx.msk [tilespmem:v10+s18+$0x0], $0xffff;
	[tilespmem:s30+$0x0] =	vst v9  }
0x1d4: {  	v9 =	vld.idx.msk [tilespmem:v17+s18+$0x0], $0xffff;
	[tilespmem:s30+$0x80] =	vst v11  }
0x1d5: {  	v10 =	vadd.s32 v0, v21;
	v11 =	vld.idx.msk [tilespmem:v20+s18+$0x0], $0xffff;
	[tilespmem:s30+$0xFFFFFE80] =	vst v14  }
0x1d6: {  	v13 =	vld.idx.msk [tilespmem:v13+s18+$0x0], $0xffff;
	[tilespmem:s30+$0xFFFFFF80] =	vst v18  }
0x1d7: {  	s0 =	sadd.s32 $0x400, s31;
	v15 =	vld.idx.msk [tilespmem:v15+s18+$0x0], $0xffff;
	[tilespmem:s30+$0xFFFFFF00] =	vst v19  }
0x1d8: {  	v14 =	vld.idx.msk [tilespmem:v16+s18+$0x0], $0xffff;
	[tilespmem:s0+$0xFFFFFE00] =	vst v8  }
0x1d9: {  	v8 =	vld.idx.msk [tilespmem:v12+s18+$0x0], $0xffff;
	[tilespmem:s0+$0x100] =	vst v9  }
0x1da: {  	v9 =	vld.idx.msk [tilespmem:v10+s18+$0x0], $0xffff;
	[tilespmem:s0+$0x180] =	vst v11  }
0x1db: {  	[tilespmem:s0+$0x0] =	vst v13  }
0x1dc: {  	[tilespmem:s0+$0xFFFFFE80] =	vst v15  }
0x1dd: {  	[tilespmem:s0+$0x80] =	vst v14  }
0x1de: {  	[tilespmem:s0+$0xFFFFFF80] =	vst v8  }
0x1df: {  	[tilespmem:s0+$0xFFFFFF00] =	vst v9  }
0x1e0: {  	v8 =	vld [tilespmem:s29+$0x10];
	_ =	sdelay $0x3  }
0x1e1: {  	s12 =	simm.s32 $0x0  }
0x1e2: {  	s14 =	simm.s32 $0x6;
	v9 =	vadd.s32 s12, v8  }
0x1e3: {  	s2 =	simm.s32 $0x7;
	v10 =	vadd.s32 s14, v8;
	v9 =	vadd.s32 v1, v9  }
0x1e4: {  	s11 =	simm.s32 $0x5;
	v11 =	vadd.s32 s2, v8;
	v10 =	vadd.s32 v1, v10  }
0x1e5: {  	s3 =	simm.s32 $0x4;
	v13 =	vadd.s32 s11, v8;
	v11 =	vadd.s32 v1, v11  }
0x1e6: {  	v12 =	vadd.s32 s3, v8;
	s14 =	simm.s32 $0x3;
	v13 =	vadd.s32 v1, v13  }
0x1e7: {  	s12 =	simm.s32 $0x1;
	v12 =	vadd.s32 v1, v12;
	v15 =	vadd.s32 s14, v8  }
0x1e8: {  	s3 =	simm.s32 $0x2;
	v14 =	vadd.s32 s12, v8;
	v15 =	vadd.s32 v1, v15;
	v16 =	vld.idx.msk [tilespmem:v9+s18+$0x0], $0xffff  }
0x1e9: {  	s14 =	simm.s32 $0xF;
	v14 =	vadd.s32 v1, v14;
	v9 =	vadd.s32 s3, v8;
	v19 =	vld.idx.msk [tilespmem:v10+s18+$0x0], $0xffff  }
0x1ea: {  	s11 =	simm.s32 $0x8;
	v18 =	vadd.s32 s14, v8;
	v23 =	vld.idx.msk [tilespmem:v11+s18+$0x0], $0xffff;
	v22 =	vadd.s32 v1, v9  }
0x1eb: {  	s12 =	simm.s32 $0xE;
	s14 =	simm.s32 $0xB;
	v20 =	vadd.s32 v1, v18;
	v10 =	vadd.s32 s11, v8;
	v11 =	vld.idx.msk [tilespmem:v13+s18+$0x0], $0xffff  }
0x1ec: {  	s30 =	simm.s32 $0x1AA10;
	v24 =	vadd.s32 s14, v8;
	s3 =	simm.s32 $0xC;
	v9 =	vld.idx.msk [tilespmem:v12+s18+$0x0], $0xffff;
	v10 =	vadd.s32 v1, v10;
	v12 =	vadd.s32 s12, v8;
	s12 =	simm.s32 $0x9  }
0x1ed: {  	s11 =	simm.s32 $0xD;
	v13 =	vadd.s32 s3, v8;
	v18 =	vld.idx.msk [tilespmem:v15+s18+$0x0], $0xffff;
	v17 =	vadd.s32 v1, v12;
	v15 =	vadd.s32 s12, v8;
	[tilespmem:s30+$0xFFFFFE00] =	vst v16  }
0x1ee: {  	v14 =	vld.idx.msk [tilespmem:v14+s18+$0x0], $0xffff;
	v12 =	vadd.s32 s11, v8;
	v13 =	vadd.s32 v1, v13;
	s11 =	simm.s32 $0xA;
	v15 =	vadd.s32 v1, v15;
	[tilespmem:s30+$0x100] =	vst v19  }
0x1ef: {  	s31 =	simm.s32 $0x1AA10;
	s0 =	simm.s32 $0x10;
	v21 =	vadd.s32 s11, v8;
	v16 =	vadd.s32 v1, v12;
	v12 =	vadd.s32 v1, v24;
	[tilespmem:s30+$0x180] =	vst v23;
	v19 =	vld.idx.msk [tilespmem:v22+s18+$0x0], $0xffff  }
.LBB2_43:
0x1f0: {  	p0 =	slt.u32 s0, $0x18  }
0x1f1: {  	v22 =	vld.idx.msk [tilespmem:v10+s18+$0x0], $0xffff;
	[tilespmem:s30+$0x0] =	vst v9;
	s31 =	sadd.s32 $0x400, s31;
	s2 =	smov.u32 s0;
	s0 =	sadd.s32 $0x8, s0  }
0x1f2: {  	v23 =	vadd.s32 v1, v21;
	v24 =	vld.idx.msk [tilespmem:v17+s18+$0x0], $0xffff;
	[tilespmem:s30+$0x80] =	vst v11  }
0x1f3: {  	v25 =	vld.idx.msk [tilespmem:v20+s18+$0x0], $0xffff;
	[tilespmem:s30+$0xFFFFFE80] =	vst v14  }
0x1f4: {  	v10 =	vadd.s32 s2, v8;
	s3 =	sadd.s32 $0x6, s2;
	s11 =	sadd.s32 $0x7, s2;
	v9 =	vld.idx.msk [tilespmem:v13+s18+$0x0], $0xffff;
	[tilespmem:s30+$0xFFFFFF80] =	vst v18  }
.Ltmp17:
0x1f5: {  	s12 =	sadd.s32 $0x4, s2;
	s14 =	sadd.s32 $0x5, s2;
	v10 =	vadd.s32 v1, v10;
	v13 =	vadd.s32 s3, v8;
	v18 =	vadd.s32 s11, v8;
	v11 =	vld.idx.msk [tilespmem:v16+s18+$0x0], $0xffff;
	[tilespmem:s30+$0xFFFFFF00] =	vst v19;
	(pc) =	sbr.rel @p0 .LBB2_43-.Ltmp17, $4  }
0x1f6: {  	s3 =	sadd.s32 $0x1, s2;
	s11 =	sadd.s32 $0x2, s2;
	s2 =	sadd.s32 $0x3, s2;
	v16 =	vadd.s32 s12, v8;
	v19 =	vadd.s32 s14, v8;
	v17 =	vadd.s32 v1, v13;
	v14 =	vld.idx.msk [tilespmem:v15+s18+$0x0], $0xffff  }
0x1f7: {  	v21 =	vadd.s32 s11, v8;
	v20 =	vadd.s32 v1, v18;
	s30 =	smov.u32 s31;
	v13 =	vadd.s32 v1, v16;
	[tilespmem:s31+$0xFFFFFE00] =	vst v22;
	v18 =	vld.idx.msk [tilespmem:v12+s18+$0x0], $0xffff  }
0x1f8: {  	v16 =	vadd.s32 v1, v19;
	v12 =	vadd.s32 s3, v8;
	v22 =	vadd.s32 s2, v8;
	v19 =	vld.idx.msk [tilespmem:v23+s18+$0x0], $0xffff;
	[tilespmem:s31+$0x100] =	vst v24  }
0x1f9: {  	v15 =	vadd.s32 v1, v12;
	v12 =	vadd.s32 v1, v22;
	[tilespmem:s31+$0x180] =	vst v25  }
0x1fa: {  	_ =	sdelay $0x3  }
0x1fb: {  	v8 =	vld.idx.msk [tilespmem:v10+s18+$0x0], $0xffff;
	[tilespmem:s30+$0x0] =	vst v9  }
0x1fc: {  	v9 =	vld.idx.msk [tilespmem:v17+s18+$0x0], $0xffff;
	[tilespmem:s30+$0x80] =	vst v11  }
0x1fd: {  	v10 =	vadd.s32 v1, v21;
	v11 =	vld.idx.msk [tilespmem:v20+s18+$0x0], $0xffff;
	[tilespmem:s30+$0xFFFFFE80] =	vst v14  }
0x1fe: {  	v13 =	vld.idx.msk [tilespmem:v13+s18+$0x0], $0xffff;
	[tilespmem:s30+$0xFFFFFF80] =	vst v18  }
0x1ff: {  	s0 =	sadd.s32 $0x400, s31;
	v15 =	vld.idx.msk [tilespmem:v15+s18+$0x0], $0xffff;
	[tilespmem:s30+$0xFFFFFF00] =	vst v19  }
0x200: {  	v14 =	vld.idx.msk [tilespmem:v16+s18+$0x0], $0xffff;
	[tilespmem:s0+$0xFFFFFE00] =	vst v8  }
0x201: {  	v8 =	vld.idx.msk [tilespmem:v12+s18+$0x0], $0xffff;
	[tilespmem:s0+$0x100] =	vst v9  }
0x202: {  	v9 =	vld.idx.msk [tilespmem:v10+s18+$0x0], $0xffff;
	[tilespmem:s0+$0x180] =	vst v11  }
0x203: {  	[tilespmem:s0+$0x0] =	vst v13  }
0x204: {  	[tilespmem:s0+$0xFFFFFE80] =	vst v15  }
0x205: {  	[tilespmem:s0+$0x80] =	vst v14  }
0x206: {  	[tilespmem:s0+$0xFFFFFF80] =	vst v8  }
0x207: {  	[tilespmem:s0+$0xFFFFFF00] =	vst v9  }
0x208: {  	v8 =	vld [tilespmem:s29+$0x20];
	_ =	sdelay $0x3  }
0x209: {  	s12 =	simm.s32 $0x0  }
0x20a: {  	s14 =	simm.s32 $0x6;
	v9 =	vadd.s32 s12, v8  }
0x20b: {  	s2 =	simm.s32 $0x7;
	v10 =	vadd.s32 s14, v8;
	v9 =	vadd.s32 v2, v9  }
0x20c: {  	s11 =	simm.s32 $0x5;
	v11 =	vadd.s32 s2, v8;
	v10 =	vadd.s32 v2, v10  }
0x20d: {  	s3 =	simm.s32 $0x4;
	v13 =	vadd.s32 s11, v8;
	v11 =	vadd.s32 v2, v11  }
0x20e: {  	v12 =	vadd.s32 s3, v8;
	s14 =	simm.s32 $0x3;
	v13 =	vadd.s32 v2, v13  }
0x20f: {  	s12 =	simm.s32 $0x1;
	v12 =	vadd.s32 v2, v12;
	v15 =	vadd.s32 s14, v8  }
0x210: {  	s3 =	simm.s32 $0x2;
	v14 =	vadd.s32 s12, v8;
	v15 =	vadd.s32 v2, v15;
	v16 =	vld.idx.msk [tilespmem:v9+s18+$0x0], $0xffff  }
0x211: {  	s14 =	simm.s32 $0xF;
	v14 =	vadd.s32 v2, v14;
	v9 =	vadd.s32 s3, v8;
	v19 =	vld.idx.msk [tilespmem:v10+s18+$0x0], $0xffff  }
0x212: {  	s11 =	simm.s32 $0x8;
	v18 =	vadd.s32 s14, v8;
	v23 =	vld.idx.msk [tilespmem:v11+s18+$0x0], $0xffff;
	v22 =	vadd.s32 v2, v9  }
0x213: {  	s12 =	simm.s32 $0xE;
	s14 =	simm.s32 $0xB;
	v20 =	vadd.s32 v2, v18;
	v10 =	vadd.s32 s11, v8;
	v11 =	vld.idx.msk [tilespmem:v13+s18+$0x0], $0xffff  }
0x214: {  	s30 =	simm.s32 $0x1AA20;
	v24 =	vadd.s32 s14, v8;
	s3 =	simm.s32 $0xC;
	v9 =	vld.idx.msk [tilespmem:v12+s18+$0x0], $0xffff;
	v10 =	vadd.s32 v2, v10;
	v12 =	vadd.s32 s12, v8;
	s12 =	simm.s32 $0x9  }
0x215: {  	s11 =	simm.s32 $0xD;
	v13 =	vadd.s32 s3, v8;
	v18 =	vld.idx.msk [tilespmem:v15+s18+$0x0], $0xffff;
	v17 =	vadd.s32 v2, v12;
	v15 =	vadd.s32 s12, v8;
	[tilespmem:s30+$0xFFFFFE00] =	vst v16  }
0x216: {  	v14 =	vld.idx.msk [tilespmem:v14+s18+$0x0], $0xffff;
	v12 =	vadd.s32 s11, v8;
	v13 =	vadd.s32 v2, v13;
	s11 =	simm.s32 $0xA;
	v15 =	vadd.s32 v2, v15;
	[tilespmem:s30+$0x100] =	vst v19  }
0x217: {  	s31 =	simm.s32 $0x1AA20;
	s0 =	simm.s32 $0x10;
	v21 =	vadd.s32 s11, v8;
	v16 =	vadd.s32 v2, v12;
	v12 =	vadd.s32 v2, v24;
	[tilespmem:s30+$0x180] =	vst v23;
	v19 =	vld.idx.msk [tilespmem:v22+s18+$0x0], $0xffff  }
.LBB2_45:
0x218: {  	p0 =	slt.u32 s0, $0x18  }
0x219: {  	v22 =	vld.idx.msk [tilespmem:v10+s18+$0x0], $0xffff;
	[tilespmem:s30+$0x0] =	vst v9;
	s31 =	sadd.s32 $0x400, s31;
	s2 =	smov.u32 s0;
	s0 =	sadd.s32 $0x8, s0  }
0x21a: {  	v23 =	vadd.s32 v2, v21;
	v24 =	vld.idx.msk [tilespmem:v17+s18+$0x0], $0xffff;
	[tilespmem:s30+$0x80] =	vst v11  }
0x21b: {  	v25 =	vld.idx.msk [tilespmem:v20+s18+$0x0], $0xffff;
	[tilespmem:s30+$0xFFFFFE80] =	vst v14  }
0x21c: {  	v10 =	vadd.s32 s2, v8;
	s3 =	sadd.s32 $0x6, s2;
	s11 =	sadd.s32 $0x7, s2;
	v9 =	vld.idx.msk [tilespmem:v13+s18+$0x0], $0xffff;
	[tilespmem:s30+$0xFFFFFF80] =	vst v18  }
.Ltmp18:
0x21d: {  	s12 =	sadd.s32 $0x4, s2;
	s14 =	sadd.s32 $0x5, s2;
	v10 =	vadd.s32 v2, v10;
	v13 =	vadd.s32 s3, v8;
	v18 =	vadd.s32 s11, v8;
	v11 =	vld.idx.msk [tilespmem:v16+s18+$0x0], $0xffff;
	[tilespmem:s30+$0xFFFFFF00] =	vst v19;
	(pc) =	sbr.rel @p0 .LBB2_45-.Ltmp18, $4  }
0x21e: {  	s3 =	sadd.s32 $0x1, s2;
	s11 =	sadd.s32 $0x2, s2;
	s2 =	sadd.s32 $0x3, s2;
	v16 =	vadd.s32 s12, v8;
	v19 =	vadd.s32 s14, v8;
	v17 =	vadd.s32 v2, v13;
	v14 =	vld.idx.msk [tilespmem:v15+s18+$0x0], $0xffff  }
0x21f: {  	v21 =	vadd.s32 s11, v8;
	v20 =	vadd.s32 v2, v18;
	s30 =	smov.u32 s31;
	v13 =	vadd.s32 v2, v16;
	[tilespmem:s31+$0xFFFFFE00] =	vst v22;
	v18 =	vld.idx.msk [tilespmem:v12+s18+$0x0], $0xffff  }
0x220: {  	v16 =	vadd.s32 v2, v19;
	v12 =	vadd.s32 s3, v8;
	v22 =	vadd.s32 s2, v8;
	v19 =	vld.idx.msk [tilespmem:v23+s18+$0x0], $0xffff;
	[tilespmem:s31+$0x100] =	vst v24  }
0x221: {  	v15 =	vadd.s32 v2, v12;
	v12 =	vadd.s32 v2, v22;
	[tilespmem:s31+$0x180] =	vst v25  }
0x222: {  	_ =	sdelay $0x3  }
0x223: {  	v8 =	vld.idx.msk [tilespmem:v10+s18+$0x0], $0xffff;
	[tilespmem:s30+$0x0] =	vst v9  }
0x224: {  	v9 =	vld.idx.msk [tilespmem:v17+s18+$0x0], $0xffff;
	[tilespmem:s30+$0x80] =	vst v11  }
0x225: {  	v10 =	vadd.s32 v2, v21;
	v11 =	vld.idx.msk [tilespmem:v20+s18+$0x0], $0xffff;
	[tilespmem:s30+$0xFFFFFE80] =	vst v14  }
0x226: {  	v13 =	vld.idx.msk [tilespmem:v13+s18+$0x0], $0xffff;
	[tilespmem:s30+$0xFFFFFF80] =	vst v18  }
0x227: {  	s0 =	sadd.s32 $0x400, s31;
	v15 =	vld.idx.msk [tilespmem:v15+s18+$0x0], $0xffff;
	[tilespmem:s30+$0xFFFFFF00] =	vst v19  }
0x228: {  	v14 =	vld.idx.msk [tilespmem:v16+s18+$0x0], $0xffff;
	[tilespmem:s0+$0xFFFFFE00] =	vst v8  }
0x229: {  	v8 =	vld.idx.msk [tilespmem:v12+s18+$0x0], $0xffff;
	[tilespmem:s0+$0x100] =	vst v9  }
0x22a: {  	v9 =	vld.idx.msk [tilespmem:v10+s18+$0x0], $0xffff;
	[tilespmem:s0+$0x180] =	vst v11  }
0x22b: {  	[tilespmem:s0+$0x0] =	vst v13  }
0x22c: {  	[tilespmem:s0+$0xFFFFFE80] =	vst v15  }
0x22d: {  	[tilespmem:s0+$0x80] =	vst v14  }
0x22e: {  	[tilespmem:s0+$0xFFFFFF80] =	vst v8  }
0x22f: {  	[tilespmem:s0+$0xFFFFFF00] =	vst v9  }
0x230: {  	v8 =	vld [tilespmem:s29+$0x30];
	_ =	sdelay $0x3  }
0x231: {  	s12 =	simm.s32 $0x0  }
0x232: {  	s14 =	simm.s32 $0x6;
	v9 =	vadd.s32 s12, v8  }
0x233: {  	s2 =	simm.s32 $0x7;
	v10 =	vadd.s32 s14, v8;
	v9 =	vadd.s32 v3, v9  }
0x234: {  	s11 =	simm.s32 $0x5;
	v11 =	vadd.s32 s2, v8;
	v10 =	vadd.s32 v3, v10  }
0x235: {  	s3 =	simm.s32 $0x4;
	v13 =	vadd.s32 s11, v8;
	v11 =	vadd.s32 v3, v11  }
0x236: {  	v12 =	vadd.s32 s3, v8;
	s14 =	simm.s32 $0x3;
	v13 =	vadd.s32 v3, v13  }
0x237: {  	s12 =	simm.s32 $0x1;
	v12 =	vadd.s32 v3, v12;
	v15 =	vadd.s32 s14, v8  }
0x238: {  	s3 =	simm.s32 $0x2;
	v14 =	vadd.s32 s12, v8;
	v15 =	vadd.s32 v3, v15;
	v16 =	vld.idx.msk [tilespmem:v9+s18+$0x0], $0xffff  }
0x239: {  	s14 =	simm.s32 $0xF;
	v14 =	vadd.s32 v3, v14;
	v9 =	vadd.s32 s3, v8;
	v19 =	vld.idx.msk [tilespmem:v10+s18+$0x0], $0xffff  }
0x23a: {  	s11 =	simm.s32 $0x8;
	v18 =	vadd.s32 s14, v8;
	v23 =	vld.idx.msk [tilespmem:v11+s18+$0x0], $0xffff;
	v22 =	vadd.s32 v3, v9  }
0x23b: {  	s12 =	simm.s32 $0xE;
	s14 =	simm.s32 $0xB;
	v20 =	vadd.s32 v3, v18;
	v10 =	vadd.s32 s11, v8;
	v11 =	vld.idx.msk [tilespmem:v13+s18+$0x0], $0xffff  }
0x23c: {  	s30 =	simm.s32 $0x1AA30;
	v24 =	vadd.s32 s14, v8;
	s3 =	simm.s32 $0xC;
	v9 =	vld.idx.msk [tilespmem:v12+s18+$0x0], $0xffff;
	v10 =	vadd.s32 v3, v10;
	v12 =	vadd.s32 s12, v8;
	s12 =	simm.s32 $0x9  }
0x23d: {  	s11 =	simm.s32 $0xD;
	v13 =	vadd.s32 s3, v8;
	v18 =	vld.idx.msk [tilespmem:v15+s18+$0x0], $0xffff;
	v17 =	vadd.s32 v3, v12;
	v15 =	vadd.s32 s12, v8;
	[tilespmem:s30+$0xFFFFFE00] =	vst v16  }
0x23e: {  	v14 =	vld.idx.msk [tilespmem:v14+s18+$0x0], $0xffff;
	v12 =	vadd.s32 s11, v8;
	v13 =	vadd.s32 v3, v13;
	s11 =	simm.s32 $0xA;
	v15 =	vadd.s32 v3, v15;
	[tilespmem:s30+$0x100] =	vst v19  }
0x23f: {  	s31 =	simm.s32 $0x1AA30;
	s0 =	simm.s32 $0x10;
	v21 =	vadd.s32 s11, v8;
	v16 =	vadd.s32 v3, v12;
	v12 =	vadd.s32 v3, v24;
	[tilespmem:s30+$0x180] =	vst v23;
	v19 =	vld.idx.msk [tilespmem:v22+s18+$0x0], $0xffff  }
.LBB2_47:
0x240: {  	p0 =	slt.u32 s0, $0x18  }
0x241: {  	v22 =	vld.idx.msk [tilespmem:v10+s18+$0x0], $0xffff;
	[tilespmem:s30+$0x0] =	vst v9;
	s31 =	sadd.s32 $0x400, s31;
	s2 =	smov.u32 s0;
	s0 =	sadd.s32 $0x8, s0  }
0x242: {  	v23 =	vadd.s32 v3, v21;
	v24 =	vld.idx.msk [tilespmem:v17+s18+$0x0], $0xffff;
	[tilespmem:s30+$0x80] =	vst v11  }
0x243: {  	v25 =	vld.idx.msk [tilespmem:v20+s18+$0x0], $0xffff;
	[tilespmem:s30+$0xFFFFFE80] =	vst v14  }
0x244: {  	v10 =	vadd.s32 s2, v8;
	s3 =	sadd.s32 $0x6, s2;
	s11 =	sadd.s32 $0x7, s2;
	v9 =	vld.idx.msk [tilespmem:v13+s18+$0x0], $0xffff;
	[tilespmem:s30+$0xFFFFFF80] =	vst v18  }
.Ltmp19:
0x245: {  	s12 =	sadd.s32 $0x4, s2;
	s14 =	sadd.s32 $0x5, s2;
	v10 =	vadd.s32 v3, v10;
	v13 =	vadd.s32 s3, v8;
	v18 =	vadd.s32 s11, v8;
	v11 =	vld.idx.msk [tilespmem:v16+s18+$0x0], $0xffff;
	[tilespmem:s30+$0xFFFFFF00] =	vst v19;
	(pc) =	sbr.rel @p0 .LBB2_47-.Ltmp19, $4  }
0x246: {  	s3 =	sadd.s32 $0x1, s2;
	s11 =	sadd.s32 $0x2, s2;
	s2 =	sadd.s32 $0x3, s2;
	v16 =	vadd.s32 s12, v8;
	v19 =	vadd.s32 s14, v8;
	v17 =	vadd.s32 v3, v13;
	v14 =	vld.idx.msk [tilespmem:v15+s18+$0x0], $0xffff  }
0x247: {  	v21 =	vadd.s32 s11, v8;
	v20 =	vadd.s32 v3, v18;
	s30 =	smov.u32 s31;
	v13 =	vadd.s32 v3, v16;
	[tilespmem:s31+$0xFFFFFE00] =	vst v22;
	v18 =	vld.idx.msk [tilespmem:v12+s18+$0x0], $0xffff  }
0x248: {  	v16 =	vadd.s32 v3, v19;
	v12 =	vadd.s32 s3, v8;
	v22 =	vadd.s32 s2, v8;
	v19 =	vld.idx.msk [tilespmem:v23+s18+$0x0], $0xffff;
	[tilespmem:s31+$0x100] =	vst v24  }
0x249: {  	v15 =	vadd.s32 v3, v12;
	v12 =	vadd.s32 v3, v22;
	[tilespmem:s31+$0x180] =	vst v25  }
0x24a: {  	_ =	sdelay $0x3  }
0x24b: {  	v8 =	vld.idx.msk [tilespmem:v10+s18+$0x0], $0xffff;
	[tilespmem:s30+$0x0] =	vst v9  }
0x24c: {  	v9 =	vld.idx.msk [tilespmem:v17+s18+$0x0], $0xffff;
	[tilespmem:s30+$0x80] =	vst v11  }
0x24d: {  	v10 =	vadd.s32 v3, v21;
	v11 =	vld.idx.msk [tilespmem:v20+s18+$0x0], $0xffff;
	[tilespmem:s30+$0xFFFFFE80] =	vst v14  }
0x24e: {  	v13 =	vld.idx.msk [tilespmem:v13+s18+$0x0], $0xffff;
	[tilespmem:s30+$0xFFFFFF80] =	vst v18  }
0x24f: {  	s0 =	sadd.s32 $0x400, s31;
	v15 =	vld.idx.msk [tilespmem:v15+s18+$0x0], $0xffff;
	[tilespmem:s30+$0xFFFFFF00] =	vst v19  }
0x250: {  	v14 =	vld.idx.msk [tilespmem:v16+s18+$0x0], $0xffff;
	[tilespmem:s0+$0xFFFFFE00] =	vst v8  }
0x251: {  	v8 =	vld.idx.msk [tilespmem:v12+s18+$0x0], $0xffff;
	[tilespmem:s0+$0x100] =	vst v9  }
0x252: {  	v9 =	vld.idx.msk [tilespmem:v10+s18+$0x0], $0xffff;
	[tilespmem:s0+$0x180] =	vst v11  }
0x253: {  	[tilespmem:s0+$0x0] =	vst v13  }
0x254: {  	[tilespmem:s0+$0xFFFFFE80] =	vst v15  }
0x255: {  	[tilespmem:s0+$0x80] =	vst v14  }
0x256: {  	[tilespmem:s0+$0xFFFFFF80] =	vst v8  }
0x257: {  	[tilespmem:s0+$0xFFFFFF00] =	vst v9  }
0x258: {  	v8 =	vld [tilespmem:s29+$0x40];
	_ =	sdelay $0x3  }
0x259: {  	s12 =	simm.s32 $0x0  }
0x25a: {  	s14 =	simm.s32 $0x6;
	v9 =	vadd.s32 s12, v8  }
0x25b: {  	s2 =	simm.s32 $0x7;
	v10 =	vadd.s32 s14, v8;
	v9 =	vadd.s32 v4, v9  }
0x25c: {  	s11 =	simm.s32 $0x5;
	v11 =	vadd.s32 s2, v8;
	v10 =	vadd.s32 v4, v10  }
0x25d: {  	s3 =	simm.s32 $0x4;
	v13 =	vadd.s32 s11, v8;
	v11 =	vadd.s32 v4, v11  }
0x25e: {  	v12 =	vadd.s32 s3, v8;
	s14 =	simm.s32 $0x3;
	v13 =	vadd.s32 v4, v13  }
0x25f: {  	s12 =	simm.s32 $0x1;
	v12 =	vadd.s32 v4, v12;
	v15 =	vadd.s32 s14, v8  }
0x260: {  	s3 =	simm.s32 $0x2;
	v14 =	vadd.s32 s12, v8;
	v15 =	vadd.s32 v4, v15;
	v16 =	vld.idx.msk [tilespmem:v9+s18+$0x0], $0xffff  }
0x261: {  	s14 =	simm.s32 $0xF;
	v14 =	vadd.s32 v4, v14;
	v9 =	vadd.s32 s3, v8;
	v19 =	vld.idx.msk [tilespmem:v10+s18+$0x0], $0xffff  }
0x262: {  	s11 =	simm.s32 $0x8;
	v18 =	vadd.s32 s14, v8;
	v23 =	vld.idx.msk [tilespmem:v11+s18+$0x0], $0xffff;
	v22 =	vadd.s32 v4, v9  }
0x263: {  	s12 =	simm.s32 $0xE;
	s14 =	simm.s32 $0xB;
	v20 =	vadd.s32 v4, v18;
	v10 =	vadd.s32 s11, v8;
	v11 =	vld.idx.msk [tilespmem:v13+s18+$0x0], $0xffff  }
0x264: {  	s30 =	simm.s32 $0x1AA40;
	v24 =	vadd.s32 s14, v8;
	s3 =	simm.s32 $0xC;
	v9 =	vld.idx.msk [tilespmem:v12+s18+$0x0], $0xffff;
	v10 =	vadd.s32 v4, v10;
	v12 =	vadd.s32 s12, v8;
	s12 =	simm.s32 $0x9  }
0x265: {  	s11 =	simm.s32 $0xD;
	v13 =	vadd.s32 s3, v8;
	v18 =	vld.idx.msk [tilespmem:v15+s18+$0x0], $0xffff;
	v17 =	vadd.s32 v4, v12;
	v15 =	vadd.s32 s12, v8;
	[tilespmem:s30+$0xFFFFFE00] =	vst v16  }
0x266: {  	v14 =	vld.idx.msk [tilespmem:v14+s18+$0x0], $0xffff;
	v12 =	vadd.s32 s11, v8;
	v13 =	vadd.s32 v4, v13;
	s11 =	simm.s32 $0xA;
	v15 =	vadd.s32 v4, v15;
	[tilespmem:s30+$0x100] =	vst v19  }
0x267: {  	s31 =	simm.s32 $0x1AA40;
	s0 =	simm.s32 $0x10;
	v21 =	vadd.s32 s11, v8;
	v16 =	vadd.s32 v4, v12;
	v12 =	vadd.s32 v4, v24;
	[tilespmem:s30+$0x180] =	vst v23;
	v19 =	vld.idx.msk [tilespmem:v22+s18+$0x0], $0xffff  }
.LBB2_49:
0x268: {  	p0 =	slt.u32 s0, $0x18  }
0x269: {  	v22 =	vld.idx.msk [tilespmem:v10+s18+$0x0], $0xffff;
	[tilespmem:s30+$0x0] =	vst v9;
	s31 =	sadd.s32 $0x400, s31;
	s2 =	smov.u32 s0;
	s0 =	sadd.s32 $0x8, s0  }
0x26a: {  	v23 =	vadd.s32 v4, v21;
	v24 =	vld.idx.msk [tilespmem:v17+s18+$0x0], $0xffff;
	[tilespmem:s30+$0x80] =	vst v11  }
0x26b: {  	v25 =	vld.idx.msk [tilespmem:v20+s18+$0x0], $0xffff;
	[tilespmem:s30+$0xFFFFFE80] =	vst v14  }
0x26c: {  	v10 =	vadd.s32 s2, v8;
	s3 =	sadd.s32 $0x6, s2;
	s11 =	sadd.s32 $0x7, s2;
	v9 =	vld.idx.msk [tilespmem:v13+s18+$0x0], $0xffff;
	[tilespmem:s30+$0xFFFFFF80] =	vst v18  }
.Ltmp20:
0x26d: {  	s12 =	sadd.s32 $0x4, s2;
	s14 =	sadd.s32 $0x5, s2;
	v10 =	vadd.s32 v4, v10;
	v13 =	vadd.s32 s3, v8;
	v18 =	vadd.s32 s11, v8;
	v11 =	vld.idx.msk [tilespmem:v16+s18+$0x0], $0xffff;
	[tilespmem:s30+$0xFFFFFF00] =	vst v19;
	(pc) =	sbr.rel @p0 .LBB2_49-.Ltmp20, $4  }
0x26e: {  	s3 =	sadd.s32 $0x1, s2;
	s11 =	sadd.s32 $0x2, s2;
	s2 =	sadd.s32 $0x3, s2;
	v16 =	vadd.s32 s12, v8;
	v19 =	vadd.s32 s14, v8;
	v17 =	vadd.s32 v4, v13;
	v14 =	vld.idx.msk [tilespmem:v15+s18+$0x0], $0xffff  }
0x26f: {  	v21 =	vadd.s32 s11, v8;
	v20 =	vadd.s32 v4, v18;
	s30 =	smov.u32 s31;
	v13 =	vadd.s32 v4, v16;
	[tilespmem:s31+$0xFFFFFE00] =	vst v22;
	v18 =	vld.idx.msk [tilespmem:v12+s18+$0x0], $0xffff  }
0x270: {  	v16 =	vadd.s32 v4, v19;
	v12 =	vadd.s32 s3, v8;
	v22 =	vadd.s32 s2, v8;
	v19 =	vld.idx.msk [tilespmem:v23+s18+$0x0], $0xffff;
	[tilespmem:s31+$0x100] =	vst v24  }
0x271: {  	v15 =	vadd.s32 v4, v12;
	v12 =	vadd.s32 v4, v22;
	[tilespmem:s31+$0x180] =	vst v25  }
0x272: {  	_ =	sdelay $0x3  }
0x273: {  	v8 =	vld.idx.msk [tilespmem:v10+s18+$0x0], $0xffff;
	[tilespmem:s30+$0x0] =	vst v9  }
0x274: {  	v9 =	vld.idx.msk [tilespmem:v17+s18+$0x0], $0xffff;
	[tilespmem:s30+$0x80] =	vst v11  }
0x275: {  	v10 =	vadd.s32 v4, v21;
	v11 =	vld.idx.msk [tilespmem:v20+s18+$0x0], $0xffff;
	[tilespmem:s30+$0xFFFFFE80] =	vst v14  }
0x276: {  	v13 =	vld.idx.msk [tilespmem:v13+s18+$0x0], $0xffff;
	[tilespmem:s30+$0xFFFFFF80] =	vst v18  }
0x277: {  	s0 =	sadd.s32 $0x400, s31;
	v15 =	vld.idx.msk [tilespmem:v15+s18+$0x0], $0xffff;
	[tilespmem:s30+$0xFFFFFF00] =	vst v19  }
0x278: {  	v14 =	vld.idx.msk [tilespmem:v16+s18+$0x0], $0xffff;
	[tilespmem:s0+$0xFFFFFE00] =	vst v8  }
0x279: {  	v8 =	vld.idx.msk [tilespmem:v12+s18+$0x0], $0xffff;
	[tilespmem:s0+$0x100] =	vst v9  }
0x27a: {  	v9 =	vld.idx.msk [tilespmem:v10+s18+$0x0], $0xffff;
	[tilespmem:s0+$0x180] =	vst v11  }
0x27b: {  	[tilespmem:s0+$0x0] =	vst v13  }
0x27c: {  	[tilespmem:s0+$0xFFFFFE80] =	vst v15  }
0x27d: {  	[tilespmem:s0+$0x80] =	vst v14  }
0x27e: {  	[tilespmem:s0+$0xFFFFFF80] =	vst v8  }
0x27f: {  	[tilespmem:s0+$0xFFFFFF00] =	vst v9  }
0x280: {  	v8 =	vld [tilespmem:s29+$0x50];
	_ =	sdelay $0x3  }
0x281: {  	s12 =	simm.s32 $0x0  }
0x282: {  	s14 =	simm.s32 $0x6;
	v9 =	vadd.s32 s12, v8  }
0x283: {  	s2 =	simm.s32 $0x7;
	v10 =	vadd.s32 s14, v8;
	v9 =	vadd.s32 v5, v9  }
0x284: {  	s11 =	simm.s32 $0x5;
	v11 =	vadd.s32 s2, v8;
	v10 =	vadd.s32 v5, v10  }
0x285: {  	s3 =	simm.s32 $0x4;
	v13 =	vadd.s32 s11, v8;
	v11 =	vadd.s32 v5, v11  }
0x286: {  	v12 =	vadd.s32 s3, v8;
	s14 =	simm.s32 $0x3;
	v13 =	vadd.s32 v5, v13  }
0x287: {  	s12 =	simm.s32 $0x1;
	v12 =	vadd.s32 v5, v12;
	v15 =	vadd.s32 s14, v8  }
0x288: {  	s3 =	simm.s32 $0x2;
	v14 =	vadd.s32 s12, v8;
	v15 =	vadd.s32 v5, v15;
	v16 =	vld.idx.msk [tilespmem:v9+s18+$0x0], $0xffff  }
0x289: {  	s14 =	simm.s32 $0xF;
	v14 =	vadd.s32 v5, v14;
	v9 =	vadd.s32 s3, v8;
	v19 =	vld.idx.msk [tilespmem:v10+s18+$0x0], $0xffff  }
0x28a: {  	s11 =	simm.s32 $0x8;
	v18 =	vadd.s32 s14, v8;
	v23 =	vld.idx.msk [tilespmem:v11+s18+$0x0], $0xffff;
	v22 =	vadd.s32 v5, v9  }
0x28b: {  	s12 =	simm.s32 $0xE;
	s14 =	simm.s32 $0xB;
	v20 =	vadd.s32 v5, v18;
	v10 =	vadd.s32 s11, v8;
	v11 =	vld.idx.msk [tilespmem:v13+s18+$0x0], $0xffff  }
0x28c: {  	s30 =	simm.s32 $0x1AA50;
	v24 =	vadd.s32 s14, v8;
	s3 =	simm.s32 $0xC;
	v9 =	vld.idx.msk [tilespmem:v12+s18+$0x0], $0xffff;
	v10 =	vadd.s32 v5, v10;
	v12 =	vadd.s32 s12, v8;
	s12 =	simm.s32 $0x9  }
0x28d: {  	s11 =	simm.s32 $0xD;
	v13 =	vadd.s32 s3, v8;
	v18 =	vld.idx.msk [tilespmem:v15+s18+$0x0], $0xffff;
	v17 =	vadd.s32 v5, v12;
	v15 =	vadd.s32 s12, v8;
	[tilespmem:s30+$0xFFFFFE00] =	vst v16  }
0x28e: {  	v14 =	vld.idx.msk [tilespmem:v14+s18+$0x0], $0xffff;
	v12 =	vadd.s32 s11, v8;
	v13 =	vadd.s32 v5, v13;
	s11 =	simm.s32 $0xA;
	v15 =	vadd.s32 v5, v15;
	[tilespmem:s30+$0x100] =	vst v19  }
0x28f: {  	s31 =	simm.s32 $0x1AA50;
	s0 =	simm.s32 $0x10;
	v21 =	vadd.s32 s11, v8;
	v16 =	vadd.s32 v5, v12;
	v12 =	vadd.s32 v5, v24;
	[tilespmem:s30+$0x180] =	vst v23;
	v19 =	vld.idx.msk [tilespmem:v22+s18+$0x0], $0xffff  }
.LBB2_51:
0x290: {  	p0 =	slt.u32 s0, $0x18  }
0x291: {  	v22 =	vld.idx.msk [tilespmem:v10+s18+$0x0], $0xffff;
	[tilespmem:s30+$0x0] =	vst v9;
	s31 =	sadd.s32 $0x400, s31;
	s2 =	smov.u32 s0;
	s0 =	sadd.s32 $0x8, s0  }
0x292: {  	v23 =	vadd.s32 v5, v21;
	v24 =	vld.idx.msk [tilespmem:v17+s18+$0x0], $0xffff;
	[tilespmem:s30+$0x80] =	vst v11  }
0x293: {  	v25 =	vld.idx.msk [tilespmem:v20+s18+$0x0], $0xffff;
	[tilespmem:s30+$0xFFFFFE80] =	vst v14  }
0x294: {  	v10 =	vadd.s32 s2, v8;
	s3 =	sadd.s32 $0x6, s2;
	s11 =	sadd.s32 $0x7, s2;
	v9 =	vld.idx.msk [tilespmem:v13+s18+$0x0], $0xffff;
	[tilespmem:s30+$0xFFFFFF80] =	vst v18  }
.Ltmp21:
0x295: {  	s12 =	sadd.s32 $0x4, s2;
	s14 =	sadd.s32 $0x5, s2;
	v10 =	vadd.s32 v5, v10;
	v13 =	vadd.s32 s3, v8;
	v18 =	vadd.s32 s11, v8;
	v11 =	vld.idx.msk [tilespmem:v16+s18+$0x0], $0xffff;
	[tilespmem:s30+$0xFFFFFF00] =	vst v19;
	(pc) =	sbr.rel @p0 .LBB2_51-.Ltmp21, $4  }
0x296: {  	s3 =	sadd.s32 $0x1, s2;
	s11 =	sadd.s32 $0x2, s2;
	s2 =	sadd.s32 $0x3, s2;
	v16 =	vadd.s32 s12, v8;
	v19 =	vadd.s32 s14, v8;
	v17 =	vadd.s32 v5, v13;
	v14 =	vld.idx.msk [tilespmem:v15+s18+$0x0], $0xffff  }
0x297: {  	v21 =	vadd.s32 s11, v8;
	v20 =	vadd.s32 v5, v18;
	s30 =	smov.u32 s31;
	v13 =	vadd.s32 v5, v16;
	[tilespmem:s31+$0xFFFFFE00] =	vst v22;
	v18 =	vld.idx.msk [tilespmem:v12+s18+$0x0], $0xffff  }
0x298: {  	v16 =	vadd.s32 v5, v19;
	v12 =	vadd.s32 s3, v8;
	v22 =	vadd.s32 s2, v8;
	v19 =	vld.idx.msk [tilespmem:v23+s18+$0x0], $0xffff;
	[tilespmem:s31+$0x100] =	vst v24  }
0x299: {  	v15 =	vadd.s32 v5, v12;
	v12 =	vadd.s32 v5, v22;
	[tilespmem:s31+$0x180] =	vst v25  }
0x29a: {  	_ =	sdelay $0x3  }
0x29b: {  	v8 =	vld.idx.msk [tilespmem:v10+s18+$0x0], $0xffff;
	[tilespmem:s30+$0x0] =	vst v9  }
0x29c: {  	v9 =	vld.idx.msk [tilespmem:v17+s18+$0x0], $0xffff;
	[tilespmem:s30+$0x80] =	vst v11  }
0x29d: {  	v10 =	vadd.s32 v5, v21;
	v11 =	vld.idx.msk [tilespmem:v20+s18+$0x0], $0xffff;
	[tilespmem:s30+$0xFFFFFE80] =	vst v14  }
0x29e: {  	v13 =	vld.idx.msk [tilespmem:v13+s18+$0x0], $0xffff;
	[tilespmem:s30+$0xFFFFFF80] =	vst v18  }
0x29f: {  	s0 =	sadd.s32 $0x400, s31;
	v15 =	vld.idx.msk [tilespmem:v15+s18+$0x0], $0xffff;
	[tilespmem:s30+$0xFFFFFF00] =	vst v19  }
0x2a0: {  	v14 =	vld.idx.msk [tilespmem:v16+s18+$0x0], $0xffff;
	[tilespmem:s0+$0xFFFFFE00] =	vst v8  }
0x2a1: {  	v8 =	vld.idx.msk [tilespmem:v12+s18+$0x0], $0xffff;
	[tilespmem:s0+$0x100] =	vst v9  }
0x2a2: {  	v9 =	vld.idx.msk [tilespmem:v10+s18+$0x0], $0xffff;
	[tilespmem:s0+$0x180] =	vst v11  }
0x2a3: {  	[tilespmem:s0+$0x0] =	vst v13  }
0x2a4: {  	[tilespmem:s0+$0xFFFFFE80] =	vst v15  }
0x2a5: {  	[tilespmem:s0+$0x80] =	vst v14  }
0x2a6: {  	[tilespmem:s0+$0xFFFFFF80] =	vst v8  }
0x2a7: {  	[tilespmem:s0+$0xFFFFFF00] =	vst v9  }
0x2a8: {  	v8 =	vld [tilespmem:s29+$0x60];
	_ =	sdelay $0x3  }
0x2a9: {  	s12 =	simm.s32 $0x0  }
0x2aa: {  	s14 =	simm.s32 $0x6;
	v9 =	vadd.s32 s12, v8  }
0x2ab: {  	s2 =	simm.s32 $0x7;
	v10 =	vadd.s32 s14, v8;
	v9 =	vadd.s32 v6, v9  }
0x2ac: {  	s11 =	simm.s32 $0x5;
	v11 =	vadd.s32 s2, v8;
	v10 =	vadd.s32 v6, v10  }
0x2ad: {  	s3 =	simm.s32 $0x4;
	v13 =	vadd.s32 s11, v8;
	v11 =	vadd.s32 v6, v11  }
0x2ae: {  	v12 =	vadd.s32 s3, v8;
	s14 =	simm.s32 $0x3;
	v13 =	vadd.s32 v6, v13  }
0x2af: {  	s12 =	simm.s32 $0x1;
	v12 =	vadd.s32 v6, v12;
	v15 =	vadd.s32 s14, v8  }
0x2b0: {  	s3 =	simm.s32 $0x2;
	v14 =	vadd.s32 s12, v8;
	v15 =	vadd.s32 v6, v15;
	v16 =	vld.idx.msk [tilespmem:v9+s18+$0x0], $0xffff  }
0x2b1: {  	s14 =	simm.s32 $0xF;
	v14 =	vadd.s32 v6, v14;
	v9 =	vadd.s32 s3, v8;
	v19 =	vld.idx.msk [tilespmem:v10+s18+$0x0], $0xffff  }
0x2b2: {  	s11 =	simm.s32 $0x8;
	v18 =	vadd.s32 s14, v8;
	v23 =	vld.idx.msk [tilespmem:v11+s18+$0x0], $0xffff;
	v22 =	vadd.s32 v6, v9  }
0x2b3: {  	s12 =	simm.s32 $0xE;
	s14 =	simm.s32 $0xB;
	v20 =	vadd.s32 v6, v18;
	v10 =	vadd.s32 s11, v8;
	v11 =	vld.idx.msk [tilespmem:v13+s18+$0x0], $0xffff  }
0x2b4: {  	s30 =	simm.s32 $0x1AA60;
	v24 =	vadd.s32 s14, v8;
	s3 =	simm.s32 $0xC;
	v9 =	vld.idx.msk [tilespmem:v12+s18+$0x0], $0xffff;
	v10 =	vadd.s32 v6, v10;
	v12 =	vadd.s32 s12, v8;
	s12 =	simm.s32 $0x9  }
0x2b5: {  	s11 =	simm.s32 $0xD;
	v13 =	vadd.s32 s3, v8;
	v18 =	vld.idx.msk [tilespmem:v15+s18+$0x0], $0xffff;
	v17 =	vadd.s32 v6, v12;
	v15 =	vadd.s32 s12, v8;
	[tilespmem:s30+$0xFFFFFE00] =	vst v16  }
0x2b6: {  	v14 =	vld.idx.msk [tilespmem:v14+s18+$0x0], $0xffff;
	v12 =	vadd.s32 s11, v8;
	v13 =	vadd.s32 v6, v13;
	s11 =	simm.s32 $0xA;
	v15 =	vadd.s32 v6, v15;
	[tilespmem:s30+$0x100] =	vst v19  }
0x2b7: {  	s31 =	simm.s32 $0x1AA60;
	s0 =	simm.s32 $0x10;
	v21 =	vadd.s32 s11, v8;
	v16 =	vadd.s32 v6, v12;
	v12 =	vadd.s32 v6, v24;
	[tilespmem:s30+$0x180] =	vst v23;
	v19 =	vld.idx.msk [tilespmem:v22+s18+$0x0], $0xffff  }
.LBB2_53:
0x2b8: {  	p0 =	slt.u32 s0, $0x18  }
0x2b9: {  	v22 =	vld.idx.msk [tilespmem:v10+s18+$0x0], $0xffff;
	[tilespmem:s30+$0x0] =	vst v9;
	s31 =	sadd.s32 $0x400, s31;
	s2 =	smov.u32 s0;
	s0 =	sadd.s32 $0x8, s0  }
0x2ba: {  	v23 =	vadd.s32 v6, v21;
	v24 =	vld.idx.msk [tilespmem:v17+s18+$0x0], $0xffff;
	[tilespmem:s30+$0x80] =	vst v11  }
0x2bb: {  	v25 =	vld.idx.msk [tilespmem:v20+s18+$0x0], $0xffff;
	[tilespmem:s30+$0xFFFFFE80] =	vst v14  }
0x2bc: {  	v10 =	vadd.s32 s2, v8;
	s3 =	sadd.s32 $0x6, s2;
	s11 =	sadd.s32 $0x7, s2;
	v9 =	vld.idx.msk [tilespmem:v13+s18+$0x0], $0xffff;
	[tilespmem:s30+$0xFFFFFF80] =	vst v18  }
.Ltmp22:
0x2bd: {  	s12 =	sadd.s32 $0x4, s2;
	s14 =	sadd.s32 $0x5, s2;
	v10 =	vadd.s32 v6, v10;
	v13 =	vadd.s32 s3, v8;
	v18 =	vadd.s32 s11, v8;
	v11 =	vld.idx.msk [tilespmem:v16+s18+$0x0], $0xffff;
	[tilespmem:s30+$0xFFFFFF00] =	vst v19;
	(pc) =	sbr.rel @p0 .LBB2_53-.Ltmp22, $4  }
0x2be: {  	s3 =	sadd.s32 $0x1, s2;
	s11 =	sadd.s32 $0x2, s2;
	s2 =	sadd.s32 $0x3, s2;
	v16 =	vadd.s32 s12, v8;
	v19 =	vadd.s32 s14, v8;
	v17 =	vadd.s32 v6, v13;
	v14 =	vld.idx.msk [tilespmem:v15+s18+$0x0], $0xffff  }
0x2bf: {  	v21 =	vadd.s32 s11, v8;
	v20 =	vadd.s32 v6, v18;
	s30 =	smov.u32 s31;
	v13 =	vadd.s32 v6, v16;
	[tilespmem:s31+$0xFFFFFE00] =	vst v22;
	v18 =	vld.idx.msk [tilespmem:v12+s18+$0x0], $0xffff  }
0x2c0: {  	v16 =	vadd.s32 v6, v19;
	v12 =	vadd.s32 s3, v8;
	v22 =	vadd.s32 s2, v8;
	v19 =	vld.idx.msk [tilespmem:v23+s18+$0x0], $0xffff;
	[tilespmem:s31+$0x100] =	vst v24  }
0x2c1: {  	v15 =	vadd.s32 v6, v12;
	v12 =	vadd.s32 v6, v22;
	[tilespmem:s31+$0x180] =	vst v25  }
0x2c2: {  	_ =	sdelay $0x3  }
0x2c3: {  	v8 =	vld.idx.msk [tilespmem:v10+s18+$0x0], $0xffff;
	[tilespmem:s30+$0x0] =	vst v9  }
0x2c4: {  	v9 =	vld.idx.msk [tilespmem:v17+s18+$0x0], $0xffff;
	[tilespmem:s30+$0x80] =	vst v11  }
0x2c5: {  	v10 =	vadd.s32 v6, v21;
	v11 =	vld.idx.msk [tilespmem:v20+s18+$0x0], $0xffff;
	[tilespmem:s30+$0xFFFFFE80] =	vst v14  }
0x2c6: {  	v13 =	vld.idx.msk [tilespmem:v13+s18+$0x0], $0xffff;
	[tilespmem:s30+$0xFFFFFF80] =	vst v18  }
0x2c7: {  	s0 =	sadd.s32 $0x400, s31;
	v15 =	vld.idx.msk [tilespmem:v15+s18+$0x0], $0xffff;
	[tilespmem:s30+$0xFFFFFF00] =	vst v19  }
0x2c8: {  	v14 =	vld.idx.msk [tilespmem:v16+s18+$0x0], $0xffff;
	[tilespmem:s0+$0xFFFFFE00] =	vst v8  }
0x2c9: {  	v8 =	vld.idx.msk [tilespmem:v12+s18+$0x0], $0xffff;
	[tilespmem:s0+$0x100] =	vst v9  }
0x2ca: {  	v9 =	vld.idx.msk [tilespmem:v10+s18+$0x0], $0xffff;
	[tilespmem:s0+$0x180] =	vst v11  }
0x2cb: {  	[tilespmem:s0+$0x0] =	vst v13  }
0x2cc: {  	[tilespmem:s0+$0xFFFFFE80] =	vst v15  }
0x2cd: {  	[tilespmem:s0+$0x80] =	vst v14  }
0x2ce: {  	[tilespmem:s0+$0xFFFFFF80] =	vst v8  }
0x2cf: {  	[tilespmem:s0+$0xFFFFFF00] =	vst v9  }
0x2d0: {  	v8 =	vld [tilespmem:s29+$0x70];
	_ =	sdelay $0x3  }
0x2d1: {  	s12 =	simm.s32 $0x0  }
0x2d2: {  	s14 =	simm.s32 $0x6;
	v9 =	vadd.s32 s12, v8  }
0x2d3: {  	s2 =	simm.s32 $0x7;
	v10 =	vadd.s32 s14, v8;
	v9 =	vadd.s32 v7, v9  }
0x2d4: {  	s3 =	simm.s32 $0x5;
	v11 =	vadd.s32 s2, v8;
	v10 =	vadd.s32 v7, v10  }
0x2d5: {  	s31 =	simm.s32 $0x4;
	v13 =	vadd.s32 s3, v8;
	v11 =	vadd.s32 v7, v11  }
0x2d6: {  	v12 =	vadd.s32 s31, v8;
	s12 =	simm.s32 $0x3;
	v13 =	vadd.s32 v7, v13  }
0x2d7: {  	s11 =	simm.s32 $0x1;
	v12 =	vadd.s32 v7, v12;
	v15 =	vadd.s32 s12, v8  }
0x2d8: {  	v14 =	vadd.s32 s11, v8;
	s14 =	simm.s32 $0x2;
	v15 =	vadd.s32 v7, v15;
	v16 =	vld.idx.msk [tilespmem:v9+s18+$0x0], $0xffff  }
0x2d9: {  	s11 =	simm.s32 $0xF;
	v14 =	vadd.s32 v7, v14;
	v9 =	vadd.s32 s14, v8;
	v19 =	vld.idx.msk [tilespmem:v10+s18+$0x0], $0xffff  }
0x2da: {  	s31 =	simm.s32 $0x8;
	v18 =	vadd.s32 s11, v8;
	v23 =	vld.idx.msk [tilespmem:v11+s18+$0x0], $0xffff;
	v22 =	vadd.s32 v7, v9  }
0x2db: {  	s2 =	simm.s32 $0xE;
	s3 =	simm.s32 $0xC;
	v20 =	vadd.s32 v7, v18;
	v10 =	vadd.s32 s31, v8;
	v11 =	vld.idx.msk [tilespmem:v13+s18+$0x0], $0xffff  }
0x2dc: {  	s29 =	simm.s32 $0x1AA70;
	v13 =	vadd.s32 s3, v8;
	s14 =	simm.s32 $0x9;
	v9 =	vld.idx.msk [tilespmem:v12+s18+$0x0], $0xffff;
	v10 =	vadd.s32 v7, v10;
	v12 =	vadd.s32 s2, v8  }
0x2dd: {  	s12 =	simm.s32 $0xD;
	s31 =	simm.s32 $0xB;
	v13 =	vadd.s32 v7, v13;
	v18 =	vld.idx.msk [tilespmem:v15+s18+$0x0], $0xffff;
	v15 =	vadd.s32 s14, v8;
	v17 =	vadd.s32 v7, v12;
	[tilespmem:s29+$0xFFFFFE00] =	vst v16  }
0x2de: {  	s11 =	simm.s32 $0xA;
	v14 =	vld.idx.msk [tilespmem:v14+s18+$0x0], $0xffff;
	v24 =	vadd.s32 s31, v8;
	v12 =	vadd.s32 s12, v8;
	v15 =	vadd.s32 v7, v15;
	[tilespmem:s29+$0x100] =	vst v19  }
0x2df: {  	s30 =	simm.s32 $0x1AA70;
	s0 =	simm.s32 $0x10;
	v21 =	vadd.s32 s11, v8;
	v16 =	vadd.s32 v7, v12;
	v12 =	vadd.s32 v7, v24;
	[tilespmem:s29+$0x180] =	vst v23;
	v19 =	vld.idx.msk [tilespmem:v22+s18+$0x0], $0xffff  }
.LBB2_55:
0x2e0: {  	p0 =	slt.u32 s0, $0x18  }
0x2e1: {  	v22 =	vld.idx.msk [tilespmem:v10+s18+$0x0], $0xffff;
	[tilespmem:s29+$0x0] =	vst v9;
	s30 =	sadd.s32 $0x400, s30;
	s2 =	smov.u32 s0;
	s0 =	sadd.s32 $0x8, s0  }
0x2e2: {  	v23 =	vadd.s32 v7, v21;
	v24 =	vld.idx.msk [tilespmem:v17+s18+$0x0], $0xffff;
	[tilespmem:s29+$0x80] =	vst v11  }
0x2e3: {  	v25 =	vld.idx.msk [tilespmem:v20+s18+$0x0], $0xffff;
	[tilespmem:s29+$0xFFFFFE80] =	vst v14  }
0x2e4: {  	v10 =	vadd.s32 s2, v8;
	s3 =	sadd.s32 $0x6, s2;
	s11 =	sadd.s32 $0x7, s2;
	v9 =	vld.idx.msk [tilespmem:v13+s18+$0x0], $0xffff;
	[tilespmem:s29+$0xFFFFFF80] =	vst v18  }
.Ltmp23:
0x2e5: {  	s12 =	sadd.s32 $0x4, s2;
	s14 =	sadd.s32 $0x5, s2;
	v10 =	vadd.s32 v7, v10;
	v13 =	vadd.s32 s3, v8;
	v18 =	vadd.s32 s11, v8;
	v11 =	vld.idx.msk [tilespmem:v16+s18+$0x0], $0xffff;
	[tilespmem:s29+$0xFFFFFF00] =	vst v19;
	(pc) =	sbr.rel @p0 .LBB2_55-.Ltmp23, $4  }
0x2e6: {  	s3 =	sadd.s32 $0x1, s2;
	s11 =	sadd.s32 $0x2, s2;
	s2 =	sadd.s32 $0x3, s2;
	v16 =	vadd.s32 s12, v8;
	v19 =	vadd.s32 s14, v8;
	v17 =	vadd.s32 v7, v13;
	v14 =	vld.idx.msk [tilespmem:v15+s18+$0x0], $0xffff  }
0x2e7: {  	v21 =	vadd.s32 s11, v8;
	v20 =	vadd.s32 v7, v18;
	s29 =	smov.u32 s30;
	v13 =	vadd.s32 v7, v16;
	[tilespmem:s30+$0xFFFFFE00] =	vst v22;
	v18 =	vld.idx.msk [tilespmem:v12+s18+$0x0], $0xffff  }
0x2e8: {  	v16 =	vadd.s32 v7, v19;
	v12 =	vadd.s32 s3, v8;
	v22 =	vadd.s32 s2, v8;
	v19 =	vld.idx.msk [tilespmem:v23+s18+$0x0], $0xffff;
	[tilespmem:s30+$0x100] =	vst v24  }
0x2e9: {  	v15 =	vadd.s32 v7, v12;
	v12 =	vadd.s32 v7, v22;
	[tilespmem:s30+$0x180] =	vst v25  }
0x2ea: {  	_ =	sdelay $0x3  }
0x2eb: {  	v8 =	vld.idx.msk [tilespmem:v10+s18+$0x0], $0xffff;
	[tilespmem:s29+$0x0] =	vst v9  }
0x2ec: {  	v59 =	vld.idx.msk [tilespmem:v17+s18+$0x0], $0xffff;
	[tilespmem:s29+$0x80] =	vst v11  }
0x2ed: {  	v60 =	vadd.s32 v7, v21;
	v61 =	vld.idx.msk [tilespmem:v20+s18+$0x0], $0xffff;
	[tilespmem:s29+$0xFFFFFE80] =	vst v14  }
0x2ee: {  	v13 =	vld.idx.msk [tilespmem:v13+s18+$0x0], $0xffff;
	[tilespmem:s29+$0xFFFFFF80] =	vst v18  }
0x2ef: {  	s0 =	sadd.s32 $0x400, s30;
	v62 =	vld.idx.msk [tilespmem:v16+s18+$0x0], $0xffff;
	[tilespmem:s29+$0xFFFFFF00] =	vst v19  }
0x2f0: {  	v15 =	vld.idx.msk [tilespmem:v15+s18+$0x0], $0xffff;
	[tilespmem:s0+$0xFFFFFE00] =	vst v8  }
0x2f1: {  	v8 =	vld.idx.msk [tilespmem:v12+s18+$0x0], $0xffff;
	[tilespmem:s0+$0x100] =	vst v59  }
0x2f2: {  	v63 =	vld.idx.msk [tilespmem:v60+s18+$0x0], $0xffff;
	[tilespmem:s0+$0x180] =	vst v61  }
0x2f3: {  	[tilespmem:s0+$0x0] =	vst v13  }
.Ltmp24:
0x2f4: {  	s2 =	sshll.u32 s28, $0x11;
	[tilespmem:s0+$0x80] =	vst v62;
	(pc) =	sbr.rel .LBB2_57-.Ltmp24, $4  }
0x2f5: {  	s2 =	sor.u32 s4, s2;
	[tilespmem:s0+$0xFFFFFE80] =	vst v15  }
0x2f6: {  	s2 =	sshrl.u32 s2, $0x3;
	[tilespmem:s0+$0xFFFFFF80] =	vst v8  }
0x2f7: {  	s31 =	sadd.s32 s1, s2;
	[tilespmem:s0+$0xFFFFFF00] =	vst v63  }
0x2f8: {  	[hbm4b:s31+s8] =	stream.strided.scatter [tilespmem:s19], [sflag:$0x6], $0x1000, s9, s8, $0x38;
	[tilespmem:$0x1B800] =	vst v63  }
.LBB2_6:
0x2f9: {  	_ =	swait.ge [sflag:s24], $0x4000  }
0x2fa: {  	s29 =	sadd.s32 @!p0 $0x6500, s29;
	[sflag:s24] =	ssyncset.done $0x0  }
0x2fb: {  	s30 =	simm.s32 @!p0 $0x80;
	s31 =	simm.s32 @!p0 $0x14800;
	[sflag:s24] =	ssyncadd.s32 $0xFFFFC000  }
0x2fc: {  	[tilespmem:s31], [sflag:$0x3] =	stream.indirect.gather @!p0 [hbm4b:s5+s30], $0x80, s29, s30, $0xb8;
	[tilespmem:$0x1B800] =	vst v63  }
0x2fd: {  	p0 =	por p0, !p1  }
0x2fe: {  	_ =	swait.ge @p0 [sflag:s20], $0x1000  }
0x2ff: {  	[sflag:s20] =	ssyncset.done @p0 $0x0  }
0x300: {  	s29 =	sshrl.u32 s0, $0x2;
	[sflag:s20] =	ssyncadd.s32 @p0 $0xFFFFF000  }
0x301: {  	v8 =	vld [tilespmem:s29+$0x0];
	_ =	sdelay $0x3  }
0x302: {  	s11 =	simm.s32 $0x0  }
0x303: {  	s12 =	simm.s32 $0x6;
	v9 =	vadd.s32 s11, v8  }
0x304: {  	s30 =	simm.s32 $0x7;
	v10 =	vadd.s32 s12, v8;
	v9 =	vadd.s32 v0, v9  }
0x305: {  	s14 =	simm.s32 $0x4;
	v11 =	vadd.s32 s30, v8;
	v10 =	vadd.s32 v0, v10  }
0x306: {  	s30 =	simm.s32 $0x5;
	v12 =	vadd.s32 s14, v8;
	v11 =	vadd.s32 v0, v11  }
0x307: {  	v13 =	vadd.s32 s30, v8;
	v12 =	vadd.s32 v0, v12;
	s30 =	simm.s32 $0x3  }
0x308: {  	s2 =	simm.s32 $0x1;
	v13 =	vadd.s32 v0, v13;
	v15 =	vadd.s32 s30, v8  }
0x309: {  	s3 =	simm.s32 $0x2;
	v14 =	vadd.s32 s2, v8;
	v15 =	vadd.s32 v0, v15;
	v16 =	vld.idx.msk [tilespmem:v9+s13+$0x0], $0xffff  }
0x30a: {  	s31 =	simm.s32 $0xF;
	v14 =	vadd.s32 v0, v14;
	v9 =	vadd.s32 s3, v8;
	v19 =	vld.idx.msk [tilespmem:v10+s13+$0x0], $0xffff  }
0x30b: {  	v18 =	vadd.s32 s31, v8;
	s30 =	simm.s32 $0x8;
	v23 =	vld.idx.msk [tilespmem:v11+s13+$0x0], $0xffff;
	v22 =	vadd.s32 v0, v9  }
0x30c: {  	s11 =	simm.s32 $0xE;
	s31 =	simm.s32 $0xB;
	v20 =	vadd.s32 v0, v18;
	v10 =	vadd.s32 s30, v8;
	v9 =	vld.idx.msk [tilespmem:v12+s13+$0x0], $0xffff  }
0x30d: {  	s2 =	simm.s32 $0xC;
	s14 =	simm.s32 $0x9;
	v24 =	vadd.s32 s31, v8;
	s30 =	simm.s32 $0x18A00;
	v10 =	vadd.s32 v0, v10;
	v12 =	vadd.s32 s11, v8;
	v11 =	vld.idx.msk [tilespmem:v13+s13+$0x0], $0xffff  }
0x30e: {  	s12 =	simm.s32 $0xD;
	v13 =	vadd.s32 s2, v8;
	v17 =	vadd.s32 v0, v12;
	v18 =	vld.idx.msk [tilespmem:v15+s13+$0x0], $0xffff;
	v15 =	vadd.s32 s14, v8;
	[tilespmem:s30+$0xFFFFFE00] =	vst v16  }
0x30f: {  	v14 =	vld.idx.msk [tilespmem:v14+s13+$0x0], $0xffff;
	v12 =	vadd.s32 s12, v8;
	v13 =	vadd.s32 v0, v13;
	s12 =	simm.s32 $0xA;
	v15 =	vadd.s32 v0, v15;
	[tilespmem:s30+$0x100] =	vst v19  }
0x310: {  	s0 =	simm.s32 $0x10;
	s31 =	simm.s32 $0x18A00;
	v21 =	vadd.s32 s12, v8;
	v16 =	vadd.s32 v0, v12;
	v12 =	vadd.s32 v0, v24;
	[tilespmem:s30+$0x180] =	vst v23;
	v19 =	vld.idx.msk [tilespmem:v22+s13+$0x0], $0xffff  }
.LBB2_7:
0x311: {  	p0 =	slt.u32 s0, $0x18  }
0x312: {  	v22 =	vld.idx.msk [tilespmem:v10+s13+$0x0], $0xffff;
	[tilespmem:s30+$0x0] =	vst v9;
	s31 =	sadd.s32 $0x400, s31;
	s2 =	smov.u32 s0;
	s0 =	sadd.s32 $0x8, s0  }
0x313: {  	v23 =	vadd.s32 v0, v21;
	v24 =	vld.idx.msk [tilespmem:v17+s13+$0x0], $0xffff;
	[tilespmem:s30+$0x80] =	vst v11  }
0x314: {  	v25 =	vld.idx.msk [tilespmem:v20+s13+$0x0], $0xffff;
	[tilespmem:s30+$0xFFFFFE80] =	vst v14  }
0x315: {  	v10 =	vadd.s32 s2, v8;
	s12 =	sadd.s32 $0x6, s2;
	s14 =	sadd.s32 $0x7, s2;
	v9 =	vld.idx.msk [tilespmem:v13+s13+$0x0], $0xffff;
	[tilespmem:s30+$0xFFFFFF80] =	vst v18  }
.Ltmp25:
0x316: {  	s3 =	sadd.s32 $0x4, s2;
	s11 =	sadd.s32 $0x5, s2;
	v10 =	vadd.s32 v0, v10;
	v13 =	vadd.s32 s12, v8;
	v18 =	vadd.s32 s14, v8;
	v11 =	vld.idx.msk [tilespmem:v16+s13+$0x0], $0xffff;
	[tilespmem:s30+$0xFFFFFF00] =	vst v19;
	(pc) =	sbr.rel @p0 .LBB2_7-.Ltmp25, $4  }
0x317: {  	s12 =	sadd.s32 $0x1, s2;
	s14 =	sadd.s32 $0x2, s2;
	s2 =	sadd.s32 $0x3, s2;
	v16 =	vadd.s32 s3, v8;
	v19 =	vadd.s32 s11, v8;
	v17 =	vadd.s32 v0, v13;
	v14 =	vld.idx.msk [tilespmem:v15+s13+$0x0], $0xffff  }
0x318: {  	v21 =	vadd.s32 s14, v8;
	v20 =	vadd.s32 v0, v18;
	s30 =	smov.u32 s31;
	v13 =	vadd.s32 v0, v16;
	[tilespmem:s31+$0xFFFFFE00] =	vst v22;
	v18 =	vld.idx.msk [tilespmem:v12+s13+$0x0], $0xffff  }
0x319: {  	v16 =	vadd.s32 v0, v19;
	v12 =	vadd.s32 s12, v8;
	v22 =	vadd.s32 s2, v8;
	v19 =	vld.idx.msk [tilespmem:v23+s13+$0x0], $0xffff;
	[tilespmem:s31+$0x100] =	vst v24  }
0x31a: {  	v15 =	vadd.s32 v0, v12;
	v12 =	vadd.s32 v0, v22;
	[tilespmem:s31+$0x180] =	vst v25  }
0x31b: {  	_ =	sdelay $0x3  }
0x31c: {  	v8 =	vld.idx.msk [tilespmem:v10+s13+$0x0], $0xffff;
	[tilespmem:s30+$0x0] =	vst v9  }
0x31d: {  	v9 =	vld.idx.msk [tilespmem:v17+s13+$0x0], $0xffff;
	[tilespmem:s30+$0x80] =	vst v11  }
0x31e: {  	v10 =	vadd.s32 v0, v21;
	v11 =	vld.idx.msk [tilespmem:v20+s13+$0x0], $0xffff;
	[tilespmem:s30+$0xFFFFFE80] =	vst v14  }
0x31f: {  	v13 =	vld.idx.msk [tilespmem:v13+s13+$0x0], $0xffff;
	[tilespmem:s30+$0xFFFFFF80] =	vst v18  }
0x320: {  	s0 =	sadd.s32 $0x400, s31;
	v15 =	vld.idx.msk [tilespmem:v15+s13+$0x0], $0xffff;
	[tilespmem:s30+$0xFFFFFF00] =	vst v19  }
0x321: {  	v14 =	vld.idx.msk [tilespmem:v16+s13+$0x0], $0xffff;
	[tilespmem:s0+$0xFFFFFE00] =	vst v8  }
0x322: {  	v8 =	vld.idx.msk [tilespmem:v12+s13+$0x0], $0xffff;
	[tilespmem:s0+$0x100] =	vst v9  }
0x323: {  	v9 =	vld.idx.msk [tilespmem:v10+s13+$0x0], $0xffff;
	[tilespmem:s0+$0x180] =	vst v11  }
0x324: {  	[tilespmem:s0+$0x0] =	vst v13  }
0x325: {  	[tilespmem:s0+$0xFFFFFE80] =	vst v15  }
0x326: {  	[tilespmem:s0+$0x80] =	vst v14  }
0x327: {  	[tilespmem:s0+$0xFFFFFF80] =	vst v8  }
0x328: {  	[tilespmem:s0+$0xFFFFFF00] =	vst v9  }
0x329: {  	v8 =	vld [tilespmem:s29+$0x10];
	_ =	sdelay $0x3  }
0x32a: {  	s12 =	simm.s32 $0x0  }
0x32b: {  	s14 =	simm.s32 $0x6;
	v9 =	vadd.s32 s12, v8  }
0x32c: {  	s2 =	simm.s32 $0x7;
	v10 =	vadd.s32 s14, v8;
	v9 =	vadd.s32 v1, v9  }
0x32d: {  	s11 =	simm.s32 $0x5;
	v11 =	vadd.s32 s2, v8;
	v10 =	vadd.s32 v1, v10  }
0x32e: {  	s3 =	simm.s32 $0x4;
	v13 =	vadd.s32 s11, v8;
	v11 =	vadd.s32 v1, v11  }
0x32f: {  	v12 =	vadd.s32 s3, v8;
	s14 =	simm.s32 $0x3;
	v13 =	vadd.s32 v1, v13  }
0x330: {  	s12 =	simm.s32 $0x1;
	v12 =	vadd.s32 v1, v12;
	v15 =	vadd.s32 s14, v8  }
0x331: {  	s3 =	simm.s32 $0x2;
	v14 =	vadd.s32 s12, v8;
	v15 =	vadd.s32 v1, v15;
	v16 =	vld.idx.msk [tilespmem:v9+s13+$0x0], $0xffff  }
0x332: {  	s14 =	simm.s32 $0xF;
	v14 =	vadd.s32 v1, v14;
	v9 =	vadd.s32 s3, v8;
	v19 =	vld.idx.msk [tilespmem:v10+s13+$0x0], $0xffff  }
0x333: {  	s11 =	simm.s32 $0x8;
	v18 =	vadd.s32 s14, v8;
	v23 =	vld.idx.msk [tilespmem:v11+s13+$0x0], $0xffff;
	v22 =	vadd.s32 v1, v9  }
0x334: {  	s12 =	simm.s32 $0xE;
	s14 =	simm.s32 $0xB;
	v20 =	vadd.s32 v1, v18;
	v10 =	vadd.s32 s11, v8;
	v11 =	vld.idx.msk [tilespmem:v13+s13+$0x0], $0xffff  }
0x335: {  	s30 =	simm.s32 $0x18A10;
	v24 =	vadd.s32 s14, v8;
	s3 =	simm.s32 $0xC;
	v9 =	vld.idx.msk [tilespmem:v12+s13+$0x0], $0xffff;
	v10 =	vadd.s32 v1, v10;
	v12 =	vadd.s32 s12, v8;
	s12 =	simm.s32 $0x9  }
0x336: {  	s11 =	simm.s32 $0xD;
	v13 =	vadd.s32 s3, v8;
	v18 =	vld.idx.msk [tilespmem:v15+s13+$0x0], $0xffff;
	v17 =	vadd.s32 v1, v12;
	v15 =	vadd.s32 s12, v8;
	[tilespmem:s30+$0xFFFFFE00] =	vst v16  }
0x337: {  	v14 =	vld.idx.msk [tilespmem:v14+s13+$0x0], $0xffff;
	v12 =	vadd.s32 s11, v8;
	v13 =	vadd.s32 v1, v13;
	s11 =	simm.s32 $0xA;
	v15 =	vadd.s32 v1, v15;
	[tilespmem:s30+$0x100] =	vst v19  }
0x338: {  	s31 =	simm.s32 $0x18A10;
	s0 =	simm.s32 $0x10;
	v21 =	vadd.s32 s11, v8;
	v16 =	vadd.s32 v1, v12;
	v12 =	vadd.s32 v1, v24;
	[tilespmem:s30+$0x180] =	vst v23;
	v19 =	vld.idx.msk [tilespmem:v22+s13+$0x0], $0xffff  }
.LBB2_9:
0x339: {  	p0 =	slt.u32 s0, $0x18  }
0x33a: {  	v22 =	vld.idx.msk [tilespmem:v10+s13+$0x0], $0xffff;
	[tilespmem:s30+$0x0] =	vst v9;
	s31 =	sadd.s32 $0x400, s31;
	s2 =	smov.u32 s0;
	s0 =	sadd.s32 $0x8, s0  }
0x33b: {  	v23 =	vadd.s32 v1, v21;
	v24 =	vld.idx.msk [tilespmem:v17+s13+$0x0], $0xffff;
	[tilespmem:s30+$0x80] =	vst v11  }
0x33c: {  	v25 =	vld.idx.msk [tilespmem:v20+s13+$0x0], $0xffff;
	[tilespmem:s30+$0xFFFFFE80] =	vst v14  }
0x33d: {  	v10 =	vadd.s32 s2, v8;
	s3 =	sadd.s32 $0x6, s2;
	s11 =	sadd.s32 $0x7, s2;
	v9 =	vld.idx.msk [tilespmem:v13+s13+$0x0], $0xffff;
	[tilespmem:s30+$0xFFFFFF80] =	vst v18  }
.Ltmp26:
0x33e: {  	s12 =	sadd.s32 $0x4, s2;
	s14 =	sadd.s32 $0x5, s2;
	v10 =	vadd.s32 v1, v10;
	v13 =	vadd.s32 s3, v8;
	v18 =	vadd.s32 s11, v8;
	v11 =	vld.idx.msk [tilespmem:v16+s13+$0x0], $0xffff;
	[tilespmem:s30+$0xFFFFFF00] =	vst v19;
	(pc) =	sbr.rel @p0 .LBB2_9-.Ltmp26, $4  }
0x33f: {  	s3 =	sadd.s32 $0x1, s2;
	s11 =	sadd.s32 $0x2, s2;
	s2 =	sadd.s32 $0x3, s2;
	v16 =	vadd.s32 s12, v8;
	v19 =	vadd.s32 s14, v8;
	v17 =	vadd.s32 v1, v13;
	v14 =	vld.idx.msk [tilespmem:v15+s13+$0x0], $0xffff  }
0x340: {  	v21 =	vadd.s32 s11, v8;
	v20 =	vadd.s32 v1, v18;
	s30 =	smov.u32 s31;
	v13 =	vadd.s32 v1, v16;
	[tilespmem:s31+$0xFFFFFE00] =	vst v22;
	v18 =	vld.idx.msk [tilespmem:v12+s13+$0x0], $0xffff  }
0x341: {  	v16 =	vadd.s32 v1, v19;
	v12 =	vadd.s32 s3, v8;
	v22 =	vadd.s32 s2, v8;
	v19 =	vld.idx.msk [tilespmem:v23+s13+$0x0], $0xffff;
	[tilespmem:s31+$0x100] =	vst v24  }
0x342: {  	v15 =	vadd.s32 v1, v12;
	v12 =	vadd.s32 v1, v22;
	[tilespmem:s31+$0x180] =	vst v25  }
0x343: {  	_ =	sdelay $0x3  }
0x344: {  	v8 =	vld.idx.msk [tilespmem:v10+s13+$0x0], $0xffff;
	[tilespmem:s30+$0x0] =	vst v9  }
0x345: {  	v9 =	vld.idx.msk [tilespmem:v17+s13+$0x0], $0xffff;
	[tilespmem:s30+$0x80] =	vst v11  }
0x346: {  	v10 =	vadd.s32 v1, v21;
	v11 =	vld.idx.msk [tilespmem:v20+s13+$0x0], $0xffff;
	[tilespmem:s30+$0xFFFFFE80] =	vst v14  }
0x347: {  	v13 =	vld.idx.msk [tilespmem:v13+s13+$0x0], $0xffff;
	[tilespmem:s30+$0xFFFFFF80] =	vst v18  }
0x348: {  	s0 =	sadd.s32 $0x400, s31;
	v15 =	vld.idx.msk [tilespmem:v15+s13+$0x0], $0xffff;
	[tilespmem:s30+$0xFFFFFF00] =	vst v19  }
0x349: {  	v14 =	vld.idx.msk [tilespmem:v16+s13+$0x0], $0xffff;
	[tilespmem:s0+$0xFFFFFE00] =	vst v8  }
0x34a: {  	v8 =	vld.idx.msk [tilespmem:v12+s13+$0x0], $0xffff;
	[tilespmem:s0+$0x100] =	vst v9  }
0x34b: {  	v9 =	vld.idx.msk [tilespmem:v10+s13+$0x0], $0xffff;
	[tilespmem:s0+$0x180] =	vst v11  }
0x34c: {  	[tilespmem:s0+$0x0] =	vst v13  }
0x34d: {  	[tilespmem:s0+$0xFFFFFE80] =	vst v15  }
0x34e: {  	[tilespmem:s0+$0x80] =	vst v14  }
0x34f: {  	[tilespmem:s0+$0xFFFFFF80] =	vst v8  }
0x350: {  	[tilespmem:s0+$0xFFFFFF00] =	vst v9  }
0x351: {  	v8 =	vld [tilespmem:s29+$0x20];
	_ =	sdelay $0x3  }
0x352: {  	s12 =	simm.s32 $0x0  }
0x353: {  	s14 =	simm.s32 $0x6;
	v9 =	vadd.s32 s12, v8  }
0x354: {  	s2 =	simm.s32 $0x7;
	v10 =	vadd.s32 s14, v8;
	v9 =	vadd.s32 v2, v9  }
0x355: {  	s11 =	simm.s32 $0x5;
	v11 =	vadd.s32 s2, v8;
	v10 =	vadd.s32 v2, v10  }
0x356: {  	s3 =	simm.s32 $0x4;
	v13 =	vadd.s32 s11, v8;
	v11 =	vadd.s32 v2, v11  }
0x357: {  	v12 =	vadd.s32 s3, v8;
	s14 =	simm.s32 $0x3;
	v13 =	vadd.s32 v2, v13  }
0x358: {  	s12 =	simm.s32 $0x1;
	v12 =	vadd.s32 v2, v12;
	v15 =	vadd.s32 s14, v8  }
0x359: {  	s3 =	simm.s32 $0x2;
	v14 =	vadd.s32 s12, v8;
	v15 =	vadd.s32 v2, v15;
	v16 =	vld.idx.msk [tilespmem:v9+s13+$0x0], $0xffff  }
0x35a: {  	s14 =	simm.s32 $0xF;
	v14 =	vadd.s32 v2, v14;
	v9 =	vadd.s32 s3, v8;
	v19 =	vld.idx.msk [tilespmem:v10+s13+$0x0], $0xffff  }
0x35b: {  	s11 =	simm.s32 $0x8;
	v18 =	vadd.s32 s14, v8;
	v23 =	vld.idx.msk [tilespmem:v11+s13+$0x0], $0xffff;
	v22 =	vadd.s32 v2, v9  }
0x35c: {  	s12 =	simm.s32 $0xE;
	s14 =	simm.s32 $0xB;
	v20 =	vadd.s32 v2, v18;
	v10 =	vadd.s32 s11, v8;
	v11 =	vld.idx.msk [tilespmem:v13+s13+$0x0], $0xffff  }
0x35d: {  	s30 =	simm.s32 $0x18A20;
	v24 =	vadd.s32 s14, v8;
	s3 =	simm.s32 $0xC;
	v9 =	vld.idx.msk [tilespmem:v12+s13+$0x0], $0xffff;
	v10 =	vadd.s32 v2, v10;
	v12 =	vadd.s32 s12, v8;
	s12 =	simm.s32 $0x9  }
0x35e: {  	s11 =	simm.s32 $0xD;
	v13 =	vadd.s32 s3, v8;
	v18 =	vld.idx.msk [tilespmem:v15+s13+$0x0], $0xffff;
	v17 =	vadd.s32 v2, v12;
	v15 =	vadd.s32 s12, v8;
	[tilespmem:s30+$0xFFFFFE00] =	vst v16  }
0x35f: {  	v14 =	vld.idx.msk [tilespmem:v14+s13+$0x0], $0xffff;
	v12 =	vadd.s32 s11, v8;
	v13 =	vadd.s32 v2, v13;
	s11 =	simm.s32 $0xA;
	v15 =	vadd.s32 v2, v15;
	[tilespmem:s30+$0x100] =	vst v19  }
0x360: {  	s31 =	simm.s32 $0x18A20;
	s0 =	simm.s32 $0x10;
	v21 =	vadd.s32 s11, v8;
	v16 =	vadd.s32 v2, v12;
	v12 =	vadd.s32 v2, v24;
	[tilespmem:s30+$0x180] =	vst v23;
	v19 =	vld.idx.msk [tilespmem:v22+s13+$0x0], $0xffff  }
.LBB2_11:
0x361: {  	p0 =	slt.u32 s0, $0x18  }
0x362: {  	v22 =	vld.idx.msk [tilespmem:v10+s13+$0x0], $0xffff;
	[tilespmem:s30+$0x0] =	vst v9;
	s31 =	sadd.s32 $0x400, s31;
	s2 =	smov.u32 s0;
	s0 =	sadd.s32 $0x8, s0  }
0x363: {  	v23 =	vadd.s32 v2, v21;
	v24 =	vld.idx.msk [tilespmem:v17+s13+$0x0], $0xffff;
	[tilespmem:s30+$0x80] =	vst v11  }
0x364: {  	v25 =	vld.idx.msk [tilespmem:v20+s13+$0x0], $0xffff;
	[tilespmem:s30+$0xFFFFFE80] =	vst v14  }
0x365: {  	v10 =	vadd.s32 s2, v8;
	s3 =	sadd.s32 $0x6, s2;
	s11 =	sadd.s32 $0x7, s2;
	v9 =	vld.idx.msk [tilespmem:v13+s13+$0x0], $0xffff;
	[tilespmem:s30+$0xFFFFFF80] =	vst v18  }
.Ltmp27:
0x366: {  	s12 =	sadd.s32 $0x4, s2;
	s14 =	sadd.s32 $0x5, s2;
	v10 =	vadd.s32 v2, v10;
	v13 =	vadd.s32 s3, v8;
	v18 =	vadd.s32 s11, v8;
	v11 =	vld.idx.msk [tilespmem:v16+s13+$0x0], $0xffff;
	[tilespmem:s30+$0xFFFFFF00] =	vst v19;
	(pc) =	sbr.rel @p0 .LBB2_11-.Ltmp27, $4  }
0x367: {  	s3 =	sadd.s32 $0x1, s2;
	s11 =	sadd.s32 $0x2, s2;
	s2 =	sadd.s32 $0x3, s2;
	v16 =	vadd.s32 s12, v8;
	v19 =	vadd.s32 s14, v8;
	v17 =	vadd.s32 v2, v13;
	v14 =	vld.idx.msk [tilespmem:v15+s13+$0x0], $0xffff  }
0x368: {  	v21 =	vadd.s32 s11, v8;
	v20 =	vadd.s32 v2, v18;
	s30 =	smov.u32 s31;
	v13 =	vadd.s32 v2, v16;
	[tilespmem:s31+$0xFFFFFE00] =	vst v22;
	v18 =	vld.idx.msk [tilespmem:v12+s13+$0x0], $0xffff  }
0x369: {  	v16 =	vadd.s32 v2, v19;
	v12 =	vadd.s32 s3, v8;
	v22 =	vadd.s32 s2, v8;
	v19 =	vld.idx.msk [tilespmem:v23+s13+$0x0], $0xffff;
	[tilespmem:s31+$0x100] =	vst v24  }
0x36a: {  	v15 =	vadd.s32 v2, v12;
	v12 =	vadd.s32 v2, v22;
	[tilespmem:s31+$0x180] =	vst v25  }
0x36b: {  	_ =	sdelay $0x3  }
0x36c: {  	v8 =	vld.idx.msk [tilespmem:v10+s13+$0x0], $0xffff;
	[tilespmem:s30+$0x0] =	vst v9  }
0x36d: {  	v9 =	vld.idx.msk [tilespmem:v17+s13+$0x0], $0xffff;
	[tilespmem:s30+$0x80] =	vst v11  }
0x36e: {  	v10 =	vadd.s32 v2, v21;
	v11 =	vld.idx.msk [tilespmem:v20+s13+$0x0], $0xffff;
	[tilespmem:s30+$0xFFFFFE80] =	vst v14  }
0x36f: {  	v13 =	vld.idx.msk [tilespmem:v13+s13+$0x0], $0xffff;
	[tilespmem:s30+$0xFFFFFF80] =	vst v18  }
0x370: {  	s0 =	sadd.s32 $0x400, s31;
	v15 =	vld.idx.msk [tilespmem:v15+s13+$0x0], $0xffff;
	[tilespmem:s30+$0xFFFFFF00] =	vst v19  }
0x371: {  	v14 =	vld.idx.msk [tilespmem:v16+s13+$0x0], $0xffff;
	[tilespmem:s0+$0xFFFFFE00] =	vst v8  }
0x372: {  	v8 =	vld.idx.msk [tilespmem:v12+s13+$0x0], $0xffff;
	[tilespmem:s0+$0x100] =	vst v9  }
0x373: {  	v9 =	vld.idx.msk [tilespmem:v10+s13+$0x0], $0xffff;
	[tilespmem:s0+$0x180] =	vst v11  }
0x374: {  	[tilespmem:s0+$0x0] =	vst v13  }
0x375: {  	[tilespmem:s0+$0xFFFFFE80] =	vst v15  }
0x376: {  	[tilespmem:s0+$0x80] =	vst v14  }
0x377: {  	[tilespmem:s0+$0xFFFFFF80] =	vst v8  }
0x378: {  	[tilespmem:s0+$0xFFFFFF00] =	vst v9  }
0x379: {  	v8 =	vld [tilespmem:s29+$0x30];
	_ =	sdelay $0x3  }
0x37a: {  	s12 =	simm.s32 $0x0  }
0x37b: {  	s14 =	simm.s32 $0x6;
	v9 =	vadd.s32 s12, v8  }
0x37c: {  	s2 =	simm.s32 $0x7;
	v10 =	vadd.s32 s14, v8;
	v9 =	vadd.s32 v3, v9  }
0x37d: {  	s11 =	simm.s32 $0x5;
	v11 =	vadd.s32 s2, v8;
	v10 =	vadd.s32 v3, v10  }
0x37e: {  	s3 =	simm.s32 $0x4;
	v13 =	vadd.s32 s11, v8;
	v11 =	vadd.s32 v3, v11  }
0x37f: {  	v12 =	vadd.s32 s3, v8;
	s14 =	simm.s32 $0x3;
	v13 =	vadd.s32 v3, v13  }
0x380: {  	s12 =	simm.s32 $0x1;
	v12 =	vadd.s32 v3, v12;
	v15 =	vadd.s32 s14, v8  }
0x381: {  	s3 =	simm.s32 $0x2;
	v14 =	vadd.s32 s12, v8;
	v15 =	vadd.s32 v3, v15;
	v16 =	vld.idx.msk [tilespmem:v9+s13+$0x0], $0xffff  }
0x382: {  	s14 =	simm.s32 $0xF;
	v14 =	vadd.s32 v3, v14;
	v9 =	vadd.s32 s3, v8;
	v19 =	vld.idx.msk [tilespmem:v10+s13+$0x0], $0xffff  }
0x383: {  	s11 =	simm.s32 $0x8;
	v18 =	vadd.s32 s14, v8;
	v23 =	vld.idx.msk [tilespmem:v11+s13+$0x0], $0xffff;
	v22 =	vadd.s32 v3, v9  }
0x384: {  	s12 =	simm.s32 $0xE;
	s14 =	simm.s32 $0xB;
	v20 =	vadd.s32 v3, v18;
	v10 =	vadd.s32 s11, v8;
	v11 =	vld.idx.msk [tilespmem:v13+s13+$0x0], $0xffff  }
0x385: {  	s30 =	simm.s32 $0x18A30;
	v24 =	vadd.s32 s14, v8;
	s3 =	simm.s32 $0xC;
	v9 =	vld.idx.msk [tilespmem:v12+s13+$0x0], $0xffff;
	v10 =	vadd.s32 v3, v10;
	v12 =	vadd.s32 s12, v8;
	s12 =	simm.s32 $0x9  }
0x386: {  	s11 =	simm.s32 $0xD;
	v13 =	vadd.s32 s3, v8;
	v18 =	vld.idx.msk [tilespmem:v15+s13+$0x0], $0xffff;
	v17 =	vadd.s32 v3, v12;
	v15 =	vadd.s32 s12, v8;
	[tilespmem:s30+$0xFFFFFE00] =	vst v16  }
0x387: {  	v14 =	vld.idx.msk [tilespmem:v14+s13+$0x0], $0xffff;
	v12 =	vadd.s32 s11, v8;
	v13 =	vadd.s32 v3, v13;
	s11 =	simm.s32 $0xA;
	v15 =	vadd.s32 v3, v15;
	[tilespmem:s30+$0x100] =	vst v19  }
0x388: {  	s31 =	simm.s32 $0x18A30;
	s0 =	simm.s32 $0x10;
	v21 =	vadd.s32 s11, v8;
	v16 =	vadd.s32 v3, v12;
	v12 =	vadd.s32 v3, v24;
	[tilespmem:s30+$0x180] =	vst v23;
	v19 =	vld.idx.msk [tilespmem:v22+s13+$0x0], $0xffff  }
.LBB2_13:
0x389: {  	p0 =	slt.u32 s0, $0x18  }
0x38a: {  	v22 =	vld.idx.msk [tilespmem:v10+s13+$0x0], $0xffff;
	[tilespmem:s30+$0x0] =	vst v9;
	s31 =	sadd.s32 $0x400, s31;
	s2 =	smov.u32 s0;
	s0 =	sadd.s32 $0x8, s0  }
0x38b: {  	v23 =	vadd.s32 v3, v21;
	v24 =	vld.idx.msk [tilespmem:v17+s13+$0x0], $0xffff;
	[tilespmem:s30+$0x80] =	vst v11  }
0x38c: {  	v25 =	vld.idx.msk [tilespmem:v20+s13+$0x0], $0xffff;
	[tilespmem:s30+$0xFFFFFE80] =	vst v14  }
0x38d: {  	v10 =	vadd.s32 s2, v8;
	s3 =	sadd.s32 $0x6, s2;
	s11 =	sadd.s32 $0x7, s2;
	v9 =	vld.idx.msk [tilespmem:v13+s13+$0x0], $0xffff;
	[tilespmem:s30+$0xFFFFFF80] =	vst v18  }
.Ltmp28:
0x38e: {  	s12 =	sadd.s32 $0x4, s2;
	s14 =	sadd.s32 $0x5, s2;
	v10 =	vadd.s32 v3, v10;
	v13 =	vadd.s32 s3, v8;
	v18 =	vadd.s32 s11, v8;
	v11 =	vld.idx.msk [tilespmem:v16+s13+$0x0], $0xffff;
	[tilespmem:s30+$0xFFFFFF00] =	vst v19;
	(pc) =	sbr.rel @p0 .LBB2_13-.Ltmp28, $4  }
0x38f: {  	s3 =	sadd.s32 $0x1, s2;
	s11 =	sadd.s32 $0x2, s2;
	s2 =	sadd.s32 $0x3, s2;
	v16 =	vadd.s32 s12, v8;
	v19 =	vadd.s32 s14, v8;
	v17 =	vadd.s32 v3, v13;
	v14 =	vld.idx.msk [tilespmem:v15+s13+$0x0], $0xffff  }
0x390: {  	v21 =	vadd.s32 s11, v8;
	v20 =	vadd.s32 v3, v18;
	s30 =	smov.u32 s31;
	v13 =	vadd.s32 v3, v16;
	[tilespmem:s31+$0xFFFFFE00] =	vst v22;
	v18 =	vld.idx.msk [tilespmem:v12+s13+$0x0], $0xffff  }
0x391: {  	v16 =	vadd.s32 v3, v19;
	v12 =	vadd.s32 s3, v8;
	v22 =	vadd.s32 s2, v8;
	v19 =	vld.idx.msk [tilespmem:v23+s13+$0x0], $0xffff;
	[tilespmem:s31+$0x100] =	vst v24  }
0x392: {  	v15 =	vadd.s32 v3, v12;
	v12 =	vadd.s32 v3, v22;
	[tilespmem:s31+$0x180] =	vst v25  }
0x393: {  	_ =	sdelay $0x3  }
0x394: {  	v8 =	vld.idx.msk [tilespmem:v10+s13+$0x0], $0xffff;
	[tilespmem:s30+$0x0] =	vst v9  }
0x395: {  	v9 =	vld.idx.msk [tilespmem:v17+s13+$0x0], $0xffff;
	[tilespmem:s30+$0x80] =	vst v11  }
0x396: {  	v10 =	vadd.s32 v3, v21;
	v11 =	vld.idx.msk [tilespmem:v20+s13+$0x0], $0xffff;
	[tilespmem:s30+$0xFFFFFE80] =	vst v14  }
0x397: {  	v13 =	vld.idx.msk [tilespmem:v13+s13+$0x0], $0xffff;
	[tilespmem:s30+$0xFFFFFF80] =	vst v18  }
0x398: {  	s0 =	sadd.s32 $0x400, s31;
	v15 =	vld.idx.msk [tilespmem:v15+s13+$0x0], $0xffff;
	[tilespmem:s30+$0xFFFFFF00] =	vst v19  }
0x399: {  	v14 =	vld.idx.msk [tilespmem:v16+s13+$0x0], $0xffff;
	[tilespmem:s0+$0xFFFFFE00] =	vst v8  }
0x39a: {  	v8 =	vld.idx.msk [tilespmem:v12+s13+$0x0], $0xffff;
	[tilespmem:s0+$0x100] =	vst v9  }
0x39b: {  	v9 =	vld.idx.msk [tilespmem:v10+s13+$0x0], $0xffff;
	[tilespmem:s0+$0x180] =	vst v11  }
0x39c: {  	[tilespmem:s0+$0x0] =	vst v13  }
0x39d: {  	[tilespmem:s0+$0xFFFFFE80] =	vst v15  }
0x39e: {  	[tilespmem:s0+$0x80] =	vst v14  }
0x39f: {  	[tilespmem:s0+$0xFFFFFF80] =	vst v8  }
0x3a0: {  	[tilespmem:s0+$0xFFFFFF00] =	vst v9  }
0x3a1: {  	v8 =	vld [tilespmem:s29+$0x40];
	_ =	sdelay $0x3  }
0x3a2: {  	s12 =	simm.s32 $0x0  }
0x3a3: {  	s14 =	simm.s32 $0x6;
	v9 =	vadd.s32 s12, v8  }
0x3a4: {  	s2 =	simm.s32 $0x7;
	v10 =	vadd.s32 s14, v8;
	v9 =	vadd.s32 v4, v9  }
0x3a5: {  	s11 =	simm.s32 $0x5;
	v11 =	vadd.s32 s2, v8;
	v10 =	vadd.s32 v4, v10  }
0x3a6: {  	s3 =	simm.s32 $0x4;
	v13 =	vadd.s32 s11, v8;
	v11 =	vadd.s32 v4, v11  }
0x3a7: {  	v12 =	vadd.s32 s3, v8;
	s14 =	simm.s32 $0x3;
	v13 =	vadd.s32 v4, v13  }
0x3a8: {  	s12 =	simm.s32 $0x1;
	v12 =	vadd.s32 v4, v12;
	v15 =	vadd.s32 s14, v8  }
0x3a9: {  	s3 =	simm.s32 $0x2;
	v14 =	vadd.s32 s12, v8;
	v15 =	vadd.s32 v4, v15;
	v16 =	vld.idx.msk [tilespmem:v9+s13+$0x0], $0xffff  }
0x3aa: {  	s14 =	simm.s32 $0xF;
	v14 =	vadd.s32 v4, v14;
	v9 =	vadd.s32 s3, v8;
	v19 =	vld.idx.msk [tilespmem:v10+s13+$0x0], $0xffff  }
0x3ab: {  	s11 =	simm.s32 $0x8;
	v18 =	vadd.s32 s14, v8;
	v23 =	vld.idx.msk [tilespmem:v11+s13+$0x0], $0xffff;
	v22 =	vadd.s32 v4, v9  }
0x3ac: {  	s12 =	simm.s32 $0xE;
	s14 =	simm.s32 $0xB;
	v20 =	vadd.s32 v4, v18;
	v10 =	vadd.s32 s11, v8;
	v11 =	vld.idx.msk [tilespmem:v13+s13+$0x0], $0xffff  }
0x3ad: {  	s30 =	simm.s32 $0x18A40;
	v24 =	vadd.s32 s14, v8;
	s3 =	simm.s32 $0xC;
	v9 =	vld.idx.msk [tilespmem:v12+s13+$0x0], $0xffff;
	v10 =	vadd.s32 v4, v10;
	v12 =	vadd.s32 s12, v8;
	s12 =	simm.s32 $0x9  }
0x3ae: {  	s11 =	simm.s32 $0xD;
	v13 =	vadd.s32 s3, v8;
	v18 =	vld.idx.msk [tilespmem:v15+s13+$0x0], $0xffff;
	v17 =	vadd.s32 v4, v12;
	v15 =	vadd.s32 s12, v8;
	[tilespmem:s30+$0xFFFFFE00] =	vst v16  }
0x3af: {  	v14 =	vld.idx.msk [tilespmem:v14+s13+$0x0], $0xffff;
	v12 =	vadd.s32 s11, v8;
	v13 =	vadd.s32 v4, v13;
	s11 =	simm.s32 $0xA;
	v15 =	vadd.s32 v4, v15;
	[tilespmem:s30+$0x100] =	vst v19  }
0x3b0: {  	s31 =	simm.s32 $0x18A40;
	s0 =	simm.s32 $0x10;
	v21 =	vadd.s32 s11, v8;
	v16 =	vadd.s32 v4, v12;
	v12 =	vadd.s32 v4, v24;
	[tilespmem:s30+$0x180] =	vst v23;
	v19 =	vld.idx.msk [tilespmem:v22+s13+$0x0], $0xffff  }
.LBB2_15:
0x3b1: {  	p0 =	slt.u32 s0, $0x18  }
0x3b2: {  	v22 =	vld.idx.msk [tilespmem:v10+s13+$0x0], $0xffff;
	[tilespmem:s30+$0x0] =	vst v9;
	s31 =	sadd.s32 $0x400, s31;
	s2 =	smov.u32 s0;
	s0 =	sadd.s32 $0x8, s0  }
0x3b3: {  	v23 =	vadd.s32 v4, v21;
	v24 =	vld.idx.msk [tilespmem:v17+s13+$0x0], $0xffff;
	[tilespmem:s30+$0x80] =	vst v11  }
0x3b4: {  	v25 =	vld.idx.msk [tilespmem:v20+s13+$0x0], $0xffff;
	[tilespmem:s30+$0xFFFFFE80] =	vst v14  }
0x3b5: {  	v10 =	vadd.s32 s2, v8;
	s3 =	sadd.s32 $0x6, s2;
	s11 =	sadd.s32 $0x7, s2;
	v9 =	vld.idx.msk [tilespmem:v13+s13+$0x0], $0xffff;
	[tilespmem:s30+$0xFFFFFF80] =	vst v18  }
.Ltmp29:
0x3b6: {  	s12 =	sadd.s32 $0x4, s2;
	s14 =	sadd.s32 $0x5, s2;
	v10 =	vadd.s32 v4, v10;
	v13 =	vadd.s32 s3, v8;
	v18 =	vadd.s32 s11, v8;
	v11 =	vld.idx.msk [tilespmem:v16+s13+$0x0], $0xffff;
	[tilespmem:s30+$0xFFFFFF00] =	vst v19;
	(pc) =	sbr.rel @p0 .LBB2_15-.Ltmp29, $4  }
0x3b7: {  	s3 =	sadd.s32 $0x1, s2;
	s11 =	sadd.s32 $0x2, s2;
	s2 =	sadd.s32 $0x3, s2;
	v16 =	vadd.s32 s12, v8;
	v19 =	vadd.s32 s14, v8;
	v17 =	vadd.s32 v4, v13;
	v14 =	vld.idx.msk [tilespmem:v15+s13+$0x0], $0xffff  }
0x3b8: {  	v21 =	vadd.s32 s11, v8;
	v20 =	vadd.s32 v4, v18;
	s30 =	smov.u32 s31;
	v13 =	vadd.s32 v4, v16;
	[tilespmem:s31+$0xFFFFFE00] =	vst v22;
	v18 =	vld.idx.msk [tilespmem:v12+s13+$0x0], $0xffff  }
0x3b9: {  	v16 =	vadd.s32 v4, v19;
	v12 =	vadd.s32 s3, v8;
	v22 =	vadd.s32 s2, v8;
	v19 =	vld.idx.msk [tilespmem:v23+s13+$0x0], $0xffff;
	[tilespmem:s31+$0x100] =	vst v24  }
0x3ba: {  	v15 =	vadd.s32 v4, v12;
	v12 =	vadd.s32 v4, v22;
	[tilespmem:s31+$0x180] =	vst v25  }
0x3bb: {  	_ =	sdelay $0x3  }
0x3bc: {  	v8 =	vld.idx.msk [tilespmem:v10+s13+$0x0], $0xffff;
	[tilespmem:s30+$0x0] =	vst v9  }
0x3bd: {  	v9 =	vld.idx.msk [tilespmem:v17+s13+$0x0], $0xffff;
	[tilespmem:s30+$0x80] =	vst v11  }
0x3be: {  	v10 =	vadd.s32 v4, v21;
	v11 =	vld.idx.msk [tilespmem:v20+s13+$0x0], $0xffff;
	[tilespmem:s30+$0xFFFFFE80] =	vst v14  }
0x3bf: {  	v13 =	vld.idx.msk [tilespmem:v13+s13+$0x0], $0xffff;
	[tilespmem:s30+$0xFFFFFF80] =	vst v18  }
0x3c0: {  	s0 =	sadd.s32 $0x400, s31;
	v15 =	vld.idx.msk [tilespmem:v15+s13+$0x0], $0xffff;
	[tilespmem:s30+$0xFFFFFF00] =	vst v19  }
0x3c1: {  	v14 =	vld.idx.msk [tilespmem:v16+s13+$0x0], $0xffff;
	[tilespmem:s0+$0xFFFFFE00] =	vst v8  }
0x3c2: {  	v8 =	vld.idx.msk [tilespmem:v12+s13+$0x0], $0xffff;
	[tilespmem:s0+$0x100] =	vst v9  }
0x3c3: {  	v9 =	vld.idx.msk [tilespmem:v10+s13+$0x0], $0xffff;
	[tilespmem:s0+$0x180] =	vst v11  }
0x3c4: {  	[tilespmem:s0+$0x0] =	vst v13  }
0x3c5: {  	[tilespmem:s0+$0xFFFFFE80] =	vst v15  }
0x3c6: {  	[tilespmem:s0+$0x80] =	vst v14  }
0x3c7: {  	[tilespmem:s0+$0xFFFFFF80] =	vst v8  }
0x3c8: {  	[tilespmem:s0+$0xFFFFFF00] =	vst v9  }
0x3c9: {  	v8 =	vld [tilespmem:s29+$0x50];
	_ =	sdelay $0x3  }
0x3ca: {  	s12 =	simm.s32 $0x0  }
0x3cb: {  	s14 =	simm.s32 $0x6;
	v9 =	vadd.s32 s12, v8  }
0x3cc: {  	s2 =	simm.s32 $0x7;
	v10 =	vadd.s32 s14, v8;
	v9 =	vadd.s32 v5, v9  }
0x3cd: {  	s11 =	simm.s32 $0x5;
	v11 =	vadd.s32 s2, v8;
	v10 =	vadd.s32 v5, v10  }
0x3ce: {  	s3 =	simm.s32 $0x4;
	v13 =	vadd.s32 s11, v8;
	v11 =	vadd.s32 v5, v11  }
0x3cf: {  	v12 =	vadd.s32 s3, v8;
	s14 =	simm.s32 $0x3;
	v13 =	vadd.s32 v5, v13  }
0x3d0: {  	s12 =	simm.s32 $0x1;
	v12 =	vadd.s32 v5, v12;
	v15 =	vadd.s32 s14, v8  }
0x3d1: {  	s3 =	simm.s32 $0x2;
	v14 =	vadd.s32 s12, v8;
	v15 =	vadd.s32 v5, v15;
	v16 =	vld.idx.msk [tilespmem:v9+s13+$0x0], $0xffff  }
0x3d2: {  	s14 =	simm.s32 $0xF;
	v14 =	vadd.s32 v5, v14;
	v9 =	vadd.s32 s3, v8;
	v19 =	vld.idx.msk [tilespmem:v10+s13+$0x0], $0xffff  }
0x3d3: {  	s11 =	simm.s32 $0x8;
	v18 =	vadd.s32 s14, v8;
	v23 =	vld.idx.msk [tilespmem:v11+s13+$0x0], $0xffff;
	v22 =	vadd.s32 v5, v9  }
0x3d4: {  	s12 =	simm.s32 $0xE;
	s14 =	simm.s32 $0xB;
	v20 =	vadd.s32 v5, v18;
	v10 =	vadd.s32 s11, v8;
	v11 =	vld.idx.msk [tilespmem:v13+s13+$0x0], $0xffff  }
0x3d5: {  	s30 =	simm.s32 $0x18A50;
	v24 =	vadd.s32 s14, v8;
	s3 =	simm.s32 $0xC;
	v9 =	vld.idx.msk [tilespmem:v12+s13+$0x0], $0xffff;
	v10 =	vadd.s32 v5, v10;
	v12 =	vadd.s32 s12, v8;
	s12 =	simm.s32 $0x9  }
0x3d6: {  	s11 =	simm.s32 $0xD;
	v13 =	vadd.s32 s3, v8;
	v18 =	vld.idx.msk [tilespmem:v15+s13+$0x0], $0xffff;
	v17 =	vadd.s32 v5, v12;
	v15 =	vadd.s32 s12, v8;
	[tilespmem:s30+$0xFFFFFE00] =	vst v16  }
0x3d7: {  	v14 =	vld.idx.msk [tilespmem:v14+s13+$0x0], $0xffff;
	v12 =	vadd.s32 s11, v8;
	v13 =	vadd.s32 v5, v13;
	s11 =	simm.s32 $0xA;
	v15 =	vadd.s32 v5, v15;
	[tilespmem:s30+$0x100] =	vst v19  }
0x3d8: {  	s31 =	simm.s32 $0x18A50;
	s0 =	simm.s32 $0x10;
	v21 =	vadd.s32 s11, v8;
	v16 =	vadd.s32 v5, v12;
	v12 =	vadd.s32 v5, v24;
	[tilespmem:s30+$0x180] =	vst v23;
	v19 =	vld.idx.msk [tilespmem:v22+s13+$0x0], $0xffff  }
.LBB2_17:
0x3d9: {  	p0 =	slt.u32 s0, $0x18  }
0x3da: {  	v22 =	vld.idx.msk [tilespmem:v10+s13+$0x0], $0xffff;
	[tilespmem:s30+$0x0] =	vst v9;
	s31 =	sadd.s32 $0x400, s31;
	s2 =	smov.u32 s0;
	s0 =	sadd.s32 $0x8, s0  }
0x3db: {  	v23 =	vadd.s32 v5, v21;
	v24 =	vld.idx.msk [tilespmem:v17+s13+$0x0], $0xffff;
	[tilespmem:s30+$0x80] =	vst v11  }
0x3dc: {  	v25 =	vld.idx.msk [tilespmem:v20+s13+$0x0], $0xffff;
	[tilespmem:s30+$0xFFFFFE80] =	vst v14  }
0x3dd: {  	v10 =	vadd.s32 s2, v8;
	s3 =	sadd.s32 $0x6, s2;
	s11 =	sadd.s32 $0x7, s2;
	v9 =	vld.idx.msk [tilespmem:v13+s13+$0x0], $0xffff;
	[tilespmem:s30+$0xFFFFFF80] =	vst v18  }
.Ltmp30:
0x3de: {  	s12 =	sadd.s32 $0x4, s2;
	s14 =	sadd.s32 $0x5, s2;
	v10 =	vadd.s32 v5, v10;
	v13 =	vadd.s32 s3, v8;
	v18 =	vadd.s32 s11, v8;
	v11 =	vld.idx.msk [tilespmem:v16+s13+$0x0], $0xffff;
	[tilespmem:s30+$0xFFFFFF00] =	vst v19;
	(pc) =	sbr.rel @p0 .LBB2_17-.Ltmp30, $4  }
0x3df: {  	s3 =	sadd.s32 $0x1, s2;
	s11 =	sadd.s32 $0x2, s2;
	s2 =	sadd.s32 $0x3, s2;
	v16 =	vadd.s32 s12, v8;
	v19 =	vadd.s32 s14, v8;
	v17 =	vadd.s32 v5, v13;
	v14 =	vld.idx.msk [tilespmem:v15+s13+$0x0], $0xffff  }
0x3e0: {  	v21 =	vadd.s32 s11, v8;
	v20 =	vadd.s32 v5, v18;
	s30 =	smov.u32 s31;
	v13 =	vadd.s32 v5, v16;
	[tilespmem:s31+$0xFFFFFE00] =	vst v22;
	v18 =	vld.idx.msk [tilespmem:v12+s13+$0x0], $0xffff  }
0x3e1: {  	v16 =	vadd.s32 v5, v19;
	v12 =	vadd.s32 s3, v8;
	v22 =	vadd.s32 s2, v8;
	v19 =	vld.idx.msk [tilespmem:v23+s13+$0x0], $0xffff;
	[tilespmem:s31+$0x100] =	vst v24  }
0x3e2: {  	v15 =	vadd.s32 v5, v12;
	v12 =	vadd.s32 v5, v22;
	[tilespmem:s31+$0x180] =	vst v25  }
0x3e3: {  	_ =	sdelay $0x3  }
0x3e4: {  	v8 =	vld.idx.msk [tilespmem:v10+s13+$0x0], $0xffff;
	[tilespmem:s30+$0x0] =	vst v9  }
0x3e5: {  	v9 =	vld.idx.msk [tilespmem:v17+s13+$0x0], $0xffff;
	[tilespmem:s30+$0x80] =	vst v11  }
0x3e6: {  	v10 =	vadd.s32 v5, v21;
	v11 =	vld.idx.msk [tilespmem:v20+s13+$0x0], $0xffff;
	[tilespmem:s30+$0xFFFFFE80] =	vst v14  }
0x3e7: {  	v13 =	vld.idx.msk [tilespmem:v13+s13+$0x0], $0xffff;
	[tilespmem:s30+$0xFFFFFF80] =	vst v18  }
0x3e8: {  	s0 =	sadd.s32 $0x400, s31;
	v15 =	vld.idx.msk [tilespmem:v15+s13+$0x0], $0xffff;
	[tilespmem:s30+$0xFFFFFF00] =	vst v19  }
0x3e9: {  	v14 =	vld.idx.msk [tilespmem:v16+s13+$0x0], $0xffff;
	[tilespmem:s0+$0xFFFFFE00] =	vst v8  }
0x3ea: {  	v8 =	vld.idx.msk [tilespmem:v12+s13+$0x0], $0xffff;
	[tilespmem:s0+$0x100] =	vst v9  }
0x3eb: {  	v9 =	vld.idx.msk [tilespmem:v10+s13+$0x0], $0xffff;
	[tilespmem:s0+$0x180] =	vst v11  }
0x3ec: {  	[tilespmem:s0+$0x0] =	vst v13  }
0x3ed: {  	[tilespmem:s0+$0xFFFFFE80] =	vst v15  }
0x3ee: {  	[tilespmem:s0+$0x80] =	vst v14  }
0x3ef: {  	[tilespmem:s0+$0xFFFFFF80] =	vst v8  }
0x3f0: {  	[tilespmem:s0+$0xFFFFFF00] =	vst v9  }
0x3f1: {  	v8 =	vld [tilespmem:s29+$0x60];
	_ =	sdelay $0x3  }
0x3f2: {  	s12 =	simm.s32 $0x0  }
0x3f3: {  	s14 =	simm.s32 $0x6;
	v9 =	vadd.s32 s12, v8  }
0x3f4: {  	s2 =	simm.s32 $0x7;
	v10 =	vadd.s32 s14, v8;
	v9 =	vadd.s32 v6, v9  }
0x3f5: {  	s11 =	simm.s32 $0x5;
	v11 =	vadd.s32 s2, v8;
	v10 =	vadd.s32 v6, v10  }
0x3f6: {  	s3 =	simm.s32 $0x4;
	v13 =	vadd.s32 s11, v8;
	v11 =	vadd.s32 v6, v11  }
0x3f7: {  	v12 =	vadd.s32 s3, v8;
	s14 =	simm.s32 $0x3;
	v13 =	vadd.s32 v6, v13  }
0x3f8: {  	s12 =	simm.s32 $0x1;
	v12 =	vadd.s32 v6, v12;
	v15 =	vadd.s32 s14, v8  }
0x3f9: {  	s3 =	simm.s32 $0x2;
	v14 =	vadd.s32 s12, v8;
	v15 =	vadd.s32 v6, v15;
	v16 =	vld.idx.msk [tilespmem:v9+s13+$0x0], $0xffff  }
0x3fa: {  	s14 =	simm.s32 $0xF;
	v14 =	vadd.s32 v6, v14;
	v9 =	vadd.s32 s3, v8;
	v19 =	vld.idx.msk [tilespmem:v10+s13+$0x0], $0xffff  }
0x3fb: {  	s11 =	simm.s32 $0x8;
	v18 =	vadd.s32 s14, v8;
	v23 =	vld.idx.msk [tilespmem:v11+s13+$0x0], $0xffff;
	v22 =	vadd.s32 v6, v9  }
0x3fc: {  	s12 =	simm.s32 $0xE;
	s14 =	simm.s32 $0xB;
	v20 =	vadd.s32 v6, v18;
	v10 =	vadd.s32 s11, v8;
	v11 =	vld.idx.msk [tilespmem:v13+s13+$0x0], $0xffff  }
0x3fd: {  	s30 =	simm.s32 $0x18A60;
	v24 =	vadd.s32 s14, v8;
	s3 =	simm.s32 $0xC;
	v9 =	vld.idx.msk [tilespmem:v12+s13+$0x0], $0xffff;
	v10 =	vadd.s32 v6, v10;
	v12 =	vadd.s32 s12, v8;
	s12 =	simm.s32 $0x9  }
0x3fe: {  	s11 =	simm.s32 $0xD;
	v13 =	vadd.s32 s3, v8;
	v18 =	vld.idx.msk [tilespmem:v15+s13+$0x0], $0xffff;
	v17 =	vadd.s32 v6, v12;
	v15 =	vadd.s32 s12, v8;
	[tilespmem:s30+$0xFFFFFE00] =	vst v16  }
0x3ff: {  	v14 =	vld.idx.msk [tilespmem:v14+s13+$0x0], $0xffff;
	v12 =	vadd.s32 s11, v8;
	v13 =	vadd.s32 v6, v13;
	s11 =	simm.s32 $0xA;
	v15 =	vadd.s32 v6, v15;
	[tilespmem:s30+$0x100] =	vst v19  }
0x400: {  	s31 =	simm.s32 $0x18A60;
	s0 =	simm.s32 $0x10;
	v21 =	vadd.s32 s11, v8;
	v16 =	vadd.s32 v6, v12;
	v12 =	vadd.s32 v6, v24;
	[tilespmem:s30+$0x180] =	vst v23;
	v19 =	vld.idx.msk [tilespmem:v22+s13+$0x0], $0xffff  }
.LBB2_19:
0x401: {  	p0 =	slt.u32 s0, $0x18  }
0x402: {  	v22 =	vld.idx.msk [tilespmem:v10+s13+$0x0], $0xffff;
	[tilespmem:s30+$0x0] =	vst v9;
	s31 =	sadd.s32 $0x400, s31;
	s2 =	smov.u32 s0;
	s0 =	sadd.s32 $0x8, s0  }
0x403: {  	v23 =	vadd.s32 v6, v21;
	v24 =	vld.idx.msk [tilespmem:v17+s13+$0x0], $0xffff;
	[tilespmem:s30+$0x80] =	vst v11  }
0x404: {  	v25 =	vld.idx.msk [tilespmem:v20+s13+$0x0], $0xffff;
	[tilespmem:s30+$0xFFFFFE80] =	vst v14  }
0x405: {  	v10 =	vadd.s32 s2, v8;
	s3 =	sadd.s32 $0x6, s2;
	s11 =	sadd.s32 $0x7, s2;
	v9 =	vld.idx.msk [tilespmem:v13+s13+$0x0], $0xffff;
	[tilespmem:s30+$0xFFFFFF80] =	vst v18  }
.Ltmp31:
0x406: {  	s12 =	sadd.s32 $0x4, s2;
	s14 =	sadd.s32 $0x5, s2;
	v10 =	vadd.s32 v6, v10;
	v13 =	vadd.s32 s3, v8;
	v18 =	vadd.s32 s11, v8;
	v11 =	vld.idx.msk [tilespmem:v16+s13+$0x0], $0xffff;
	[tilespmem:s30+$0xFFFFFF00] =	vst v19;
	(pc) =	sbr.rel @p0 .LBB2_19-.Ltmp31, $4  }
0x407: {  	s3 =	sadd.s32 $0x1, s2;
	s11 =	sadd.s32 $0x2, s2;
	s2 =	sadd.s32 $0x3, s2;
	v16 =	vadd.s32 s12, v8;
	v19 =	vadd.s32 s14, v8;
	v17 =	vadd.s32 v6, v13;
	v14 =	vld.idx.msk [tilespmem:v15+s13+$0x0], $0xffff  }
0x408: {  	v21 =	vadd.s32 s11, v8;
	v20 =	vadd.s32 v6, v18;
	s30 =	smov.u32 s31;
	v13 =	vadd.s32 v6, v16;
	[tilespmem:s31+$0xFFFFFE00] =	vst v22;
	v18 =	vld.idx.msk [tilespmem:v12+s13+$0x0], $0xffff  }
0x409: {  	v16 =	vadd.s32 v6, v19;
	v12 =	vadd.s32 s3, v8;
	v22 =	vadd.s32 s2, v8;
	v19 =	vld.idx.msk [tilespmem:v23+s13+$0x0], $0xffff;
	[tilespmem:s31+$0x100] =	vst v24  }
0x40a: {  	v15 =	vadd.s32 v6, v12;
	v12 =	vadd.s32 v6, v22;
	[tilespmem:s31+$0x180] =	vst v25  }
0x40b: {  	_ =	sdelay $0x3  }
0x40c: {  	v8 =	vld.idx.msk [tilespmem:v10+s13+$0x0], $0xffff;
	[tilespmem:s30+$0x0] =	vst v9  }
0x40d: {  	v9 =	vld.idx.msk [tilespmem:v17+s13+$0x0], $0xffff;
	[tilespmem:s30+$0x80] =	vst v11  }
0x40e: {  	v10 =	vadd.s32 v6, v21;
	v11 =	vld.idx.msk [tilespmem:v20+s13+$0x0], $0xffff;
	[tilespmem:s30+$0xFFFFFE80] =	vst v14  }
0x40f: {  	v13 =	vld.idx.msk [tilespmem:v13+s13+$0x0], $0xffff;
	[tilespmem:s30+$0xFFFFFF80] =	vst v18  }
0x410: {  	s0 =	sadd.s32 $0x400, s31;
	v15 =	vld.idx.msk [tilespmem:v15+s13+$0x0], $0xffff;
	[tilespmem:s30+$0xFFFFFF00] =	vst v19  }
0x411: {  	v14 =	vld.idx.msk [tilespmem:v16+s13+$0x0], $0xffff;
	[tilespmem:s0+$0xFFFFFE00] =	vst v8  }
0x412: {  	v8 =	vld.idx.msk [tilespmem:v12+s13+$0x0], $0xffff;
	[tilespmem:s0+$0x100] =	vst v9  }
0x413: {  	v9 =	vld.idx.msk [tilespmem:v10+s13+$0x0], $0xffff;
	[tilespmem:s0+$0x180] =	vst v11  }
0x414: {  	[tilespmem:s0+$0x0] =	vst v13  }
0x415: {  	[tilespmem:s0+$0xFFFFFE80] =	vst v15  }
0x416: {  	[tilespmem:s0+$0x80] =	vst v14  }
0x417: {  	[tilespmem:s0+$0xFFFFFF80] =	vst v8  }
0x418: {  	[tilespmem:s0+$0xFFFFFF00] =	vst v9  }
0x419: {  	v8 =	vld [tilespmem:s29+$0x70];
	_ =	sdelay $0x3  }
0x41a: {  	s12 =	simm.s32 $0x0  }
0x41b: {  	s14 =	simm.s32 $0x6;
	v9 =	vadd.s32 s12, v8  }
0x41c: {  	s2 =	simm.s32 $0x7;
	v10 =	vadd.s32 s14, v8;
	v9 =	vadd.s32 v7, v9  }
0x41d: {  	s3 =	simm.s32 $0x5;
	v11 =	vadd.s32 s2, v8;
	v10 =	vadd.s32 v7, v10  }
0x41e: {  	s31 =	simm.s32 $0x4;
	v13 =	vadd.s32 s3, v8;
	v11 =	vadd.s32 v7, v11  }
0x41f: {  	v12 =	vadd.s32 s31, v8;
	s12 =	simm.s32 $0x3;
	v13 =	vadd.s32 v7, v13  }
0x420: {  	s11 =	simm.s32 $0x1;
	v12 =	vadd.s32 v7, v12;
	v15 =	vadd.s32 s12, v8  }
0x421: {  	v14 =	vadd.s32 s11, v8;
	s14 =	simm.s32 $0x2;
	v15 =	vadd.s32 v7, v15;
	v16 =	vld.idx.msk [tilespmem:v9+s13+$0x0], $0xffff  }
0x422: {  	s11 =	simm.s32 $0xF;
	v14 =	vadd.s32 v7, v14;
	v9 =	vadd.s32 s14, v8;
	v19 =	vld.idx.msk [tilespmem:v10+s13+$0x0], $0xffff  }
0x423: {  	s31 =	simm.s32 $0x8;
	v18 =	vadd.s32 s11, v8;
	v23 =	vld.idx.msk [tilespmem:v11+s13+$0x0], $0xffff;
	v22 =	vadd.s32 v7, v9  }
0x424: {  	s2 =	simm.s32 $0xE;
	s3 =	simm.s32 $0xC;
	v20 =	vadd.s32 v7, v18;
	v10 =	vadd.s32 s31, v8;
	v11 =	vld.idx.msk [tilespmem:v13+s13+$0x0], $0xffff  }
0x425: {  	s29 =	simm.s32 $0x18A70;
	v13 =	vadd.s32 s3, v8;
	s14 =	simm.s32 $0x9;
	v9 =	vld.idx.msk [tilespmem:v12+s13+$0x0], $0xffff;
	v10 =	vadd.s32 v7, v10;
	v12 =	vadd.s32 s2, v8  }
0x426: {  	s12 =	simm.s32 $0xD;
	s31 =	simm.s32 $0xB;
	v13 =	vadd.s32 v7, v13;
	v18 =	vld.idx.msk [tilespmem:v15+s13+$0x0], $0xffff;
	v15 =	vadd.s32 s14, v8;
	v17 =	vadd.s32 v7, v12;
	[tilespmem:s29+$0xFFFFFE00] =	vst v16  }
0x427: {  	s11 =	simm.s32 $0xA;
	v14 =	vld.idx.msk [tilespmem:v14+s13+$0x0], $0xffff;
	v24 =	vadd.s32 s31, v8;
	v12 =	vadd.s32 s12, v8;
	v15 =	vadd.s32 v7, v15;
	[tilespmem:s29+$0x100] =	vst v19  }
0x428: {  	s30 =	simm.s32 $0x18A70;
	s0 =	simm.s32 $0x10;
	v21 =	vadd.s32 s11, v8;
	v16 =	vadd.s32 v7, v12;
	v12 =	vadd.s32 v7, v24;
	[tilespmem:s29+$0x180] =	vst v23;
	v19 =	vld.idx.msk [tilespmem:v22+s13+$0x0], $0xffff  }
.LBB2_21:
0x429: {  	p0 =	slt.u32 s0, $0x18  }
0x42a: {  	v22 =	vld.idx.msk [tilespmem:v10+s13+$0x0], $0xffff;
	[tilespmem:s29+$0x0] =	vst v9;
	s30 =	sadd.s32 $0x400, s30;
	s2 =	smov.u32 s0;
	s0 =	sadd.s32 $0x8, s0  }
0x42b: {  	v23 =	vadd.s32 v7, v21;
	v24 =	vld.idx.msk [tilespmem:v17+s13+$0x0], $0xffff;
	[tilespmem:s29+$0x80] =	vst v11  }
0x42c: {  	v25 =	vld.idx.msk [tilespmem:v20+s13+$0x0], $0xffff;
	[tilespmem:s29+$0xFFFFFE80] =	vst v14  }
0x42d: {  	v10 =	vadd.s32 s2, v8;
	s3 =	sadd.s32 $0x6, s2;
	s11 =	sadd.s32 $0x7, s2;
	v9 =	vld.idx.msk [tilespmem:v13+s13+$0x0], $0xffff;
	[tilespmem:s29+$0xFFFFFF80] =	vst v18  }
.Ltmp32:
0x42e: {  	s12 =	sadd.s32 $0x4, s2;
	s14 =	sadd.s32 $0x5, s2;
	v10 =	vadd.s32 v7, v10;
	v13 =	vadd.s32 s3, v8;
	v18 =	vadd.s32 s11, v8;
	v11 =	vld.idx.msk [tilespmem:v16+s13+$0x0], $0xffff;
	[tilespmem:s29+$0xFFFFFF00] =	vst v19;
	(pc) =	sbr.rel @p0 .LBB2_21-.Ltmp32, $4  }
0x42f: {  	s3 =	sadd.s32 $0x1, s2;
	s11 =	sadd.s32 $0x2, s2;
	s2 =	sadd.s32 $0x3, s2;
	v16 =	vadd.s32 s12, v8;
	v19 =	vadd.s32 s14, v8;
	v17 =	vadd.s32 v7, v13;
	v14 =	vld.idx.msk [tilespmem:v15+s13+$0x0], $0xffff  }
0x430: {  	v21 =	vadd.s32 s11, v8;
	v20 =	vadd.s32 v7, v18;
	s29 =	smov.u32 s30;
	v13 =	vadd.s32 v7, v16;
	[tilespmem:s30+$0xFFFFFE00] =	vst v22;
	v18 =	vld.idx.msk [tilespmem:v12+s13+$0x0], $0xffff  }
0x431: {  	v16 =	vadd.s32 v7, v19;
	v12 =	vadd.s32 s3, v8;
	v22 =	vadd.s32 s2, v8;
	v19 =	vld.idx.msk [tilespmem:v23+s13+$0x0], $0xffff;
	[tilespmem:s30+$0x100] =	vst v24  }
0x432: {  	v15 =	vadd.s32 v7, v12;
	v12 =	vadd.s32 v7, v22;
	[tilespmem:s30+$0x180] =	vst v25  }
0x433: {  	_ =	sdelay $0x3  }
0x434: {  	v8 =	vld.idx.msk [tilespmem:v10+s13+$0x0], $0xffff;
	[tilespmem:s29+$0x0] =	vst v9  }
0x435: {  	v59 =	vld.idx.msk [tilespmem:v17+s13+$0x0], $0xffff;
	[tilespmem:s29+$0x80] =	vst v11  }
0x436: {  	v60 =	vadd.s32 v7, v21;
	v61 =	vld.idx.msk [tilespmem:v20+s13+$0x0], $0xffff;
	[tilespmem:s29+$0xFFFFFE80] =	vst v14  }
0x437: {  	v13 =	vld.idx.msk [tilespmem:v13+s13+$0x0], $0xffff;
	[tilespmem:s29+$0xFFFFFF80] =	vst v18  }
0x438: {  	s0 =	sadd.s32 $0x400, s30;
	v62 =	vld.idx.msk [tilespmem:v16+s13+$0x0], $0xffff;
	[tilespmem:s29+$0xFFFFFF00] =	vst v19  }
0x439: {  	v15 =	vld.idx.msk [tilespmem:v15+s13+$0x0], $0xffff;
	[tilespmem:s0+$0xFFFFFE00] =	vst v8  }
0x43a: {  	v8 =	vld.idx.msk [tilespmem:v12+s13+$0x0], $0xffff;
	[tilespmem:s0+$0x100] =	vst v59  }
0x43b: {  	v63 =	vld.idx.msk [tilespmem:v60+s13+$0x0], $0xffff;
	[tilespmem:s0+$0x180] =	vst v61  }
0x43c: {  	[tilespmem:s0+$0x0] =	vst v13  }
.Ltmp33:
0x43d: {  	s2 =	sshll.u32 s28, $0x11;
	[tilespmem:s0+$0x80] =	vst v62;
	(pc) =	sbr.rel .LBB2_57-.Ltmp33, $4  }
0x43e: {  	s2 =	sor.u32 s4, s2;
	[tilespmem:s0+$0xFFFFFE80] =	vst v15  }
0x43f: {  	s2 =	sshrl.u32 s2, $0x3;
	[tilespmem:s0+$0xFFFFFF80] =	vst v8  }
0x440: {  	s31 =	sadd.s32 s1, s2;
	[tilespmem:s0+$0xFFFFFF00] =	vst v63  }
0x441: {  	[hbm4b:s31+s8] =	stream.strided.scatter [tilespmem:s25], [sflag:$0x4], $0x1000, s9, s8, $0x38;
	[tilespmem:$0x1B800] =	vst v63  }
.LBB2_59:
0x442: {  	_ =	sfence.sel $0x180000  }
0x443: {  	[bflag:$0x0] =	sbarrier.arrive $0xFFFF  }
0x444: {  	_ =	strace $0x9000004A  }
0x445: {  	s0 =	stileid.u32;
	[bflag:$0x2] =	sbarrier.arrive $0xFFFF  }
0x446: {  	p0 =	sne.s32 s0, $0x0;
	s0 =	rddreg [dreg:$0x3]  }
0x447: {  	s0 =	sadd.s32 @!p0 $0x100000, s0  }
0x448: {  	[sflag:s0] =	ssyncadd.tile.s32 @!p0 $0x1;
	_ =	shalt  }
.Lfunc_end2:
_tile_overlayer_lowered:
.L_overlay_start_2:
0x449: {  	(tag) =	ssettag $0x2  }
0x44a: {  	s0 =	rddreg [dreg:$0x0];
	s2 =	stileid.u32  }
0x44b: {  	s1 =	rddreg [dreg:$0x1];
	p0 =	sne.s32 s2, $0x0  }
0x44c: {  	s3 =	rddreg [dreg:$0x2];
	[bflag:$0x3] =	sbarrier.arrive $0xFFFF;
	s2 =	simm.s32 @!p0 $0x1C07  }
0x44d: {  	[timem:s3], [sflag:s2] =	dma.local @!p0 [hbm:s0], s1  }
0x44e: {  	s0 =	simm.s32 @!p0 $0x7  }
0x44f: {  	_ =	swait.ge @!p0 [sflag:s0], s1  }
0x450: {  	s1 =	ssub.s32 @!p0 $0x0, s1;
	[sflag:s0] =	ssyncset.done @!p0 $0x0  }
0x451: {  	[sflag:s0] =	ssyncadd.s32 @!p0 s1  }
0x452: {  	[bflag:$0x3] =	sbarrier.arrive $0xFFFF  }
0x453: {  	_ =	shalt  }

</sc_bundles>
